<compile_context>
chip_gen: v7x
topology: tpu7x:2x2x1
jax: 0.10.2.dev20260603
libtpu: 0.0.44.dev20260713+nightly
codegen_flags: <defaults>
</compile_context>

<pallas_src>
import functools

import jax
import jax.numpy as jnp
from jax import lax
from jax.experimental import pallas as pl
from jax.experimental.pallas import tpu as pltpu
from jax.experimental.pallas import tpu_sc as plsc

NC = 2
NS = 16
NW = NC * NS
L = 16

ROWS_OUT = 127
N = 32768
NO = N + 1
S = N // L
U = 16
M = S - L
MU = M // U
KROWS = (ROWS_OUT + NW - 1) // NW


def _scan_body(x_hbm, out_hbm, in_a, in_b, out_buf, sem_a, sem_b, sem_o):
    wid = lax.axis_index("s") * NC + lax.axis_index("c")
    lane = lax.iota(jnp.int32, L)
    start_vec = lane * S
    end_vec = start_vec + S
    diag0 = start_vec + lane
    zero_f = jnp.zeros((L,), jnp.float32)

    ins = [in_a, in_b]
    sems = [sem_a, sem_b]

    def pass1(in_row):
        def p1(i, accs):
            g0 = i * U
            return tuple(
                accs[u] + plsc.load_gather(in_row, [diag0 + (g0 + u)])
                for u in range(U)
            )

        accs = lax.fori_loop(0, MU, p1, tuple(zero_f for _ in range(U)))
        seg = accs[0]
        for u in range(1, U):
            seg = seg + accs[u]

        presum = zero_f
        for i in range(M, S):
            w = (diag0 + i) >= end_vec
            addr = jnp.where(w, diag0 + (i - S), diag0 + i)
            v = plsc.load_gather(in_row, [addr])
            seg = seg + v
            presum = presum + jnp.where(w, v, zero_f)

        off = plsc.cumsum(seg) - seg
        return off, presum

    def pass2(in_row, off, presum):
        diag1 = diag0 + 1

        def p2(i, run):
            g0 = i * U
            vs = [plsc.load_gather(in_row, [diag0 + (g0 + u)]) for u in range(U)]
            pref = [vs[0]]
            for u in range(1, U):
                pref.append(pref[u - 1] + vs[u])
            plsc.store_scatter(out_buf, [diag1 + g0], run + vs[0])
            for u in range(1, U):
                plsc.store_scatter(out_buf, [diag1 + (g0 + u)], run + pref[u])
            return run + pref[U - 1]

        run = lax.fori_loop(0, MU, p2, off + presum)

        for i in range(M, S):
            w = (diag0 + i) >= end_vec
            wfirst = (diag0 + i) == end_vec
            addr = jnp.where(w, diag0 + (i - S), diag0 + i)
            run = jnp.where(wfirst, off, run)
            v = plsc.load_gather(in_row, [addr])
            run = run + v
            plsc.store_scatter(out_buf, [addr + 1], run)

        plsc.store_scatter(
            out_buf, [jnp.broadcast_to(0, (L,))], zero_f, mask=lane == 0
        )

    d_in = pltpu.async_copy(x_hbm.at[wid], in_a, sem_a)
    prev_out = None
    for k in range(KROWS):
        row = wid + NW * k
        d_in.wait()
        if k + 1 < KROWS:
            nxt = (k + 1) % 2
            d_in = pltpu.async_copy(
                x_hbm.at[wid + NW * (k + 1)], ins[nxt], sems[nxt]
            )
        cur = ins[k % 2]

        if k < KROWS - 1:
            off, presum = pass1(cur)
            if prev_out is not None:
                prev_out.wait()
            pass2(cur, off, presum)
            prev_out = pltpu.async_copy(out_buf, out_hbm.at[row], sem_o)
        else:
            prev = prev_out

            @pl.when(row < ROWS_OUT)
            def _():
                off, presum = pass1(cur)
                prev.wait()
                pass2(cur, off, presum)
                pltpu.async_copy(out_buf, out_hbm.at[row], sem_o).wait()

            @pl.when(row >= ROWS_OUT)
            def _():
                prev.wait()


@jax.jit
def _exclusive_scan(x):
    mesh = plsc.VectorSubcoreMesh(core_axis_name="c", subcore_axis_name="s")
    return pl.kernel(
        _scan_body,
        out_type=jax.ShapeDtypeStruct((ROWS_OUT, NO), jnp.float32),
        mesh=mesh,
        scratch_types=[
            pltpu.VMEM((N,), jnp.float32),
            pltpu.VMEM((N,), jnp.float32),
            pltpu.VMEM((NO,), jnp.float32),
            pltpu.SemaphoreType.DMA,
            pltpu.SemaphoreType.DMA,
            pltpu.SemaphoreType.DMA,
        ],
        compiler_params=pltpu.CompilerParams(needs_layout_passes=False),
    )(x)


def kernel(x):
    return _exclusive_scan(x)

# --- scband reference (transcript-rebuilt; emitter-appended) ---
"""Pipeline reference for scband-model-new-5909874999899 (READ-ONLY COPY).

The authoritative reference and input builder live on the scoring server;
editing this copy changes nothing except your own understanding.
"""

import jax, jax.numpy as jnp
import numpy as np

DIM = 1

def setup_inputs(seed: int = 0) -> dict:
    key = jax.random.key(seed)
    x = jax.random.normal(key, (128, 32768), dtype=jnp.float32)
    return {"x": x}

def reference(x):
    # Faithful translation of the torch module:
    #   zeros = torch.zeros_like(x.select(dim, 0).unsqueeze(dim))
    #   cat   = torch.cat((zeros, x), dim=dim)[:-1]   # NOTE: [:-1] slices dim 0!
    #   out   = torch.cumsum(cat, dim=dim)
    dim = DIM
    zeros = jnp.zeros_like(jax.lax.slice_in_dim(x, 0, 1, axis=dim))
    cat = jnp.concatenate([zeros, x], axis=dim)
    sliced = cat[:-1]  # slices along axis 0, matching torch's [:-1]
    return jnp.cumsum(sliced, axis=dim)

if __name__ == "__main__":
    import jax
    _d = setup_inputs()
    print(jax.jit(kernel)(*tuple(_d.values())))

</pallas_src>

<mosaic_0001>
#map = affine_map<(d0, d1) -> (0, 0)>
module attributes {stable_mosaic.version = 14 : i64} {
  func.func @_scan_body(%arg0: i32, %arg1: i32, %arg2: memref<128x32768xf32, #tpu.memory_space<hbm>>, %arg3: memref<127x32769xf32, #tpu.memory_space<hbm>>, %arg4: memref<32768xf32, #tpu.memory_space<vmem>>, %arg5: memref<32768xf32, #tpu.memory_space<vmem>>, %arg6: memref<32769xf32, #tpu.memory_space<vmem>>, %arg7: memref<!tpu.dma_semaphore, #tpu.memory_space<semaphore_mem>>, %arg8: memref<!tpu.dma_semaphore, #tpu.memory_space<semaphore_mem>>, %arg9: memref<!tpu.dma_semaphore, #tpu.memory_space<semaphore_mem>>) attributes {dimension_semantics = [#tpu.dimension_semantics<core_parallel>, #tpu.dimension_semantics<subcore_parallel>], iteration_bounds = array<i64: 2, 16>, scalar_prefetch = 0 : i64, scratch_operands = 6 : i64, tpu.core_type = #tpu.core_type<sc_vector_subcore>, window_params = [{transform_indices = #map}, {transform_indices = #map}]} {
    %mul3A = arith.constant 2 : i32
    %mul3A_0 = arith.muli %arg1, %mul3A : i32
    %add3A = arith.addi %mul3A_0, %arg0 : i32
    %iota3A = tpu.iota {dimensions = array<i32: 0>} : vector<16xi32>
    %mul3A_1 = arith.constant 2048 : i32
    %mul3A_2 = vector.broadcast %mul3A_1 : i32 to vector<16xi32>
    %mul3A_3 = arith.muli %iota3A, %mul3A_2 : vector<16xi32>
    %add3A_4 = arith.constant 2048 : i32
    %add3A_5 = vector.broadcast %add3A_4 : i32 to vector<16xi32>
    %add3A_6 = arith.addi %mul3A_3, %add3A_5 : vector<16xi32>
    %add3A_7 = arith.addi %mul3A_3, %iota3A : vector<16xi32>
    %broadcast_in_dim3A = arith.constant 0.000000e+00 : f32
    %broadcast_in_dim3A_8 = vector.broadcast %broadcast_in_dim3A : f32 to vector<16xf32>
    %dma_start3A = arith.constant 0 : i32
    %dma_start3A_9 = tpu.memref_slice %arg2[%add3A, %dma_start3A] : memref<128x32768xf32, #tpu.memory_space<hbm>> -> memref<1x32768xf32, #tpu.memory_space<hbm>>
    %dma_start3A_10 = tpu.memref_squeeze %dma_start3A_9 : memref<1x32768xf32, #tpu.memory_space<hbm>> -> memref<32768xf32, #tpu.memory_space<hbm>>
    %dma_start3A_11 = arith.constant 0 : i32
    %dma_start3A_12 = tpu.memref_slice %arg2[%add3A, %dma_start3A_11] : memref<128x32768xf32, #tpu.memory_space<hbm>> -> memref<1x32768xf32, #tpu.memory_space<hbm>>
    %dma_start3A_13 = tpu.memref_squeeze %dma_start3A_12 : memref<1x32768xf32, #tpu.memory_space<hbm>> -> memref<32768xf32, #tpu.memory_space<hbm>>
    tpu.enqueue_dma source(%dma_start3A_13 : memref<32768xf32, #tpu.memory_space<hbm>>) target(%arg4 : memref<32768xf32, #tpu.memory_space<vmem>>) target_semaphore(%arg7 : memref<!tpu.dma_semaphore, #tpu.memory_space<semaphore_mem>>)
    %add3A_14 = arith.constant 0 : i32
    %add3A_15 = arith.addi %add3A, %add3A_14 : i32
    %dma_wait3A = arith.constant 0 : i32
    %dma_wait3A_16 = tpu.memref_slice %arg2[%add3A, %dma_wait3A] : memref<128x32768xf32, #tpu.memory_space<hbm>> -> memref<1x32768xf32, #tpu.memory_space<hbm>>
    %dma_wait3A_17 = tpu.memref_squeeze %dma_wait3A_16 : memref<1x32768xf32, #tpu.memory_space<hbm>> -> memref<32768xf32, #tpu.memory_space<hbm>>
    %dma_wait3A_18 = arith.constant 0 : i32
    %dma_wait3A_19 = tpu.memref_slice %arg2[%add3A, %dma_wait3A_18] : memref<128x32768xf32, #tpu.memory_space<hbm>> -> memref<1x32768xf32, #tpu.memory_space<hbm>>
    %dma_wait3A_20 = tpu.memref_squeeze %dma_wait3A_19 : memref<1x32768xf32, #tpu.memory_space<hbm>> -> memref<32768xf32, #tpu.memory_space<hbm>>
    tpu.wait_dma2 semaphore(%arg7 : memref<!tpu.dma_semaphore, #tpu.memory_space<semaphore_mem>>) src(%dma_wait3A_20 : memref<32768xf32, #tpu.memory_space<hbm>>) dst(%arg4 : memref<32768xf32, #tpu.memory_space<vmem>>)
    %add3A_21 = arith.constant 32 : i32
    %add3A_22 = arith.addi %add3A, %add3A_21 : i32
    %dma_start3A_23 = arith.constant 0 : i32
    %dma_start3A_24 = tpu.memref_slice %arg2[%add3A_22, %dma_start3A_23] : memref<128x32768xf32, #tpu.memory_space<hbm>> -> memref<1x32768xf32, #tpu.memory_space<hbm>>
    %dma_start3A_25 = tpu.memref_squeeze %dma_start3A_24 : memref<1x32768xf32, #tpu.memory_space<hbm>> -> memref<32768xf32, #tpu.memory_space<hbm>>
    %dma_start3A_26 = arith.constant 0 : i32
    %dma_start3A_27 = tpu.memref_slice %arg2[%add3A_22, %dma_start3A_26] : memref<128x32768xf32, #tpu.memory_space<hbm>> -> memref<1x32768xf32, #tpu.memory_space<hbm>>
    %dma_start3A_28 = tpu.memref_squeeze %dma_start3A_27 : memref<1x32768xf32, #tpu.memory_space<hbm>> -> memref<32768xf32, #tpu.memory_space<hbm>>
    tpu.enqueue_dma source(%dma_start3A_28 : memref<32768xf32, #tpu.memory_space<hbm>>) target(%arg5 : memref<32768xf32, #tpu.memory_space<vmem>>) target_semaphore(%arg8 : memref<!tpu.dma_semaphore, #tpu.memory_space<semaphore_mem>>)
    %scan3A = arith.constant 0 : i32
    %scan3A_29 = arith.constant 127 : i32
    %scan3A_30 = arith.addi %scan3A, %scan3A_29 : i32
    %scan3A_31 = arith.constant 1 : i32
    %scan3A_32:16 = scf.for %scan3A_1947 = %scan3A to %scan3A_30 step %scan3A_31 iter_args(%scan3A_1948 = %broadcast_in_dim3A_8, %scan3A_1949 = %broadcast_in_dim3A_8, %scan3A_1950 = %broadcast_in_dim3A_8, %scan3A_1951 = %broadcast_in_dim3A_8, %scan3A_1952 = %broadcast_in_dim3A_8, %scan3A_1953 = %broadcast_in_dim3A_8, %scan3A_1954 = %broadcast_in_dim3A_8, %scan3A_1955 = %broadcast_in_dim3A_8, %scan3A_1956 = %broadcast_in_dim3A_8, %scan3A_1957 = %broadcast_in_dim3A_8, %scan3A_1958 = %broadcast_in_dim3A_8, %scan3A_1959 = %broadcast_in_dim3A_8, %scan3A_1960 = %broadcast_in_dim3A_8, %scan3A_1961 = %broadcast_in_dim3A_8, %scan3A_1962 = %broadcast_in_dim3A_8, %scan3A_1963 = %broadcast_in_dim3A_8) -> (vector<16xf32>, vector<16xf32>, vector<16xf32>, vector<16xf32>, vector<16xf32>, vector<16xf32>, vector<16xf32>, vector<16xf32>, vector<16xf32>, vector<16xf32>, vector<16xf32>, vector<16xf32>, vector<16xf32>, vector<16xf32>, vector<16xf32>, vector<16xf32>)  : i32 {
      %mul3A_1964 = arith.constant 16 : i32
      %mul3A_1965 = arith.muli %scan3A_1947, %mul3A_1964 : i32
      %add3A_1966 = arith.constant 0 : i32
      %add3A_1967 = arith.addi %mul3A_1965, %add3A_1966 : i32
      %add3A_1968 = vector.broadcast %add3A_1967 : i32 to vector<16xi32>
      %add3A_1969 = arith.addi %add3A_7, %add3A_1968 : vector<16xi32>
      %gather3A_1970 = tpu.vector_load_idx %arg4[%add3A_1969] : memref<32768xf32, #tpu.memory_space<vmem>>[vector<16xi32>], vector<16xf32>,
      %add3A_1971 = arith.addf %scan3A_1948, %gather3A_1970 : vector<16xf32>
      %add3A_1972 = arith.constant 1 : i32
      %add3A_1973 = arith.addi %mul3A_1965, %add3A_1972 : i32
      %add3A_1974 = vector.broadcast %add3A_1973 : i32 to vector<16xi32>
      %add3A_1975 = arith.addi %add3A_7, %add3A_1974 : vector<16xi32>
      %gather3A_1976 = tpu.vector_load_idx %arg4[%add3A_1975] : memref<32768xf32, #tpu.memory_space<vmem>>[vector<16xi32>], vector<16xf32>,
      %add3A_1977 = arith.addf %scan3A_1949, %gather3A_1976 : vector<16xf32>
      %add3A_1978 = arith.constant 2 : i32
      %add3A_1979 = arith.addi %mul3A_1965, %add3A_1978 : i32
      %add3A_1980 = vector.broadcast %add3A_1979 : i32 to vector<16xi32>
      %add3A_1981 = arith.addi %add3A_7, %add3A_1980 : vector<16xi32>
      %gather3A_1982 = tpu.vector_load_idx %arg4[%add3A_1981] : memref<32768xf32, #tpu.memory_space<vmem>>[vector<16xi32>], vector<16xf32>,
      %add3A_1983 = arith.addf %scan3A_1950, %gather3A_1982 : vector<16xf32>
      %add3A_1984 = arith.constant 3 : i32
      %add3A_1985 = arith.addi %mul3A_1965, %add3A_1984 : i32
      %add3A_1986 = vector.broadcast %add3A_1985 : i32 to vector<16xi32>
      %add3A_1987 = arith.addi %add3A_7, %add3A_1986 : vector<16xi32>
      %gather3A_1988 = tpu.vector_load_idx %arg4[%add3A_1987] : memref<32768xf32, #tpu.memory_space<vmem>>[vector<16xi32>], vector<16xf32>,
      %add3A_1989 = arith.addf %scan3A_1951, %gather3A_1988 : vector<16xf32>
      %add3A_1990 = arith.constant 4 : i32
      %add3A_1991 = arith.addi %mul3A_1965, %add3A_1990 : i32
      %add3A_1992 = vector.broadcast %add3A_1991 : i32 to vector<16xi32>
      %add3A_1993 = arith.addi %add3A_7, %add3A_1992 : vector<16xi32>
      %gather3A_1994 = tpu.vector_load_idx %arg4[%add3A_1993] : memref<32768xf32, #tpu.memory_space<vmem>>[vector<16xi32>], vector<16xf32>,
      %add3A_1995 = arith.addf %scan3A_1952, %gather3A_1994 : vector<16xf32>
      %add3A_1996 = arith.constant 5 : i32
      %add3A_1997 = arith.addi %mul3A_1965, %add3A_1996 : i32
      %add3A_1998 = vector.broadcast %add3A_1997 : i32 to vector<16xi32>
      %add3A_1999 = arith.addi %add3A_7, %add3A_1998 : vector<16xi32>
      %gather3A_2000 = tpu.vector_load_idx %arg4[%add3A_1999] : memref<32768xf32, #tpu.memory_space<vmem>>[vector<16xi32>], vector<16xf32>,
      %add3A_2001 = arith.addf %scan3A_1953, %gather3A_2000 : vector<16xf32>
      %add3A_2002 = arith.constant 6 : i32
      %add3A_2003 = arith.addi %mul3A_1965, %add3A_2002 : i32
      %add3A_2004 = vector.broadcast %add3A_2003 : i32 to vector<16xi32>
      %add3A_2005 = arith.addi %add3A_7, %add3A_2004 : vector<16xi32>
      %gather3A_2006 = tpu.vector_load_idx %arg4[%add3A_2005] : memref<32768xf32, #tpu.memory_space<vmem>>[vector<16xi32>], vector<16xf32>,
      %add3A_2007 = arith.addf %scan3A_1954, %gather3A_2006 : vector<16xf32>
      %add3A_2008 = arith.constant 7 : i32
      %add3A_2009 = arith.addi %mul3A_1965, %add3A_2008 : i32
      %add3A_2010 = vector.broadcast %add3A_2009 : i32 to vector<16xi32>
      %add3A_2011 = arith.addi %add3A_7, %add3A_2010 : vector<16xi32>
      %gather3A_2012 = tpu.vector_load_idx %arg4[%add3A_2011] : memref<32768xf32, #tpu.memory_space<vmem>>[vector<16xi32>], vector<16xf32>,
      %add3A_2013 = arith.addf %scan3A_1955, %gather3A_2012 : vector<16xf32>
      %add3A_2014 = arith.constant 8 : i32
      %add3A_2015 = arith.addi %mul3A_1965, %add3A_2014 : i32
      %add3A_2016 = vector.broadcast %add3A_2015 : i32 to vector<16xi32>
      %add3A_2017 = arith.addi %add3A_7, %add3A_2016 : vector<16xi32>
      %gather3A_2018 = tpu.vector_load_idx %arg4[%add3A_2017] : memref<32768xf32, #tpu.memory_space<vmem>>[vector<16xi32>], vector<16xf32>,
      %add3A_2019 = arith.addf %scan3A_1956, %gather3A_2018 : vector<16xf32>
      %add3A_2020 = arith.constant 9 : i32
      %add3A_2021 = arith.addi %mul3A_1965, %add3A_2020 : i32
      %add3A_2022 = vector.broadcast %add3A_2021 : i32 to vector<16xi32>
      %add3A_2023 = arith.addi %add3A_7, %add3A_2022 : vector<16xi32>
      %gather3A_2024 = tpu.vector_load_idx %arg4[%add3A_2023] : memref<32768xf32, #tpu.memory_space<vmem>>[vector<16xi32>], vector<16xf32>,
      %add3A_2025 = arith.addf %scan3A_1957, %gather3A_2024 : vector<16xf32>
      %add3A_2026 = arith.constant 10 : i32
      %add3A_2027 = arith.addi %mul3A_1965, %add3A_2026 : i32
      %add3A_2028 = vector.broadcast %add3A_2027 : i32 to vector<16xi32>
      %add3A_2029 = arith.addi %add3A_7, %add3A_2028 : vector<16xi32>
      %gather3A_2030 = tpu.vector_load_idx %arg4[%add3A_2029] : memref<32768xf32, #tpu.memory_space<vmem>>[vector<16xi32>], vector<16xf32>,
      %add3A_2031 = arith.addf %scan3A_1958, %gather3A_2030 : vector<16xf32>
      %add3A_2032 = arith.constant 11 : i32
      %add3A_2033 = arith.addi %mul3A_1965, %add3A_2032 : i32
      %add3A_2034 = vector.broadcast %add3A_2033 : i32 to vector<16xi32>
      %add3A_2035 = arith.addi %add3A_7, %add3A_2034 : vector<16xi32>
      %gather3A_2036 = tpu.vector_load_idx %arg4[%add3A_2035] : memref<32768xf32, #tpu.memory_space<vmem>>[vector<16xi32>], vector<16xf32>,
      %add3A_2037 = arith.addf %scan3A_1959, %gather3A_2036 : vector<16xf32>
      %add3A_2038 = arith.constant 12 : i32
      %add3A_2039 = arith.addi %mul3A_1965, %add3A_2038 : i32
      %add3A_2040 = vector.broadcast %add3A_2039 : i32 to vector<16xi32>
      %add3A_2041 = arith.addi %add3A_7, %add3A_2040 : vector<16xi32>
      %gather3A_2042 = tpu.vector_load_idx %arg4[%add3A_2041] : memref<32768xf32, #tpu.memory_space<vmem>>[vector<16xi32>], vector<16xf32>,
      %add3A_2043 = arith.addf %scan3A_1960, %gather3A_2042 : vector<16xf32>
      %add3A_2044 = arith.constant 13 : i32
      %add3A_2045 = arith.addi %mul3A_1965, %add3A_2044 : i32
      %add3A_2046 = vector.broadcast %add3A_2045 : i32 to vector<16xi32>
      %add3A_2047 = arith.addi %add3A_7, %add3A_2046 : vector<16xi32>
      %gather3A_2048 = tpu.vector_load_idx %arg4[%add3A_2047] : memref<32768xf32, #tpu.memory_space<vmem>>[vector<16xi32>], vector<16xf32>,
      %add3A_2049 = arith.addf %scan3A_1961, %gather3A_2048 : vector<16xf32>
      %add3A_2050 = arith.constant 14 : i32
      %add3A_2051 = arith.addi %mul3A_1965, %add3A_2050 : i32
      %add3A_2052 = vector.broadcast %add3A_2051 : i32 to vector<16xi32>
      %add3A_2053 = arith.addi %add3A_7, %add3A_2052 : vector<16xi32>
      %gather3A_2054 = tpu.vector_load_idx %arg4[%add3A_2053] : memref<32768xf32, #tpu.memory_space<vmem>>[vector<16xi32>], vector<16xf32>,
      %add3A_2055 = arith.addf %scan3A_1962, %gather3A_2054 : vector<16xf32>
      %add3A_2056 = arith.constant 15 : i32
      %add3A_2057 = arith.addi %mul3A_1965, %add3A_2056 : i32
      %add3A_2058 = vector.broadcast %add3A_2057 : i32 to vector<16xi32>
      %add3A_2059 = arith.addi %add3A_7, %add3A_2058 : vector<16xi32>
      %gather3A_2060 = tpu.vector_load_idx %arg4[%add3A_2059] : memref<32768xf32, #tpu.memory_space<vmem>>[vector<16xi32>], vector<16xf32>,
      %add3A_2061 = arith.addf %scan3A_1963, %gather3A_2060 : vector<16xf32>
      scf.yield %add3A_1971, %add3A_1977, %add3A_1983, %add3A_1989, %add3A_1995, %add3A_2001, %add3A_2007, %add3A_2013, %add3A_2019, %add3A_2025, %add3A_2031, %add3A_2037, %add3A_2043, %add3A_2049, %add3A_2055, %add3A_2061 : vector<16xf32>, vector<16xf32>, vector<16xf32>, vector<16xf32>, vector<16xf32>, vector<16xf32>, vector<16xf32>, vector<16xf32>, vector<16xf32>, vector<16xf32>, vector<16xf32>, vector<16xf32>, vector<16xf32>, vector<16xf32>, vector<16xf32>, vector<16xf32>
    }
    %scan3A_33 = arith.constant 127 : i32
    %add3A_34 = arith.addf %scan3A_32#0, %scan3A_32#1 : vector<16xf32>
    %add3A_35 = arith.addf %add3A_34, %scan3A_32#2 : vector<16xf32>
    %add3A_36 = arith.addf %add3A_35, %scan3A_32#3 : vector<16xf32>
    %add3A_37 = arith.addf %add3A_36, %scan3A_32#4 : vector<16xf32>
    %add3A_38 = arith.addf %add3A_37, %scan3A_32#5 : vector<16xf32>
    %add3A_39 = arith.addf %add3A_38, %scan3A_32#6 : vector<16xf32>
    %add3A_40 = arith.addf %add3A_39, %scan3A_32#7 : vector<16xf32>
    %add3A_41 = arith.addf %add3A_40, %scan3A_32#8 : vector<16xf32>
    %add3A_42 = arith.addf %add3A_41, %scan3A_32#9 : vector<16xf32>
    %add3A_43 = arith.addf %add3A_42, %scan3A_32#10 : vector<16xf32>
    %add3A_44 = arith.addf %add3A_43, %scan3A_32#11 : vector<16xf32>
    %add3A_45 = arith.addf %add3A_44, %scan3A_32#12 : vector<16xf32>
    %add3A_46 = arith.addf %add3A_45, %scan3A_32#13 : vector<16xf32>
    %add3A_47 = arith.addf %add3A_46, %scan3A_32#14 : vector<16xf32>
    %add3A_48 = arith.addf %add3A_47, %scan3A_32#15 : vector<16xf32>
    %add3A_49 = arith.constant 2032 : i32
    %add3A_50 = vector.broadcast %add3A_49 : i32 to vector<16xi32>
    %add3A_51 = arith.addi %add3A_7, %add3A_50 : vector<16xi32>
    %ge3A = arith.cmpi sge, %add3A_51, %add3A_6 : vector<16xi32>
    %add3A_52 = arith.constant -16 : i32
    %add3A_53 = vector.broadcast %add3A_52 : i32 to vector<16xi32>
    %add3A_54 = arith.addi %add3A_7, %add3A_53 : vector<16xi32>
    %add3A_55 = arith.constant 2032 : i32
    %add3A_56 = vector.broadcast %add3A_55 : i32 to vector<16xi32>
    %add3A_57 = arith.addi %add3A_7, %add3A_56 : vector<16xi32>
    %select_n3A = arith.select %ge3A, %add3A_54, %add3A_57 : vector<16xi1>, vector<16xi32>
    %gather3A = tpu.vector_load_idx %arg4[%select_n3A] : memref<32768xf32, #tpu.memory_space<vmem>>[vector<16xi32>], vector<16xf32>,
    %add3A_58 = arith.addf %add3A_48, %gather3A : vector<16xf32>
    %select_n3A_59 = arith.select %ge3A, %gather3A, %broadcast_in_dim3A_8 : vector<16xi1>, vector<16xf32>
    %add3A_60 = arith.addf %broadcast_in_dim3A_8, %select_n3A_59 : vector<16xf32>
    %add3A_61 = arith.constant 2033 : i32
    %add3A_62 = vector.broadcast %add3A_61 : i32 to vector<16xi32>
    %add3A_63 = arith.addi %add3A_7, %add3A_62 : vector<16xi32>
    %ge3A_64 = arith.cmpi sge, %add3A_63, %add3A_6 : vector<16xi32>
    %add3A_65 = arith.constant -15 : i32
    %add3A_66 = vector.broadcast %add3A_65 : i32 to vector<16xi32>
    %add3A_67 = arith.addi %add3A_7, %add3A_66 : vector<16xi32>
    %add3A_68 = arith.constant 2033 : i32
    %add3A_69 = vector.broadcast %add3A_68 : i32 to vector<16xi32>
    %add3A_70 = arith.addi %add3A_7, %add3A_69 : vector<16xi32>
    %select_n3A_71 = arith.select %ge3A_64, %add3A_67, %add3A_70 : vector<16xi1>, vector<16xi32>
    %gather3A_72 = tpu.vector_load_idx %arg4[%select_n3A_71] : memref<32768xf32, #tpu.memory_space<vmem>>[vector<16xi32>], vector<16xf32>,
    %add3A_73 = arith.addf %add3A_58, %gather3A_72 : vector<16xf32>
    %select_n3A_74 = arith.select %ge3A_64, %gather3A_72, %broadcast_in_dim3A_8 : vector<16xi1>, vector<16xf32>
    %add3A_75 = arith.addf %add3A_60, %select_n3A_74 : vector<16xf32>
    %add3A_76 = arith.constant 2034 : i32
    %add3A_77 = vector.broadcast %add3A_76 : i32 to vector<16xi32>
    %add3A_78 = arith.addi %add3A_7, %add3A_77 : vector<16xi32>
    %ge3A_79 = arith.cmpi sge, %add3A_78, %add3A_6 : vector<16xi32>
    %add3A_80 = arith.constant -14 : i32
    %add3A_81 = vector.broadcast %add3A_80 : i32 to vector<16xi32>
    %add3A_82 = arith.addi %add3A_7, %add3A_81 : vector<16xi32>
    %add3A_83 = arith.constant 2034 : i32
    %add3A_84 = vector.broadcast %add3A_83 : i32 to vector<16xi32>
    %add3A_85 = arith.addi %add3A_7, %add3A_84 : vector<16xi32>
    %select_n3A_86 = arith.select %ge3A_79, %add3A_82, %add3A_85 : vector<16xi1>, vector<16xi32>
    %gather3A_87 = tpu.vector_load_idx %arg4[%select_n3A_86] : memref<32768xf32, #tpu.memory_space<vmem>>[vector<16xi32>], vector<16xf32>,
    %add3A_88 = arith.addf %add3A_73, %gather3A_87 : vector<16xf32>
    %select_n3A_89 = arith.select %ge3A_79, %gather3A_87, %broadcast_in_dim3A_8 : vector<16xi1>, vector<16xf32>
    %add3A_90 = arith.addf %add3A_75, %select_n3A_89 : vector<16xf32>
    %add3A_91 = arith.constant 2035 : i32
    %add3A_92 = vector.broadcast %add3A_91 : i32 to vector<16xi32>
    %add3A_93 = arith.addi %add3A_7, %add3A_92 : vector<16xi32>
    %ge3A_94 = arith.cmpi sge, %add3A_93, %add3A_6 : vector<16xi32>
    %add3A_95 = arith.constant -13 : i32
    %add3A_96 = vector.broadcast %add3A_95 : i32 to vector<16xi32>
    %add3A_97 = arith.addi %add3A_7, %add3A_96 : vector<16xi32>
    %add3A_98 = arith.constant 2035 : i32
    %add3A_99 = vector.broadcast %add3A_98 : i32 to vector<16xi32>
    %add3A_100 = arith.addi %add3A_7, %add3A_99 : vector<16xi32>
    %select_n3A_101 = arith.select %ge3A_94, %add3A_97, %add3A_100 : vector<16xi1>, vector<16xi32>
    %gather3A_102 = tpu.vector_load_idx %arg4[%select_n3A_101] : memref<32768xf32, #tpu.memory_space<vmem>>[vector<16xi32>], vector<16xf32>,
    %add3A_103 = arith.addf %add3A_88, %gather3A_102 : vector<16xf32>
    %select_n3A_104 = arith.select %ge3A_94, %gather3A_102, %broadcast_in_dim3A_8 : vector<16xi1>, vector<16xf32>
    %add3A_105 = arith.addf %add3A_90, %select_n3A_104 : vector<16xf32>
    %add3A_106 = arith.constant 2036 : i32
    %add3A_107 = vector.broadcast %add3A_106 : i32 to vector<16xi32>
    %add3A_108 = arith.addi %add3A_7, %add3A_107 : vector<16xi32>
    %ge3A_109 = arith.cmpi sge, %add3A_108, %add3A_6 : vector<16xi32>
    %add3A_110 = arith.constant -12 : i32
    %add3A_111 = vector.broadcast %add3A_110 : i32 to vector<16xi32>
    %add3A_112 = arith.addi %add3A_7, %add3A_111 : vector<16xi32>
    %add3A_113 = arith.constant 2036 : i32
    %add3A_114 = vector.broadcast %add3A_113 : i32 to vector<16xi32>
    %add3A_115 = arith.addi %add3A_7, %add3A_114 : vector<16xi32>
    %select_n3A_116 = arith.select %ge3A_109, %add3A_112, %add3A_115 : vector<16xi1>, vector<16xi32>
    %gather3A_117 = tpu.vector_load_idx %arg4[%select_n3A_116] : memref<32768xf32, #tpu.memory_space<vmem>>[vector<16xi32>], vector<16xf32>,
    %add3A_118 = arith.addf %add3A_103, %gather3A_117 : vector<16xf32>
    %select_n3A_119 = arith.select %ge3A_109, %gather3A_117, %broadcast_in_dim3A_8 : vector<16xi1>, vector<16xf32>
    %add3A_120 = arith.addf %add3A_105, %select_n3A_119 : vector<16xf32>
    %add3A_121 = arith.constant 2037 : i32
    %add3A_122 = vector.broadcast %add3A_121 : i32 to vector<16xi32>
    %add3A_123 = arith.addi %add3A_7, %add3A_122 : vector<16xi32>
    %ge3A_124 = arith.cmpi sge, %add3A_123, %add3A_6 : vector<16xi32>
    %add3A_125 = arith.constant -11 : i32
    %add3A_126 = vector.broadcast %add3A_125 : i32 to vector<16xi32>
    %add3A_127 = arith.addi %add3A_7, %add3A_126 : vector<16xi32>
    %add3A_128 = arith.constant 2037 : i32
    %add3A_129 = vector.broadcast %add3A_128 : i32 to vector<16xi32>
    %add3A_130 = arith.addi %add3A_7, %add3A_129 : vector<16xi32>
    %select_n3A_131 = arith.select %ge3A_124, %add3A_127, %add3A_130 : vector<16xi1>, vector<16xi32>
    %gather3A_132 = tpu.vector_load_idx %arg4[%select_n3A_131] : memref<32768xf32, #tpu.memory_space<vmem>>[vector<16xi32>], vector<16xf32>,
    %add3A_133 = arith.addf %add3A_118, %gather3A_132 : vector<16xf32>
    %select_n3A_134 = arith.select %ge3A_124, %gather3A_132, %broadcast_in_dim3A_8 : vector<16xi1>, vector<16xf32>
    %add3A_135 = arith.addf %add3A_120, %select_n3A_134 : vector<16xf32>
    %add3A_136 = arith.constant 2038 : i32
    %add3A_137 = vector.broadcast %add3A_136 : i32 to vector<16xi32>
    %add3A_138 = arith.addi %add3A_7, %add3A_137 : vector<16xi32>
    %ge3A_139 = arith.cmpi sge, %add3A_138, %add3A_6 : vector<16xi32>
    %add3A_140 = arith.constant -10 : i32
    %add3A_141 = vector.broadcast %add3A_140 : i32 to vector<16xi32>
    %add3A_142 = arith.addi %add3A_7, %add3A_141 : vector<16xi32>
    %add3A_143 = arith.constant 2038 : i32
    %add3A_144 = vector.broadcast %add3A_143 : i32 to vector<16xi32>
    %add3A_145 = arith.addi %add3A_7, %add3A_144 : vector<16xi32>
    %select_n3A_146 = arith.select %ge3A_139, %add3A_142, %add3A_145 : vector<16xi1>, vector<16xi32>
    %gather3A_147 = tpu.vector_load_idx %arg4[%select_n3A_146] : memref<32768xf32, #tpu.memory_space<vmem>>[vector<16xi32>], vector<16xf32>,
    %add3A_148 = arith.addf %add3A_133, %gather3A_147 : vector<16xf32>
    %select_n3A_149 = arith.select %ge3A_139, %gather3A_147, %broadcast_in_dim3A_8 : vector<16xi1>, vector<16xf32>
    %add3A_150 = arith.addf %add3A_135, %select_n3A_149 : vector<16xf32>
    %add3A_151 = arith.constant 2039 : i32
    %add3A_152 = vector.broadcast %add3A_151 : i32 to vector<16xi32>
    %add3A_153 = arith.addi %add3A_7, %add3A_152 : vector<16xi32>
    %ge3A_154 = arith.cmpi sge, %add3A_153, %add3A_6 : vector<16xi32>
    %add3A_155 = arith.constant -9 : i32
    %add3A_156 = vector.broadcast %add3A_155 : i32 to vector<16xi32>
    %add3A_157 = arith.addi %add3A_7, %add3A_156 : vector<16xi32>
    %add3A_158 = arith.constant 2039 : i32
    %add3A_159 = vector.broadcast %add3A_158 : i32 to vector<16xi32>
    %add3A_160 = arith.addi %add3A_7, %add3A_159 : vector<16xi32>
    %select_n3A_161 = arith.select %ge3A_154, %add3A_157, %add3A_160 : vector<16xi1>, vector<16xi32>
    %gather3A_162 = tpu.vector_load_idx %arg4[%select_n3A_161] : memref<32768xf32, #tpu.memory_space<vmem>>[vector<16xi32>], vector<16xf32>,
    %add3A_163 = arith.addf %add3A_148, %gather3A_162 : vector<16xf32>
    %select_n3A_164 = arith.select %ge3A_154, %gather3A_162, %broadcast_in_dim3A_8 : vector<16xi1>, vector<16xf32>
    %add3A_165 = arith.addf %add3A_150, %select_n3A_164 : vector<16xf32>
    %add3A_166 = arith.constant 2040 : i32
    %add3A_167 = vector.broadcast %add3A_166 : i32 to vector<16xi32>
    %add3A_168 = arith.addi %add3A_7, %add3A_167 : vector<16xi32>
    %ge3A_169 = arith.cmpi sge, %add3A_168, %add3A_6 : vector<16xi32>
    %add3A_170 = arith.constant -8 : i32
    %add3A_171 = vector.broadcast %add3A_170 : i32 to vector<16xi32>
    %add3A_172 = arith.addi %add3A_7, %add3A_171 : vector<16xi32>
    %add3A_173 = arith.constant 2040 : i32
    %add3A_174 = vector.broadcast %add3A_173 : i32 to vector<16xi32>
    %add3A_175 = arith.addi %add3A_7, %add3A_174 : vector<16xi32>
    %select_n3A_176 = arith.select %ge3A_169, %add3A_172, %add3A_175 : vector<16xi1>, vector<16xi32>
    %gather3A_177 = tpu.vector_load_idx %arg4[%select_n3A_176] : memref<32768xf32, #tpu.memory_space<vmem>>[vector<16xi32>], vector<16xf32>,
    %add3A_178 = arith.addf %add3A_163, %gather3A_177 : vector<16xf32>
    %select_n3A_179 = arith.select %ge3A_169, %gather3A_177, %broadcast_in_dim3A_8 : vector<16xi1>, vector<16xf32>
    %add3A_180 = arith.addf %add3A_165, %select_n3A_179 : vector<16xf32>
    %add3A_181 = arith.constant 2041 : i32
    %add3A_182 = vector.broadcast %add3A_181 : i32 to vector<16xi32>
    %add3A_183 = arith.addi %add3A_7, %add3A_182 : vector<16xi32>
    %ge3A_184 = arith.cmpi sge, %add3A_183, %add3A_6 : vector<16xi32>
    %add3A_185 = arith.constant -7 : i32
    %add3A_186 = vector.broadcast %add3A_185 : i32 to vector<16xi32>
    %add3A_187 = arith.addi %add3A_7, %add3A_186 : vector<16xi32>
    %add3A_188 = arith.constant 2041 : i32
    %add3A_189 = vector.broadcast %add3A_188 : i32 to vector<16xi32>
    %add3A_190 = arith.addi %add3A_7, %add3A_189 : vector<16xi32>
    %select_n3A_191 = arith.select %ge3A_184, %add3A_187, %add3A_190 : vector<16xi1>, vector<16xi32>
    %gather3A_192 = tpu.vector_load_idx %arg4[%select_n3A_191] : memref<32768xf32, #tpu.memory_space<vmem>>[vector<16xi32>], vector<16xf32>,
    %add3A_193 = arith.addf %add3A_178, %gather3A_192 : vector<16xf32>
    %select_n3A_194 = arith.select %ge3A_184, %gather3A_192, %broadcast_in_dim3A_8 : vector<16xi1>, vector<16xf32>
    %add3A_195 = arith.addf %add3A_180, %select_n3A_194 : vector<16xf32>
    %add3A_196 = arith.constant 2042 : i32
    %add3A_197 = vector.broadcast %add3A_196 : i32 to vector<16xi32>
    %add3A_198 = arith.addi %add3A_7, %add3A_197 : vector<16xi32>
    %ge3A_199 = arith.cmpi sge, %add3A_198, %add3A_6 : vector<16xi32>
    %add3A_200 = arith.constant -6 : i32
    %add3A_201 = vector.broadcast %add3A_200 : i32 to vector<16xi32>
    %add3A_202 = arith.addi %add3A_7, %add3A_201 : vector<16xi32>
    %add3A_203 = arith.constant 2042 : i32
    %add3A_204 = vector.broadcast %add3A_203 : i32 to vector<16xi32>
    %add3A_205 = arith.addi %add3A_7, %add3A_204 : vector<16xi32>
    %select_n3A_206 = arith.select %ge3A_199, %add3A_202, %add3A_205 : vector<16xi1>, vector<16xi32>
    %gather3A_207 = tpu.vector_load_idx %arg4[%select_n3A_206] : memref<32768xf32, #tpu.memory_space<vmem>>[vector<16xi32>], vector<16xf32>,
    %add3A_208 = arith.addf %add3A_193, %gather3A_207 : vector<16xf32>
    %select_n3A_209 = arith.select %ge3A_199, %gather3A_207, %broadcast_in_dim3A_8 : vector<16xi1>, vector<16xf32>
    %add3A_210 = arith.addf %add3A_195, %select_n3A_209 : vector<16xf32>
    %add3A_211 = arith.constant 2043 : i32
    %add3A_212 = vector.broadcast %add3A_211 : i32 to vector<16xi32>
    %add3A_213 = arith.addi %add3A_7, %add3A_212 : vector<16xi32>
    %ge3A_214 = arith.cmpi sge, %add3A_213, %add3A_6 : vector<16xi32>
    %add3A_215 = arith.constant -5 : i32
    %add3A_216 = vector.broadcast %add3A_215 : i32 to vector<16xi32>
    %add3A_217 = arith.addi %add3A_7, %add3A_216 : vector<16xi32>
    %add3A_218 = arith.constant 2043 : i32
    %add3A_219 = vector.broadcast %add3A_218 : i32 to vector<16xi32>
    %add3A_220 = arith.addi %add3A_7, %add3A_219 : vector<16xi32>
    %select_n3A_221 = arith.select %ge3A_214, %add3A_217, %add3A_220 : vector<16xi1>, vector<16xi32>
    %gather3A_222 = tpu.vector_load_idx %arg4[%select_n3A_221] : memref<32768xf32, #tpu.memory_space<vmem>>[vector<16xi32>], vector<16xf32>,
    %add3A_223 = arith.addf %add3A_208, %gather3A_222 : vector<16xf32>
    %select_n3A_224 = arith.select %ge3A_214, %gather3A_222, %broadcast_in_dim3A_8 : vector<16xi1>, vector<16xf32>
    %add3A_225 = arith.addf %add3A_210, %select_n3A_224 : vector<16xf32>
    %add3A_226 = arith.constant 2044 : i32
    %add3A_227 = vector.broadcast %add3A_226 : i32 to vector<16xi32>
    %add3A_228 = arith.addi %add3A_7, %add3A_227 : vector<16xi32>
    %ge3A_229 = arith.cmpi sge, %add3A_228, %add3A_6 : vector<16xi32>
    %add3A_230 = arith.constant -4 : i32
    %add3A_231 = vector.broadcast %add3A_230 : i32 to vector<16xi32>
    %add3A_232 = arith.addi %add3A_7, %add3A_231 : vector<16xi32>
    %add3A_233 = arith.constant 2044 : i32
    %add3A_234 = vector.broadcast %add3A_233 : i32 to vector<16xi32>
    %add3A_235 = arith.addi %add3A_7, %add3A_234 : vector<16xi32>
    %select_n3A_236 = arith.select %ge3A_229, %add3A_232, %add3A_235 : vector<16xi1>, vector<16xi32>
    %gather3A_237 = tpu.vector_load_idx %arg4[%select_n3A_236] : memref<32768xf32, #tpu.memory_space<vmem>>[vector<16xi32>], vector<16xf32>,
    %add3A_238 = arith.addf %add3A_223, %gather3A_237 : vector<16xf32>
    %select_n3A_239 = arith.select %ge3A_229, %gather3A_237, %broadcast_in_dim3A_8 : vector<16xi1>, vector<16xf32>
    %add3A_240 = arith.addf %add3A_225, %select_n3A_239 : vector<16xf32>
    %add3A_241 = arith.constant 2045 : i32
    %add3A_242 = vector.broadcast %add3A_241 : i32 to vector<16xi32>
    %add3A_243 = arith.addi %add3A_7, %add3A_242 : vector<16xi32>
    %ge3A_244 = arith.cmpi sge, %add3A_243, %add3A_6 : vector<16xi32>
    %add3A_245 = arith.constant -3 : i32
    %add3A_246 = vector.broadcast %add3A_245 : i32 to vector<16xi32>
    %add3A_247 = arith.addi %add3A_7, %add3A_246 : vector<16xi32>
    %add3A_248 = arith.constant 2045 : i32
    %add3A_249 = vector.broadcast %add3A_248 : i32 to vector<16xi32>
    %add3A_250 = arith.addi %add3A_7, %add3A_249 : vector<16xi32>
    %select_n3A_251 = arith.select %ge3A_244, %add3A_247, %add3A_250 : vector<16xi1>, vector<16xi32>
    %gather3A_252 = tpu.vector_load_idx %arg4[%select_n3A_251] : memref<32768xf32, #tpu.memory_space<vmem>>[vector<16xi32>], vector<16xf32>,
    %add3A_253 = arith.addf %add3A_238, %gather3A_252 : vector<16xf32>
    %select_n3A_254 = arith.select %ge3A_244, %gather3A_252, %broadcast_in_dim3A_8 : vector<16xi1>, vector<16xf32>
    %add3A_255 = arith.addf %add3A_240, %select_n3A_254 : vector<16xf32>
    %add3A_256 = arith.constant 2046 : i32
    %add3A_257 = vector.broadcast %add3A_256 : i32 to vector<16xi32>
    %add3A_258 = arith.addi %add3A_7, %add3A_257 : vector<16xi32>
    %ge3A_259 = arith.cmpi sge, %add3A_258, %add3A_6 : vector<16xi32>
    %add3A_260 = arith.constant -2 : i32
    %add3A_261 = vector.broadcast %add3A_260 : i32 to vector<16xi32>
    %add3A_262 = arith.addi %add3A_7, %add3A_261 : vector<16xi32>
    %add3A_263 = arith.constant 2046 : i32
    %add3A_264 = vector.broadcast %add3A_263 : i32 to vector<16xi32>
    %add3A_265 = arith.addi %add3A_7, %add3A_264 : vector<16xi32>
    %select_n3A_266 = arith.select %ge3A_259, %add3A_262, %add3A_265 : vector<16xi1>, vector<16xi32>
    %gather3A_267 = tpu.vector_load_idx %arg4[%select_n3A_266] : memref<32768xf32, #tpu.memory_space<vmem>>[vector<16xi32>], vector<16xf32>,
    %add3A_268 = arith.addf %add3A_253, %gather3A_267 : vector<16xf32>
    %select_n3A_269 = arith.select %ge3A_259, %gather3A_267, %broadcast_in_dim3A_8 : vector<16xi1>, vector<16xf32>
    %add3A_270 = arith.addf %add3A_255, %select_n3A_269 : vector<16xf32>
    %add3A_271 = arith.constant 2047 : i32
    %add3A_272 = vector.broadcast %add3A_271 : i32 to vector<16xi32>
    %add3A_273 = arith.addi %add3A_7, %add3A_272 : vector<16xi32>
    %ge3A_274 = arith.cmpi sge, %add3A_273, %add3A_6 : vector<16xi32>
    %add3A_275 = arith.constant -1 : i32
    %add3A_276 = vector.broadcast %add3A_275 : i32 to vector<16xi32>
    %add3A_277 = arith.addi %add3A_7, %add3A_276 : vector<16xi32>
    %add3A_278 = arith.constant 2047 : i32
    %add3A_279 = vector.broadcast %add3A_278 : i32 to vector<16xi32>
    %add3A_280 = arith.addi %add3A_7, %add3A_279 : vector<16xi32>
    %select_n3A_281 = arith.select %ge3A_274, %add3A_277, %add3A_280 : vector<16xi1>, vector<16xi32>
    %gather3A_282 = tpu.vector_load_idx %arg4[%select_n3A_281] : memref<32768xf32, #tpu.memory_space<vmem>>[vector<16xi32>], vector<16xf32>,
    %add3A_283 = arith.addf %add3A_268, %gather3A_282 : vector<16xf32>
    %select_n3A_284 = arith.select %ge3A_274, %gather3A_282, %broadcast_in_dim3A_8 : vector<16xi1>, vector<16xf32>
    %add3A_285 = arith.addf %add3A_270, %select_n3A_284 : vector<16xf32>
    %broadcast_in_dim3A_286 = arith.constant true
    %broadcast_in_dim3A_287 = vector.broadcast %broadcast_in_dim3A_286 : i1 to vector<16xi1>
    %masked_cumsum3A = tpu.scan <sum>, %add3A_283 masked %broadcast_in_dim3A_287 : vector<16xf32>, vector<16xi1> -> vector<16xf32>
    %sub3A = arith.subf %masked_cumsum3A, %add3A_283 : vector<16xf32>
    %add3A_288 = arith.constant 1 : i32
    %add3A_289 = vector.broadcast %add3A_288 : i32 to vector<16xi32>
    %add3A_290 = arith.addi %add3A_7, %add3A_289 : vector<16xi32>
    %add3A_291 = arith.addf %sub3A, %add3A_285 : vector<16xf32>
    %scan3A_292 = arith.constant 0 : i32
    %scan3A_293 = arith.constant 127 : i32
    %scan3A_294 = arith.addi %scan3A_292, %scan3A_293 : i32
    %scan3A_295 = arith.constant 1 : i32
    %scan3A_296 = scf.for %scan3A_1947 = %scan3A_292 to %scan3A_294 step %scan3A_295 iter_args(%scan3A_1948 = %add3A_291) -> (vector<16xf32>)  : i32 {
      %mul3A_1949 = arith.constant 16 : i32
      %mul3A_1950 = arith.muli %scan3A_1947, %mul3A_1949 : i32
      %add3A_1951 = arith.constant 0 : i32
      %add3A_1952 = arith.addi %mul3A_1950, %add3A_1951 : i32
      %add3A_1953 = vector.broadcast %add3A_1952 : i32 to vector<16xi32>
      %add3A_1954 = arith.addi %add3A_7, %add3A_1953 : vector<16xi32>
      %gather3A_1955 = tpu.vector_load_idx %arg4[%add3A_1954] : memref<32768xf32, #tpu.memory_space<vmem>>[vector<16xi32>], vector<16xf32>,
      %add3A_1956 = arith.constant 1 : i32
      %add3A_1957 = arith.addi %mul3A_1950, %add3A_1956 : i32
      %add3A_1958 = vector.broadcast %add3A_1957 : i32 to vector<16xi32>
      %add3A_1959 = arith.addi %add3A_7, %add3A_1958 : vector<16xi32>
      %gather3A_1960 = tpu.vector_load_idx %arg4[%add3A_1959] : memref<32768xf32, #tpu.memory_space<vmem>>[vector<16xi32>], vector<16xf32>,
      %add3A_1961 = arith.constant 2 : i32
      %add3A_1962 = arith.addi %mul3A_1950, %add3A_1961 : i32
      %add3A_1963 = vector.broadcast %add3A_1962 : i32 to vector<16xi32>
      %add3A_1964 = arith.addi %add3A_7, %add3A_1963 : vector<16xi32>
      %gather3A_1965 = tpu.vector_load_idx %arg4[%add3A_1964] : memref<32768xf32, #tpu.memory_space<vmem>>[vector<16xi32>], vector<16xf32>,
      %add3A_1966 = arith.constant 3 : i32
      %add3A_1967 = arith.addi %mul3A_1950, %add3A_1966 : i32
      %add3A_1968 = vector.broadcast %add3A_1967 : i32 to vector<16xi32>
      %add3A_1969 = arith.addi %add3A_7, %add3A_1968 : vector<16xi32>
      %gather3A_1970 = tpu.vector_load_idx %arg4[%add3A_1969] : memref<32768xf32, #tpu.memory_space<vmem>>[vector<16xi32>], vector<16xf32>,
      %add3A_1971 = arith.constant 4 : i32
      %add3A_1972 = arith.addi %mul3A_1950, %add3A_1971 : i32
      %add3A_1973 = vector.broadcast %add3A_1972 : i32 to vector<16xi32>
      %add3A_1974 = arith.addi %add3A_7, %add3A_1973 : vector<16xi32>
      %gather3A_1975 = tpu.vector_load_idx %arg4[%add3A_1974] : memref<32768xf32, #tpu.memory_space<vmem>>[vector<16xi32>], vector<16xf32>,
      %add3A_1976 = arith.constant 5 : i32
      %add3A_1977 = arith.addi %mul3A_1950, %add3A_1976 : i32
      %add3A_1978 = vector.broadcast %add3A_1977 : i32 to vector<16xi32>
      %add3A_1979 = arith.addi %add3A_7, %add3A_1978 : vector<16xi32>
      %gather3A_1980 = tpu.vector_load_idx %arg4[%add3A_1979] : memref<32768xf32, #tpu.memory_space<vmem>>[vector<16xi32>], vector<16xf32>,
      %add3A_1981 = arith.constant 6 : i32
      %add3A_1982 = arith.addi %mul3A_1950, %add3A_1981 : i32
      %add3A_1983 = vector.broadcast %add3A_1982 : i32 to vector<16xi32>
      %add3A_1984 = arith.addi %add3A_7, %add3A_1983 : vector<16xi32>
      %gather3A_1985 = tpu.vector_load_idx %arg4[%add3A_1984] : memref<32768xf32, #tpu.memory_space<vmem>>[vector<16xi32>], vector<16xf32>,
      %add3A_1986 = arith.constant 7 : i32
      %add3A_1987 = arith.addi %mul3A_1950, %add3A_1986 : i32
      %add3A_1988 = vector.broadcast %add3A_1987 : i32 to vector<16xi32>
      %add3A_1989 = arith.addi %add3A_7, %add3A_1988 : vector<16xi32>
      %gather3A_1990 = tpu.vector_load_idx %arg4[%add3A_1989] : memref<32768xf32, #tpu.memory_space<vmem>>[vector<16xi32>], vector<16xf32>,
      %add3A_1991 = arith.constant 8 : i32
      %add3A_1992 = arith.addi %mul3A_1950, %add3A_1991 : i32
      %add3A_1993 = vector.broadcast %add3A_1992 : i32 to vector<16xi32>
      %add3A_1994 = arith.addi %add3A_7, %add3A_1993 : vector<16xi32>
      %gather3A_1995 = tpu.vector_load_idx %arg4[%add3A_1994] : memref<32768xf32, #tpu.memory_space<vmem>>[vector<16xi32>], vector<16xf32>,
      %add3A_1996 = arith.constant 9 : i32
      %add3A_1997 = arith.addi %mul3A_1950, %add3A_1996 : i32
      %add3A_1998 = vector.broadcast %add3A_1997 : i32 to vector<16xi32>
      %add3A_1999 = arith.addi %add3A_7, %add3A_1998 : vector<16xi32>
      %gather3A_2000 = tpu.vector_load_idx %arg4[%add3A_1999] : memref<32768xf32, #tpu.memory_space<vmem>>[vector<16xi32>], vector<16xf32>,
      %add3A_2001 = arith.constant 10 : i32
      %add3A_2002 = arith.addi %mul3A_1950, %add3A_2001 : i32
      %add3A_2003 = vector.broadcast %add3A_2002 : i32 to vector<16xi32>
      %add3A_2004 = arith.addi %add3A_7, %add3A_2003 : vector<16xi32>
      %gather3A_2005 = tpu.vector_load_idx %arg4[%add3A_2004] : memref<32768xf32, #tpu.memory_space<vmem>>[vector<16xi32>], vector<16xf32>,
      %add3A_2006 = arith.constant 11 : i32
      %add3A_2007 = arith.addi %mul3A_1950, %add3A_2006 : i32
      %add3A_2008 = vector.broadcast %add3A_2007 : i32 to vector<16xi32>
      %add3A_2009 = arith.addi %add3A_7, %add3A_2008 : vector<16xi32>
      %gather3A_2010 = tpu.vector_load_idx %arg4[%add3A_2009] : memref<32768xf32, #tpu.memory_space<vmem>>[vector<16xi32>], vector<16xf32>,
      %add3A_2011 = arith.constant 12 : i32
      %add3A_2012 = arith.addi %mul3A_1950, %add3A_2011 : i32
      %add3A_2013 = vector.broadcast %add3A_2012 : i32 to vector<16xi32>
      %add3A_2014 = arith.addi %add3A_7, %add3A_2013 : vector<16xi32>
      %gather3A_2015 = tpu.vector_load_idx %arg4[%add3A_2014] : memref<32768xf32, #tpu.memory_space<vmem>>[vector<16xi32>], vector<16xf32>,
      %add3A_2016 = arith.constant 13 : i32
      %add3A_2017 = arith.addi %mul3A_1950, %add3A_2016 : i32
      %add3A_2018 = vector.broadcast %add3A_2017 : i32 to vector<16xi32>
      %add3A_2019 = arith.addi %add3A_7, %add3A_2018 : vector<16xi32>
      %gather3A_2020 = tpu.vector_load_idx %arg4[%add3A_2019] : memref<32768xf32, #tpu.memory_space<vmem>>[vector<16xi32>], vector<16xf32>,
      %add3A_2021 = arith.constant 14 : i32
      %add3A_2022 = arith.addi %mul3A_1950, %add3A_2021 : i32
      %add3A_2023 = vector.broadcast %add3A_2022 : i32 to vector<16xi32>
      %add3A_2024 = arith.addi %add3A_7, %add3A_2023 : vector<16xi32>
      %gather3A_2025 = tpu.vector_load_idx %arg4[%add3A_2024] : memref<32768xf32, #tpu.memory_space<vmem>>[vector<16xi32>], vector<16xf32>,
      %add3A_2026 = arith.constant 15 : i32
      %add3A_2027 = arith.addi %mul3A_1950, %add3A_2026 : i32
      %add3A_2028 = vector.broadcast %add3A_2027 : i32 to vector<16xi32>
      %add3A_2029 = arith.addi %add3A_7, %add3A_2028 : vector<16xi32>
      %gather3A_2030 = tpu.vector_load_idx %arg4[%add3A_2029] : memref<32768xf32, #tpu.memory_space<vmem>>[vector<16xi32>], vector<16xf32>,
      %add3A_2031 = arith.addf %gather3A_1955, %gather3A_1960 : vector<16xf32>
      %add3A_2032 = arith.addf %add3A_2031, %gather3A_1965 : vector<16xf32>
      %add3A_2033 = arith.addf %add3A_2032, %gather3A_1970 : vector<16xf32>
      %add3A_2034 = arith.addf %add3A_2033, %gather3A_1975 : vector<16xf32>
      %add3A_2035 = arith.addf %add3A_2034, %gather3A_1980 : vector<16xf32>
      %add3A_2036 = arith.addf %add3A_2035, %gather3A_1985 : vector<16xf32>
      %add3A_2037 = arith.addf %add3A_2036, %gather3A_1990 : vector<16xf32>
      %add3A_2038 = arith.addf %add3A_2037, %gather3A_1995 : vector<16xf32>
      %add3A_2039 = arith.addf %add3A_2038, %gather3A_2000 : vector<16xf32>
      %add3A_2040 = arith.addf %add3A_2039, %gather3A_2005 : vector<16xf32>
      %add3A_2041 = arith.addf %add3A_2040, %gather3A_2010 : vector<16xf32>
      %add3A_2042 = arith.addf %add3A_2041, %gather3A_2015 : vector<16xf32>
      %add3A_2043 = arith.addf %add3A_2042, %gather3A_2020 : vector<16xf32>
      %add3A_2044 = arith.addf %add3A_2043, %gather3A_2025 : vector<16xf32>
      %add3A_2045 = arith.addf %add3A_2044, %gather3A_2030 : vector<16xf32>
      %add3A_2046 = vector.broadcast %mul3A_1950 : i32 to vector<16xi32>
      %add3A_2047 = arith.addi %add3A_290, %add3A_2046 : vector<16xi32>
      %add3A_2048 = arith.addf %scan3A_1948, %gather3A_1955 : vector<16xf32>
      tpu.vector_store_idx %arg6[%add3A_2047], %add3A_2048 : memref<32769xf32, #tpu.memory_space<vmem>>[vector<16xi32>], vector<16xf32>,
      %add3A_2049 = arith.constant 1 : i32
      %add3A_2050 = arith.addi %mul3A_1950, %add3A_2049 : i32
      %add3A_2051 = vector.broadcast %add3A_2050 : i32 to vector<16xi32>
      %add3A_2052 = arith.addi %add3A_290, %add3A_2051 : vector<16xi32>
      %add3A_2053 = arith.addf %scan3A_1948, %add3A_2031 : vector<16xf32>
      tpu.vector_store_idx %arg6[%add3A_2052], %add3A_2053 : memref<32769xf32, #tpu.memory_space<vmem>>[vector<16xi32>], vector<16xf32>,
      %add3A_2054 = arith.constant 2 : i32
      %add3A_2055 = arith.addi %mul3A_1950, %add3A_2054 : i32
      %add3A_2056 = vector.broadcast %add3A_2055 : i32 to vector<16xi32>
      %add3A_2057 = arith.addi %add3A_290, %add3A_2056 : vector<16xi32>
      %add3A_2058 = arith.addf %scan3A_1948, %add3A_2032 : vector<16xf32>
      tpu.vector_store_idx %arg6[%add3A_2057], %add3A_2058 : memref<32769xf32, #tpu.memory_space<vmem>>[vector<16xi32>], vector<16xf32>,
      %add3A_2059 = arith.constant 3 : i32
      %add3A_2060 = arith.addi %mul3A_1950, %add3A_2059 : i32
      %add3A_2061 = vector.broadcast %add3A_2060 : i32 to vector<16xi32>
      %add3A_2062 = arith.addi %add3A_290, %add3A_2061 : vector<16xi32>
      %add3A_2063 = arith.addf %scan3A_1948, %add3A_2033 : vector<16xf32>
      tpu.vector_store_idx %arg6[%add3A_2062], %add3A_2063 : memref<32769xf32, #tpu.memory_space<vmem>>[vector<16xi32>], vector<16xf32>,
      %add3A_2064 = arith.constant 4 : i32
      %add3A_2065 = arith.addi %mul3A_1950, %add3A_2064 : i32
      %add3A_2066 = vector.broadcast %add3A_2065 : i32 to vector<16xi32>
      %add3A_2067 = arith.addi %add3A_290, %add3A_2066 : vector<16xi32>
      %add3A_2068 = arith.addf %scan3A_1948, %add3A_2034 : vector<16xf32>
      tpu.vector_store_idx %arg6[%add3A_2067], %add3A_2068 : memref<32769xf32, #tpu.memory_space<vmem>>[vector<16xi32>], vector<16xf32>,
      %add3A_2069 = arith.constant 5 : i32
      %add3A_2070 = arith.addi %mul3A_1950, %add3A_2069 : i32
      %add3A_2071 = vector.broadcast %add3A_2070 : i32 to vector<16xi32>
      %add3A_2072 = arith.addi %add3A_290, %add3A_2071 : vector<16xi32>
      %add3A_2073 = arith.addf %scan3A_1948, %add3A_2035 : vector<16xf32>
      tpu.vector_store_idx %arg6[%add3A_2072], %add3A_2073 : memref<32769xf32, #tpu.memory_space<vmem>>[vector<16xi32>], vector<16xf32>,
      %add3A_2074 = arith.constant 6 : i32
      %add3A_2075 = arith.addi %mul3A_1950, %add3A_2074 : i32
      %add3A_2076 = vector.broadcast %add3A_2075 : i32 to vector<16xi32>
      %add3A_2077 = arith.addi %add3A_290, %add3A_2076 : vector<16xi32>
      %add3A_2078 = arith.addf %scan3A_1948, %add3A_2036 : vector<16xf32>
      tpu.vector_store_idx %arg6[%add3A_2077], %add3A_2078 : memref<32769xf32, #tpu.memory_space<vmem>>[vector<16xi32>], vector<16xf32>,
      %add3A_2079 = arith.constant 7 : i32
      %add3A_2080 = arith.addi %mul3A_1950, %add3A_2079 : i32
      %add3A_2081 = vector.broadcast %add3A_2080 : i32 to vector<16xi32>
      %add3A_2082 = arith.addi %add3A_290, %add3A_2081 : vector<16xi32>
      %add3A_2083 = arith.addf %scan3A_1948, %add3A_2037 : vector<16xf32>
      tpu.vector_store_idx %arg6[%add3A_2082], %add3A_2083 : memref<32769xf32, #tpu.memory_space<vmem>>[vector<16xi32>], vector<16xf32>,
      %add3A_2084 = arith.constant 8 : i32
      %add3A_2085 = arith.addi %mul3A_1950, %add3A_2084 : i32
      %add3A_2086 = vector.broadcast %add3A_2085 : i32 to vector<16xi32>
      %add3A_2087 = arith.addi %add3A_290, %add3A_2086 : vector<16xi32>
      %add3A_2088 = arith.addf %scan3A_1948, %add3A_2038 : vector<16xf32>
      tpu.vector_store_idx %arg6[%add3A_2087], %add3A_2088 : memref<32769xf32, #tpu.memory_space<vmem>>[vector<16xi32>], vector<16xf32>,
      %add3A_2089 = arith.constant 9 : i32
      %add3A_2090 = arith.addi %mul3A_1950, %add3A_2089 : i32
      %add3A_2091 = vector.broadcast %add3A_2090 : i32 to vector<16xi32>
      %add3A_2092 = arith.addi %add3A_290, %add3A_2091 : vector<16xi32>
      %add3A_2093 = arith.addf %scan3A_1948, %add3A_2039 : vector<16xf32>
      tpu.vector_store_idx %arg6[%add3A_2092], %add3A_2093 : memref<32769xf32, #tpu.memory_space<vmem>>[vector<16xi32>], vector<16xf32>,
      %add3A_2094 = arith.constant 10 : i32
      %add3A_2095 = arith.addi %mul3A_1950, %add3A_2094 : i32
      %add3A_2096 = vector.broadcast %add3A_2095 : i32 to vector<16xi32>
      %add3A_2097 = arith.addi %add3A_290, %add3A_2096 : vector<16xi32>
      %add3A_2098 = arith.addf %scan3A_1948, %add3A_2040 : vector<16xf32>
      tpu.vector_store_idx %arg6[%add3A_2097], %add3A_2098 : memref<32769xf32, #tpu.memory_space<vmem>>[vector<16xi32>], vector<16xf32>,
      %add3A_2099 = arith.constant 11 : i32
      %add3A_2100 = arith.addi %mul3A_1950, %add3A_2099 : i32
      %add3A_2101 = vector.broadcast %add3A_2100 : i32 to vector<16xi32>
      %add3A_2102 = arith.addi %add3A_290, %add3A_2101 : vector<16xi32>
      %add3A_2103 = arith.addf %scan3A_1948, %add3A_2041 : vector<16xf32>
      tpu.vector_store_idx %arg6[%add3A_2102], %add3A_2103 : memref<32769xf32, #tpu.memory_space<vmem>>[vector<16xi32>], vector<16xf32>,
      %add3A_2104 = arith.constant 12 : i32
      %add3A_2105 = arith.addi %mul3A_1950, %add3A_2104 : i32
      %add3A_2106 = vector.broadcast %add3A_2105 : i32 to vector<16xi32>
      %add3A_2107 = arith.addi %add3A_290, %add3A_2106 : vector<16xi32>
      %add3A_2108 = arith.addf %scan3A_1948, %add3A_2042 : vector<16xf32>
      tpu.vector_store_idx %arg6[%add3A_2107], %add3A_2108 : memref<32769xf32, #tpu.memory_space<vmem>>[vector<16xi32>], vector<16xf32>,
      %add3A_2109 = arith.constant 13 : i32
      %add3A_2110 = arith.addi %mul3A_1950, %add3A_2109 : i32
      %add3A_2111 = vector.broadcast %add3A_2110 : i32 to vector<16xi32>
      %add3A_2112 = arith.addi %add3A_290, %add3A_2111 : vector<16xi32>
      %add3A_2113 = arith.addf %scan3A_1948, %add3A_2043 : vector<16xf32>
      tpu.vector_store_idx %arg6[%add3A_2112], %add3A_2113 : memref<32769xf32, #tpu.memory_space<vmem>>[vector<16xi32>], vector<16xf32>,
      %add3A_2114 = arith.constant 14 : i32
      %add3A_2115 = arith.addi %mul3A_1950, %add3A_2114 : i32
      %add3A_2116 = vector.broadcast %add3A_2115 : i32 to vector<16xi32>
      %add3A_2117 = arith.addi %add3A_290, %add3A_2116 : vector<16xi32>
      %add3A_2118 = arith.addf %scan3A_1948, %add3A_2044 : vector<16xf32>
      tpu.vector_store_idx %arg6[%add3A_2117], %add3A_2118 : memref<32769xf32, #tpu.memory_space<vmem>>[vector<16xi32>], vector<16xf32>,
      %add3A_2119 = arith.constant 15 : i32
      %add3A_2120 = arith.addi %mul3A_1950, %add3A_2119 : i32
      %add3A_2121 = vector.broadcast %add3A_2120 : i32 to vector<16xi32>
      %add3A_2122 = arith.addi %add3A_290, %add3A_2121 : vector<16xi32>
      %add3A_2123 = arith.addf %scan3A_1948, %add3A_2045 : vector<16xf32>
      tpu.vector_store_idx %arg6[%add3A_2122], %add3A_2123 : memref<32769xf32, #tpu.memory_space<vmem>>[vector<16xi32>], vector<16xf32>,
      %add3A_2124 = arith.addf %scan3A_1948, %add3A_2045 : vector<16xf32>
      scf.yield %add3A_2124 : vector<16xf32>
    }
    %scan3A_297 = arith.constant 127 : i32
    %add3A_298 = arith.constant 2032 : i32
    %add3A_299 = vector.broadcast %add3A_298 : i32 to vector<16xi32>
    %add3A_300 = arith.addi %add3A_7, %add3A_299 : vector<16xi32>
    %ge3A_301 = arith.cmpi sge, %add3A_300, %add3A_6 : vector<16xi32>
    %add3A_302 = arith.constant 2032 : i32
    %add3A_303 = vector.broadcast %add3A_302 : i32 to vector<16xi32>
    %add3A_304 = arith.addi %add3A_7, %add3A_303 : vector<16xi32>
    %eq3A = arith.cmpi eq, %add3A_304, %add3A_6 : vector<16xi32>
    %add3A_305 = arith.constant -16 : i32
    %add3A_306 = vector.broadcast %add3A_305 : i32 to vector<16xi32>
    %add3A_307 = arith.addi %add3A_7, %add3A_306 : vector<16xi32>
    %add3A_308 = arith.constant 2032 : i32
    %add3A_309 = vector.broadcast %add3A_308 : i32 to vector<16xi32>
    %add3A_310 = arith.addi %add3A_7, %add3A_309 : vector<16xi32>
    %select_n3A_311 = arith.select %ge3A_301, %add3A_307, %add3A_310 : vector<16xi1>, vector<16xi32>
    %select_n3A_312 = arith.select %eq3A, %sub3A, %scan3A_296 : vector<16xi1>, vector<16xf32>
    %gather3A_313 = tpu.vector_load_idx %arg4[%select_n3A_311] : memref<32768xf32, #tpu.memory_space<vmem>>[vector<16xi32>], vector<16xf32>,
    %add3A_314 = arith.addf %select_n3A_312, %gather3A_313 : vector<16xf32>
    %add3A_315 = arith.constant 1 : i32
    %add3A_316 = vector.broadcast %add3A_315 : i32 to vector<16xi32>
    %add3A_317 = arith.addi %select_n3A_311, %add3A_316 : vector<16xi32>
    tpu.vector_store_idx %arg6[%add3A_317], %add3A_314 : memref<32769xf32, #tpu.memory_space<vmem>>[vector<16xi32>], vector<16xf32>,
    %add3A_318 = arith.constant 2033 : i32
    %add3A_319 = vector.broadcast %add3A_318 : i32 to vector<16xi32>
    %add3A_320 = arith.addi %add3A_7, %add3A_319 : vector<16xi32>
    %ge3A_321 = arith.cmpi sge, %add3A_320, %add3A_6 : vector<16xi32>
    %add3A_322 = arith.constant 2033 : i32
    %add3A_323 = vector.broadcast %add3A_322 : i32 to vector<16xi32>
    %add3A_324 = arith.addi %add3A_7, %add3A_323 : vector<16xi32>
    %eq3A_325 = arith.cmpi eq, %add3A_324, %add3A_6 : vector<16xi32>
    %add3A_326 = arith.constant -15 : i32
    %add3A_327 = vector.broadcast %add3A_326 : i32 to vector<16xi32>
    %add3A_328 = arith.addi %add3A_7, %add3A_327 : vector<16xi32>
    %add3A_329 = arith.constant 2033 : i32
    %add3A_330 = vector.broadcast %add3A_329 : i32 to vector<16xi32>
    %add3A_331 = arith.addi %add3A_7, %add3A_330 : vector<16xi32>
    %select_n3A_332 = arith.select %ge3A_321, %add3A_328, %add3A_331 : vector<16xi1>, vector<16xi32>
    %select_n3A_333 = arith.select %eq3A_325, %sub3A, %add3A_314 : vector<16xi1>, vector<16xf32>
    %gather3A_334 = tpu.vector_load_idx %arg4[%select_n3A_332] : memref<32768xf32, #tpu.memory_space<vmem>>[vector<16xi32>], vector<16xf32>,
    %add3A_335 = arith.addf %select_n3A_333, %gather3A_334 : vector<16xf32>
    %add3A_336 = arith.constant 1 : i32
    %add3A_337 = vector.broadcast %add3A_336 : i32 to vector<16xi32>
    %add3A_338 = arith.addi %select_n3A_332, %add3A_337 : vector<16xi32>
    tpu.vector_store_idx %arg6[%add3A_338], %add3A_335 : memref<32769xf32, #tpu.memory_space<vmem>>[vector<16xi32>], vector<16xf32>,
    %add3A_339 = arith.constant 2034 : i32
    %add3A_340 = vector.broadcast %add3A_339 : i32 to vector<16xi32>
    %add3A_341 = arith.addi %add3A_7, %add3A_340 : vector<16xi32>
    %ge3A_342 = arith.cmpi sge, %add3A_341, %add3A_6 : vector<16xi32>
    %add3A_343 = arith.constant 2034 : i32
    %add3A_344 = vector.broadcast %add3A_343 : i32 to vector<16xi32>
    %add3A_345 = arith.addi %add3A_7, %add3A_344 : vector<16xi32>
    %eq3A_346 = arith.cmpi eq, %add3A_345, %add3A_6 : vector<16xi32>
    %add3A_347 = arith.constant -14 : i32
    %add3A_348 = vector.broadcast %add3A_347 : i32 to vector<16xi32>
    %add3A_349 = arith.addi %add3A_7, %add3A_348 : vector<16xi32>
    %add3A_350 = arith.constant 2034 : i32
    %add3A_351 = vector.broadcast %add3A_350 : i32 to vector<16xi32>
    %add3A_352 = arith.addi %add3A_7, %add3A_351 : vector<16xi32>
    %select_n3A_353 = arith.select %ge3A_342, %add3A_349, %add3A_352 : vector<16xi1>, vector<16xi32>
    %select_n3A_354 = arith.select %eq3A_346, %sub3A, %add3A_335 : vector<16xi1>, vector<16xf32>
    %gather3A_355 = tpu.vector_load_idx %arg4[%select_n3A_353] : memref<32768xf32, #tpu.memory_space<vmem>>[vector<16xi32>], vector<16xf32>,
    %add3A_356 = arith.addf %select_n3A_354, %gather3A_355 : vector<16xf32>
    %add3A_357 = arith.constant 1 : i32
    %add3A_358 = vector.broadcast %add3A_357 : i32 to vector<16xi32>
    %add3A_359 = arith.addi %select_n3A_353, %add3A_358 : vector<16xi32>
    tpu.vector_store_idx %arg6[%add3A_359], %add3A_356 : memref<32769xf32, #tpu.memory_space<vmem>>[vector<16xi32>], vector<16xf32>,
    %add3A_360 = arith.constant 2035 : i32
    %add3A_361 = vector.broadcast %add3A_360 : i32 to vector<16xi32>
    %add3A_362 = arith.addi %add3A_7, %add3A_361 : vector<16xi32>
    %ge3A_363 = arith.cmpi sge, %add3A_362, %add3A_6 : vector<16xi32>
    %add3A_364 = arith.constant 2035 : i32
    %add3A_365 = vector.broadcast %add3A_364 : i32 to vector<16xi32>
    %add3A_366 = arith.addi %add3A_7, %add3A_365 : vector<16xi32>
    %eq3A_367 = arith.cmpi eq, %add3A_366, %add3A_6 : vector<16xi32>
    %add3A_368 = arith.constant -13 : i32
    %add3A_369 = vector.broadcast %add3A_368 : i32 to vector<16xi32>
    %add3A_370 = arith.addi %add3A_7, %add3A_369 : vector<16xi32>
    %add3A_371 = arith.constant 2035 : i32
    %add3A_372 = vector.broadcast %add3A_371 : i32 to vector<16xi32>
    %add3A_373 = arith.addi %add3A_7, %add3A_372 : vector<16xi32>
    %select_n3A_374 = arith.select %ge3A_363, %add3A_370, %add3A_373 : vector<16xi1>, vector<16xi32>
    %select_n3A_375 = arith.select %eq3A_367, %sub3A, %add3A_356 : vector<16xi1>, vector<16xf32>
    %gather3A_376 = tpu.vector_load_idx %arg4[%select_n3A_374] : memref<32768xf32, #tpu.memory_space<vmem>>[vector<16xi32>], vector<16xf32>,
    %add3A_377 = arith.addf %select_n3A_375, %gather3A_376 : vector<16xf32>
    %add3A_378 = arith.constant 1 : i32
    %add3A_379 = vector.broadcast %add3A_378 : i32 to vector<16xi32>
    %add3A_380 = arith.addi %select_n3A_374, %add3A_379 : vector<16xi32>
    tpu.vector_store_idx %arg6[%add3A_380], %add3A_377 : memref<32769xf32, #tpu.memory_space<vmem>>[vector<16xi32>], vector<16xf32>,
    %add3A_381 = arith.constant 2036 : i32
    %add3A_382 = vector.broadcast %add3A_381 : i32 to vector<16xi32>
    %add3A_383 = arith.addi %add3A_7, %add3A_382 : vector<16xi32>
    %ge3A_384 = arith.cmpi sge, %add3A_383, %add3A_6 : vector<16xi32>
    %add3A_385 = arith.constant 2036 : i32
    %add3A_386 = vector.broadcast %add3A_385 : i32 to vector<16xi32>
    %add3A_387 = arith.addi %add3A_7, %add3A_386 : vector<16xi32>
    %eq3A_388 = arith.cmpi eq, %add3A_387, %add3A_6 : vector<16xi32>
    %add3A_389 = arith.constant -12 : i32
    %add3A_390 = vector.broadcast %add3A_389 : i32 to vector<16xi32>
    %add3A_391 = arith.addi %add3A_7, %add3A_390 : vector<16xi32>
    %add3A_392 = arith.constant 2036 : i32
    %add3A_393 = vector.broadcast %add3A_392 : i32 to vector<16xi32>
    %add3A_394 = arith.addi %add3A_7, %add3A_393 : vector<16xi32>
    %select_n3A_395 = arith.select %ge3A_384, %add3A_391, %add3A_394 : vector<16xi1>, vector<16xi32>
    %select_n3A_396 = arith.select %eq3A_388, %sub3A, %add3A_377 : vector<16xi1>, vector<16xf32>
    %gather3A_397 = tpu.vector_load_idx %arg4[%select_n3A_395] : memref<32768xf32, #tpu.memory_space<vmem>>[vector<16xi32>], vector<16xf32>,
    %add3A_398 = arith.addf %select_n3A_396, %gather3A_397 : vector<16xf32>
    %add3A_399 = arith.constant 1 : i32
    %add3A_400 = vector.broadcast %add3A_399 : i32 to vector<16xi32>
    %add3A_401 = arith.addi %select_n3A_395, %add3A_400 : vector<16xi32>
    tpu.vector_store_idx %arg6[%add3A_401], %add3A_398 : memref<32769xf32, #tpu.memory_space<vmem>>[vector<16xi32>], vector<16xf32>,
    %add3A_402 = arith.constant 2037 : i32
    %add3A_403 = vector.broadcast %add3A_402 : i32 to vector<16xi32>
    %add3A_404 = arith.addi %add3A_7, %add3A_403 : vector<16xi32>
    %ge3A_405 = arith.cmpi sge, %add3A_404, %add3A_6 : vector<16xi32>
    %add3A_406 = arith.constant 2037 : i32
    %add3A_407 = vector.broadcast %add3A_406 : i32 to vector<16xi32>
    %add3A_408 = arith.addi %add3A_7, %add3A_407 : vector<16xi32>
    %eq3A_409 = arith.cmpi eq, %add3A_408, %add3A_6 : vector<16xi32>
    %add3A_410 = arith.constant -11 : i32
    %add3A_411 = vector.broadcast %add3A_410 : i32 to vector<16xi32>
    %add3A_412 = arith.addi %add3A_7, %add3A_411 : vector<16xi32>
    %add3A_413 = arith.constant 2037 : i32
    %add3A_414 = vector.broadcast %add3A_413 : i32 to vector<16xi32>
    %add3A_415 = arith.addi %add3A_7, %add3A_414 : vector<16xi32>
    %select_n3A_416 = arith.select %ge3A_405, %add3A_412, %add3A_415 : vector<16xi1>, vector<16xi32>
    %select_n3A_417 = arith.select %eq3A_409, %sub3A, %add3A_398 : vector<16xi1>, vector<16xf32>
    %gather3A_418 = tpu.vector_load_idx %arg4[%select_n3A_416] : memref<32768xf32, #tpu.memory_space<vmem>>[vector<16xi32>], vector<16xf32>,
    %add3A_419 = arith.addf %select_n3A_417, %gather3A_418 : vector<16xf32>
    %add3A_420 = arith.constant 1 : i32
    %add3A_421 = vector.broadcast %add3A_420 : i32 to vector<16xi32>
    %add3A_422 = arith.addi %select_n3A_416, %add3A_421 : vector<16xi32>
    tpu.vector_store_idx %arg6[%add3A_422], %add3A_419 : memref<32769xf32, #tpu.memory_space<vmem>>[vector<16xi32>], vector<16xf32>,
    %add3A_423 = arith.constant 2038 : i32
    %add3A_424 = vector.broadcast %add3A_423 : i32 to vector<16xi32>
    %add3A_425 = arith.addi %add3A_7, %add3A_424 : vector<16xi32>
    %ge3A_426 = arith.cmpi sge, %add3A_425, %add3A_6 : vector<16xi32>
    %add3A_427 = arith.constant 2038 : i32
    %add3A_428 = vector.broadcast %add3A_427 : i32 to vector<16xi32>
    %add3A_429 = arith.addi %add3A_7, %add3A_428 : vector<16xi32>
    %eq3A_430 = arith.cmpi eq, %add3A_429, %add3A_6 : vector<16xi32>
    %add3A_431 = arith.constant -10 : i32
    %add3A_432 = vector.broadcast %add3A_431 : i32 to vector<16xi32>
    %add3A_433 = arith.addi %add3A_7, %add3A_432 : vector<16xi32>
    %add3A_434 = arith.constant 2038 : i32
    %add3A_435 = vector.broadcast %add3A_434 : i32 to vector<16xi32>
    %add3A_436 = arith.addi %add3A_7, %add3A_435 : vector<16xi32>
    %select_n3A_437 = arith.select %ge3A_426, %add3A_433, %add3A_436 : vector<16xi1>, vector<16xi32>
    %select_n3A_438 = arith.select %eq3A_430, %sub3A, %add3A_419 : vector<16xi1>, vector<16xf32>
    %gather3A_439 = tpu.vector_load_idx %arg4[%select_n3A_437] : memref<32768xf32, #tpu.memory_space<vmem>>[vector<16xi32>], vector<16xf32>,
    %add3A_440 = arith.addf %select_n3A_438, %gather3A_439 : vector<16xf32>
    %add3A_441 = arith.constant 1 : i32
    %add3A_442 = vector.broadcast %add3A_441 : i32 to vector<16xi32>
    %add3A_443 = arith.addi %select_n3A_437, %add3A_442 : vector<16xi32>
    tpu.vector_store_idx %arg6[%add3A_443], %add3A_440 : memref<32769xf32, #tpu.memory_space<vmem>>[vector<16xi32>], vector<16xf32>,
    %add3A_444 = arith.constant 2039 : i32
    %add3A_445 = vector.broadcast %add3A_444 : i32 to vector<16xi32>
    %add3A_446 = arith.addi %add3A_7, %add3A_445 : vector<16xi32>
    %ge3A_447 = arith.cmpi sge, %add3A_446, %add3A_6 : vector<16xi32>
    %add3A_448 = arith.constant 2039 : i32
    %add3A_449 = vector.broadcast %add3A_448 : i32 to vector<16xi32>
    %add3A_450 = arith.addi %add3A_7, %add3A_449 : vector<16xi32>
    %eq3A_451 = arith.cmpi eq, %add3A_450, %add3A_6 : vector<16xi32>
    %add3A_452 = arith.constant -9 : i32
    %add3A_453 = vector.broadcast %add3A_452 : i32 to vector<16xi32>
    %add3A_454 = arith.addi %add3A_7, %add3A_453 : vector<16xi32>
    %add3A_455 = arith.constant 2039 : i32
    %add3A_456 = vector.broadcast %add3A_455 : i32 to vector<16xi32>
    %add3A_457 = arith.addi %add3A_7, %add3A_456 : vector<16xi32>
    %select_n3A_458 = arith.select %ge3A_447, %add3A_454, %add3A_457 : vector<16xi1>, vector<16xi32>
    %select_n3A_459 = arith.select %eq3A_451, %sub3A, %add3A_440 : vector<16xi1>, vector<16xf32>
    %gather3A_460 = tpu.vector_load_idx %arg4[%select_n3A_458] : memref<32768xf32, #tpu.memory_space<vmem>>[vector<16xi32>], vector<16xf32>,
    %add3A_461 = arith.addf %select_n3A_459, %gather3A_460 : vector<16xf32>
    %add3A_462 = arith.constant 1 : i32
    %add3A_463 = vector.broadcast %add3A_462 : i32 to vector<16xi32>
    %add3A_464 = arith.addi %select_n3A_458, %add3A_463 : vector<16xi32>
    tpu.vector_store_idx %arg6[%add3A_464], %add3A_461 : memref<32769xf32, #tpu.memory_space<vmem>>[vector<16xi32>], vector<16xf32>,
    %add3A_465 = arith.constant 2040 : i32
    %add3A_466 = vector.broadcast %add3A_465 : i32 to vector<16xi32>
    %add3A_467 = arith.addi %add3A_7, %add3A_466 : vector<16xi32>
    %ge3A_468 = arith.cmpi sge, %add3A_467, %add3A_6 : vector<16xi32>
    %add3A_469 = arith.constant 2040 : i32
    %add3A_470 = vector.broadcast %add3A_469 : i32 to vector<16xi32>
    %add3A_471 = arith.addi %add3A_7, %add3A_470 : vector<16xi32>
    %eq3A_472 = arith.cmpi eq, %add3A_471, %add3A_6 : vector<16xi32>
    %add3A_473 = arith.constant -8 : i32
    %add3A_474 = vector.broadcast %add3A_473 : i32 to vector<16xi32>
    %add3A_475 = arith.addi %add3A_7, %add3A_474 : vector<16xi32>
    %add3A_476 = arith.constant 2040 : i32
    %add3A_477 = vector.broadcast %add3A_476 : i32 to vector<16xi32>
    %add3A_478 = arith.addi %add3A_7, %add3A_477 : vector<16xi32>
    %select_n3A_479 = arith.select %ge3A_468, %add3A_475, %add3A_478 : vector<16xi1>, vector<16xi32>
    %select_n3A_480 = arith.select %eq3A_472, %sub3A, %add3A_461 : vector<16xi1>, vector<16xf32>
    %gather3A_481 = tpu.vector_load_idx %arg4[%select_n3A_479] : memref<32768xf32, #tpu.memory_space<vmem>>[vector<16xi32>], vector<16xf32>,
    %add3A_482 = arith.addf %select_n3A_480, %gather3A_481 : vector<16xf32>
    %add3A_483 = arith.constant 1 : i32
    %add3A_484 = vector.broadcast %add3A_483 : i32 to vector<16xi32>
    %add3A_485 = arith.addi %select_n3A_479, %add3A_484 : vector<16xi32>
    tpu.vector_store_idx %arg6[%add3A_485], %add3A_482 : memref<32769xf32, #tpu.memory_space<vmem>>[vector<16xi32>], vector<16xf32>,
    %add3A_486 = arith.constant 2041 : i32
    %add3A_487 = vector.broadcast %add3A_486 : i32 to vector<16xi32>
    %add3A_488 = arith.addi %add3A_7, %add3A_487 : vector<16xi32>
    %ge3A_489 = arith.cmpi sge, %add3A_488, %add3A_6 : vector<16xi32>
    %add3A_490 = arith.constant 2041 : i32
    %add3A_491 = vector.broadcast %add3A_490 : i32 to vector<16xi32>
    %add3A_492 = arith.addi %add3A_7, %add3A_491 : vector<16xi32>
    %eq3A_493 = arith.cmpi eq, %add3A_492, %add3A_6 : vector<16xi32>
    %add3A_494 = arith.constant -7 : i32
    %add3A_495 = vector.broadcast %add3A_494 : i32 to vector<16xi32>
    %add3A_496 = arith.addi %add3A_7, %add3A_495 : vector<16xi32>
    %add3A_497 = arith.constant 2041 : i32
    %add3A_498 = vector.broadcast %add3A_497 : i32 to vector<16xi32>
    %add3A_499 = arith.addi %add3A_7, %add3A_498 : vector<16xi32>
    %select_n3A_500 = arith.select %ge3A_489, %add3A_496, %add3A_499 : vector<16xi1>, vector<16xi32>
    %select_n3A_501 = arith.select %eq3A_493, %sub3A, %add3A_482 : vector<16xi1>, vector<16xf32>
    %gather3A_502 = tpu.vector_load_idx %arg4[%select_n3A_500] : memref<32768xf32, #tpu.memory_space<vmem>>[vector<16xi32>], vector<16xf32>,
    %add3A_503 = arith.addf %select_n3A_501, %gather3A_502 : vector<16xf32>
    %add3A_504 = arith.constant 1 : i32
    %add3A_505 = vector.broadcast %add3A_504 : i32 to vector<16xi32>
    %add3A_506 = arith.addi %select_n3A_500, %add3A_505 : vector<16xi32>
    tpu.vector_store_idx %arg6[%add3A_506], %add3A_503 : memref<32769xf32, #tpu.memory_space<vmem>>[vector<16xi32>], vector<16xf32>,
    %add3A_507 = arith.constant 2042 : i32
    %add3A_508 = vector.broadcast %add3A_507 : i32 to vector<16xi32>
    %add3A_509 = arith.addi %add3A_7, %add3A_508 : vector<16xi32>
    %ge3A_510 = arith.cmpi sge, %add3A_509, %add3A_6 : vector<16xi32>
    %add3A_511 = arith.constant 2042 : i32
    %add3A_512 = vector.broadcast %add3A_511 : i32 to vector<16xi32>
    %add3A_513 = arith.addi %add3A_7, %add3A_512 : vector<16xi32>
    %eq3A_514 = arith.cmpi eq, %add3A_513, %add3A_6 : vector<16xi32>
    %add3A_515 = arith.constant -6 : i32
    %add3A_516 = vector.broadcast %add3A_515 : i32 to vector<16xi32>
    %add3A_517 = arith.addi %add3A_7, %add3A_516 : vector<16xi32>
    %add3A_518 = arith.constant 2042 : i32
    %add3A_519 = vector.broadcast %add3A_518 : i32 to vector<16xi32>
    %add3A_520 = arith.addi %add3A_7, %add3A_519 : vector<16xi32>
    %select_n3A_521 = arith.select %ge3A_510, %add3A_517, %add3A_520 : vector<16xi1>, vector<16xi32>
    %select_n3A_522 = arith.select %eq3A_514, %sub3A, %add3A_503 : vector<16xi1>, vector<16xf32>
    %gather3A_523 = tpu.vector_load_idx %arg4[%select_n3A_521] : memref<32768xf32, #tpu.memory_space<vmem>>[vector<16xi32>], vector<16xf32>,
    %add3A_524 = arith.addf %select_n3A_522, %gather3A_523 : vector<16xf32>
    %add3A_525 = arith.constant 1 : i32
    %add3A_526 = vector.broadcast %add3A_525 : i32 to vector<16xi32>
    %add3A_527 = arith.addi %select_n3A_521, %add3A_526 : vector<16xi32>
    tpu.vector_store_idx %arg6[%add3A_527], %add3A_524 : memref<32769xf32, #tpu.memory_space<vmem>>[vector<16xi32>], vector<16xf32>,
    %add3A_528 = arith.constant 2043 : i32
    %add3A_529 = vector.broadcast %add3A_528 : i32 to vector<16xi32>
    %add3A_530 = arith.addi %add3A_7, %add3A_529 : vector<16xi32>
    %ge3A_531 = arith.cmpi sge, %add3A_530, %add3A_6 : vector<16xi32>
    %add3A_532 = arith.constant 2043 : i32
    %add3A_533 = vector.broadcast %add3A_532 : i32 to vector<16xi32>
    %add3A_534 = arith.addi %add3A_7, %add3A_533 : vector<16xi32>
    %eq3A_535 = arith.cmpi eq, %add3A_534, %add3A_6 : vector<16xi32>
    %add3A_536 = arith.constant -5 : i32
    %add3A_537 = vector.broadcast %add3A_536 : i32 to vector<16xi32>
    %add3A_538 = arith.addi %add3A_7, %add3A_537 : vector<16xi32>
    %add3A_539 = arith.constant 2043 : i32
    %add3A_540 = vector.broadcast %add3A_539 : i32 to vector<16xi32>
    %add3A_541 = arith.addi %add3A_7, %add3A_540 : vector<16xi32>
    %select_n3A_542 = arith.select %ge3A_531, %add3A_538, %add3A_541 : vector<16xi1>, vector<16xi32>
    %select_n3A_543 = arith.select %eq3A_535, %sub3A, %add3A_524 : vector<16xi1>, vector<16xf32>
    %gather3A_544 = tpu.vector_load_idx %arg4[%select_n3A_542] : memref<32768xf32, #tpu.memory_space<vmem>>[vector<16xi32>], vector<16xf32>,
    %add3A_545 = arith.addf %select_n3A_543, %gather3A_544 : vector<16xf32>
    %add3A_546 = arith.constant 1 : i32
    %add3A_547 = vector.broadcast %add3A_546 : i32 to vector<16xi32>
    %add3A_548 = arith.addi %select_n3A_542, %add3A_547 : vector<16xi32>
    tpu.vector_store_idx %arg6[%add3A_548], %add3A_545 : memref<32769xf32, #tpu.memory_space<vmem>>[vector<16xi32>], vector<16xf32>,
    %add3A_549 = arith.constant 2044 : i32
    %add3A_550 = vector.broadcast %add3A_549 : i32 to vector<16xi32>
    %add3A_551 = arith.addi %add3A_7, %add3A_550 : vector<16xi32>
    %ge3A_552 = arith.cmpi sge, %add3A_551, %add3A_6 : vector<16xi32>
    %add3A_553 = arith.constant 2044 : i32
    %add3A_554 = vector.broadcast %add3A_553 : i32 to vector<16xi32>
    %add3A_555 = arith.addi %add3A_7, %add3A_554 : vector<16xi32>
    %eq3A_556 = arith.cmpi eq, %add3A_555, %add3A_6 : vector<16xi32>
    %add3A_557 = arith.constant -4 : i32
    %add3A_558 = vector.broadcast %add3A_557 : i32 to vector<16xi32>
    %add3A_559 = arith.addi %add3A_7, %add3A_558 : vector<16xi32>
    %add3A_560 = arith.constant 2044 : i32
    %add3A_561 = vector.broadcast %add3A_560 : i32 to vector<16xi32>
    %add3A_562 = arith.addi %add3A_7, %add3A_561 : vector<16xi32>
    %select_n3A_563 = arith.select %ge3A_552, %add3A_559, %add3A_562 : vector<16xi1>, vector<16xi32>
    %select_n3A_564 = arith.select %eq3A_556, %sub3A, %add3A_545 : vector<16xi1>, vector<16xf32>
    %gather3A_565 = tpu.vector_load_idx %arg4[%select_n3A_563] : memref<32768xf32, #tpu.memory_space<vmem>>[vector<16xi32>], vector<16xf32>,
    %add3A_566 = arith.addf %select_n3A_564, %gather3A_565 : vector<16xf32>
    %add3A_567 = arith.constant 1 : i32
    %add3A_568 = vector.broadcast %add3A_567 : i32 to vector<16xi32>
    %add3A_569 = arith.addi %select_n3A_563, %add3A_568 : vector<16xi32>
    tpu.vector_store_idx %arg6[%add3A_569], %add3A_566 : memref<32769xf32, #tpu.memory_space<vmem>>[vector<16xi32>], vector<16xf32>,
    %add3A_570 = arith.constant 2045 : i32
    %add3A_571 = vector.broadcast %add3A_570 : i32 to vector<16xi32>
    %add3A_572 = arith.addi %add3A_7, %add3A_571 : vector<16xi32>
    %ge3A_573 = arith.cmpi sge, %add3A_572, %add3A_6 : vector<16xi32>
    %add3A_574 = arith.constant 2045 : i32
    %add3A_575 = vector.broadcast %add3A_574 : i32 to vector<16xi32>
    %add3A_576 = arith.addi %add3A_7, %add3A_575 : vector<16xi32>
    %eq3A_577 = arith.cmpi eq, %add3A_576, %add3A_6 : vector<16xi32>
    %add3A_578 = arith.constant -3 : i32
    %add3A_579 = vector.broadcast %add3A_578 : i32 to vector<16xi32>
    %add3A_580 = arith.addi %add3A_7, %add3A_579 : vector<16xi32>
    %add3A_581 = arith.constant 2045 : i32
    %add3A_582 = vector.broadcast %add3A_581 : i32 to vector<16xi32>
    %add3A_583 = arith.addi %add3A_7, %add3A_582 : vector<16xi32>
    %select_n3A_584 = arith.select %ge3A_573, %add3A_580, %add3A_583 : vector<16xi1>, vector<16xi32>
    %select_n3A_585 = arith.select %eq3A_577, %sub3A, %add3A_566 : vector<16xi1>, vector<16xf32>
    %gather3A_586 = tpu.vector_load_idx %arg4[%select_n3A_584] : memref<32768xf32, #tpu.memory_space<vmem>>[vector<16xi32>], vector<16xf32>,
    %add3A_587 = arith.addf %select_n3A_585, %gather3A_586 : vector<16xf32>
    %add3A_588 = arith.constant 1 : i32
    %add3A_589 = vector.broadcast %add3A_588 : i32 to vector<16xi32>
    %add3A_590 = arith.addi %select_n3A_584, %add3A_589 : vector<16xi32>
    tpu.vector_store_idx %arg6[%add3A_590], %add3A_587 : memref<32769xf32, #tpu.memory_space<vmem>>[vector<16xi32>], vector<16xf32>,
    %add3A_591 = arith.constant 2046 : i32
    %add3A_592 = vector.broadcast %add3A_591 : i32 to vector<16xi32>
    %add3A_593 = arith.addi %add3A_7, %add3A_592 : vector<16xi32>
    %ge3A_594 = arith.cmpi sge, %add3A_593, %add3A_6 : vector<16xi32>
    %add3A_595 = arith.constant 2046 : i32
    %add3A_596 = vector.broadcast %add3A_595 : i32 to vector<16xi32>
    %add3A_597 = arith.addi %add3A_7, %add3A_596 : vector<16xi32>
    %eq3A_598 = arith.cmpi eq, %add3A_597, %add3A_6 : vector<16xi32>
    %add3A_599 = arith.constant -2 : i32
    %add3A_600 = vector.broadcast %add3A_599 : i32 to vector<16xi32>
    %add3A_601 = arith.addi %add3A_7, %add3A_600 : vector<16xi32>
    %add3A_602 = arith.constant 2046 : i32
    %add3A_603 = vector.broadcast %add3A_602 : i32 to vector<16xi32>
    %add3A_604 = arith.addi %add3A_7, %add3A_603 : vector<16xi32>
    %select_n3A_605 = arith.select %ge3A_594, %add3A_601, %add3A_604 : vector<16xi1>, vector<16xi32>
    %select_n3A_606 = arith.select %eq3A_598, %sub3A, %add3A_587 : vector<16xi1>, vector<16xf32>
    %gather3A_607 = tpu.vector_load_idx %arg4[%select_n3A_605] : memref<32768xf32, #tpu.memory_space<vmem>>[vector<16xi32>], vector<16xf32>,
    %add3A_608 = arith.addf %select_n3A_606, %gather3A_607 : vector<16xf32>
    %add3A_609 = arith.constant 1 : i32
    %add3A_610 = vector.broadcast %add3A_609 : i32 to vector<16xi32>
    %add3A_611 = arith.addi %select_n3A_605, %add3A_610 : vector<16xi32>
    tpu.vector_store_idx %arg6[%add3A_611], %add3A_608 : memref<32769xf32, #tpu.memory_space<vmem>>[vector<16xi32>], vector<16xf32>,
    %add3A_612 = arith.constant 2047 : i32
    %add3A_613 = vector.broadcast %add3A_612 : i32 to vector<16xi32>
    %add3A_614 = arith.addi %add3A_7, %add3A_613 : vector<16xi32>
    %ge3A_615 = arith.cmpi sge, %add3A_614, %add3A_6 : vector<16xi32>
    %add3A_616 = arith.constant 2047 : i32
    %add3A_617 = vector.broadcast %add3A_616 : i32 to vector<16xi32>
    %add3A_618 = arith.addi %add3A_7, %add3A_617 : vector<16xi32>
    %eq3A_619 = arith.cmpi eq, %add3A_618, %add3A_6 : vector<16xi32>
    %add3A_620 = arith.constant -1 : i32
    %add3A_621 = vector.broadcast %add3A_620 : i32 to vector<16xi32>
    %add3A_622 = arith.addi %add3A_7, %add3A_621 : vector<16xi32>
    %add3A_623 = arith.constant 2047 : i32
    %add3A_624 = vector.broadcast %add3A_623 : i32 to vector<16xi32>
    %add3A_625 = arith.addi %add3A_7, %add3A_624 : vector<16xi32>
    %select_n3A_626 = arith.select %ge3A_615, %add3A_622, %add3A_625 : vector<16xi1>, vector<16xi32>
    %select_n3A_627 = arith.select %eq3A_619, %sub3A, %add3A_608 : vector<16xi1>, vector<16xf32>
    %gather3A_628 = tpu.vector_load_idx %arg4[%select_n3A_626] : memref<32768xf32, #tpu.memory_space<vmem>>[vector<16xi32>], vector<16xf32>,
    %add3A_629 = arith.addf %select_n3A_627, %gather3A_628 : vector<16xf32>
    %add3A_630 = arith.constant 1 : i32
    %add3A_631 = vector.broadcast %add3A_630 : i32 to vector<16xi32>
    %add3A_632 = arith.addi %select_n3A_626, %add3A_631 : vector<16xi32>
    tpu.vector_store_idx %arg6[%add3A_632], %add3A_629 : memref<32769xf32, #tpu.memory_space<vmem>>[vector<16xi32>], vector<16xf32>,
    %broadcast_in_dim3A_633 = arith.constant 0 : i32
    %broadcast_in_dim3A_634 = vector.broadcast %broadcast_in_dim3A_633 : i32 to vector<16xi32>
    %eq3A_635 = arith.constant 0 : i32
    %eq3A_636 = vector.broadcast %eq3A_635 : i32 to vector<16xi32>
    %eq3A_637 = arith.cmpi eq, %iota3A, %eq3A_636 : vector<16xi32>
    tpu.vector_store_idx %arg6[%broadcast_in_dim3A_634], %broadcast_in_dim3A_8 masked %eq3A_637 : memref<32769xf32, #tpu.memory_space<vmem>>[vector<16xi32>], vector<16xf32>, vector<16xi1>
    %dma_start3A_638 = arith.constant 0 : i32
    %dma_start3A_639 = tpu.memref_slice %arg3[%add3A_15, %dma_start3A_638] : memref<127x32769xf32, #tpu.memory_space<hbm>> -> memref<1x32769xf32, #tpu.memory_space<hbm>>
    %dma_start3A_640 = tpu.memref_squeeze %dma_start3A_639 : memref<1x32769xf32, #tpu.memory_space<hbm>> -> memref<32769xf32, #tpu.memory_space<hbm>>
    %dma_start3A_641 = arith.constant 0 : i32
    %dma_start3A_642 = tpu.memref_slice %arg3[%add3A_15, %dma_start3A_641] : memref<127x32769xf32, #tpu.memory_space<hbm>> -> memref<1x32769xf32, #tpu.memory_space<hbm>>
    %dma_start3A_643 = tpu.memref_squeeze %dma_start3A_642 : memref<1x32769xf32, #tpu.memory_space<hbm>> -> memref<32769xf32, #tpu.memory_space<hbm>>
    tpu.enqueue_dma source(%arg6 : memref<32769xf32, #tpu.memory_space<vmem>>) target(%dma_start3A_643 : memref<32769xf32, #tpu.memory_space<hbm>>) target_semaphore(%arg9 : memref<!tpu.dma_semaphore, #tpu.memory_space<semaphore_mem>>)
    %add3A_644 = arith.constant 32 : i32
    %add3A_645 = arith.addi %add3A, %add3A_644 : i32
    %dma_wait3A_646 = arith.constant 0 : i32
    %dma_wait3A_647 = tpu.memref_slice %arg2[%add3A_22, %dma_wait3A_646] : memref<128x32768xf32, #tpu.memory_space<hbm>> -> memref<1x32768xf32, #tpu.memory_space<hbm>>
    %dma_wait3A_648 = tpu.memref_squeeze %dma_wait3A_647 : memref<1x32768xf32, #tpu.memory_space<hbm>> -> memref<32768xf32, #tpu.memory_space<hbm>>
    %dma_wait3A_649 = arith.constant 0 : i32
    %dma_wait3A_650 = tpu.memref_slice %arg2[%add3A_22, %dma_wait3A_649] : memref<128x32768xf32, #tpu.memory_space<hbm>> -> memref<1x32768xf32, #tpu.memory_space<hbm>>
    %dma_wait3A_651 = tpu.memref_squeeze %dma_wait3A_650 : memref<1x32768xf32, #tpu.memory_space<hbm>> -> memref<32768xf32, #tpu.memory_space<hbm>>
    tpu.wait_dma2 semaphore(%arg8 : memref<!tpu.dma_semaphore, #tpu.memory_space<semaphore_mem>>) src(%dma_wait3A_651 : memref<32768xf32, #tpu.memory_space<hbm>>) dst(%arg5 : memref<32768xf32, #tpu.memory_space<vmem>>)
    %add3A_652 = arith.constant 64 : i32
    %add3A_653 = arith.addi %add3A, %add3A_652 : i32
    %dma_start3A_654 = arith.constant 0 : i32
    %dma_start3A_655 = tpu.memref_slice %arg2[%add3A_653, %dma_start3A_654] : memref<128x32768xf32, #tpu.memory_space<hbm>> -> memref<1x32768xf32, #tpu.memory_space<hbm>>
    %dma_start3A_656 = tpu.memref_squeeze %dma_start3A_655 : memref<1x32768xf32, #tpu.memory_space<hbm>> -> memref<32768xf32, #tpu.memory_space<hbm>>
    %dma_start3A_657 = arith.constant 0 : i32
    %dma_start3A_658 = tpu.memref_slice %arg2[%add3A_653, %dma_start3A_657] : memref<128x32768xf32, #tpu.memory_space<hbm>> -> memref<1x32768xf32, #tpu.memory_space<hbm>>
    %dma_start3A_659 = tpu.memref_squeeze %dma_start3A_658 : memref<1x32768xf32, #tpu.memory_space<hbm>> -> memref<32768xf32, #tpu.memory_space<hbm>>
    tpu.enqueue_dma source(%dma_start3A_659 : memref<32768xf32, #tpu.memory_space<hbm>>) target(%arg4 : memref<32768xf32, #tpu.memory_space<vmem>>) target_semaphore(%arg7 : memref<!tpu.dma_semaphore, #tpu.memory_space<semaphore_mem>>)
    %scan3A_660 = arith.constant 0 : i32
    %scan3A_661 = arith.constant 127 : i32
    %scan3A_662 = arith.addi %scan3A_660, %scan3A_661 : i32
    %scan3A_663 = arith.constant 1 : i32
    %scan3A_664:16 = scf.for %scan3A_1947 = %scan3A_660 to %scan3A_662 step %scan3A_663 iter_args(%scan3A_1948 = %broadcast_in_dim3A_8, %scan3A_1949 = %broadcast_in_dim3A_8, %scan3A_1950 = %broadcast_in_dim3A_8, %scan3A_1951 = %broadcast_in_dim3A_8, %scan3A_1952 = %broadcast_in_dim3A_8, %scan3A_1953 = %broadcast_in_dim3A_8, %scan3A_1954 = %broadcast_in_dim3A_8, %scan3A_1955 = %broadcast_in_dim3A_8, %scan3A_1956 = %broadcast_in_dim3A_8, %scan3A_1957 = %broadcast_in_dim3A_8, %scan3A_1958 = %broadcast_in_dim3A_8, %scan3A_1959 = %broadcast_in_dim3A_8, %scan3A_1960 = %broadcast_in_dim3A_8, %scan3A_1961 = %broadcast_in_dim3A_8, %scan3A_1962 = %broadcast_in_dim3A_8, %scan3A_1963 = %broadcast_in_dim3A_8) -> (vector<16xf32>, vector<16xf32>, vector<16xf32>, vector<16xf32>, vector<16xf32>, vector<16xf32>, vector<16xf32>, vector<16xf32>, vector<16xf32>, vector<16xf32>, vector<16xf32>, vector<16xf32>, vector<16xf32>, vector<16xf32>, vector<16xf32>, vector<16xf32>)  : i32 {
      %mul3A_1964 = arith.constant 16 : i32
      %mul3A_1965 = arith.muli %scan3A_1947, %mul3A_1964 : i32
      %add3A_1966 = arith.constant 0 : i32
      %add3A_1967 = arith.addi %mul3A_1965, %add3A_1966 : i32
      %add3A_1968 = vector.broadcast %add3A_1967 : i32 to vector<16xi32>
      %add3A_1969 = arith.addi %add3A_7, %add3A_1968 : vector<16xi32>
      %gather3A_1970 = tpu.vector_load_idx %arg5[%add3A_1969] : memref<32768xf32, #tpu.memory_space<vmem>>[vector<16xi32>], vector<16xf32>,
      %add3A_1971 = arith.addf %scan3A_1948, %gather3A_1970 : vector<16xf32>
      %add3A_1972 = arith.constant 1 : i32
      %add3A_1973 = arith.addi %mul3A_1965, %add3A_1972 : i32
      %add3A_1974 = vector.broadcast %add3A_1973 : i32 to vector<16xi32>
      %add3A_1975 = arith.addi %add3A_7, %add3A_1974 : vector<16xi32>
      %gather3A_1976 = tpu.vector_load_idx %arg5[%add3A_1975] : memref<32768xf32, #tpu.memory_space<vmem>>[vector<16xi32>], vector<16xf32>,
      %add3A_1977 = arith.addf %scan3A_1949, %gather3A_1976 : vector<16xf32>
      %add3A_1978 = arith.constant 2 : i32
      %add3A_1979 = arith.addi %mul3A_1965, %add3A_1978 : i32
      %add3A_1980 = vector.broadcast %add3A_1979 : i32 to vector<16xi32>
      %add3A_1981 = arith.addi %add3A_7, %add3A_1980 : vector<16xi32>
      %gather3A_1982 = tpu.vector_load_idx %arg5[%add3A_1981] : memref<32768xf32, #tpu.memory_space<vmem>>[vector<16xi32>], vector<16xf32>,
      %add3A_1983 = arith.addf %scan3A_1950, %gather3A_1982 : vector<16xf32>
      %add3A_1984 = arith.constant 3 : i32
      %add3A_1985 = arith.addi %mul3A_1965, %add3A_1984 : i32
      %add3A_1986 = vector.broadcast %add3A_1985 : i32 to vector<16xi32>
      %add3A_1987 = arith.addi %add3A_7, %add3A_1986 : vector<16xi32>
      %gather3A_1988 = tpu.vector_load_idx %arg5[%add3A_1987] : memref<32768xf32, #tpu.memory_space<vmem>>[vector<16xi32>], vector<16xf32>,
      %add3A_1989 = arith.addf %scan3A_1951, %gather3A_1988 : vector<16xf32>
      %add3A_1990 = arith.constant 4 : i32
      %add3A_1991 = arith.addi %mul3A_1965, %add3A_1990 : i32
      %add3A_1992 = vector.broadcast %add3A_1991 : i32 to vector<16xi32>
      %add3A_1993 = arith.addi %add3A_7, %add3A_1992 : vector<16xi32>
      %gather3A_1994 = tpu.vector_load_idx %arg5[%add3A_1993] : memref<32768xf32, #tpu.memory_space<vmem>>[vector<16xi32>], vector<16xf32>,
      %add3A_1995 = arith.addf %scan3A_1952, %gather3A_1994 : vector<16xf32>
      %add3A_1996 = arith.constant 5 : i32
      %add3A_1997 = arith.addi %mul3A_1965, %add3A_1996 : i32
      %add3A_1998 = vector.broadcast %add3A_1997 : i32 to vector<16xi32>
      %add3A_1999 = arith.addi %add3A_7, %add3A_1998 : vector<16xi32>
      %gather3A_2000 = tpu.vector_load_idx %arg5[%add3A_1999] : memref<32768xf32, #tpu.memory_space<vmem>>[vector<16xi32>], vector<16xf32>,
      %add3A_2001 = arith.addf %scan3A_1953, %gather3A_2000 : vector<16xf32>
      %add3A_2002 = arith.constant 6 : i32
      %add3A_2003 = arith.addi %mul3A_1965, %add3A_2002 : i32
      %add3A_2004 = vector.broadcast %add3A_2003 : i32 to vector<16xi32>
      %add3A_2005 = arith.addi %add3A_7, %add3A_2004 : vector<16xi32>
      %gather3A_2006 = tpu.vector_load_idx %arg5[%add3A_2005] : memref<32768xf32, #tpu.memory_space<vmem>>[vector<16xi32>], vector<16xf32>,
      %add3A_2007 = arith.addf %scan3A_1954, %gather3A_2006 : vector<16xf32>
      %add3A_2008 = arith.constant 7 : i32
      %add3A_2009 = arith.addi %mul3A_1965, %add3A_2008 : i32
      %add3A_2010 = vector.broadcast %add3A_2009 : i32 to vector<16xi32>
      %add3A_2011 = arith.addi %add3A_7, %add3A_2010 : vector<16xi32>
      %gather3A_2012 = tpu.vector_load_idx %arg5[%add3A_2011] : memref<32768xf32, #tpu.memory_space<vmem>>[vector<16xi32>], vector<16xf32>,
      %add3A_2013 = arith.addf %scan3A_1955, %gather3A_2012 : vector<16xf32>
      %add3A_2014 = arith.constant 8 : i32
      %add3A_2015 = arith.addi %mul3A_1965, %add3A_2014 : i32
      %add3A_2016 = vector.broadcast %add3A_2015 : i32 to vector<16xi32>
      %add3A_2017 = arith.addi %add3A_7, %add3A_2016 : vector<16xi32>
      %gather3A_2018 = tpu.vector_load_idx %arg5[%add3A_2017] : memref<32768xf32, #tpu.memory_space<vmem>>[vector<16xi32>], vector<16xf32>,
      %add3A_2019 = arith.addf %scan3A_1956, %gather3A_2018 : vector<16xf32>
      %add3A_2020 = arith.constant 9 : i32
      %add3A_2021 = arith.addi %mul3A_1965, %add3A_2020 : i32
      %add3A_2022 = vector.broadcast %add3A_2021 : i32 to vector<16xi32>
      %add3A_2023 = arith.addi %add3A_7, %add3A_2022 : vector<16xi32>
      %gather3A_2024 = tpu.vector_load_idx %arg5[%add3A_2023] : memref<32768xf32, #tpu.memory_space<vmem>>[vector<16xi32>], vector<16xf32>,
      %add3A_2025 = arith.addf %scan3A_1957, %gather3A_2024 : vector<16xf32>
      %add3A_2026 = arith.constant 10 : i32
      %add3A_2027 = arith.addi %mul3A_1965, %add3A_2026 : i32
      %add3A_2028 = vector.broadcast %add3A_2027 : i32 to vector<16xi32>
      %add3A_2029 = arith.addi %add3A_7, %add3A_2028 : vector<16xi32>
      %gather3A_2030 = tpu.vector_load_idx %arg5[%add3A_2029] : memref<32768xf32, #tpu.memory_space<vmem>>[vector<16xi32>], vector<16xf32>,
      %add3A_2031 = arith.addf %scan3A_1958, %gather3A_2030 : vector<16xf32>
      %add3A_2032 = arith.constant 11 : i32
      %add3A_2033 = arith.addi %mul3A_1965, %add3A_2032 : i32
      %add3A_2034 = vector.broadcast %add3A_2033 : i32 to vector<16xi32>
      %add3A_2035 = arith.addi %add3A_7, %add3A_2034 : vector<16xi32>
      %gather3A_2036 = tpu.vector_load_idx %arg5[%add3A_2035] : memref<32768xf32, #tpu.memory_space<vmem>>[vector<16xi32>], vector<16xf32>,
      %add3A_2037 = arith.addf %scan3A_1959, %gather3A_2036 : vector<16xf32>
      %add3A_2038 = arith.constant 12 : i32
      %add3A_2039 = arith.addi %mul3A_1965, %add3A_2038 : i32
      %add3A_2040 = vector.broadcast %add3A_2039 : i32 to vector<16xi32>
      %add3A_2041 = arith.addi %add3A_7, %add3A_2040 : vector<16xi32>
      %gather3A_2042 = tpu.vector_load_idx %arg5[%add3A_2041] : memref<32768xf32, #tpu.memory_space<vmem>>[vector<16xi32>], vector<16xf32>,
      %add3A_2043 = arith.addf %scan3A_1960, %gather3A_2042 : vector<16xf32>
      %add3A_2044 = arith.constant 13 : i32
      %add3A_2045 = arith.addi %mul3A_1965, %add3A_2044 : i32
      %add3A_2046 = vector.broadcast %add3A_2045 : i32 to vector<16xi32>
      %add3A_2047 = arith.addi %add3A_7, %add3A_2046 : vector<16xi32>
      %gather3A_2048 = tpu.vector_load_idx %arg5[%add3A_2047] : memref<32768xf32, #tpu.memory_space<vmem>>[vector<16xi32>], vector<16xf32>,
      %add3A_2049 = arith.addf %scan3A_1961, %gather3A_2048 : vector<16xf32>
      %add3A_2050 = arith.constant 14 : i32
      %add3A_2051 = arith.addi %mul3A_1965, %add3A_2050 : i32
      %add3A_2052 = vector.broadcast %add3A_2051 : i32 to vector<16xi32>
      %add3A_2053 = arith.addi %add3A_7, %add3A_2052 : vector<16xi32>
      %gather3A_2054 = tpu.vector_load_idx %arg5[%add3A_2053] : memref<32768xf32, #tpu.memory_space<vmem>>[vector<16xi32>], vector<16xf32>,
      %add3A_2055 = arith.addf %scan3A_1962, %gather3A_2054 : vector<16xf32>
      %add3A_2056 = arith.constant 15 : i32
      %add3A_2057 = arith.addi %mul3A_1965, %add3A_2056 : i32
      %add3A_2058 = vector.broadcast %add3A_2057 : i32 to vector<16xi32>
      %add3A_2059 = arith.addi %add3A_7, %add3A_2058 : vector<16xi32>
      %gather3A_2060 = tpu.vector_load_idx %arg5[%add3A_2059] : memref<32768xf32, #tpu.memory_space<vmem>>[vector<16xi32>], vector<16xf32>,
      %add3A_2061 = arith.addf %scan3A_1963, %gather3A_2060 : vector<16xf32>
      scf.yield %add3A_1971, %add3A_1977, %add3A_1983, %add3A_1989, %add3A_1995, %add3A_2001, %add3A_2007, %add3A_2013, %add3A_2019, %add3A_2025, %add3A_2031, %add3A_2037, %add3A_2043, %add3A_2049, %add3A_2055, %add3A_2061 : vector<16xf32>, vector<16xf32>, vector<16xf32>, vector<16xf32>, vector<16xf32>, vector<16xf32>, vector<16xf32>, vector<16xf32>, vector<16xf32>, vector<16xf32>, vector<16xf32>, vector<16xf32>, vector<16xf32>, vector<16xf32>, vector<16xf32>, vector<16xf32>
    }
    %scan3A_665 = arith.constant 127 : i32
    %add3A_666 = arith.addf %scan3A_664#0, %scan3A_664#1 : vector<16xf32>
    %add3A_667 = arith.addf %add3A_666, %scan3A_664#2 : vector<16xf32>
    %add3A_668 = arith.addf %add3A_667, %scan3A_664#3 : vector<16xf32>
    %add3A_669 = arith.addf %add3A_668, %scan3A_664#4 : vector<16xf32>
    %add3A_670 = arith.addf %add3A_669, %scan3A_664#5 : vector<16xf32>
    %add3A_671 = arith.addf %add3A_670, %scan3A_664#6 : vector<16xf32>
    %add3A_672 = arith.addf %add3A_671, %scan3A_664#7 : vector<16xf32>
    %add3A_673 = arith.addf %add3A_672, %scan3A_664#8 : vector<16xf32>
    %add3A_674 = arith.addf %add3A_673, %scan3A_664#9 : vector<16xf32>
    %add3A_675 = arith.addf %add3A_674, %scan3A_664#10 : vector<16xf32>
    %add3A_676 = arith.addf %add3A_675, %scan3A_664#11 : vector<16xf32>
    %add3A_677 = arith.addf %add3A_676, %scan3A_664#12 : vector<16xf32>
    %add3A_678 = arith.addf %add3A_677, %scan3A_664#13 : vector<16xf32>
    %add3A_679 = arith.addf %add3A_678, %scan3A_664#14 : vector<16xf32>
    %add3A_680 = arith.addf %add3A_679, %scan3A_664#15 : vector<16xf32>
    %add3A_681 = arith.constant 2032 : i32
    %add3A_682 = vector.broadcast %add3A_681 : i32 to vector<16xi32>
    %add3A_683 = arith.addi %add3A_7, %add3A_682 : vector<16xi32>
    %ge3A_684 = arith.cmpi sge, %add3A_683, %add3A_6 : vector<16xi32>
    %add3A_685 = arith.constant -16 : i32
    %add3A_686 = vector.broadcast %add3A_685 : i32 to vector<16xi32>
    %add3A_687 = arith.addi %add3A_7, %add3A_686 : vector<16xi32>
    %add3A_688 = arith.constant 2032 : i32
    %add3A_689 = vector.broadcast %add3A_688 : i32 to vector<16xi32>
    %add3A_690 = arith.addi %add3A_7, %add3A_689 : vector<16xi32>
    %select_n3A_691 = arith.select %ge3A_684, %add3A_687, %add3A_690 : vector<16xi1>, vector<16xi32>
    %gather3A_692 = tpu.vector_load_idx %arg5[%select_n3A_691] : memref<32768xf32, #tpu.memory_space<vmem>>[vector<16xi32>], vector<16xf32>,
    %add3A_693 = arith.addf %add3A_680, %gather3A_692 : vector<16xf32>
    %select_n3A_694 = arith.select %ge3A_684, %gather3A_692, %broadcast_in_dim3A_8 : vector<16xi1>, vector<16xf32>
    %add3A_695 = arith.addf %broadcast_in_dim3A_8, %select_n3A_694 : vector<16xf32>
    %add3A_696 = arith.constant 2033 : i32
    %add3A_697 = vector.broadcast %add3A_696 : i32 to vector<16xi32>
    %add3A_698 = arith.addi %add3A_7, %add3A_697 : vector<16xi32>
    %ge3A_699 = arith.cmpi sge, %add3A_698, %add3A_6 : vector<16xi32>
    %add3A_700 = arith.constant -15 : i32
    %add3A_701 = vector.broadcast %add3A_700 : i32 to vector<16xi32>
    %add3A_702 = arith.addi %add3A_7, %add3A_701 : vector<16xi32>
    %add3A_703 = arith.constant 2033 : i32
    %add3A_704 = vector.broadcast %add3A_703 : i32 to vector<16xi32>
    %add3A_705 = arith.addi %add3A_7, %add3A_704 : vector<16xi32>
    %select_n3A_706 = arith.select %ge3A_699, %add3A_702, %add3A_705 : vector<16xi1>, vector<16xi32>
    %gather3A_707 = tpu.vector_load_idx %arg5[%select_n3A_706] : memref<32768xf32, #tpu.memory_space<vmem>>[vector<16xi32>], vector<16xf32>,
    %add3A_708 = arith.addf %add3A_693, %gather3A_707 : vector<16xf32>
    %select_n3A_709 = arith.select %ge3A_699, %gather3A_707, %broadcast_in_dim3A_8 : vector<16xi1>, vector<16xf32>
    %add3A_710 = arith.addf %add3A_695, %select_n3A_709 : vector<16xf32>
    %add3A_711 = arith.constant 2034 : i32
    %add3A_712 = vector.broadcast %add3A_711 : i32 to vector<16xi32>
    %add3A_713 = arith.addi %add3A_7, %add3A_712 : vector<16xi32>
    %ge3A_714 = arith.cmpi sge, %add3A_713, %add3A_6 : vector<16xi32>
    %add3A_715 = arith.constant -14 : i32
    %add3A_716 = vector.broadcast %add3A_715 : i32 to vector<16xi32>
    %add3A_717 = arith.addi %add3A_7, %add3A_716 : vector<16xi32>
    %add3A_718 = arith.constant 2034 : i32
    %add3A_719 = vector.broadcast %add3A_718 : i32 to vector<16xi32>
    %add3A_720 = arith.addi %add3A_7, %add3A_719 : vector<16xi32>
    %select_n3A_721 = arith.select %ge3A_714, %add3A_717, %add3A_720 : vector<16xi1>, vector<16xi32>
    %gather3A_722 = tpu.vector_load_idx %arg5[%select_n3A_721] : memref<32768xf32, #tpu.memory_space<vmem>>[vector<16xi32>], vector<16xf32>,
    %add3A_723 = arith.addf %add3A_708, %gather3A_722 : vector<16xf32>
    %select_n3A_724 = arith.select %ge3A_714, %gather3A_722, %broadcast_in_dim3A_8 : vector<16xi1>, vector<16xf32>
    %add3A_725 = arith.addf %add3A_710, %select_n3A_724 : vector<16xf32>
    %add3A_726 = arith.constant 2035 : i32
    %add3A_727 = vector.broadcast %add3A_726 : i32 to vector<16xi32>
    %add3A_728 = arith.addi %add3A_7, %add3A_727 : vector<16xi32>
    %ge3A_729 = arith.cmpi sge, %add3A_728, %add3A_6 : vector<16xi32>
    %add3A_730 = arith.constant -13 : i32
    %add3A_731 = vector.broadcast %add3A_730 : i32 to vector<16xi32>
    %add3A_732 = arith.addi %add3A_7, %add3A_731 : vector<16xi32>
    %add3A_733 = arith.constant 2035 : i32
    %add3A_734 = vector.broadcast %add3A_733 : i32 to vector<16xi32>
    %add3A_735 = arith.addi %add3A_7, %add3A_734 : vector<16xi32>
    %select_n3A_736 = arith.select %ge3A_729, %add3A_732, %add3A_735 : vector<16xi1>, vector<16xi32>
    %gather3A_737 = tpu.vector_load_idx %arg5[%select_n3A_736] : memref<32768xf32, #tpu.memory_space<vmem>>[vector<16xi32>], vector<16xf32>,
    %add3A_738 = arith.addf %add3A_723, %gather3A_737 : vector<16xf32>
    %select_n3A_739 = arith.select %ge3A_729, %gather3A_737, %broadcast_in_dim3A_8 : vector<16xi1>, vector<16xf32>
    %add3A_740 = arith.addf %add3A_725, %select_n3A_739 : vector<16xf32>
    %add3A_741 = arith.constant 2036 : i32
    %add3A_742 = vector.broadcast %add3A_741 : i32 to vector<16xi32>
    %add3A_743 = arith.addi %add3A_7, %add3A_742 : vector<16xi32>
    %ge3A_744 = arith.cmpi sge, %add3A_743, %add3A_6 : vector<16xi32>
    %add3A_745 = arith.constant -12 : i32
    %add3A_746 = vector.broadcast %add3A_745 : i32 to vector<16xi32>
    %add3A_747 = arith.addi %add3A_7, %add3A_746 : vector<16xi32>
    %add3A_748 = arith.constant 2036 : i32
    %add3A_749 = vector.broadcast %add3A_748 : i32 to vector<16xi32>
    %add3A_750 = arith.addi %add3A_7, %add3A_749 : vector<16xi32>
    %select_n3A_751 = arith.select %ge3A_744, %add3A_747, %add3A_750 : vector<16xi1>, vector<16xi32>
    %gather3A_752 = tpu.vector_load_idx %arg5[%select_n3A_751] : memref<32768xf32, #tpu.memory_space<vmem>>[vector<16xi32>], vector<16xf32>,
    %add3A_753 = arith.addf %add3A_738, %gather3A_752 : vector<16xf32>
    %select_n3A_754 = arith.select %ge3A_744, %gather3A_752, %broadcast_in_dim3A_8 : vector<16xi1>, vector<16xf32>
    %add3A_755 = arith.addf %add3A_740, %select_n3A_754 : vector<16xf32>
    %add3A_756 = arith.constant 2037 : i32
    %add3A_757 = vector.broadcast %add3A_756 : i32 to vector<16xi32>
    %add3A_758 = arith.addi %add3A_7, %add3A_757 : vector<16xi32>
    %ge3A_759 = arith.cmpi sge, %add3A_758, %add3A_6 : vector<16xi32>
    %add3A_760 = arith.constant -11 : i32
    %add3A_761 = vector.broadcast %add3A_760 : i32 to vector<16xi32>
    %add3A_762 = arith.addi %add3A_7, %add3A_761 : vector<16xi32>
    %add3A_763 = arith.constant 2037 : i32
    %add3A_764 = vector.broadcast %add3A_763 : i32 to vector<16xi32>
    %add3A_765 = arith.addi %add3A_7, %add3A_764 : vector<16xi32>
    %select_n3A_766 = arith.select %ge3A_759, %add3A_762, %add3A_765 : vector<16xi1>, vector<16xi32>
    %gather3A_767 = tpu.vector_load_idx %arg5[%select_n3A_766] : memref<32768xf32, #tpu.memory_space<vmem>>[vector<16xi32>], vector<16xf32>,
    %add3A_768 = arith.addf %add3A_753, %gather3A_767 : vector<16xf32>
    %select_n3A_769 = arith.select %ge3A_759, %gather3A_767, %broadcast_in_dim3A_8 : vector<16xi1>, vector<16xf32>
    %add3A_770 = arith.addf %add3A_755, %select_n3A_769 : vector<16xf32>
    %add3A_771 = arith.constant 2038 : i32
    %add3A_772 = vector.broadcast %add3A_771 : i32 to vector<16xi32>
    %add3A_773 = arith.addi %add3A_7, %add3A_772 : vector<16xi32>
    %ge3A_774 = arith.cmpi sge, %add3A_773, %add3A_6 : vector<16xi32>
    %add3A_775 = arith.constant -10 : i32
    %add3A_776 = vector.broadcast %add3A_775 : i32 to vector<16xi32>
    %add3A_777 = arith.addi %add3A_7, %add3A_776 : vector<16xi32>
    %add3A_778 = arith.constant 2038 : i32
    %add3A_779 = vector.broadcast %add3A_778 : i32 to vector<16xi32>
    %add3A_780 = arith.addi %add3A_7, %add3A_779 : vector<16xi32>
    %select_n3A_781 = arith.select %ge3A_774, %add3A_777, %add3A_780 : vector<16xi1>, vector<16xi32>
    %gather3A_782 = tpu.vector_load_idx %arg5[%select_n3A_781] : memref<32768xf32, #tpu.memory_space<vmem>>[vector<16xi32>], vector<16xf32>,
    %add3A_783 = arith.addf %add3A_768, %gather3A_782 : vector<16xf32>
    %select_n3A_784 = arith.select %ge3A_774, %gather3A_782, %broadcast_in_dim3A_8 : vector<16xi1>, vector<16xf32>
    %add3A_785 = arith.addf %add3A_770, %select_n3A_784 : vector<16xf32>
    %add3A_786 = arith.constant 2039 : i32
    %add3A_787 = vector.broadcast %add3A_786 : i32 to vector<16xi32>
    %add3A_788 = arith.addi %add3A_7, %add3A_787 : vector<16xi32>
    %ge3A_789 = arith.cmpi sge, %add3A_788, %add3A_6 : vector<16xi32>
    %add3A_790 = arith.constant -9 : i32
    %add3A_791 = vector.broadcast %add3A_790 : i32 to vector<16xi32>
    %add3A_792 = arith.addi %add3A_7, %add3A_791 : vector<16xi32>
    %add3A_793 = arith.constant 2039 : i32
    %add3A_794 = vector.broadcast %add3A_793 : i32 to vector<16xi32>
    %add3A_795 = arith.addi %add3A_7, %add3A_794 : vector<16xi32>
    %select_n3A_796 = arith.select %ge3A_789, %add3A_792, %add3A_795 : vector<16xi1>, vector<16xi32>
    %gather3A_797 = tpu.vector_load_idx %arg5[%select_n3A_796] : memref<32768xf32, #tpu.memory_space<vmem>>[vector<16xi32>], vector<16xf32>,
    %add3A_798 = arith.addf %add3A_783, %gather3A_797 : vector<16xf32>
    %select_n3A_799 = arith.select %ge3A_789, %gather3A_797, %broadcast_in_dim3A_8 : vector<16xi1>, vector<16xf32>
    %add3A_800 = arith.addf %add3A_785, %select_n3A_799 : vector<16xf32>
    %add3A_801 = arith.constant 2040 : i32
    %add3A_802 = vector.broadcast %add3A_801 : i32 to vector<16xi32>
    %add3A_803 = arith.addi %add3A_7, %add3A_802 : vector<16xi32>
    %ge3A_804 = arith.cmpi sge, %add3A_803, %add3A_6 : vector<16xi32>
    %add3A_805 = arith.constant -8 : i32
    %add3A_806 = vector.broadcast %add3A_805 : i32 to vector<16xi32>
    %add3A_807 = arith.addi %add3A_7, %add3A_806 : vector<16xi32>
    %add3A_808 = arith.constant 2040 : i32
    %add3A_809 = vector.broadcast %add3A_808 : i32 to vector<16xi32>
    %add3A_810 = arith.addi %add3A_7, %add3A_809 : vector<16xi32>
    %select_n3A_811 = arith.select %ge3A_804, %add3A_807, %add3A_810 : vector<16xi1>, vector<16xi32>
    %gather3A_812 = tpu.vector_load_idx %arg5[%select_n3A_811] : memref<32768xf32, #tpu.memory_space<vmem>>[vector<16xi32>], vector<16xf32>,
    %add3A_813 = arith.addf %add3A_798, %gather3A_812 : vector<16xf32>
    %select_n3A_814 = arith.select %ge3A_804, %gather3A_812, %broadcast_in_dim3A_8 : vector<16xi1>, vector<16xf32>
    %add3A_815 = arith.addf %add3A_800, %select_n3A_814 : vector<16xf32>
    %add3A_816 = arith.constant 2041 : i32
    %add3A_817 = vector.broadcast %add3A_816 : i32 to vector<16xi32>
    %add3A_818 = arith.addi %add3A_7, %add3A_817 : vector<16xi32>
    %ge3A_819 = arith.cmpi sge, %add3A_818, %add3A_6 : vector<16xi32>
    %add3A_820 = arith.constant -7 : i32
    %add3A_821 = vector.broadcast %add3A_820 : i32 to vector<16xi32>
    %add3A_822 = arith.addi %add3A_7, %add3A_821 : vector<16xi32>
    %add3A_823 = arith.constant 2041 : i32
    %add3A_824 = vector.broadcast %add3A_823 : i32 to vector<16xi32>
    %add3A_825 = arith.addi %add3A_7, %add3A_824 : vector<16xi32>
    %select_n3A_826 = arith.select %ge3A_819, %add3A_822, %add3A_825 : vector<16xi1>, vector<16xi32>
    %gather3A_827 = tpu.vector_load_idx %arg5[%select_n3A_826] : memref<32768xf32, #tpu.memory_space<vmem>>[vector<16xi32>], vector<16xf32>,
    %add3A_828 = arith.addf %add3A_813, %gather3A_827 : vector<16xf32>
    %select_n3A_829 = arith.select %ge3A_819, %gather3A_827, %broadcast_in_dim3A_8 : vector<16xi1>, vector<16xf32>
    %add3A_830 = arith.addf %add3A_815, %select_n3A_829 : vector<16xf32>
    %add3A_831 = arith.constant 2042 : i32
    %add3A_832 = vector.broadcast %add3A_831 : i32 to vector<16xi32>
    %add3A_833 = arith.addi %add3A_7, %add3A_832 : vector<16xi32>
    %ge3A_834 = arith.cmpi sge, %add3A_833, %add3A_6 : vector<16xi32>
    %add3A_835 = arith.constant -6 : i32
    %add3A_836 = vector.broadcast %add3A_835 : i32 to vector<16xi32>
    %add3A_837 = arith.addi %add3A_7, %add3A_836 : vector<16xi32>
    %add3A_838 = arith.constant 2042 : i32
    %add3A_839 = vector.broadcast %add3A_838 : i32 to vector<16xi32>
    %add3A_840 = arith.addi %add3A_7, %add3A_839 : vector<16xi32>
    %select_n3A_841 = arith.select %ge3A_834, %add3A_837, %add3A_840 : vector<16xi1>, vector<16xi32>
    %gather3A_842 = tpu.vector_load_idx %arg5[%select_n3A_841] : memref<32768xf32, #tpu.memory_space<vmem>>[vector<16xi32>], vector<16xf32>,
    %add3A_843 = arith.addf %add3A_828, %gather3A_842 : vector<16xf32>
    %select_n3A_844 = arith.select %ge3A_834, %gather3A_842, %broadcast_in_dim3A_8 : vector<16xi1>, vector<16xf32>
    %add3A_845 = arith.addf %add3A_830, %select_n3A_844 : vector<16xf32>
    %add3A_846 = arith.constant 2043 : i32
    %add3A_847 = vector.broadcast %add3A_846 : i32 to vector<16xi32>
    %add3A_848 = arith.addi %add3A_7, %add3A_847 : vector<16xi32>
    %ge3A_849 = arith.cmpi sge, %add3A_848, %add3A_6 : vector<16xi32>
    %add3A_850 = arith.constant -5 : i32
    %add3A_851 = vector.broadcast %add3A_850 : i32 to vector<16xi32>
    %add3A_852 = arith.addi %add3A_7, %add3A_851 : vector<16xi32>
    %add3A_853 = arith.constant 2043 : i32
    %add3A_854 = vector.broadcast %add3A_853 : i32 to vector<16xi32>
    %add3A_855 = arith.addi %add3A_7, %add3A_854 : vector<16xi32>
    %select_n3A_856 = arith.select %ge3A_849, %add3A_852, %add3A_855 : vector<16xi1>, vector<16xi32>
    %gather3A_857 = tpu.vector_load_idx %arg5[%select_n3A_856] : memref<32768xf32, #tpu.memory_space<vmem>>[vector<16xi32>], vector<16xf32>,
    %add3A_858 = arith.addf %add3A_843, %gather3A_857 : vector<16xf32>
    %select_n3A_859 = arith.select %ge3A_849, %gather3A_857, %broadcast_in_dim3A_8 : vector<16xi1>, vector<16xf32>
    %add3A_860 = arith.addf %add3A_845, %select_n3A_859 : vector<16xf32>
    %add3A_861 = arith.constant 2044 : i32
    %add3A_862 = vector.broadcast %add3A_861 : i32 to vector<16xi32>
    %add3A_863 = arith.addi %add3A_7, %add3A_862 : vector<16xi32>
    %ge3A_864 = arith.cmpi sge, %add3A_863, %add3A_6 : vector<16xi32>
    %add3A_865 = arith.constant -4 : i32
    %add3A_866 = vector.broadcast %add3A_865 : i32 to vector<16xi32>
    %add3A_867 = arith.addi %add3A_7, %add3A_866 : vector<16xi32>
    %add3A_868 = arith.constant 2044 : i32
    %add3A_869 = vector.broadcast %add3A_868 : i32 to vector<16xi32>
    %add3A_870 = arith.addi %add3A_7, %add3A_869 : vector<16xi32>
    %select_n3A_871 = arith.select %ge3A_864, %add3A_867, %add3A_870 : vector<16xi1>, vector<16xi32>
    %gather3A_872 = tpu.vector_load_idx %arg5[%select_n3A_871] : memref<32768xf32, #tpu.memory_space<vmem>>[vector<16xi32>], vector<16xf32>,
    %add3A_873 = arith.addf %add3A_858, %gather3A_872 : vector<16xf32>
    %select_n3A_874 = arith.select %ge3A_864, %gather3A_872, %broadcast_in_dim3A_8 : vector<16xi1>, vector<16xf32>
    %add3A_875 = arith.addf %add3A_860, %select_n3A_874 : vector<16xf32>
    %add3A_876 = arith.constant 2045 : i32
    %add3A_877 = vector.broadcast %add3A_876 : i32 to vector<16xi32>
    %add3A_878 = arith.addi %add3A_7, %add3A_877 : vector<16xi32>
    %ge3A_879 = arith.cmpi sge, %add3A_878, %add3A_6 : vector<16xi32>
    %add3A_880 = arith.constant -3 : i32
    %add3A_881 = vector.broadcast %add3A_880 : i32 to vector<16xi32>
    %add3A_882 = arith.addi %add3A_7, %add3A_881 : vector<16xi32>
    %add3A_883 = arith.constant 2045 : i32
    %add3A_884 = vector.broadcast %add3A_883 : i32 to vector<16xi32>
    %add3A_885 = arith.addi %add3A_7, %add3A_884 : vector<16xi32>
    %select_n3A_886 = arith.select %ge3A_879, %add3A_882, %add3A_885 : vector<16xi1>, vector<16xi32>
    %gather3A_887 = tpu.vector_load_idx %arg5[%select_n3A_886] : memref<32768xf32, #tpu.memory_space<vmem>>[vector<16xi32>], vector<16xf32>,
    %add3A_888 = arith.addf %add3A_873, %gather3A_887 : vector<16xf32>
    %select_n3A_889 = arith.select %ge3A_879, %gather3A_887, %broadcast_in_dim3A_8 : vector<16xi1>, vector<16xf32>
    %add3A_890 = arith.addf %add3A_875, %select_n3A_889 : vector<16xf32>
    %add3A_891 = arith.constant 2046 : i32
    %add3A_892 = vector.broadcast %add3A_891 : i32 to vector<16xi32>
    %add3A_893 = arith.addi %add3A_7, %add3A_892 : vector<16xi32>
    %ge3A_894 = arith.cmpi sge, %add3A_893, %add3A_6 : vector<16xi32>
    %add3A_895 = arith.constant -2 : i32
    %add3A_896 = vector.broadcast %add3A_895 : i32 to vector<16xi32>
    %add3A_897 = arith.addi %add3A_7, %add3A_896 : vector<16xi32>
    %add3A_898 = arith.constant 2046 : i32
    %add3A_899 = vector.broadcast %add3A_898 : i32 to vector<16xi32>
    %add3A_900 = arith.addi %add3A_7, %add3A_899 : vector<16xi32>
    %select_n3A_901 = arith.select %ge3A_894, %add3A_897, %add3A_900 : vector<16xi1>, vector<16xi32>
    %gather3A_902 = tpu.vector_load_idx %arg5[%select_n3A_901] : memref<32768xf32, #tpu.memory_space<vmem>>[vector<16xi32>], vector<16xf32>,
    %add3A_903 = arith.addf %add3A_888, %gather3A_902 : vector<16xf32>
    %select_n3A_904 = arith.select %ge3A_894, %gather3A_902, %broadcast_in_dim3A_8 : vector<16xi1>, vector<16xf32>
    %add3A_905 = arith.addf %add3A_890, %select_n3A_904 : vector<16xf32>
    %add3A_906 = arith.constant 2047 : i32
    %add3A_907 = vector.broadcast %add3A_906 : i32 to vector<16xi32>
    %add3A_908 = arith.addi %add3A_7, %add3A_907 : vector<16xi32>
    %ge3A_909 = arith.cmpi sge, %add3A_908, %add3A_6 : vector<16xi32>
    %add3A_910 = arith.constant -1 : i32
    %add3A_911 = vector.broadcast %add3A_910 : i32 to vector<16xi32>
    %add3A_912 = arith.addi %add3A_7, %add3A_911 : vector<16xi32>
    %add3A_913 = arith.constant 2047 : i32
    %add3A_914 = vector.broadcast %add3A_913 : i32 to vector<16xi32>
    %add3A_915 = arith.addi %add3A_7, %add3A_914 : vector<16xi32>
    %select_n3A_916 = arith.select %ge3A_909, %add3A_912, %add3A_915 : vector<16xi1>, vector<16xi32>
    %gather3A_917 = tpu.vector_load_idx %arg5[%select_n3A_916] : memref<32768xf32, #tpu.memory_space<vmem>>[vector<16xi32>], vector<16xf32>,
    %add3A_918 = arith.addf %add3A_903, %gather3A_917 : vector<16xf32>
    %select_n3A_919 = arith.select %ge3A_909, %gather3A_917, %broadcast_in_dim3A_8 : vector<16xi1>, vector<16xf32>
    %add3A_920 = arith.addf %add3A_905, %select_n3A_919 : vector<16xf32>
    %broadcast_in_dim3A_921 = arith.constant true
    %broadcast_in_dim3A_922 = vector.broadcast %broadcast_in_dim3A_921 : i1 to vector<16xi1>
    %masked_cumsum3A_923 = tpu.scan <sum>, %add3A_918 masked %broadcast_in_dim3A_922 : vector<16xf32>, vector<16xi1> -> vector<16xf32>
    %sub3A_924 = arith.subf %masked_cumsum3A_923, %add3A_918 : vector<16xf32>
    %dma_wait3A_925 = arith.constant 0 : i32
    %dma_wait3A_926 = tpu.memref_slice %arg3[%add3A_15, %dma_wait3A_925] : memref<127x32769xf32, #tpu.memory_space<hbm>> -> memref<1x32769xf32, #tpu.memory_space<hbm>>
    %dma_wait3A_927 = tpu.memref_squeeze %dma_wait3A_926 : memref<1x32769xf32, #tpu.memory_space<hbm>> -> memref<32769xf32, #tpu.memory_space<hbm>>
    %dma_wait3A_928 = arith.constant 0 : i32
    %dma_wait3A_929 = tpu.memref_slice %arg3[%add3A_15, %dma_wait3A_928] : memref<127x32769xf32, #tpu.memory_space<hbm>> -> memref<1x32769xf32, #tpu.memory_space<hbm>>
    %dma_wait3A_930 = tpu.memref_squeeze %dma_wait3A_929 : memref<1x32769xf32, #tpu.memory_space<hbm>> -> memref<32769xf32, #tpu.memory_space<hbm>>
    tpu.wait_dma2 semaphore(%arg9 : memref<!tpu.dma_semaphore, #tpu.memory_space<semaphore_mem>>) src(%arg6 : memref<32769xf32, #tpu.memory_space<vmem>>) dst(%dma_wait3A_930 : memref<32769xf32, #tpu.memory_space<hbm>>)
    %add3A_931 = arith.constant 1 : i32
    %add3A_932 = vector.broadcast %add3A_931 : i32 to vector<16xi32>
    %add3A_933 = arith.addi %add3A_7, %add3A_932 : vector<16xi32>
    %add3A_934 = arith.addf %sub3A_924, %add3A_920 : vector<16xf32>
    %scan3A_935 = arith.constant 0 : i32
    %scan3A_936 = arith.constant 127 : i32
    %scan3A_937 = arith.addi %scan3A_935, %scan3A_936 : i32
    %scan3A_938 = arith.constant 1 : i32
    %scan3A_939 = scf.for %scan3A_1947 = %scan3A_935 to %scan3A_937 step %scan3A_938 iter_args(%scan3A_1948 = %add3A_934) -> (vector<16xf32>)  : i32 {
      %mul3A_1949 = arith.constant 16 : i32
      %mul3A_1950 = arith.muli %scan3A_1947, %mul3A_1949 : i32
      %add3A_1951 = arith.constant 0 : i32
      %add3A_1952 = arith.addi %mul3A_1950, %add3A_1951 : i32
      %add3A_1953 = vector.broadcast %add3A_1952 : i32 to vector<16xi32>
      %add3A_1954 = arith.addi %add3A_7, %add3A_1953 : vector<16xi32>
      %gather3A_1955 = tpu.vector_load_idx %arg5[%add3A_1954] : memref<32768xf32, #tpu.memory_space<vmem>>[vector<16xi32>], vector<16xf32>,
      %add3A_1956 = arith.constant 1 : i32
      %add3A_1957 = arith.addi %mul3A_1950, %add3A_1956 : i32
      %add3A_1958 = vector.broadcast %add3A_1957 : i32 to vector<16xi32>
      %add3A_1959 = arith.addi %add3A_7, %add3A_1958 : vector<16xi32>
      %gather3A_1960 = tpu.vector_load_idx %arg5[%add3A_1959] : memref<32768xf32, #tpu.memory_space<vmem>>[vector<16xi32>], vector<16xf32>,
      %add3A_1961 = arith.constant 2 : i32
      %add3A_1962 = arith.addi %mul3A_1950, %add3A_1961 : i32
      %add3A_1963 = vector.broadcast %add3A_1962 : i32 to vector<16xi32>
      %add3A_1964 = arith.addi %add3A_7, %add3A_1963 : vector<16xi32>
      %gather3A_1965 = tpu.vector_load_idx %arg5[%add3A_1964] : memref<32768xf32, #tpu.memory_space<vmem>>[vector<16xi32>], vector<16xf32>,
      %add3A_1966 = arith.constant 3 : i32
      %add3A_1967 = arith.addi %mul3A_1950, %add3A_1966 : i32
      %add3A_1968 = vector.broadcast %add3A_1967 : i32 to vector<16xi32>
      %add3A_1969 = arith.addi %add3A_7, %add3A_1968 : vector<16xi32>
      %gather3A_1970 = tpu.vector_load_idx %arg5[%add3A_1969] : memref<32768xf32, #tpu.memory_space<vmem>>[vector<16xi32>], vector<16xf32>,
      %add3A_1971 = arith.constant 4 : i32
      %add3A_1972 = arith.addi %mul3A_1950, %add3A_1971 : i32
      %add3A_1973 = vector.broadcast %add3A_1972 : i32 to vector<16xi32>
      %add3A_1974 = arith.addi %add3A_7, %add3A_1973 : vector<16xi32>
      %gather3A_1975 = tpu.vector_load_idx %arg5[%add3A_1974] : memref<32768xf32, #tpu.memory_space<vmem>>[vector<16xi32>], vector<16xf32>,
      %add3A_1976 = arith.constant 5 : i32
      %add3A_1977 = arith.addi %mul3A_1950, %add3A_1976 : i32
      %add3A_1978 = vector.broadcast %add3A_1977 : i32 to vector<16xi32>
      %add3A_1979 = arith.addi %add3A_7, %add3A_1978 : vector<16xi32>
      %gather3A_1980 = tpu.vector_load_idx %arg5[%add3A_1979] : memref<32768xf32, #tpu.memory_space<vmem>>[vector<16xi32>], vector<16xf32>,
      %add3A_1981 = arith.constant 6 : i32
      %add3A_1982 = arith.addi %mul3A_1950, %add3A_1981 : i32
      %add3A_1983 = vector.broadcast %add3A_1982 : i32 to vector<16xi32>
      %add3A_1984 = arith.addi %add3A_7, %add3A_1983 : vector<16xi32>
      %gather3A_1985 = tpu.vector_load_idx %arg5[%add3A_1984] : memref<32768xf32, #tpu.memory_space<vmem>>[vector<16xi32>], vector<16xf32>,
      %add3A_1986 = arith.constant 7 : i32
      %add3A_1987 = arith.addi %mul3A_1950, %add3A_1986 : i32
      %add3A_1988 = vector.broadcast %add3A_1987 : i32 to vector<16xi32>
      %add3A_1989 = arith.addi %add3A_7, %add3A_1988 : vector<16xi32>
      %gather3A_1990 = tpu.vector_load_idx %arg5[%add3A_1989] : memref<32768xf32, #tpu.memory_space<vmem>>[vector<16xi32>], vector<16xf32>,
      %add3A_1991 = arith.constant 8 : i32
      %add3A_1992 = arith.addi %mul3A_1950, %add3A_1991 : i32
      %add3A_1993 = vector.broadcast %add3A_1992 : i32 to vector<16xi32>
      %add3A_1994 = arith.addi %add3A_7, %add3A_1993 : vector<16xi32>
      %gather3A_1995 = tpu.vector_load_idx %arg5[%add3A_1994] : memref<32768xf32, #tpu.memory_space<vmem>>[vector<16xi32>], vector<16xf32>,
      %add3A_1996 = arith.constant 9 : i32
      %add3A_1997 = arith.addi %mul3A_1950, %add3A_1996 : i32
      %add3A_1998 = vector.broadcast %add3A_1997 : i32 to vector<16xi32>
      %add3A_1999 = arith.addi %add3A_7, %add3A_1998 : vector<16xi32>
      %gather3A_2000 = tpu.vector_load_idx %arg5[%add3A_1999] : memref<32768xf32, #tpu.memory_space<vmem>>[vector<16xi32>], vector<16xf32>,
      %add3A_2001 = arith.constant 10 : i32
      %add3A_2002 = arith.addi %mul3A_1950, %add3A_2001 : i32
      %add3A_2003 = vector.broadcast %add3A_2002 : i32 to vector<16xi32>
      %add3A_2004 = arith.addi %add3A_7, %add3A_2003 : vector<16xi32>
      %gather3A_2005 = tpu.vector_load_idx %arg5[%add3A_2004] : memref<32768xf32, #tpu.memory_space<vmem>>[vector<16xi32>], vector<16xf32>,
      %add3A_2006 = arith.constant 11 : i32
      %add3A_2007 = arith.addi %mul3A_1950, %add3A_2006 : i32
      %add3A_2008 = vector.broadcast %add3A_2007 : i32 to vector<16xi32>
      %add3A_2009 = arith.addi %add3A_7, %add3A_2008 : vector<16xi32>
      %gather3A_2010 = tpu.vector_load_idx %arg5[%add3A_2009] : memref<32768xf32, #tpu.memory_space<vmem>>[vector<16xi32>], vector<16xf32>,
      %add3A_2011 = arith.constant 12 : i32
      %add3A_2012 = arith.addi %mul3A_1950, %add3A_2011 : i32
      %add3A_2013 = vector.broadcast %add3A_2012 : i32 to vector<16xi32>
      %add3A_2014 = arith.addi %add3A_7, %add3A_2013 : vector<16xi32>
      %gather3A_2015 = tpu.vector_load_idx %arg5[%add3A_2014] : memref<32768xf32, #tpu.memory_space<vmem>>[vector<16xi32>], vector<16xf32>,
      %add3A_2016 = arith.constant 13 : i32
      %add3A_2017 = arith.addi %mul3A_1950, %add3A_2016 : i32
      %add3A_2018 = vector.broadcast %add3A_2017 : i32 to vector<16xi32>
      %add3A_2019 = arith.addi %add3A_7, %add3A_2018 : vector<16xi32>
      %gather3A_2020 = tpu.vector_load_idx %arg5[%add3A_2019] : memref<32768xf32, #tpu.memory_space<vmem>>[vector<16xi32>], vector<16xf32>,
      %add3A_2021 = arith.constant 14 : i32
      %add3A_2022 = arith.addi %mul3A_1950, %add3A_2021 : i32
      %add3A_2023 = vector.broadcast %add3A_2022 : i32 to vector<16xi32>
      %add3A_2024 = arith.addi %add3A_7, %add3A_2023 : vector<16xi32>
      %gather3A_2025 = tpu.vector_load_idx %arg5[%add3A_2024] : memref<32768xf32, #tpu.memory_space<vmem>>[vector<16xi32>], vector<16xf32>,
      %add3A_2026 = arith.constant 15 : i32
      %add3A_2027 = arith.addi %mul3A_1950, %add3A_2026 : i32
      %add3A_2028 = vector.broadcast %add3A_2027 : i32 to vector<16xi32>
      %add3A_2029 = arith.addi %add3A_7, %add3A_2028 : vector<16xi32>
      %gather3A_2030 = tpu.vector_load_idx %arg5[%add3A_2029] : memref<32768xf32, #tpu.memory_space<vmem>>[vector<16xi32>], vector<16xf32>,
      %add3A_2031 = arith.addf %gather3A_1955, %gather3A_1960 : vector<16xf32>
      %add3A_2032 = arith.addf %add3A_2031, %gather3A_1965 : vector<16xf32>
      %add3A_2033 = arith.addf %add3A_2032, %gather3A_1970 : vector<16xf32>
      %add3A_2034 = arith.addf %add3A_2033, %gather3A_1975 : vector<16xf32>
      %add3A_2035 = arith.addf %add3A_2034, %gather3A_1980 : vector<16xf32>
      %add3A_2036 = arith.addf %add3A_2035, %gather3A_1985 : vector<16xf32>
      %add3A_2037 = arith.addf %add3A_2036, %gather3A_1990 : vector<16xf32>
      %add3A_2038 = arith.addf %add3A_2037, %gather3A_1995 : vector<16xf32>
      %add3A_2039 = arith.addf %add3A_2038, %gather3A_2000 : vector<16xf32>
      %add3A_2040 = arith.addf %add3A_2039, %gather3A_2005 : vector<16xf32>
      %add3A_2041 = arith.addf %add3A_2040, %gather3A_2010 : vector<16xf32>
      %add3A_2042 = arith.addf %add3A_2041, %gather3A_2015 : vector<16xf32>
      %add3A_2043 = arith.addf %add3A_2042, %gather3A_2020 : vector<16xf32>
      %add3A_2044 = arith.addf %add3A_2043, %gather3A_2025 : vector<16xf32>
      %add3A_2045 = arith.addf %add3A_2044, %gather3A_2030 : vector<16xf32>
      %add3A_2046 = vector.broadcast %mul3A_1950 : i32 to vector<16xi32>
      %add3A_2047 = arith.addi %add3A_933, %add3A_2046 : vector<16xi32>
      %add3A_2048 = arith.addf %scan3A_1948, %gather3A_1955 : vector<16xf32>
      tpu.vector_store_idx %arg6[%add3A_2047], %add3A_2048 : memref<32769xf32, #tpu.memory_space<vmem>>[vector<16xi32>], vector<16xf32>,
      %add3A_2049 = arith.constant 1 : i32
      %add3A_2050 = arith.addi %mul3A_1950, %add3A_2049 : i32
      %add3A_2051 = vector.broadcast %add3A_2050 : i32 to vector<16xi32>
      %add3A_2052 = arith.addi %add3A_933, %add3A_2051 : vector<16xi32>
      %add3A_2053 = arith.addf %scan3A_1948, %add3A_2031 : vector<16xf32>
      tpu.vector_store_idx %arg6[%add3A_2052], %add3A_2053 : memref<32769xf32, #tpu.memory_space<vmem>>[vector<16xi32>], vector<16xf32>,
      %add3A_2054 = arith.constant 2 : i32
      %add3A_2055 = arith.addi %mul3A_1950, %add3A_2054 : i32
      %add3A_2056 = vector.broadcast %add3A_2055 : i32 to vector<16xi32>
      %add3A_2057 = arith.addi %add3A_933, %add3A_2056 : vector<16xi32>
      %add3A_2058 = arith.addf %scan3A_1948, %add3A_2032 : vector<16xf32>
      tpu.vector_store_idx %arg6[%add3A_2057], %add3A_2058 : memref<32769xf32, #tpu.memory_space<vmem>>[vector<16xi32>], vector<16xf32>,
      %add3A_2059 = arith.constant 3 : i32
      %add3A_2060 = arith.addi %mul3A_1950, %add3A_2059 : i32
      %add3A_2061 = vector.broadcast %add3A_2060 : i32 to vector<16xi32>
      %add3A_2062 = arith.addi %add3A_933, %add3A_2061 : vector<16xi32>
      %add3A_2063 = arith.addf %scan3A_1948, %add3A_2033 : vector<16xf32>
      tpu.vector_store_idx %arg6[%add3A_2062], %add3A_2063 : memref<32769xf32, #tpu.memory_space<vmem>>[vector<16xi32>], vector<16xf32>,
      %add3A_2064 = arith.constant 4 : i32
      %add3A_2065 = arith.addi %mul3A_1950, %add3A_2064 : i32
      %add3A_2066 = vector.broadcast %add3A_2065 : i32 to vector<16xi32>
      %add3A_2067 = arith.addi %add3A_933, %add3A_2066 : vector<16xi32>
      %add3A_2068 = arith.addf %scan3A_1948, %add3A_2034 : vector<16xf32>
      tpu.vector_store_idx %arg6[%add3A_2067], %add3A_2068 : memref<32769xf32, #tpu.memory_space<vmem>>[vector<16xi32>], vector<16xf32>,
      %add3A_2069 = arith.constant 5 : i32
      %add3A_2070 = arith.addi %mul3A_1950, %add3A_2069 : i32
      %add3A_2071 = vector.broadcast %add3A_2070 : i32 to vector<16xi32>
      %add3A_2072 = arith.addi %add3A_933, %add3A_2071 : vector<16xi32>
      %add3A_2073 = arith.addf %scan3A_1948, %add3A_2035 : vector<16xf32>
      tpu.vector_store_idx %arg6[%add3A_2072], %add3A_2073 : memref<32769xf32, #tpu.memory_space<vmem>>[vector<16xi32>], vector<16xf32>,
      %add3A_2074 = arith.constant 6 : i32
      %add3A_2075 = arith.addi %mul3A_1950, %add3A_2074 : i32
      %add3A_2076 = vector.broadcast %add3A_2075 : i32 to vector<16xi32>
      %add3A_2077 = arith.addi %add3A_933, %add3A_2076 : vector<16xi32>
      %add3A_2078 = arith.addf %scan3A_1948, %add3A_2036 : vector<16xf32>
      tpu.vector_store_idx %arg6[%add3A_2077], %add3A_2078 : memref<32769xf32, #tpu.memory_space<vmem>>[vector<16xi32>], vector<16xf32>,
      %add3A_2079 = arith.constant 7 : i32
      %add3A_2080 = arith.addi %mul3A_1950, %add3A_2079 : i32
      %add3A_2081 = vector.broadcast %add3A_2080 : i32 to vector<16xi32>
      %add3A_2082 = arith.addi %add3A_933, %add3A_2081 : vector<16xi32>
      %add3A_2083 = arith.addf %scan3A_1948, %add3A_2037 : vector<16xf32>
      tpu.vector_store_idx %arg6[%add3A_2082], %add3A_2083 : memref<32769xf32, #tpu.memory_space<vmem>>[vector<16xi32>], vector<16xf32>,
      %add3A_2084 = arith.constant 8 : i32
      %add3A_2085 = arith.addi %mul3A_1950, %add3A_2084 : i32
      %add3A_2086 = vector.broadcast %add3A_2085 : i32 to vector<16xi32>
      %add3A_2087 = arith.addi %add3A_933, %add3A_2086 : vector<16xi32>
      %add3A_2088 = arith.addf %scan3A_1948, %add3A_2038 : vector<16xf32>
      tpu.vector_store_idx %arg6[%add3A_2087], %add3A_2088 : memref<32769xf32, #tpu.memory_space<vmem>>[vector<16xi32>], vector<16xf32>,
      %add3A_2089 = arith.constant 9 : i32
      %add3A_2090 = arith.addi %mul3A_1950, %add3A_2089 : i32
      %add3A_2091 = vector.broadcast %add3A_2090 : i32 to vector<16xi32>
      %add3A_2092 = arith.addi %add3A_933, %add3A_2091 : vector<16xi32>
      %add3A_2093 = arith.addf %scan3A_1948, %add3A_2039 : vector<16xf32>
      tpu.vector_store_idx %arg6[%add3A_2092], %add3A_2093 : memref<32769xf32, #tpu.memory_space<vmem>>[vector<16xi32>], vector<16xf32>,
      %add3A_2094 = arith.constant 10 : i32
      %add3A_2095 = arith.addi %mul3A_1950, %add3A_2094 : i32
      %add3A_2096 = vector.broadcast %add3A_2095 : i32 to vector<16xi32>
      %add3A_2097 = arith.addi %add3A_933, %add3A_2096 : vector<16xi32>
      %add3A_2098 = arith.addf %scan3A_1948, %add3A_2040 : vector<16xf32>
      tpu.vector_store_idx %arg6[%add3A_2097], %add3A_2098 : memref<32769xf32, #tpu.memory_space<vmem>>[vector<16xi32>], vector<16xf32>,
      %add3A_2099 = arith.constant 11 : i32
      %add3A_2100 = arith.addi %mul3A_1950, %add3A_2099 : i32
      %add3A_2101 = vector.broadcast %add3A_2100 : i32 to vector<16xi32>
      %add3A_2102 = arith.addi %add3A_933, %add3A_2101 : vector<16xi32>
      %add3A_2103 = arith.addf %scan3A_1948, %add3A_2041 : vector<16xf32>
      tpu.vector_store_idx %arg6[%add3A_2102], %add3A_2103 : memref<32769xf32, #tpu.memory_space<vmem>>[vector<16xi32>], vector<16xf32>,
      %add3A_2104 = arith.constant 12 : i32
      %add3A_2105 = arith.addi %mul3A_1950, %add3A_2104 : i32
      %add3A_2106 = vector.broadcast %add3A_2105 : i32 to vector<16xi32>
      %add3A_2107 = arith.addi %add3A_933, %add3A_2106 : vector<16xi32>
      %add3A_2108 = arith.addf %scan3A_1948, %add3A_2042 : vector<16xf32>
      tpu.vector_store_idx %arg6[%add3A_2107], %add3A_2108 : memref<32769xf32, #tpu.memory_space<vmem>>[vector<16xi32>], vector<16xf32>,
      %add3A_2109 = arith.constant 13 : i32
      %add3A_2110 = arith.addi %mul3A_1950, %add3A_2109 : i32
      %add3A_2111 = vector.broadcast %add3A_2110 : i32 to vector<16xi32>
      %add3A_2112 = arith.addi %add3A_933, %add3A_2111 : vector<16xi32>
      %add3A_2113 = arith.addf %scan3A_1948, %add3A_2043 : vector<16xf32>
      tpu.vector_store_idx %arg6[%add3A_2112], %add3A_2113 : memref<32769xf32, #tpu.memory_space<vmem>>[vector<16xi32>], vector<16xf32>,
      %add3A_2114 = arith.constant 14 : i32
      %add3A_2115 = arith.addi %mul3A_1950, %add3A_2114 : i32
      %add3A_2116 = vector.broadcast %add3A_2115 : i32 to vector<16xi32>
      %add3A_2117 = arith.addi %add3A_933, %add3A_2116 : vector<16xi32>
      %add3A_2118 = arith.addf %scan3A_1948, %add3A_2044 : vector<16xf32>
      tpu.vector_store_idx %arg6[%add3A_2117], %add3A_2118 : memref<32769xf32, #tpu.memory_space<vmem>>[vector<16xi32>], vector<16xf32>,
      %add3A_2119 = arith.constant 15 : i32
      %add3A_2120 = arith.addi %mul3A_1950, %add3A_2119 : i32
      %add3A_2121 = vector.broadcast %add3A_2120 : i32 to vector<16xi32>
      %add3A_2122 = arith.addi %add3A_933, %add3A_2121 : vector<16xi32>
      %add3A_2123 = arith.addf %scan3A_1948, %add3A_2045 : vector<16xf32>
      tpu.vector_store_idx %arg6[%add3A_2122], %add3A_2123 : memref<32769xf32, #tpu.memory_space<vmem>>[vector<16xi32>], vector<16xf32>,
      %add3A_2124 = arith.addf %scan3A_1948, %add3A_2045 : vector<16xf32>
      scf.yield %add3A_2124 : vector<16xf32>
    }
    %scan3A_940 = arith.constant 127 : i32
    %add3A_941 = arith.constant 2032 : i32
    %add3A_942 = vector.broadcast %add3A_941 : i32 to vector<16xi32>
    %add3A_943 = arith.addi %add3A_7, %add3A_942 : vector<16xi32>
    %ge3A_944 = arith.cmpi sge, %add3A_943, %add3A_6 : vector<16xi32>
    %add3A_945 = arith.constant 2032 : i32
    %add3A_946 = vector.broadcast %add3A_945 : i32 to vector<16xi32>
    %add3A_947 = arith.addi %add3A_7, %add3A_946 : vector<16xi32>
    %eq3A_948 = arith.cmpi eq, %add3A_947, %add3A_6 : vector<16xi32>
    %add3A_949 = arith.constant -16 : i32
    %add3A_950 = vector.broadcast %add3A_949 : i32 to vector<16xi32>
    %add3A_951 = arith.addi %add3A_7, %add3A_950 : vector<16xi32>
    %add3A_952 = arith.constant 2032 : i32
    %add3A_953 = vector.broadcast %add3A_952 : i32 to vector<16xi32>
    %add3A_954 = arith.addi %add3A_7, %add3A_953 : vector<16xi32>
    %select_n3A_955 = arith.select %ge3A_944, %add3A_951, %add3A_954 : vector<16xi1>, vector<16xi32>
    %select_n3A_956 = arith.select %eq3A_948, %sub3A_924, %scan3A_939 : vector<16xi1>, vector<16xf32>
    %gather3A_957 = tpu.vector_load_idx %arg5[%select_n3A_955] : memref<32768xf32, #tpu.memory_space<vmem>>[vector<16xi32>], vector<16xf32>,
    %add3A_958 = arith.addf %select_n3A_956, %gather3A_957 : vector<16xf32>
    %add3A_959 = arith.constant 1 : i32
    %add3A_960 = vector.broadcast %add3A_959 : i32 to vector<16xi32>
    %add3A_961 = arith.addi %select_n3A_955, %add3A_960 : vector<16xi32>
    tpu.vector_store_idx %arg6[%add3A_961], %add3A_958 : memref<32769xf32, #tpu.memory_space<vmem>>[vector<16xi32>], vector<16xf32>,
    %add3A_962 = arith.constant 2033 : i32
    %add3A_963 = vector.broadcast %add3A_962 : i32 to vector<16xi32>
    %add3A_964 = arith.addi %add3A_7, %add3A_963 : vector<16xi32>
    %ge3A_965 = arith.cmpi sge, %add3A_964, %add3A_6 : vector<16xi32>
    %add3A_966 = arith.constant 2033 : i32
    %add3A_967 = vector.broadcast %add3A_966 : i32 to vector<16xi32>
    %add3A_968 = arith.addi %add3A_7, %add3A_967 : vector<16xi32>
    %eq3A_969 = arith.cmpi eq, %add3A_968, %add3A_6 : vector<16xi32>
    %add3A_970 = arith.constant -15 : i32
    %add3A_971 = vector.broadcast %add3A_970 : i32 to vector<16xi32>
    %add3A_972 = arith.addi %add3A_7, %add3A_971 : vector<16xi32>
    %add3A_973 = arith.constant 2033 : i32
    %add3A_974 = vector.broadcast %add3A_973 : i32 to vector<16xi32>
    %add3A_975 = arith.addi %add3A_7, %add3A_974 : vector<16xi32>
    %select_n3A_976 = arith.select %ge3A_965, %add3A_972, %add3A_975 : vector<16xi1>, vector<16xi32>
    %select_n3A_977 = arith.select %eq3A_969, %sub3A_924, %add3A_958 : vector<16xi1>, vector<16xf32>
    %gather3A_978 = tpu.vector_load_idx %arg5[%select_n3A_976] : memref<32768xf32, #tpu.memory_space<vmem>>[vector<16xi32>], vector<16xf32>,
    %add3A_979 = arith.addf %select_n3A_977, %gather3A_978 : vector<16xf32>
    %add3A_980 = arith.constant 1 : i32
    %add3A_981 = vector.broadcast %add3A_980 : i32 to vector<16xi32>
    %add3A_982 = arith.addi %select_n3A_976, %add3A_981 : vector<16xi32>
    tpu.vector_store_idx %arg6[%add3A_982], %add3A_979 : memref<32769xf32, #tpu.memory_space<vmem>>[vector<16xi32>], vector<16xf32>,
    %add3A_983 = arith.constant 2034 : i32
    %add3A_984 = vector.broadcast %add3A_983 : i32 to vector<16xi32>
    %add3A_985 = arith.addi %add3A_7, %add3A_984 : vector<16xi32>
    %ge3A_986 = arith.cmpi sge, %add3A_985, %add3A_6 : vector<16xi32>
    %add3A_987 = arith.constant 2034 : i32
    %add3A_988 = vector.broadcast %add3A_987 : i32 to vector<16xi32>
    %add3A_989 = arith.addi %add3A_7, %add3A_988 : vector<16xi32>
    %eq3A_990 = arith.cmpi eq, %add3A_989, %add3A_6 : vector<16xi32>
    %add3A_991 = arith.constant -14 : i32
    %add3A_992 = vector.broadcast %add3A_991 : i32 to vector<16xi32>
    %add3A_993 = arith.addi %add3A_7, %add3A_992 : vector<16xi32>
    %add3A_994 = arith.constant 2034 : i32
    %add3A_995 = vector.broadcast %add3A_994 : i32 to vector<16xi32>
    %add3A_996 = arith.addi %add3A_7, %add3A_995 : vector<16xi32>
    %select_n3A_997 = arith.select %ge3A_986, %add3A_993, %add3A_996 : vector<16xi1>, vector<16xi32>
    %select_n3A_998 = arith.select %eq3A_990, %sub3A_924, %add3A_979 : vector<16xi1>, vector<16xf32>
    %gather3A_999 = tpu.vector_load_idx %arg5[%select_n3A_997] : memref<32768xf32, #tpu.memory_space<vmem>>[vector<16xi32>], vector<16xf32>,
    %add3A_1000 = arith.addf %select_n3A_998, %gather3A_999 : vector<16xf32>
    %add3A_1001 = arith.constant 1 : i32
    %add3A_1002 = vector.broadcast %add3A_1001 : i32 to vector<16xi32>
    %add3A_1003 = arith.addi %select_n3A_997, %add3A_1002 : vector<16xi32>
    tpu.vector_store_idx %arg6[%add3A_1003], %add3A_1000 : memref<32769xf32, #tpu.memory_space<vmem>>[vector<16xi32>], vector<16xf32>,
    %add3A_1004 = arith.constant 2035 : i32
    %add3A_1005 = vector.broadcast %add3A_1004 : i32 to vector<16xi32>
    %add3A_1006 = arith.addi %add3A_7, %add3A_1005 : vector<16xi32>
    %ge3A_1007 = arith.cmpi sge, %add3A_1006, %add3A_6 : vector<16xi32>
    %add3A_1008 = arith.constant 2035 : i32
    %add3A_1009 = vector.broadcast %add3A_1008 : i32 to vector<16xi32>
    %add3A_1010 = arith.addi %add3A_7, %add3A_1009 : vector<16xi32>
    %eq3A_1011 = arith.cmpi eq, %add3A_1010, %add3A_6 : vector<16xi32>
    %add3A_1012 = arith.constant -13 : i32
    %add3A_1013 = vector.broadcast %add3A_1012 : i32 to vector<16xi32>
    %add3A_1014 = arith.addi %add3A_7, %add3A_1013 : vector<16xi32>
    %add3A_1015 = arith.constant 2035 : i32
    %add3A_1016 = vector.broadcast %add3A_1015 : i32 to vector<16xi32>
    %add3A_1017 = arith.addi %add3A_7, %add3A_1016 : vector<16xi32>
    %select_n3A_1018 = arith.select %ge3A_1007, %add3A_1014, %add3A_1017 : vector<16xi1>, vector<16xi32>
    %select_n3A_1019 = arith.select %eq3A_1011, %sub3A_924, %add3A_1000 : vector<16xi1>, vector<16xf32>
    %gather3A_1020 = tpu.vector_load_idx %arg5[%select_n3A_1018] : memref<32768xf32, #tpu.memory_space<vmem>>[vector<16xi32>], vector<16xf32>,
    %add3A_1021 = arith.addf %select_n3A_1019, %gather3A_1020 : vector<16xf32>
    %add3A_1022 = arith.constant 1 : i32
    %add3A_1023 = vector.broadcast %add3A_1022 : i32 to vector<16xi32>
    %add3A_1024 = arith.addi %select_n3A_1018, %add3A_1023 : vector<16xi32>
    tpu.vector_store_idx %arg6[%add3A_1024], %add3A_1021 : memref<32769xf32, #tpu.memory_space<vmem>>[vector<16xi32>], vector<16xf32>,
    %add3A_1025 = arith.constant 2036 : i32
    %add3A_1026 = vector.broadcast %add3A_1025 : i32 to vector<16xi32>
    %add3A_1027 = arith.addi %add3A_7, %add3A_1026 : vector<16xi32>
    %ge3A_1028 = arith.cmpi sge, %add3A_1027, %add3A_6 : vector<16xi32>
    %add3A_1029 = arith.constant 2036 : i32
    %add3A_1030 = vector.broadcast %add3A_1029 : i32 to vector<16xi32>
    %add3A_1031 = arith.addi %add3A_7, %add3A_1030 : vector<16xi32>
    %eq3A_1032 = arith.cmpi eq, %add3A_1031, %add3A_6 : vector<16xi32>
    %add3A_1033 = arith.constant -12 : i32
    %add3A_1034 = vector.broadcast %add3A_1033 : i32 to vector<16xi32>
    %add3A_1035 = arith.addi %add3A_7, %add3A_1034 : vector<16xi32>
    %add3A_1036 = arith.constant 2036 : i32
    %add3A_1037 = vector.broadcast %add3A_1036 : i32 to vector<16xi32>
    %add3A_1038 = arith.addi %add3A_7, %add3A_1037 : vector<16xi32>
    %select_n3A_1039 = arith.select %ge3A_1028, %add3A_1035, %add3A_1038 : vector<16xi1>, vector<16xi32>
    %select_n3A_1040 = arith.select %eq3A_1032, %sub3A_924, %add3A_1021 : vector<16xi1>, vector<16xf32>
    %gather3A_1041 = tpu.vector_load_idx %arg5[%select_n3A_1039] : memref<32768xf32, #tpu.memory_space<vmem>>[vector<16xi32>], vector<16xf32>,
    %add3A_1042 = arith.addf %select_n3A_1040, %gather3A_1041 : vector<16xf32>
    %add3A_1043 = arith.constant 1 : i32
    %add3A_1044 = vector.broadcast %add3A_1043 : i32 to vector<16xi32>
    %add3A_1045 = arith.addi %select_n3A_1039, %add3A_1044 : vector<16xi32>
    tpu.vector_store_idx %arg6[%add3A_1045], %add3A_1042 : memref<32769xf32, #tpu.memory_space<vmem>>[vector<16xi32>], vector<16xf32>,
    %add3A_1046 = arith.constant 2037 : i32
    %add3A_1047 = vector.broadcast %add3A_1046 : i32 to vector<16xi32>
    %add3A_1048 = arith.addi %add3A_7, %add3A_1047 : vector<16xi32>
    %ge3A_1049 = arith.cmpi sge, %add3A_1048, %add3A_6 : vector<16xi32>
    %add3A_1050 = arith.constant 2037 : i32
    %add3A_1051 = vector.broadcast %add3A_1050 : i32 to vector<16xi32>
    %add3A_1052 = arith.addi %add3A_7, %add3A_1051 : vector<16xi32>
    %eq3A_1053 = arith.cmpi eq, %add3A_1052, %add3A_6 : vector<16xi32>
    %add3A_1054 = arith.constant -11 : i32
    %add3A_1055 = vector.broadcast %add3A_1054 : i32 to vector<16xi32>
    %add3A_1056 = arith.addi %add3A_7, %add3A_1055 : vector<16xi32>
    %add3A_1057 = arith.constant 2037 : i32
    %add3A_1058 = vector.broadcast %add3A_1057 : i32 to vector<16xi32>
    %add3A_1059 = arith.addi %add3A_7, %add3A_1058 : vector<16xi32>
    %select_n3A_1060 = arith.select %ge3A_1049, %add3A_1056, %add3A_1059 : vector<16xi1>, vector<16xi32>
    %select_n3A_1061 = arith.select %eq3A_1053, %sub3A_924, %add3A_1042 : vector<16xi1>, vector<16xf32>
    %gather3A_1062 = tpu.vector_load_idx %arg5[%select_n3A_1060] : memref<32768xf32, #tpu.memory_space<vmem>>[vector<16xi32>], vector<16xf32>,
    %add3A_1063 = arith.addf %select_n3A_1061, %gather3A_1062 : vector<16xf32>
    %add3A_1064 = arith.constant 1 : i32
    %add3A_1065 = vector.broadcast %add3A_1064 : i32 to vector<16xi32>
    %add3A_1066 = arith.addi %select_n3A_1060, %add3A_1065 : vector<16xi32>
    tpu.vector_store_idx %arg6[%add3A_1066], %add3A_1063 : memref<32769xf32, #tpu.memory_space<vmem>>[vector<16xi32>], vector<16xf32>,
    %add3A_1067 = arith.constant 2038 : i32
    %add3A_1068 = vector.broadcast %add3A_1067 : i32 to vector<16xi32>
    %add3A_1069 = arith.addi %add3A_7, %add3A_1068 : vector<16xi32>
    %ge3A_1070 = arith.cmpi sge, %add3A_1069, %add3A_6 : vector<16xi32>
    %add3A_1071 = arith.constant 2038 : i32
    %add3A_1072 = vector.broadcast %add3A_1071 : i32 to vector<16xi32>
    %add3A_1073 = arith.addi %add3A_7, %add3A_1072 : vector<16xi32>
    %eq3A_1074 = arith.cmpi eq, %add3A_1073, %add3A_6 : vector<16xi32>
    %add3A_1075 = arith.constant -10 : i32
    %add3A_1076 = vector.broadcast %add3A_1075 : i32 to vector<16xi32>
    %add3A_1077 = arith.addi %add3A_7, %add3A_1076 : vector<16xi32>
    %add3A_1078 = arith.constant 2038 : i32
    %add3A_1079 = vector.broadcast %add3A_1078 : i32 to vector<16xi32>
    %add3A_1080 = arith.addi %add3A_7, %add3A_1079 : vector<16xi32>
    %select_n3A_1081 = arith.select %ge3A_1070, %add3A_1077, %add3A_1080 : vector<16xi1>, vector<16xi32>
    %select_n3A_1082 = arith.select %eq3A_1074, %sub3A_924, %add3A_1063 : vector<16xi1>, vector<16xf32>
    %gather3A_1083 = tpu.vector_load_idx %arg5[%select_n3A_1081] : memref<32768xf32, #tpu.memory_space<vmem>>[vector<16xi32>], vector<16xf32>,
    %add3A_1084 = arith.addf %select_n3A_1082, %gather3A_1083 : vector<16xf32>
    %add3A_1085 = arith.constant 1 : i32
    %add3A_1086 = vector.broadcast %add3A_1085 : i32 to vector<16xi32>
    %add3A_1087 = arith.addi %select_n3A_1081, %add3A_1086 : vector<16xi32>
    tpu.vector_store_idx %arg6[%add3A_1087], %add3A_1084 : memref<32769xf32, #tpu.memory_space<vmem>>[vector<16xi32>], vector<16xf32>,
    %add3A_1088 = arith.constant 2039 : i32
    %add3A_1089 = vector.broadcast %add3A_1088 : i32 to vector<16xi32>
    %add3A_1090 = arith.addi %add3A_7, %add3A_1089 : vector<16xi32>
    %ge3A_1091 = arith.cmpi sge, %add3A_1090, %add3A_6 : vector<16xi32>
    %add3A_1092 = arith.constant 2039 : i32
    %add3A_1093 = vector.broadcast %add3A_1092 : i32 to vector<16xi32>
    %add3A_1094 = arith.addi %add3A_7, %add3A_1093 : vector<16xi32>
    %eq3A_1095 = arith.cmpi eq, %add3A_1094, %add3A_6 : vector<16xi32>
    %add3A_1096 = arith.constant -9 : i32
    %add3A_1097 = vector.broadcast %add3A_1096 : i32 to vector<16xi32>
    %add3A_1098 = arith.addi %add3A_7, %add3A_1097 : vector<16xi32>
    %add3A_1099 = arith.constant 2039 : i32
    %add3A_1100 = vector.broadcast %add3A_1099 : i32 to vector<16xi32>
    %add3A_1101 = arith.addi %add3A_7, %add3A_1100 : vector<16xi32>
    %select_n3A_1102 = arith.select %ge3A_1091, %add3A_1098, %add3A_1101 : vector<16xi1>, vector<16xi32>
    %select_n3A_1103 = arith.select %eq3A_1095, %sub3A_924, %add3A_1084 : vector<16xi1>, vector<16xf32>
    %gather3A_1104 = tpu.vector_load_idx %arg5[%select_n3A_1102] : memref<32768xf32, #tpu.memory_space<vmem>>[vector<16xi32>], vector<16xf32>,
    %add3A_1105 = arith.addf %select_n3A_1103, %gather3A_1104 : vector<16xf32>
    %add3A_1106 = arith.constant 1 : i32
    %add3A_1107 = vector.broadcast %add3A_1106 : i32 to vector<16xi32>
    %add3A_1108 = arith.addi %select_n3A_1102, %add3A_1107 : vector<16xi32>
    tpu.vector_store_idx %arg6[%add3A_1108], %add3A_1105 : memref<32769xf32, #tpu.memory_space<vmem>>[vector<16xi32>], vector<16xf32>,
    %add3A_1109 = arith.constant 2040 : i32
    %add3A_1110 = vector.broadcast %add3A_1109 : i32 to vector<16xi32>
    %add3A_1111 = arith.addi %add3A_7, %add3A_1110 : vector<16xi32>
    %ge3A_1112 = arith.cmpi sge, %add3A_1111, %add3A_6 : vector<16xi32>
    %add3A_1113 = arith.constant 2040 : i32
    %add3A_1114 = vector.broadcast %add3A_1113 : i32 to vector<16xi32>
    %add3A_1115 = arith.addi %add3A_7, %add3A_1114 : vector<16xi32>
    %eq3A_1116 = arith.cmpi eq, %add3A_1115, %add3A_6 : vector<16xi32>
    %add3A_1117 = arith.constant -8 : i32
    %add3A_1118 = vector.broadcast %add3A_1117 : i32 to vector<16xi32>
    %add3A_1119 = arith.addi %add3A_7, %add3A_1118 : vector<16xi32>
    %add3A_1120 = arith.constant 2040 : i32
    %add3A_1121 = vector.broadcast %add3A_1120 : i32 to vector<16xi32>
    %add3A_1122 = arith.addi %add3A_7, %add3A_1121 : vector<16xi32>
    %select_n3A_1123 = arith.select %ge3A_1112, %add3A_1119, %add3A_1122 : vector<16xi1>, vector<16xi32>
    %select_n3A_1124 = arith.select %eq3A_1116, %sub3A_924, %add3A_1105 : vector<16xi1>, vector<16xf32>
    %gather3A_1125 = tpu.vector_load_idx %arg5[%select_n3A_1123] : memref<32768xf32, #tpu.memory_space<vmem>>[vector<16xi32>], vector<16xf32>,
    %add3A_1126 = arith.addf %select_n3A_1124, %gather3A_1125 : vector<16xf32>
    %add3A_1127 = arith.constant 1 : i32
    %add3A_1128 = vector.broadcast %add3A_1127 : i32 to vector<16xi32>
    %add3A_1129 = arith.addi %select_n3A_1123, %add3A_1128 : vector<16xi32>
    tpu.vector_store_idx %arg6[%add3A_1129], %add3A_1126 : memref<32769xf32, #tpu.memory_space<vmem>>[vector<16xi32>], vector<16xf32>,
    %add3A_1130 = arith.constant 2041 : i32
    %add3A_1131 = vector.broadcast %add3A_1130 : i32 to vector<16xi32>
    %add3A_1132 = arith.addi %add3A_7, %add3A_1131 : vector<16xi32>
    %ge3A_1133 = arith.cmpi sge, %add3A_1132, %add3A_6 : vector<16xi32>
    %add3A_1134 = arith.constant 2041 : i32
    %add3A_1135 = vector.broadcast %add3A_1134 : i32 to vector<16xi32>
    %add3A_1136 = arith.addi %add3A_7, %add3A_1135 : vector<16xi32>
    %eq3A_1137 = arith.cmpi eq, %add3A_1136, %add3A_6 : vector<16xi32>
    %add3A_1138 = arith.constant -7 : i32
    %add3A_1139 = vector.broadcast %add3A_1138 : i32 to vector<16xi32>
    %add3A_1140 = arith.addi %add3A_7, %add3A_1139 : vector<16xi32>
    %add3A_1141 = arith.constant 2041 : i32
    %add3A_1142 = vector.broadcast %add3A_1141 : i32 to vector<16xi32>
    %add3A_1143 = arith.addi %add3A_7, %add3A_1142 : vector<16xi32>
    %select_n3A_1144 = arith.select %ge3A_1133, %add3A_1140, %add3A_1143 : vector<16xi1>, vector<16xi32>
    %select_n3A_1145 = arith.select %eq3A_1137, %sub3A_924, %add3A_1126 : vector<16xi1>, vector<16xf32>
    %gather3A_1146 = tpu.vector_load_idx %arg5[%select_n3A_1144] : memref<32768xf32, #tpu.memory_space<vmem>>[vector<16xi32>], vector<16xf32>,
    %add3A_1147 = arith.addf %select_n3A_1145, %gather3A_1146 : vector<16xf32>
    %add3A_1148 = arith.constant 1 : i32
    %add3A_1149 = vector.broadcast %add3A_1148 : i32 to vector<16xi32>
    %add3A_1150 = arith.addi %select_n3A_1144, %add3A_1149 : vector<16xi32>
    tpu.vector_store_idx %arg6[%add3A_1150], %add3A_1147 : memref<32769xf32, #tpu.memory_space<vmem>>[vector<16xi32>], vector<16xf32>,
    %add3A_1151 = arith.constant 2042 : i32
    %add3A_1152 = vector.broadcast %add3A_1151 : i32 to vector<16xi32>
    %add3A_1153 = arith.addi %add3A_7, %add3A_1152 : vector<16xi32>
    %ge3A_1154 = arith.cmpi sge, %add3A_1153, %add3A_6 : vector<16xi32>
    %add3A_1155 = arith.constant 2042 : i32
    %add3A_1156 = vector.broadcast %add3A_1155 : i32 to vector<16xi32>
    %add3A_1157 = arith.addi %add3A_7, %add3A_1156 : vector<16xi32>
    %eq3A_1158 = arith.cmpi eq, %add3A_1157, %add3A_6 : vector<16xi32>
    %add3A_1159 = arith.constant -6 : i32
    %add3A_1160 = vector.broadcast %add3A_1159 : i32 to vector<16xi32>
    %add3A_1161 = arith.addi %add3A_7, %add3A_1160 : vector<16xi32>
    %add3A_1162 = arith.constant 2042 : i32
    %add3A_1163 = vector.broadcast %add3A_1162 : i32 to vector<16xi32>
    %add3A_1164 = arith.addi %add3A_7, %add3A_1163 : vector<16xi32>
    %select_n3A_1165 = arith.select %ge3A_1154, %add3A_1161, %add3A_1164 : vector<16xi1>, vector<16xi32>
    %select_n3A_1166 = arith.select %eq3A_1158, %sub3A_924, %add3A_1147 : vector<16xi1>, vector<16xf32>
    %gather3A_1167 = tpu.vector_load_idx %arg5[%select_n3A_1165] : memref<32768xf32, #tpu.memory_space<vmem>>[vector<16xi32>], vector<16xf32>,
    %add3A_1168 = arith.addf %select_n3A_1166, %gather3A_1167 : vector<16xf32>
    %add3A_1169 = arith.constant 1 : i32
    %add3A_1170 = vector.broadcast %add3A_1169 : i32 to vector<16xi32>
    %add3A_1171 = arith.addi %select_n3A_1165, %add3A_1170 : vector<16xi32>
    tpu.vector_store_idx %arg6[%add3A_1171], %add3A_1168 : memref<32769xf32, #tpu.memory_space<vmem>>[vector<16xi32>], vector<16xf32>,
    %add3A_1172 = arith.constant 2043 : i32
    %add3A_1173 = vector.broadcast %add3A_1172 : i32 to vector<16xi32>
    %add3A_1174 = arith.addi %add3A_7, %add3A_1173 : vector<16xi32>
    %ge3A_1175 = arith.cmpi sge, %add3A_1174, %add3A_6 : vector<16xi32>
    %add3A_1176 = arith.constant 2043 : i32
    %add3A_1177 = vector.broadcast %add3A_1176 : i32 to vector<16xi32>
    %add3A_1178 = arith.addi %add3A_7, %add3A_1177 : vector<16xi32>
    %eq3A_1179 = arith.cmpi eq, %add3A_1178, %add3A_6 : vector<16xi32>
    %add3A_1180 = arith.constant -5 : i32
    %add3A_1181 = vector.broadcast %add3A_1180 : i32 to vector<16xi32>
    %add3A_1182 = arith.addi %add3A_7, %add3A_1181 : vector<16xi32>
    %add3A_1183 = arith.constant 2043 : i32
    %add3A_1184 = vector.broadcast %add3A_1183 : i32 to vector<16xi32>
    %add3A_1185 = arith.addi %add3A_7, %add3A_1184 : vector<16xi32>
    %select_n3A_1186 = arith.select %ge3A_1175, %add3A_1182, %add3A_1185 : vector<16xi1>, vector<16xi32>
    %select_n3A_1187 = arith.select %eq3A_1179, %sub3A_924, %add3A_1168 : vector<16xi1>, vector<16xf32>
    %gather3A_1188 = tpu.vector_load_idx %arg5[%select_n3A_1186] : memref<32768xf32, #tpu.memory_space<vmem>>[vector<16xi32>], vector<16xf32>,
    %add3A_1189 = arith.addf %select_n3A_1187, %gather3A_1188 : vector<16xf32>
    %add3A_1190 = arith.constant 1 : i32
    %add3A_1191 = vector.broadcast %add3A_1190 : i32 to vector<16xi32>
    %add3A_1192 = arith.addi %select_n3A_1186, %add3A_1191 : vector<16xi32>
    tpu.vector_store_idx %arg6[%add3A_1192], %add3A_1189 : memref<32769xf32, #tpu.memory_space<vmem>>[vector<16xi32>], vector<16xf32>,
    %add3A_1193 = arith.constant 2044 : i32
    %add3A_1194 = vector.broadcast %add3A_1193 : i32 to vector<16xi32>
    %add3A_1195 = arith.addi %add3A_7, %add3A_1194 : vector<16xi32>
    %ge3A_1196 = arith.cmpi sge, %add3A_1195, %add3A_6 : vector<16xi32>
    %add3A_1197 = arith.constant 2044 : i32
    %add3A_1198 = vector.broadcast %add3A_1197 : i32 to vector<16xi32>
    %add3A_1199 = arith.addi %add3A_7, %add3A_1198 : vector<16xi32>
    %eq3A_1200 = arith.cmpi eq, %add3A_1199, %add3A_6 : vector<16xi32>
    %add3A_1201 = arith.constant -4 : i32
    %add3A_1202 = vector.broadcast %add3A_1201 : i32 to vector<16xi32>
    %add3A_1203 = arith.addi %add3A_7, %add3A_1202 : vector<16xi32>
    %add3A_1204 = arith.constant 2044 : i32
    %add3A_1205 = vector.broadcast %add3A_1204 : i32 to vector<16xi32>
    %add3A_1206 = arith.addi %add3A_7, %add3A_1205 : vector<16xi32>
    %select_n3A_1207 = arith.select %ge3A_1196, %add3A_1203, %add3A_1206 : vector<16xi1>, vector<16xi32>
    %select_n3A_1208 = arith.select %eq3A_1200, %sub3A_924, %add3A_1189 : vector<16xi1>, vector<16xf32>
    %gather3A_1209 = tpu.vector_load_idx %arg5[%select_n3A_1207] : memref<32768xf32, #tpu.memory_space<vmem>>[vector<16xi32>], vector<16xf32>,
    %add3A_1210 = arith.addf %select_n3A_1208, %gather3A_1209 : vector<16xf32>
    %add3A_1211 = arith.constant 1 : i32
    %add3A_1212 = vector.broadcast %add3A_1211 : i32 to vector<16xi32>
    %add3A_1213 = arith.addi %select_n3A_1207, %add3A_1212 : vector<16xi32>
    tpu.vector_store_idx %arg6[%add3A_1213], %add3A_1210 : memref<32769xf32, #tpu.memory_space<vmem>>[vector<16xi32>], vector<16xf32>,
    %add3A_1214 = arith.constant 2045 : i32
    %add3A_1215 = vector.broadcast %add3A_1214 : i32 to vector<16xi32>
    %add3A_1216 = arith.addi %add3A_7, %add3A_1215 : vector<16xi32>
    %ge3A_1217 = arith.cmpi sge, %add3A_1216, %add3A_6 : vector<16xi32>
    %add3A_1218 = arith.constant 2045 : i32
    %add3A_1219 = vector.broadcast %add3A_1218 : i32 to vector<16xi32>
    %add3A_1220 = arith.addi %add3A_7, %add3A_1219 : vector<16xi32>
    %eq3A_1221 = arith.cmpi eq, %add3A_1220, %add3A_6 : vector<16xi32>
    %add3A_1222 = arith.constant -3 : i32
    %add3A_1223 = vector.broadcast %add3A_1222 : i32 to vector<16xi32>
    %add3A_1224 = arith.addi %add3A_7, %add3A_1223 : vector<16xi32>
    %add3A_1225 = arith.constant 2045 : i32
    %add3A_1226 = vector.broadcast %add3A_1225 : i32 to vector<16xi32>
    %add3A_1227 = arith.addi %add3A_7, %add3A_1226 : vector<16xi32>
    %select_n3A_1228 = arith.select %ge3A_1217, %add3A_1224, %add3A_1227 : vector<16xi1>, vector<16xi32>
    %select_n3A_1229 = arith.select %eq3A_1221, %sub3A_924, %add3A_1210 : vector<16xi1>, vector<16xf32>
    %gather3A_1230 = tpu.vector_load_idx %arg5[%select_n3A_1228] : memref<32768xf32, #tpu.memory_space<vmem>>[vector<16xi32>], vector<16xf32>,
    %add3A_1231 = arith.addf %select_n3A_1229, %gather3A_1230 : vector<16xf32>
    %add3A_1232 = arith.constant 1 : i32
    %add3A_1233 = vector.broadcast %add3A_1232 : i32 to vector<16xi32>
    %add3A_1234 = arith.addi %select_n3A_1228, %add3A_1233 : vector<16xi32>
    tpu.vector_store_idx %arg6[%add3A_1234], %add3A_1231 : memref<32769xf32, #tpu.memory_space<vmem>>[vector<16xi32>], vector<16xf32>,
    %add3A_1235 = arith.constant 2046 : i32
    %add3A_1236 = vector.broadcast %add3A_1235 : i32 to vector<16xi32>
    %add3A_1237 = arith.addi %add3A_7, %add3A_1236 : vector<16xi32>
    %ge3A_1238 = arith.cmpi sge, %add3A_1237, %add3A_6 : vector<16xi32>
    %add3A_1239 = arith.constant 2046 : i32
    %add3A_1240 = vector.broadcast %add3A_1239 : i32 to vector<16xi32>
    %add3A_1241 = arith.addi %add3A_7, %add3A_1240 : vector<16xi32>
    %eq3A_1242 = arith.cmpi eq, %add3A_1241, %add3A_6 : vector<16xi32>
    %add3A_1243 = arith.constant -2 : i32
    %add3A_1244 = vector.broadcast %add3A_1243 : i32 to vector<16xi32>
    %add3A_1245 = arith.addi %add3A_7, %add3A_1244 : vector<16xi32>
    %add3A_1246 = arith.constant 2046 : i32
    %add3A_1247 = vector.broadcast %add3A_1246 : i32 to vector<16xi32>
    %add3A_1248 = arith.addi %add3A_7, %add3A_1247 : vector<16xi32>
    %select_n3A_1249 = arith.select %ge3A_1238, %add3A_1245, %add3A_1248 : vector<16xi1>, vector<16xi32>
    %select_n3A_1250 = arith.select %eq3A_1242, %sub3A_924, %add3A_1231 : vector<16xi1>, vector<16xf32>
    %gather3A_1251 = tpu.vector_load_idx %arg5[%select_n3A_1249] : memref<32768xf32, #tpu.memory_space<vmem>>[vector<16xi32>], vector<16xf32>,
    %add3A_1252 = arith.addf %select_n3A_1250, %gather3A_1251 : vector<16xf32>
    %add3A_1253 = arith.constant 1 : i32
    %add3A_1254 = vector.broadcast %add3A_1253 : i32 to vector<16xi32>
    %add3A_1255 = arith.addi %select_n3A_1249, %add3A_1254 : vector<16xi32>
    tpu.vector_store_idx %arg6[%add3A_1255], %add3A_1252 : memref<32769xf32, #tpu.memory_space<vmem>>[vector<16xi32>], vector<16xf32>,
    %add3A_1256 = arith.constant 2047 : i32
    %add3A_1257 = vector.broadcast %add3A_1256 : i32 to vector<16xi32>
    %add3A_1258 = arith.addi %add3A_7, %add3A_1257 : vector<16xi32>
    %ge3A_1259 = arith.cmpi sge, %add3A_1258, %add3A_6 : vector<16xi32>
    %add3A_1260 = arith.constant 2047 : i32
    %add3A_1261 = vector.broadcast %add3A_1260 : i32 to vector<16xi32>
    %add3A_1262 = arith.addi %add3A_7, %add3A_1261 : vector<16xi32>
    %eq3A_1263 = arith.cmpi eq, %add3A_1262, %add3A_6 : vector<16xi32>
    %add3A_1264 = arith.constant -1 : i32
    %add3A_1265 = vector.broadcast %add3A_1264 : i32 to vector<16xi32>
    %add3A_1266 = arith.addi %add3A_7, %add3A_1265 : vector<16xi32>
    %add3A_1267 = arith.constant 2047 : i32
    %add3A_1268 = vector.broadcast %add3A_1267 : i32 to vector<16xi32>
    %add3A_1269 = arith.addi %add3A_7, %add3A_1268 : vector<16xi32>
    %select_n3A_1270 = arith.select %ge3A_1259, %add3A_1266, %add3A_1269 : vector<16xi1>, vector<16xi32>
    %select_n3A_1271 = arith.select %eq3A_1263, %sub3A_924, %add3A_1252 : vector<16xi1>, vector<16xf32>
    %gather3A_1272 = tpu.vector_load_idx %arg5[%select_n3A_1270] : memref<32768xf32, #tpu.memory_space<vmem>>[vector<16xi32>], vector<16xf32>,
    %add3A_1273 = arith.addf %select_n3A_1271, %gather3A_1272 : vector<16xf32>
    %add3A_1274 = arith.constant 1 : i32
    %add3A_1275 = vector.broadcast %add3A_1274 : i32 to vector<16xi32>
    %add3A_1276 = arith.addi %select_n3A_1270, %add3A_1275 : vector<16xi32>
    tpu.vector_store_idx %arg6[%add3A_1276], %add3A_1273 : memref<32769xf32, #tpu.memory_space<vmem>>[vector<16xi32>], vector<16xf32>,
    %broadcast_in_dim3A_1277 = arith.constant 0 : i32
    %broadcast_in_dim3A_1278 = vector.broadcast %broadcast_in_dim3A_1277 : i32 to vector<16xi32>
    %eq3A_1279 = arith.constant 0 : i32
    %eq3A_1280 = vector.broadcast %eq3A_1279 : i32 to vector<16xi32>
    %eq3A_1281 = arith.cmpi eq, %iota3A, %eq3A_1280 : vector<16xi32>
    tpu.vector_store_idx %arg6[%broadcast_in_dim3A_1278], %broadcast_in_dim3A_8 masked %eq3A_1281 : memref<32769xf32, #tpu.memory_space<vmem>>[vector<16xi32>], vector<16xf32>, vector<16xi1>
    %dma_start3A_1282 = arith.constant 0 : i32
    %dma_start3A_1283 = tpu.memref_slice %arg3[%add3A_645, %dma_start3A_1282] : memref<127x32769xf32, #tpu.memory_space<hbm>> -> memref<1x32769xf32, #tpu.memory_space<hbm>>
    %dma_start3A_1284 = tpu.memref_squeeze %dma_start3A_1283 : memref<1x32769xf32, #tpu.memory_space<hbm>> -> memref<32769xf32, #tpu.memory_space<hbm>>
    %dma_start3A_1285 = arith.constant 0 : i32
    %dma_start3A_1286 = tpu.memref_slice %arg3[%add3A_645, %dma_start3A_1285] : memref<127x32769xf32, #tpu.memory_space<hbm>> -> memref<1x32769xf32, #tpu.memory_space<hbm>>
    %dma_start3A_1287 = tpu.memref_squeeze %dma_start3A_1286 : memref<1x32769xf32, #tpu.memory_space<hbm>> -> memref<32769xf32, #tpu.memory_space<hbm>>
    tpu.enqueue_dma source(%arg6 : memref<32769xf32, #tpu.memory_space<vmem>>) target(%dma_start3A_1287 : memref<32769xf32, #tpu.memory_space<hbm>>) target_semaphore(%arg9 : memref<!tpu.dma_semaphore, #tpu.memory_space<semaphore_mem>>)
    %add3A_1288 = arith.constant 64 : i32
    %add3A_1289 = arith.addi %add3A, %add3A_1288 : i32
    %dma_wait3A_1290 = arith.constant 0 : i32
    %dma_wait3A_1291 = tpu.memref_slice %arg2[%add3A_653, %dma_wait3A_1290] : memref<128x32768xf32, #tpu.memory_space<hbm>> -> memref<1x32768xf32, #tpu.memory_space<hbm>>
    %dma_wait3A_1292 = tpu.memref_squeeze %dma_wait3A_1291 : memref<1x32768xf32, #tpu.memory_space<hbm>> -> memref<32768xf32, #tpu.memory_space<hbm>>
    %dma_wait3A_1293 = arith.constant 0 : i32
    %dma_wait3A_1294 = tpu.memref_slice %arg2[%add3A_653, %dma_wait3A_1293] : memref<128x32768xf32, #tpu.memory_space<hbm>> -> memref<1x32768xf32, #tpu.memory_space<hbm>>
    %dma_wait3A_1295 = tpu.memref_squeeze %dma_wait3A_1294 : memref<1x32768xf32, #tpu.memory_space<hbm>> -> memref<32768xf32, #tpu.memory_space<hbm>>
    tpu.wait_dma2 semaphore(%arg7 : memref<!tpu.dma_semaphore, #tpu.memory_space<semaphore_mem>>) src(%dma_wait3A_1295 : memref<32768xf32, #tpu.memory_space<hbm>>) dst(%arg4 : memref<32768xf32, #tpu.memory_space<vmem>>)
    %add3A_1296 = arith.constant 96 : i32
    %add3A_1297 = arith.addi %add3A, %add3A_1296 : i32
    %dma_start3A_1298 = arith.constant 0 : i32
    %dma_start3A_1299 = tpu.memref_slice %arg2[%add3A_1297, %dma_start3A_1298] : memref<128x32768xf32, #tpu.memory_space<hbm>> -> memref<1x32768xf32, #tpu.memory_space<hbm>>
    %dma_start3A_1300 = tpu.memref_squeeze %dma_start3A_1299 : memref<1x32768xf32, #tpu.memory_space<hbm>> -> memref<32768xf32, #tpu.memory_space<hbm>>
    %dma_start3A_1301 = arith.constant 0 : i32
    %dma_start3A_1302 = tpu.memref_slice %arg2[%add3A_1297, %dma_start3A_1301] : memref<128x32768xf32, #tpu.memory_space<hbm>> -> memref<1x32768xf32, #tpu.memory_space<hbm>>
    %dma_start3A_1303 = tpu.memref_squeeze %dma_start3A_1302 : memref<1x32768xf32, #tpu.memory_space<hbm>> -> memref<32768xf32, #tpu.memory_space<hbm>>
    tpu.enqueue_dma source(%dma_start3A_1303 : memref<32768xf32, #tpu.memory_space<hbm>>) target(%arg5 : memref<32768xf32, #tpu.memory_space<vmem>>) target_semaphore(%arg8 : memref<!tpu.dma_semaphore, #tpu.memory_space<semaphore_mem>>)
    %scan3A_1304 = arith.constant 0 : i32
    %scan3A_1305 = arith.constant 127 : i32
    %scan3A_1306 = arith.addi %scan3A_1304, %scan3A_1305 : i32
    %scan3A_1307 = arith.constant 1 : i32
    %scan3A_1308:16 = scf.for %scan3A_1947 = %scan3A_1304 to %scan3A_1306 step %scan3A_1307 iter_args(%scan3A_1948 = %broadcast_in_dim3A_8, %scan3A_1949 = %broadcast_in_dim3A_8, %scan3A_1950 = %broadcast_in_dim3A_8, %scan3A_1951 = %broadcast_in_dim3A_8, %scan3A_1952 = %broadcast_in_dim3A_8, %scan3A_1953 = %broadcast_in_dim3A_8, %scan3A_1954 = %broadcast_in_dim3A_8, %scan3A_1955 = %broadcast_in_dim3A_8, %scan3A_1956 = %broadcast_in_dim3A_8, %scan3A_1957 = %broadcast_in_dim3A_8, %scan3A_1958 = %broadcast_in_dim3A_8, %scan3A_1959 = %broadcast_in_dim3A_8, %scan3A_1960 = %broadcast_in_dim3A_8, %scan3A_1961 = %broadcast_in_dim3A_8, %scan3A_1962 = %broadcast_in_dim3A_8, %scan3A_1963 = %broadcast_in_dim3A_8) -> (vector<16xf32>, vector<16xf32>, vector<16xf32>, vector<16xf32>, vector<16xf32>, vector<16xf32>, vector<16xf32>, vector<16xf32>, vector<16xf32>, vector<16xf32>, vector<16xf32>, vector<16xf32>, vector<16xf32>, vector<16xf32>, vector<16xf32>, vector<16xf32>)  : i32 {
      %mul3A_1964 = arith.constant 16 : i32
      %mul3A_1965 = arith.muli %scan3A_1947, %mul3A_1964 : i32
      %add3A_1966 = arith.constant 0 : i32
      %add3A_1967 = arith.addi %mul3A_1965, %add3A_1966 : i32
      %add3A_1968 = vector.broadcast %add3A_1967 : i32 to vector<16xi32>
      %add3A_1969 = arith.addi %add3A_7, %add3A_1968 : vector<16xi32>
      %gather3A_1970 = tpu.vector_load_idx %arg4[%add3A_1969] : memref<32768xf32, #tpu.memory_space<vmem>>[vector<16xi32>], vector<16xf32>,
      %add3A_1971 = arith.addf %scan3A_1948, %gather3A_1970 : vector<16xf32>
      %add3A_1972 = arith.constant 1 : i32
      %add3A_1973 = arith.addi %mul3A_1965, %add3A_1972 : i32
      %add3A_1974 = vector.broadcast %add3A_1973 : i32 to vector<16xi32>
      %add3A_1975 = arith.addi %add3A_7, %add3A_1974 : vector<16xi32>
      %gather3A_1976 = tpu.vector_load_idx %arg4[%add3A_1975] : memref<32768xf32, #tpu.memory_space<vmem>>[vector<16xi32>], vector<16xf32>,
      %add3A_1977 = arith.addf %scan3A_1949, %gather3A_1976 : vector<16xf32>
      %add3A_1978 = arith.constant 2 : i32
      %add3A_1979 = arith.addi %mul3A_1965, %add3A_1978 : i32
      %add3A_1980 = vector.broadcast %add3A_1979 : i32 to vector<16xi32>
      %add3A_1981 = arith.addi %add3A_7, %add3A_1980 : vector<16xi32>
      %gather3A_1982 = tpu.vector_load_idx %arg4[%add3A_1981] : memref<32768xf32, #tpu.memory_space<vmem>>[vector<16xi32>], vector<16xf32>,
      %add3A_1983 = arith.addf %scan3A_1950, %gather3A_1982 : vector<16xf32>
      %add3A_1984 = arith.constant 3 : i32
      %add3A_1985 = arith.addi %mul3A_1965, %add3A_1984 : i32
      %add3A_1986 = vector.broadcast %add3A_1985 : i32 to vector<16xi32>
      %add3A_1987 = arith.addi %add3A_7, %add3A_1986 : vector<16xi32>
      %gather3A_1988 = tpu.vector_load_idx %arg4[%add3A_1987] : memref<32768xf32, #tpu.memory_space<vmem>>[vector<16xi32>], vector<16xf32>,
      %add3A_1989 = arith.addf %scan3A_1951, %gather3A_1988 : vector<16xf32>
      %add3A_1990 = arith.constant 4 : i32
      %add3A_1991 = arith.addi %mul3A_1965, %add3A_1990 : i32
      %add3A_1992 = vector.broadcast %add3A_1991 : i32 to vector<16xi32>
      %add3A_1993 = arith.addi %add3A_7, %add3A_1992 : vector<16xi32>
      %gather3A_1994 = tpu.vector_load_idx %arg4[%add3A_1993] : memref<32768xf32, #tpu.memory_space<vmem>>[vector<16xi32>], vector<16xf32>,
      %add3A_1995 = arith.addf %scan3A_1952, %gather3A_1994 : vector<16xf32>
      %add3A_1996 = arith.constant 5 : i32
      %add3A_1997 = arith.addi %mul3A_1965, %add3A_1996 : i32
      %add3A_1998 = vector.broadcast %add3A_1997 : i32 to vector<16xi32>
      %add3A_1999 = arith.addi %add3A_7, %add3A_1998 : vector<16xi32>
      %gather3A_2000 = tpu.vector_load_idx %arg4[%add3A_1999] : memref<32768xf32, #tpu.memory_space<vmem>>[vector<16xi32>], vector<16xf32>,
      %add3A_2001 = arith.addf %scan3A_1953, %gather3A_2000 : vector<16xf32>
      %add3A_2002 = arith.constant 6 : i32
      %add3A_2003 = arith.addi %mul3A_1965, %add3A_2002 : i32
      %add3A_2004 = vector.broadcast %add3A_2003 : i32 to vector<16xi32>
      %add3A_2005 = arith.addi %add3A_7, %add3A_2004 : vector<16xi32>
      %gather3A_2006 = tpu.vector_load_idx %arg4[%add3A_2005] : memref<32768xf32, #tpu.memory_space<vmem>>[vector<16xi32>], vector<16xf32>,
      %add3A_2007 = arith.addf %scan3A_1954, %gather3A_2006 : vector<16xf32>
      %add3A_2008 = arith.constant 7 : i32
      %add3A_2009 = arith.addi %mul3A_1965, %add3A_2008 : i32
      %add3A_2010 = vector.broadcast %add3A_2009 : i32 to vector<16xi32>
      %add3A_2011 = arith.addi %add3A_7, %add3A_2010 : vector<16xi32>
      %gather3A_2012 = tpu.vector_load_idx %arg4[%add3A_2011] : memref<32768xf32, #tpu.memory_space<vmem>>[vector<16xi32>], vector<16xf32>,
      %add3A_2013 = arith.addf %scan3A_1955, %gather3A_2012 : vector<16xf32>
      %add3A_2014 = arith.constant 8 : i32
      %add3A_2015 = arith.addi %mul3A_1965, %add3A_2014 : i32
      %add3A_2016 = vector.broadcast %add3A_2015 : i32 to vector<16xi32>
      %add3A_2017 = arith.addi %add3A_7, %add3A_2016 : vector<16xi32>
      %gather3A_2018 = tpu.vector_load_idx %arg4[%add3A_2017] : memref<32768xf32, #tpu.memory_space<vmem>>[vector<16xi32>], vector<16xf32>,
      %add3A_2019 = arith.addf %scan3A_1956, %gather3A_2018 : vector<16xf32>
      %add3A_2020 = arith.constant 9 : i32
      %add3A_2021 = arith.addi %mul3A_1965, %add3A_2020 : i32
      %add3A_2022 = vector.broadcast %add3A_2021 : i32 to vector<16xi32>
      %add3A_2023 = arith.addi %add3A_7, %add3A_2022 : vector<16xi32>
      %gather3A_2024 = tpu.vector_load_idx %arg4[%add3A_2023] : memref<32768xf32, #tpu.memory_space<vmem>>[vector<16xi32>], vector<16xf32>,
      %add3A_2025 = arith.addf %scan3A_1957, %gather3A_2024 : vector<16xf32>
      %add3A_2026 = arith.constant 10 : i32
      %add3A_2027 = arith.addi %mul3A_1965, %add3A_2026 : i32
      %add3A_2028 = vector.broadcast %add3A_2027 : i32 to vector<16xi32>
      %add3A_2029 = arith.addi %add3A_7, %add3A_2028 : vector<16xi32>
      %gather3A_2030 = tpu.vector_load_idx %arg4[%add3A_2029] : memref<32768xf32, #tpu.memory_space<vmem>>[vector<16xi32>], vector<16xf32>,
      %add3A_2031 = arith.addf %scan3A_1958, %gather3A_2030 : vector<16xf32>
      %add3A_2032 = arith.constant 11 : i32
      %add3A_2033 = arith.addi %mul3A_1965, %add3A_2032 : i32
      %add3A_2034 = vector.broadcast %add3A_2033 : i32 to vector<16xi32>
      %add3A_2035 = arith.addi %add3A_7, %add3A_2034 : vector<16xi32>
      %gather3A_2036 = tpu.vector_load_idx %arg4[%add3A_2035] : memref<32768xf32, #tpu.memory_space<vmem>>[vector<16xi32>], vector<16xf32>,
      %add3A_2037 = arith.addf %scan3A_1959, %gather3A_2036 : vector<16xf32>
      %add3A_2038 = arith.constant 12 : i32
      %add3A_2039 = arith.addi %mul3A_1965, %add3A_2038 : i32
      %add3A_2040 = vector.broadcast %add3A_2039 : i32 to vector<16xi32>
      %add3A_2041 = arith.addi %add3A_7, %add3A_2040 : vector<16xi32>
      %gather3A_2042 = tpu.vector_load_idx %arg4[%add3A_2041] : memref<32768xf32, #tpu.memory_space<vmem>>[vector<16xi32>], vector<16xf32>,
      %add3A_2043 = arith.addf %scan3A_1960, %gather3A_2042 : vector<16xf32>
      %add3A_2044 = arith.constant 13 : i32
      %add3A_2045 = arith.addi %mul3A_1965, %add3A_2044 : i32
      %add3A_2046 = vector.broadcast %add3A_2045 : i32 to vector<16xi32>
      %add3A_2047 = arith.addi %add3A_7, %add3A_2046 : vector<16xi32>
      %gather3A_2048 = tpu.vector_load_idx %arg4[%add3A_2047] : memref<32768xf32, #tpu.memory_space<vmem>>[vector<16xi32>], vector<16xf32>,
      %add3A_2049 = arith.addf %scan3A_1961, %gather3A_2048 : vector<16xf32>
      %add3A_2050 = arith.constant 14 : i32
      %add3A_2051 = arith.addi %mul3A_1965, %add3A_2050 : i32
      %add3A_2052 = vector.broadcast %add3A_2051 : i32 to vector<16xi32>
      %add3A_2053 = arith.addi %add3A_7, %add3A_2052 : vector<16xi32>
      %gather3A_2054 = tpu.vector_load_idx %arg4[%add3A_2053] : memref<32768xf32, #tpu.memory_space<vmem>>[vector<16xi32>], vector<16xf32>,
      %add3A_2055 = arith.addf %scan3A_1962, %gather3A_2054 : vector<16xf32>
      %add3A_2056 = arith.constant 15 : i32
      %add3A_2057 = arith.addi %mul3A_1965, %add3A_2056 : i32
      %add3A_2058 = vector.broadcast %add3A_2057 : i32 to vector<16xi32>
      %add3A_2059 = arith.addi %add3A_7, %add3A_2058 : vector<16xi32>
      %gather3A_2060 = tpu.vector_load_idx %arg4[%add3A_2059] : memref<32768xf32, #tpu.memory_space<vmem>>[vector<16xi32>], vector<16xf32>,
      %add3A_2061 = arith.addf %scan3A_1963, %gather3A_2060 : vector<16xf32>
      scf.yield %add3A_1971, %add3A_1977, %add3A_1983, %add3A_1989, %add3A_1995, %add3A_2001, %add3A_2007, %add3A_2013, %add3A_2019, %add3A_2025, %add3A_2031, %add3A_2037, %add3A_2043, %add3A_2049, %add3A_2055, %add3A_2061 : vector<16xf32>, vector<16xf32>, vector<16xf32>, vector<16xf32>, vector<16xf32>, vector<16xf32>, vector<16xf32>, vector<16xf32>, vector<16xf32>, vector<16xf32>, vector<16xf32>, vector<16xf32>, vector<16xf32>, vector<16xf32>, vector<16xf32>, vector<16xf32>
    }
    %scan3A_1309 = arith.constant 127 : i32
    %add3A_1310 = arith.addf %scan3A_1308#0, %scan3A_1308#1 : vector<16xf32>
    %add3A_1311 = arith.addf %add3A_1310, %scan3A_1308#2 : vector<16xf32>
    %add3A_1312 = arith.addf %add3A_1311, %scan3A_1308#3 : vector<16xf32>
    %add3A_1313 = arith.addf %add3A_1312, %scan3A_1308#4 : vector<16xf32>
    %add3A_1314 = arith.addf %add3A_1313, %scan3A_1308#5 : vector<16xf32>
    %add3A_1315 = arith.addf %add3A_1314, %scan3A_1308#6 : vector<16xf32>
    %add3A_1316 = arith.addf %add3A_1315, %scan3A_1308#7 : vector<16xf32>
    %add3A_1317 = arith.addf %add3A_1316, %scan3A_1308#8 : vector<16xf32>
    %add3A_1318 = arith.addf %add3A_1317, %scan3A_1308#9 : vector<16xf32>
    %add3A_1319 = arith.addf %add3A_1318, %scan3A_1308#10 : vector<16xf32>
    %add3A_1320 = arith.addf %add3A_1319, %scan3A_1308#11 : vector<16xf32>
    %add3A_1321 = arith.addf %add3A_1320, %scan3A_1308#12 : vector<16xf32>
    %add3A_1322 = arith.addf %add3A_1321, %scan3A_1308#13 : vector<16xf32>
    %add3A_1323 = arith.addf %add3A_1322, %scan3A_1308#14 : vector<16xf32>
    %add3A_1324 = arith.addf %add3A_1323, %scan3A_1308#15 : vector<16xf32>
    %add3A_1325 = arith.constant 2032 : i32
    %add3A_1326 = vector.broadcast %add3A_1325 : i32 to vector<16xi32>
    %add3A_1327 = arith.addi %add3A_7, %add3A_1326 : vector<16xi32>
    %ge3A_1328 = arith.cmpi sge, %add3A_1327, %add3A_6 : vector<16xi32>
    %add3A_1329 = arith.constant -16 : i32
    %add3A_1330 = vector.broadcast %add3A_1329 : i32 to vector<16xi32>
    %add3A_1331 = arith.addi %add3A_7, %add3A_1330 : vector<16xi32>
    %add3A_1332 = arith.constant 2032 : i32
    %add3A_1333 = vector.broadcast %add3A_1332 : i32 to vector<16xi32>
    %add3A_1334 = arith.addi %add3A_7, %add3A_1333 : vector<16xi32>
    %select_n3A_1335 = arith.select %ge3A_1328, %add3A_1331, %add3A_1334 : vector<16xi1>, vector<16xi32>
    %gather3A_1336 = tpu.vector_load_idx %arg4[%select_n3A_1335] : memref<32768xf32, #tpu.memory_space<vmem>>[vector<16xi32>], vector<16xf32>,
    %add3A_1337 = arith.addf %add3A_1324, %gather3A_1336 : vector<16xf32>
    %select_n3A_1338 = arith.select %ge3A_1328, %gather3A_1336, %broadcast_in_dim3A_8 : vector<16xi1>, vector<16xf32>
    %add3A_1339 = arith.addf %broadcast_in_dim3A_8, %select_n3A_1338 : vector<16xf32>
    %add3A_1340 = arith.constant 2033 : i32
    %add3A_1341 = vector.broadcast %add3A_1340 : i32 to vector<16xi32>
    %add3A_1342 = arith.addi %add3A_7, %add3A_1341 : vector<16xi32>
    %ge3A_1343 = arith.cmpi sge, %add3A_1342, %add3A_6 : vector<16xi32>
    %add3A_1344 = arith.constant -15 : i32
    %add3A_1345 = vector.broadcast %add3A_1344 : i32 to vector<16xi32>
    %add3A_1346 = arith.addi %add3A_7, %add3A_1345 : vector<16xi32>
    %add3A_1347 = arith.constant 2033 : i32
    %add3A_1348 = vector.broadcast %add3A_1347 : i32 to vector<16xi32>
    %add3A_1349 = arith.addi %add3A_7, %add3A_1348 : vector<16xi32>
    %select_n3A_1350 = arith.select %ge3A_1343, %add3A_1346, %add3A_1349 : vector<16xi1>, vector<16xi32>
    %gather3A_1351 = tpu.vector_load_idx %arg4[%select_n3A_1350] : memref<32768xf32, #tpu.memory_space<vmem>>[vector<16xi32>], vector<16xf32>,
    %add3A_1352 = arith.addf %add3A_1337, %gather3A_1351 : vector<16xf32>
    %select_n3A_1353 = arith.select %ge3A_1343, %gather3A_1351, %broadcast_in_dim3A_8 : vector<16xi1>, vector<16xf32>
    %add3A_1354 = arith.addf %add3A_1339, %select_n3A_1353 : vector<16xf32>
    %add3A_1355 = arith.constant 2034 : i32
    %add3A_1356 = vector.broadcast %add3A_1355 : i32 to vector<16xi32>
    %add3A_1357 = arith.addi %add3A_7, %add3A_1356 : vector<16xi32>
    %ge3A_1358 = arith.cmpi sge, %add3A_1357, %add3A_6 : vector<16xi32>
    %add3A_1359 = arith.constant -14 : i32
    %add3A_1360 = vector.broadcast %add3A_1359 : i32 to vector<16xi32>
    %add3A_1361 = arith.addi %add3A_7, %add3A_1360 : vector<16xi32>
    %add3A_1362 = arith.constant 2034 : i32
    %add3A_1363 = vector.broadcast %add3A_1362 : i32 to vector<16xi32>
    %add3A_1364 = arith.addi %add3A_7, %add3A_1363 : vector<16xi32>
    %select_n3A_1365 = arith.select %ge3A_1358, %add3A_1361, %add3A_1364 : vector<16xi1>, vector<16xi32>
    %gather3A_1366 = tpu.vector_load_idx %arg4[%select_n3A_1365] : memref<32768xf32, #tpu.memory_space<vmem>>[vector<16xi32>], vector<16xf32>,
    %add3A_1367 = arith.addf %add3A_1352, %gather3A_1366 : vector<16xf32>
    %select_n3A_1368 = arith.select %ge3A_1358, %gather3A_1366, %broadcast_in_dim3A_8 : vector<16xi1>, vector<16xf32>
    %add3A_1369 = arith.addf %add3A_1354, %select_n3A_1368 : vector<16xf32>
    %add3A_1370 = arith.constant 2035 : i32
    %add3A_1371 = vector.broadcast %add3A_1370 : i32 to vector<16xi32>
    %add3A_1372 = arith.addi %add3A_7, %add3A_1371 : vector<16xi32>
    %ge3A_1373 = arith.cmpi sge, %add3A_1372, %add3A_6 : vector<16xi32>
    %add3A_1374 = arith.constant -13 : i32
    %add3A_1375 = vector.broadcast %add3A_1374 : i32 to vector<16xi32>
    %add3A_1376 = arith.addi %add3A_7, %add3A_1375 : vector<16xi32>
    %add3A_1377 = arith.constant 2035 : i32
    %add3A_1378 = vector.broadcast %add3A_1377 : i32 to vector<16xi32>
    %add3A_1379 = arith.addi %add3A_7, %add3A_1378 : vector<16xi32>
    %select_n3A_1380 = arith.select %ge3A_1373, %add3A_1376, %add3A_1379 : vector<16xi1>, vector<16xi32>
    %gather3A_1381 = tpu.vector_load_idx %arg4[%select_n3A_1380] : memref<32768xf32, #tpu.memory_space<vmem>>[vector<16xi32>], vector<16xf32>,
    %add3A_1382 = arith.addf %add3A_1367, %gather3A_1381 : vector<16xf32>
    %select_n3A_1383 = arith.select %ge3A_1373, %gather3A_1381, %broadcast_in_dim3A_8 : vector<16xi1>, vector<16xf32>
    %add3A_1384 = arith.addf %add3A_1369, %select_n3A_1383 : vector<16xf32>
    %add3A_1385 = arith.constant 2036 : i32
    %add3A_1386 = vector.broadcast %add3A_1385 : i32 to vector<16xi32>
    %add3A_1387 = arith.addi %add3A_7, %add3A_1386 : vector<16xi32>
    %ge3A_1388 = arith.cmpi sge, %add3A_1387, %add3A_6 : vector<16xi32>
    %add3A_1389 = arith.constant -12 : i32
    %add3A_1390 = vector.broadcast %add3A_1389 : i32 to vector<16xi32>
    %add3A_1391 = arith.addi %add3A_7, %add3A_1390 : vector<16xi32>
    %add3A_1392 = arith.constant 2036 : i32
    %add3A_1393 = vector.broadcast %add3A_1392 : i32 to vector<16xi32>
    %add3A_1394 = arith.addi %add3A_7, %add3A_1393 : vector<16xi32>
    %select_n3A_1395 = arith.select %ge3A_1388, %add3A_1391, %add3A_1394 : vector<16xi1>, vector<16xi32>
    %gather3A_1396 = tpu.vector_load_idx %arg4[%select_n3A_1395] : memref<32768xf32, #tpu.memory_space<vmem>>[vector<16xi32>], vector<16xf32>,
    %add3A_1397 = arith.addf %add3A_1382, %gather3A_1396 : vector<16xf32>
    %select_n3A_1398 = arith.select %ge3A_1388, %gather3A_1396, %broadcast_in_dim3A_8 : vector<16xi1>, vector<16xf32>
    %add3A_1399 = arith.addf %add3A_1384, %select_n3A_1398 : vector<16xf32>
    %add3A_1400 = arith.constant 2037 : i32
    %add3A_1401 = vector.broadcast %add3A_1400 : i32 to vector<16xi32>
    %add3A_1402 = arith.addi %add3A_7, %add3A_1401 : vector<16xi32>
    %ge3A_1403 = arith.cmpi sge, %add3A_1402, %add3A_6 : vector<16xi32>
    %add3A_1404 = arith.constant -11 : i32
    %add3A_1405 = vector.broadcast %add3A_1404 : i32 to vector<16xi32>
    %add3A_1406 = arith.addi %add3A_7, %add3A_1405 : vector<16xi32>
    %add3A_1407 = arith.constant 2037 : i32
    %add3A_1408 = vector.broadcast %add3A_1407 : i32 to vector<16xi32>
    %add3A_1409 = arith.addi %add3A_7, %add3A_1408 : vector<16xi32>
    %select_n3A_1410 = arith.select %ge3A_1403, %add3A_1406, %add3A_1409 : vector<16xi1>, vector<16xi32>
    %gather3A_1411 = tpu.vector_load_idx %arg4[%select_n3A_1410] : memref<32768xf32, #tpu.memory_space<vmem>>[vector<16xi32>], vector<16xf32>,
    %add3A_1412 = arith.addf %add3A_1397, %gather3A_1411 : vector<16xf32>
    %select_n3A_1413 = arith.select %ge3A_1403, %gather3A_1411, %broadcast_in_dim3A_8 : vector<16xi1>, vector<16xf32>
    %add3A_1414 = arith.addf %add3A_1399, %select_n3A_1413 : vector<16xf32>
    %add3A_1415 = arith.constant 2038 : i32
    %add3A_1416 = vector.broadcast %add3A_1415 : i32 to vector<16xi32>
    %add3A_1417 = arith.addi %add3A_7, %add3A_1416 : vector<16xi32>
    %ge3A_1418 = arith.cmpi sge, %add3A_1417, %add3A_6 : vector<16xi32>
    %add3A_1419 = arith.constant -10 : i32
    %add3A_1420 = vector.broadcast %add3A_1419 : i32 to vector<16xi32>
    %add3A_1421 = arith.addi %add3A_7, %add3A_1420 : vector<16xi32>
    %add3A_1422 = arith.constant 2038 : i32
    %add3A_1423 = vector.broadcast %add3A_1422 : i32 to vector<16xi32>
    %add3A_1424 = arith.addi %add3A_7, %add3A_1423 : vector<16xi32>
    %select_n3A_1425 = arith.select %ge3A_1418, %add3A_1421, %add3A_1424 : vector<16xi1>, vector<16xi32>
    %gather3A_1426 = tpu.vector_load_idx %arg4[%select_n3A_1425] : memref<32768xf32, #tpu.memory_space<vmem>>[vector<16xi32>], vector<16xf32>,
    %add3A_1427 = arith.addf %add3A_1412, %gather3A_1426 : vector<16xf32>
    %select_n3A_1428 = arith.select %ge3A_1418, %gather3A_1426, %broadcast_in_dim3A_8 : vector<16xi1>, vector<16xf32>
    %add3A_1429 = arith.addf %add3A_1414, %select_n3A_1428 : vector<16xf32>
    %add3A_1430 = arith.constant 2039 : i32
    %add3A_1431 = vector.broadcast %add3A_1430 : i32 to vector<16xi32>
    %add3A_1432 = arith.addi %add3A_7, %add3A_1431 : vector<16xi32>
    %ge3A_1433 = arith.cmpi sge, %add3A_1432, %add3A_6 : vector<16xi32>
    %add3A_1434 = arith.constant -9 : i32
    %add3A_1435 = vector.broadcast %add3A_1434 : i32 to vector<16xi32>
    %add3A_1436 = arith.addi %add3A_7, %add3A_1435 : vector<16xi32>
    %add3A_1437 = arith.constant 2039 : i32
    %add3A_1438 = vector.broadcast %add3A_1437 : i32 to vector<16xi32>
    %add3A_1439 = arith.addi %add3A_7, %add3A_1438 : vector<16xi32>
    %select_n3A_1440 = arith.select %ge3A_1433, %add3A_1436, %add3A_1439 : vector<16xi1>, vector<16xi32>
    %gather3A_1441 = tpu.vector_load_idx %arg4[%select_n3A_1440] : memref<32768xf32, #tpu.memory_space<vmem>>[vector<16xi32>], vector<16xf32>,
    %add3A_1442 = arith.addf %add3A_1427, %gather3A_1441 : vector<16xf32>
    %select_n3A_1443 = arith.select %ge3A_1433, %gather3A_1441, %broadcast_in_dim3A_8 : vector<16xi1>, vector<16xf32>
    %add3A_1444 = arith.addf %add3A_1429, %select_n3A_1443 : vector<16xf32>
    %add3A_1445 = arith.constant 2040 : i32
    %add3A_1446 = vector.broadcast %add3A_1445 : i32 to vector<16xi32>
    %add3A_1447 = arith.addi %add3A_7, %add3A_1446 : vector<16xi32>
    %ge3A_1448 = arith.cmpi sge, %add3A_1447, %add3A_6 : vector<16xi32>
    %add3A_1449 = arith.constant -8 : i32
    %add3A_1450 = vector.broadcast %add3A_1449 : i32 to vector<16xi32>
    %add3A_1451 = arith.addi %add3A_7, %add3A_1450 : vector<16xi32>
    %add3A_1452 = arith.constant 2040 : i32
    %add3A_1453 = vector.broadcast %add3A_1452 : i32 to vector<16xi32>
    %add3A_1454 = arith.addi %add3A_7, %add3A_1453 : vector<16xi32>
    %select_n3A_1455 = arith.select %ge3A_1448, %add3A_1451, %add3A_1454 : vector<16xi1>, vector<16xi32>
    %gather3A_1456 = tpu.vector_load_idx %arg4[%select_n3A_1455] : memref<32768xf32, #tpu.memory_space<vmem>>[vector<16xi32>], vector<16xf32>,
    %add3A_1457 = arith.addf %add3A_1442, %gather3A_1456 : vector<16xf32>
    %select_n3A_1458 = arith.select %ge3A_1448, %gather3A_1456, %broadcast_in_dim3A_8 : vector<16xi1>, vector<16xf32>
    %add3A_1459 = arith.addf %add3A_1444, %select_n3A_1458 : vector<16xf32>
    %add3A_1460 = arith.constant 2041 : i32
    %add3A_1461 = vector.broadcast %add3A_1460 : i32 to vector<16xi32>
    %add3A_1462 = arith.addi %add3A_7, %add3A_1461 : vector<16xi32>
    %ge3A_1463 = arith.cmpi sge, %add3A_1462, %add3A_6 : vector<16xi32>
    %add3A_1464 = arith.constant -7 : i32
    %add3A_1465 = vector.broadcast %add3A_1464 : i32 to vector<16xi32>
    %add3A_1466 = arith.addi %add3A_7, %add3A_1465 : vector<16xi32>
    %add3A_1467 = arith.constant 2041 : i32
    %add3A_1468 = vector.broadcast %add3A_1467 : i32 to vector<16xi32>
    %add3A_1469 = arith.addi %add3A_7, %add3A_1468 : vector<16xi32>
    %select_n3A_1470 = arith.select %ge3A_1463, %add3A_1466, %add3A_1469 : vector<16xi1>, vector<16xi32>
    %gather3A_1471 = tpu.vector_load_idx %arg4[%select_n3A_1470] : memref<32768xf32, #tpu.memory_space<vmem>>[vector<16xi32>], vector<16xf32>,
    %add3A_1472 = arith.addf %add3A_1457, %gather3A_1471 : vector<16xf32>
    %select_n3A_1473 = arith.select %ge3A_1463, %gather3A_1471, %broadcast_in_dim3A_8 : vector<16xi1>, vector<16xf32>
    %add3A_1474 = arith.addf %add3A_1459, %select_n3A_1473 : vector<16xf32>
    %add3A_1475 = arith.constant 2042 : i32
    %add3A_1476 = vector.broadcast %add3A_1475 : i32 to vector<16xi32>
    %add3A_1477 = arith.addi %add3A_7, %add3A_1476 : vector<16xi32>
    %ge3A_1478 = arith.cmpi sge, %add3A_1477, %add3A_6 : vector<16xi32>
    %add3A_1479 = arith.constant -6 : i32
    %add3A_1480 = vector.broadcast %add3A_1479 : i32 to vector<16xi32>
    %add3A_1481 = arith.addi %add3A_7, %add3A_1480 : vector<16xi32>
    %add3A_1482 = arith.constant 2042 : i32
    %add3A_1483 = vector.broadcast %add3A_1482 : i32 to vector<16xi32>
    %add3A_1484 = arith.addi %add3A_7, %add3A_1483 : vector<16xi32>
    %select_n3A_1485 = arith.select %ge3A_1478, %add3A_1481, %add3A_1484 : vector<16xi1>, vector<16xi32>
    %gather3A_1486 = tpu.vector_load_idx %arg4[%select_n3A_1485] : memref<32768xf32, #tpu.memory_space<vmem>>[vector<16xi32>], vector<16xf32>,
    %add3A_1487 = arith.addf %add3A_1472, %gather3A_1486 : vector<16xf32>
    %select_n3A_1488 = arith.select %ge3A_1478, %gather3A_1486, %broadcast_in_dim3A_8 : vector<16xi1>, vector<16xf32>
    %add3A_1489 = arith.addf %add3A_1474, %select_n3A_1488 : vector<16xf32>
    %add3A_1490 = arith.constant 2043 : i32
    %add3A_1491 = vector.broadcast %add3A_1490 : i32 to vector<16xi32>
    %add3A_1492 = arith.addi %add3A_7, %add3A_1491 : vector<16xi32>
    %ge3A_1493 = arith.cmpi sge, %add3A_1492, %add3A_6 : vector<16xi32>
    %add3A_1494 = arith.constant -5 : i32
    %add3A_1495 = vector.broadcast %add3A_1494 : i32 to vector<16xi32>
    %add3A_1496 = arith.addi %add3A_7, %add3A_1495 : vector<16xi32>
    %add3A_1497 = arith.constant 2043 : i32
    %add3A_1498 = vector.broadcast %add3A_1497 : i32 to vector<16xi32>
    %add3A_1499 = arith.addi %add3A_7, %add3A_1498 : vector<16xi32>
    %select_n3A_1500 = arith.select %ge3A_1493, %add3A_1496, %add3A_1499 : vector<16xi1>, vector<16xi32>
    %gather3A_1501 = tpu.vector_load_idx %arg4[%select_n3A_1500] : memref<32768xf32, #tpu.memory_space<vmem>>[vector<16xi32>], vector<16xf32>,
    %add3A_1502 = arith.addf %add3A_1487, %gather3A_1501 : vector<16xf32>
    %select_n3A_1503 = arith.select %ge3A_1493, %gather3A_1501, %broadcast_in_dim3A_8 : vector<16xi1>, vector<16xf32>
    %add3A_1504 = arith.addf %add3A_1489, %select_n3A_1503 : vector<16xf32>
    %add3A_1505 = arith.constant 2044 : i32
    %add3A_1506 = vector.broadcast %add3A_1505 : i32 to vector<16xi32>
    %add3A_1507 = arith.addi %add3A_7, %add3A_1506 : vector<16xi32>
    %ge3A_1508 = arith.cmpi sge, %add3A_1507, %add3A_6 : vector<16xi32>
    %add3A_1509 = arith.constant -4 : i32
    %add3A_1510 = vector.broadcast %add3A_1509 : i32 to vector<16xi32>
    %add3A_1511 = arith.addi %add3A_7, %add3A_1510 : vector<16xi32>
    %add3A_1512 = arith.constant 2044 : i32
    %add3A_1513 = vector.broadcast %add3A_1512 : i32 to vector<16xi32>
    %add3A_1514 = arith.addi %add3A_7, %add3A_1513 : vector<16xi32>
    %select_n3A_1515 = arith.select %ge3A_1508, %add3A_1511, %add3A_1514 : vector<16xi1>, vector<16xi32>
    %gather3A_1516 = tpu.vector_load_idx %arg4[%select_n3A_1515] : memref<32768xf32, #tpu.memory_space<vmem>>[vector<16xi32>], vector<16xf32>,
    %add3A_1517 = arith.addf %add3A_1502, %gather3A_1516 : vector<16xf32>
    %select_n3A_1518 = arith.select %ge3A_1508, %gather3A_1516, %broadcast_in_dim3A_8 : vector<16xi1>, vector<16xf32>
    %add3A_1519 = arith.addf %add3A_1504, %select_n3A_1518 : vector<16xf32>
    %add3A_1520 = arith.constant 2045 : i32
    %add3A_1521 = vector.broadcast %add3A_1520 : i32 to vector<16xi32>
    %add3A_1522 = arith.addi %add3A_7, %add3A_1521 : vector<16xi32>
    %ge3A_1523 = arith.cmpi sge, %add3A_1522, %add3A_6 : vector<16xi32>
    %add3A_1524 = arith.constant -3 : i32
    %add3A_1525 = vector.broadcast %add3A_1524 : i32 to vector<16xi32>
    %add3A_1526 = arith.addi %add3A_7, %add3A_1525 : vector<16xi32>
    %add3A_1527 = arith.constant 2045 : i32
    %add3A_1528 = vector.broadcast %add3A_1527 : i32 to vector<16xi32>
    %add3A_1529 = arith.addi %add3A_7, %add3A_1528 : vector<16xi32>
    %select_n3A_1530 = arith.select %ge3A_1523, %add3A_1526, %add3A_1529 : vector<16xi1>, vector<16xi32>
    %gather3A_1531 = tpu.vector_load_idx %arg4[%select_n3A_1530] : memref<32768xf32, #tpu.memory_space<vmem>>[vector<16xi32>], vector<16xf32>,
    %add3A_1532 = arith.addf %add3A_1517, %gather3A_1531 : vector<16xf32>
    %select_n3A_1533 = arith.select %ge3A_1523, %gather3A_1531, %broadcast_in_dim3A_8 : vector<16xi1>, vector<16xf32>
    %add3A_1534 = arith.addf %add3A_1519, %select_n3A_1533 : vector<16xf32>
    %add3A_1535 = arith.constant 2046 : i32
    %add3A_1536 = vector.broadcast %add3A_1535 : i32 to vector<16xi32>
    %add3A_1537 = arith.addi %add3A_7, %add3A_1536 : vector<16xi32>
    %ge3A_1538 = arith.cmpi sge, %add3A_1537, %add3A_6 : vector<16xi32>
    %add3A_1539 = arith.constant -2 : i32
    %add3A_1540 = vector.broadcast %add3A_1539 : i32 to vector<16xi32>
    %add3A_1541 = arith.addi %add3A_7, %add3A_1540 : vector<16xi32>
    %add3A_1542 = arith.constant 2046 : i32
    %add3A_1543 = vector.broadcast %add3A_1542 : i32 to vector<16xi32>
    %add3A_1544 = arith.addi %add3A_7, %add3A_1543 : vector<16xi32>
    %select_n3A_1545 = arith.select %ge3A_1538, %add3A_1541, %add3A_1544 : vector<16xi1>, vector<16xi32>
    %gather3A_1546 = tpu.vector_load_idx %arg4[%select_n3A_1545] : memref<32768xf32, #tpu.memory_space<vmem>>[vector<16xi32>], vector<16xf32>,
    %add3A_1547 = arith.addf %add3A_1532, %gather3A_1546 : vector<16xf32>
    %select_n3A_1548 = arith.select %ge3A_1538, %gather3A_1546, %broadcast_in_dim3A_8 : vector<16xi1>, vector<16xf32>
    %add3A_1549 = arith.addf %add3A_1534, %select_n3A_1548 : vector<16xf32>
    %add3A_1550 = arith.constant 2047 : i32
    %add3A_1551 = vector.broadcast %add3A_1550 : i32 to vector<16xi32>
    %add3A_1552 = arith.addi %add3A_7, %add3A_1551 : vector<16xi32>
    %ge3A_1553 = arith.cmpi sge, %add3A_1552, %add3A_6 : vector<16xi32>
    %add3A_1554 = arith.constant -1 : i32
    %add3A_1555 = vector.broadcast %add3A_1554 : i32 to vector<16xi32>
    %add3A_1556 = arith.addi %add3A_7, %add3A_1555 : vector<16xi32>
    %add3A_1557 = arith.constant 2047 : i32
    %add3A_1558 = vector.broadcast %add3A_1557 : i32 to vector<16xi32>
    %add3A_1559 = arith.addi %add3A_7, %add3A_1558 : vector<16xi32>
    %select_n3A_1560 = arith.select %ge3A_1553, %add3A_1556, %add3A_1559 : vector<16xi1>, vector<16xi32>
    %gather3A_1561 = tpu.vector_load_idx %arg4[%select_n3A_1560] : memref<32768xf32, #tpu.memory_space<vmem>>[vector<16xi32>], vector<16xf32>,
    %add3A_1562 = arith.addf %add3A_1547, %gather3A_1561 : vector<16xf32>
    %select_n3A_1563 = arith.select %ge3A_1553, %gather3A_1561, %broadcast_in_dim3A_8 : vector<16xi1>, vector<16xf32>
    %add3A_1564 = arith.addf %add3A_1549, %select_n3A_1563 : vector<16xf32>
    %broadcast_in_dim3A_1565 = arith.constant true
    %broadcast_in_dim3A_1566 = vector.broadcast %broadcast_in_dim3A_1565 : i1 to vector<16xi1>
    %masked_cumsum3A_1567 = tpu.scan <sum>, %add3A_1562 masked %broadcast_in_dim3A_1566 : vector<16xf32>, vector<16xi1> -> vector<16xf32>
    %sub3A_1568 = arith.subf %masked_cumsum3A_1567, %add3A_1562 : vector<16xf32>
    %dma_wait3A_1569 = arith.constant 0 : i32
    %dma_wait3A_1570 = tpu.memref_slice %arg3[%add3A_645, %dma_wait3A_1569] : memref<127x32769xf32, #tpu.memory_space<hbm>> -> memref<1x32769xf32, #tpu.memory_space<hbm>>
    %dma_wait3A_1571 = tpu.memref_squeeze %dma_wait3A_1570 : memref<1x32769xf32, #tpu.memory_space<hbm>> -> memref<32769xf32, #tpu.memory_space<hbm>>
    %dma_wait3A_1572 = arith.constant 0 : i32
    %dma_wait3A_1573 = tpu.memref_slice %arg3[%add3A_645, %dma_wait3A_1572] : memref<127x32769xf32, #tpu.memory_space<hbm>> -> memref<1x32769xf32, #tpu.memory_space<hbm>>
    %dma_wait3A_1574 = tpu.memref_squeeze %dma_wait3A_1573 : memref<1x32769xf32, #tpu.memory_space<hbm>> -> memref<32769xf32, #tpu.memory_space<hbm>>
    tpu.wait_dma2 semaphore(%arg9 : memref<!tpu.dma_semaphore, #tpu.memory_space<semaphore_mem>>) src(%arg6 : memref<32769xf32, #tpu.memory_space<vmem>>) dst(%dma_wait3A_1574 : memref<32769xf32, #tpu.memory_space<hbm>>)
    %add3A_1575 = arith.constant 1 : i32
    %add3A_1576 = vector.broadcast %add3A_1575 : i32 to vector<16xi32>
    %add3A_1577 = arith.addi %add3A_7, %add3A_1576 : vector<16xi32>
    %add3A_1578 = arith.addf %sub3A_1568, %add3A_1564 : vector<16xf32>
    %scan3A_1579 = arith.constant 0 : i32
    %scan3A_1580 = arith.constant 127 : i32
    %scan3A_1581 = arith.addi %scan3A_1579, %scan3A_1580 : i32
    %scan3A_1582 = arith.constant 1 : i32
    %scan3A_1583 = scf.for %scan3A_1947 = %scan3A_1579 to %scan3A_1581 step %scan3A_1582 iter_args(%scan3A_1948 = %add3A_1578) -> (vector<16xf32>)  : i32 {
      %mul3A_1949 = arith.constant 16 : i32
      %mul3A_1950 = arith.muli %scan3A_1947, %mul3A_1949 : i32
      %add3A_1951 = arith.constant 0 : i32
      %add3A_1952 = arith.addi %mul3A_1950, %add3A_1951 : i32
      %add3A_1953 = vector.broadcast %add3A_1952 : i32 to vector<16xi32>
      %add3A_1954 = arith.addi %add3A_7, %add3A_1953 : vector<16xi32>
      %gather3A_1955 = tpu.vector_load_idx %arg4[%add3A_1954] : memref<32768xf32, #tpu.memory_space<vmem>>[vector<16xi32>], vector<16xf32>,
      %add3A_1956 = arith.constant 1 : i32
      %add3A_1957 = arith.addi %mul3A_1950, %add3A_1956 : i32
      %add3A_1958 = vector.broadcast %add3A_1957 : i32 to vector<16xi32>
      %add3A_1959 = arith.addi %add3A_7, %add3A_1958 : vector<16xi32>
      %gather3A_1960 = tpu.vector_load_idx %arg4[%add3A_1959] : memref<32768xf32, #tpu.memory_space<vmem>>[vector<16xi32>], vector<16xf32>,
      %add3A_1961 = arith.constant 2 : i32
      %add3A_1962 = arith.addi %mul3A_1950, %add3A_1961 : i32
      %add3A_1963 = vector.broadcast %add3A_1962 : i32 to vector<16xi32>
      %add3A_1964 = arith.addi %add3A_7, %add3A_1963 : vector<16xi32>
      %gather3A_1965 = tpu.vector_load_idx %arg4[%add3A_1964] : memref<32768xf32, #tpu.memory_space<vmem>>[vector<16xi32>], vector<16xf32>,
      %add3A_1966 = arith.constant 3 : i32
      %add3A_1967 = arith.addi %mul3A_1950, %add3A_1966 : i32
      %add3A_1968 = vector.broadcast %add3A_1967 : i32 to vector<16xi32>
      %add3A_1969 = arith.addi %add3A_7, %add3A_1968 : vector<16xi32>
      %gather3A_1970 = tpu.vector_load_idx %arg4[%add3A_1969] : memref<32768xf32, #tpu.memory_space<vmem>>[vector<16xi32>], vector<16xf32>,
      %add3A_1971 = arith.constant 4 : i32
      %add3A_1972 = arith.addi %mul3A_1950, %add3A_1971 : i32
      %add3A_1973 = vector.broadcast %add3A_1972 : i32 to vector<16xi32>
      %add3A_1974 = arith.addi %add3A_7, %add3A_1973 : vector<16xi32>
      %gather3A_1975 = tpu.vector_load_idx %arg4[%add3A_1974] : memref<32768xf32, #tpu.memory_space<vmem>>[vector<16xi32>], vector<16xf32>,
      %add3A_1976 = arith.constant 5 : i32
      %add3A_1977 = arith.addi %mul3A_1950, %add3A_1976 : i32
      %add3A_1978 = vector.broadcast %add3A_1977 : i32 to vector<16xi32>
      %add3A_1979 = arith.addi %add3A_7, %add3A_1978 : vector<16xi32>
      %gather3A_1980 = tpu.vector_load_idx %arg4[%add3A_1979] : memref<32768xf32, #tpu.memory_space<vmem>>[vector<16xi32>], vector<16xf32>,
      %add3A_1981 = arith.constant 6 : i32
      %add3A_1982 = arith.addi %mul3A_1950, %add3A_1981 : i32
      %add3A_1983 = vector.broadcast %add3A_1982 : i32 to vector<16xi32>
      %add3A_1984 = arith.addi %add3A_7, %add3A_1983 : vector<16xi32>
      %gather3A_1985 = tpu.vector_load_idx %arg4[%add3A_1984] : memref<32768xf32, #tpu.memory_space<vmem>>[vector<16xi32>], vector<16xf32>,
      %add3A_1986 = arith.constant 7 : i32
      %add3A_1987 = arith.addi %mul3A_1950, %add3A_1986 : i32
      %add3A_1988 = vector.broadcast %add3A_1987 : i32 to vector<16xi32>
      %add3A_1989 = arith.addi %add3A_7, %add3A_1988 : vector<16xi32>
      %gather3A_1990 = tpu.vector_load_idx %arg4[%add3A_1989] : memref<32768xf32, #tpu.memory_space<vmem>>[vector<16xi32>], vector<16xf32>,
      %add3A_1991 = arith.constant 8 : i32
      %add3A_1992 = arith.addi %mul3A_1950, %add3A_1991 : i32
      %add3A_1993 = vector.broadcast %add3A_1992 : i32 to vector<16xi32>
      %add3A_1994 = arith.addi %add3A_7, %add3A_1993 : vector<16xi32>
      %gather3A_1995 = tpu.vector_load_idx %arg4[%add3A_1994] : memref<32768xf32, #tpu.memory_space<vmem>>[vector<16xi32>], vector<16xf32>,
      %add3A_1996 = arith.constant 9 : i32
      %add3A_1997 = arith.addi %mul3A_1950, %add3A_1996 : i32
      %add3A_1998 = vector.broadcast %add3A_1997 : i32 to vector<16xi32>
      %add3A_1999 = arith.addi %add3A_7, %add3A_1998 : vector<16xi32>
      %gather3A_2000 = tpu.vector_load_idx %arg4[%add3A_1999] : memref<32768xf32, #tpu.memory_space<vmem>>[vector<16xi32>], vector<16xf32>,
      %add3A_2001 = arith.constant 10 : i32
      %add3A_2002 = arith.addi %mul3A_1950, %add3A_2001 : i32
      %add3A_2003 = vector.broadcast %add3A_2002 : i32 to vector<16xi32>
      %add3A_2004 = arith.addi %add3A_7, %add3A_2003 : vector<16xi32>
      %gather3A_2005 = tpu.vector_load_idx %arg4[%add3A_2004] : memref<32768xf32, #tpu.memory_space<vmem>>[vector<16xi32>], vector<16xf32>,
      %add3A_2006 = arith.constant 11 : i32
      %add3A_2007 = arith.addi %mul3A_1950, %add3A_2006 : i32
      %add3A_2008 = vector.broadcast %add3A_2007 : i32 to vector<16xi32>
      %add3A_2009 = arith.addi %add3A_7, %add3A_2008 : vector<16xi32>
      %gather3A_2010 = tpu.vector_load_idx %arg4[%add3A_2009] : memref<32768xf32, #tpu.memory_space<vmem>>[vector<16xi32>], vector<16xf32>,
      %add3A_2011 = arith.constant 12 : i32
      %add3A_2012 = arith.addi %mul3A_1950, %add3A_2011 : i32
      %add3A_2013 = vector.broadcast %add3A_2012 : i32 to vector<16xi32>
      %add3A_2014 = arith.addi %add3A_7, %add3A_2013 : vector<16xi32>
      %gather3A_2015 = tpu.vector_load_idx %arg4[%add3A_2014] : memref<32768xf32, #tpu.memory_space<vmem>>[vector<16xi32>], vector<16xf32>,
      %add3A_2016 = arith.constant 13 : i32
      %add3A_2017 = arith.addi %mul3A_1950, %add3A_2016 : i32
      %add3A_2018 = vector.broadcast %add3A_2017 : i32 to vector<16xi32>
      %add3A_2019 = arith.addi %add3A_7, %add3A_2018 : vector<16xi32>
      %gather3A_2020 = tpu.vector_load_idx %arg4[%add3A_2019] : memref<32768xf32, #tpu.memory_space<vmem>>[vector<16xi32>], vector<16xf32>,
      %add3A_2021 = arith.constant 14 : i32
      %add3A_2022 = arith.addi %mul3A_1950, %add3A_2021 : i32
      %add3A_2023 = vector.broadcast %add3A_2022 : i32 to vector<16xi32>
      %add3A_2024 = arith.addi %add3A_7, %add3A_2023 : vector<16xi32>
      %gather3A_2025 = tpu.vector_load_idx %arg4[%add3A_2024] : memref<32768xf32, #tpu.memory_space<vmem>>[vector<16xi32>], vector<16xf32>,
      %add3A_2026 = arith.constant 15 : i32
      %add3A_2027 = arith.addi %mul3A_1950, %add3A_2026 : i32
      %add3A_2028 = vector.broadcast %add3A_2027 : i32 to vector<16xi32>
      %add3A_2029 = arith.addi %add3A_7, %add3A_2028 : vector<16xi32>
      %gather3A_2030 = tpu.vector_load_idx %arg4[%add3A_2029] : memref<32768xf32, #tpu.memory_space<vmem>>[vector<16xi32>], vector<16xf32>,
      %add3A_2031 = arith.addf %gather3A_1955, %gather3A_1960 : vector<16xf32>
      %add3A_2032 = arith.addf %add3A_2031, %gather3A_1965 : vector<16xf32>
      %add3A_2033 = arith.addf %add3A_2032, %gather3A_1970 : vector<16xf32>
      %add3A_2034 = arith.addf %add3A_2033, %gather3A_1975 : vector<16xf32>
      %add3A_2035 = arith.addf %add3A_2034, %gather3A_1980 : vector<16xf32>
      %add3A_2036 = arith.addf %add3A_2035, %gather3A_1985 : vector<16xf32>
      %add3A_2037 = arith.addf %add3A_2036, %gather3A_1990 : vector<16xf32>
      %add3A_2038 = arith.addf %add3A_2037, %gather3A_1995 : vector<16xf32>
      %add3A_2039 = arith.addf %add3A_2038, %gather3A_2000 : vector<16xf32>
      %add3A_2040 = arith.addf %add3A_2039, %gather3A_2005 : vector<16xf32>
      %add3A_2041 = arith.addf %add3A_2040, %gather3A_2010 : vector<16xf32>
      %add3A_2042 = arith.addf %add3A_2041, %gather3A_2015 : vector<16xf32>
      %add3A_2043 = arith.addf %add3A_2042, %gather3A_2020 : vector<16xf32>
      %add3A_2044 = arith.addf %add3A_2043, %gather3A_2025 : vector<16xf32>
      %add3A_2045 = arith.addf %add3A_2044, %gather3A_2030 : vector<16xf32>
      %add3A_2046 = vector.broadcast %mul3A_1950 : i32 to vector<16xi32>
      %add3A_2047 = arith.addi %add3A_1577, %add3A_2046 : vector<16xi32>
      %add3A_2048 = arith.addf %scan3A_1948, %gather3A_1955 : vector<16xf32>
      tpu.vector_store_idx %arg6[%add3A_2047], %add3A_2048 : memref<32769xf32, #tpu.memory_space<vmem>>[vector<16xi32>], vector<16xf32>,
      %add3A_2049 = arith.constant 1 : i32
      %add3A_2050 = arith.addi %mul3A_1950, %add3A_2049 : i32
      %add3A_2051 = vector.broadcast %add3A_2050 : i32 to vector<16xi32>
      %add3A_2052 = arith.addi %add3A_1577, %add3A_2051 : vector<16xi32>
      %add3A_2053 = arith.addf %scan3A_1948, %add3A_2031 : vector<16xf32>
      tpu.vector_store_idx %arg6[%add3A_2052], %add3A_2053 : memref<32769xf32, #tpu.memory_space<vmem>>[vector<16xi32>], vector<16xf32>,
      %add3A_2054 = arith.constant 2 : i32
      %add3A_2055 = arith.addi %mul3A_1950, %add3A_2054 : i32
      %add3A_2056 = vector.broadcast %add3A_2055 : i32 to vector<16xi32>
      %add3A_2057 = arith.addi %add3A_1577, %add3A_2056 : vector<16xi32>
      %add3A_2058 = arith.addf %scan3A_1948, %add3A_2032 : vector<16xf32>
      tpu.vector_store_idx %arg6[%add3A_2057], %add3A_2058 : memref<32769xf32, #tpu.memory_space<vmem>>[vector<16xi32>], vector<16xf32>,
      %add3A_2059 = arith.constant 3 : i32
      %add3A_2060 = arith.addi %mul3A_1950, %add3A_2059 : i32
      %add3A_2061 = vector.broadcast %add3A_2060 : i32 to vector<16xi32>
      %add3A_2062 = arith.addi %add3A_1577, %add3A_2061 : vector<16xi32>
      %add3A_2063 = arith.addf %scan3A_1948, %add3A_2033 : vector<16xf32>
      tpu.vector_store_idx %arg6[%add3A_2062], %add3A_2063 : memref<32769xf32, #tpu.memory_space<vmem>>[vector<16xi32>], vector<16xf32>,
      %add3A_2064 = arith.constant 4 : i32
      %add3A_2065 = arith.addi %mul3A_1950, %add3A_2064 : i32
      %add3A_2066 = vector.broadcast %add3A_2065 : i32 to vector<16xi32>
      %add3A_2067 = arith.addi %add3A_1577, %add3A_2066 : vector<16xi32>
      %add3A_2068 = arith.addf %scan3A_1948, %add3A_2034 : vector<16xf32>
      tpu.vector_store_idx %arg6[%add3A_2067], %add3A_2068 : memref<32769xf32, #tpu.memory_space<vmem>>[vector<16xi32>], vector<16xf32>,
      %add3A_2069 = arith.constant 5 : i32
      %add3A_2070 = arith.addi %mul3A_1950, %add3A_2069 : i32
      %add3A_2071 = vector.broadcast %add3A_2070 : i32 to vector<16xi32>
      %add3A_2072 = arith.addi %add3A_1577, %add3A_2071 : vector<16xi32>
      %add3A_2073 = arith.addf %scan3A_1948, %add3A_2035 : vector<16xf32>
      tpu.vector_store_idx %arg6[%add3A_2072], %add3A_2073 : memref<32769xf32, #tpu.memory_space<vmem>>[vector<16xi32>], vector<16xf32>,
      %add3A_2074 = arith.constant 6 : i32
      %add3A_2075 = arith.addi %mul3A_1950, %add3A_2074 : i32
      %add3A_2076 = vector.broadcast %add3A_2075 : i32 to vector<16xi32>
      %add3A_2077 = arith.addi %add3A_1577, %add3A_2076 : vector<16xi32>
      %add3A_2078 = arith.addf %scan3A_1948, %add3A_2036 : vector<16xf32>
      tpu.vector_store_idx %arg6[%add3A_2077], %add3A_2078 : memref<32769xf32, #tpu.memory_space<vmem>>[vector<16xi32>], vector<16xf32>,
      %add3A_2079 = arith.constant 7 : i32
      %add3A_2080 = arith.addi %mul3A_1950, %add3A_2079 : i32
      %add3A_2081 = vector.broadcast %add3A_2080 : i32 to vector<16xi32>
      %add3A_2082 = arith.addi %add3A_1577, %add3A_2081 : vector<16xi32>
      %add3A_2083 = arith.addf %scan3A_1948, %add3A_2037 : vector<16xf32>
      tpu.vector_store_idx %arg6[%add3A_2082], %add3A_2083 : memref<32769xf32, #tpu.memory_space<vmem>>[vector<16xi32>], vector<16xf32>,
      %add3A_2084 = arith.constant 8 : i32
      %add3A_2085 = arith.addi %mul3A_1950, %add3A_2084 : i32
      %add3A_2086 = vector.broadcast %add3A_2085 : i32 to vector<16xi32>
      %add3A_2087 = arith.addi %add3A_1577, %add3A_2086 : vector<16xi32>
      %add3A_2088 = arith.addf %scan3A_1948, %add3A_2038 : vector<16xf32>
      tpu.vector_store_idx %arg6[%add3A_2087], %add3A_2088 : memref<32769xf32, #tpu.memory_space<vmem>>[vector<16xi32>], vector<16xf32>,
      %add3A_2089 = arith.constant 9 : i32
      %add3A_2090 = arith.addi %mul3A_1950, %add3A_2089 : i32
      %add3A_2091 = vector.broadcast %add3A_2090 : i32 to vector<16xi32>
      %add3A_2092 = arith.addi %add3A_1577, %add3A_2091 : vector<16xi32>
      %add3A_2093 = arith.addf %scan3A_1948, %add3A_2039 : vector<16xf32>
      tpu.vector_store_idx %arg6[%add3A_2092], %add3A_2093 : memref<32769xf32, #tpu.memory_space<vmem>>[vector<16xi32>], vector<16xf32>,
      %add3A_2094 = arith.constant 10 : i32
      %add3A_2095 = arith.addi %mul3A_1950, %add3A_2094 : i32
      %add3A_2096 = vector.broadcast %add3A_2095 : i32 to vector<16xi32>
      %add3A_2097 = arith.addi %add3A_1577, %add3A_2096 : vector<16xi32>
      %add3A_2098 = arith.addf %scan3A_1948, %add3A_2040 : vector<16xf32>
      tpu.vector_store_idx %arg6[%add3A_2097], %add3A_2098 : memref<32769xf32, #tpu.memory_space<vmem>>[vector<16xi32>], vector<16xf32>,
      %add3A_2099 = arith.constant 11 : i32
      %add3A_2100 = arith.addi %mul3A_1950, %add3A_2099 : i32
      %add3A_2101 = vector.broadcast %add3A_2100 : i32 to vector<16xi32>
      %add3A_2102 = arith.addi %add3A_1577, %add3A_2101 : vector<16xi32>
      %add3A_2103 = arith.addf %scan3A_1948, %add3A_2041 : vector<16xf32>
      tpu.vector_store_idx %arg6[%add3A_2102], %add3A_2103 : memref<32769xf32, #tpu.memory_space<vmem>>[vector<16xi32>], vector<16xf32>,
      %add3A_2104 = arith.constant 12 : i32
      %add3A_2105 = arith.addi %mul3A_1950, %add3A_2104 : i32
      %add3A_2106 = vector.broadcast %add3A_2105 : i32 to vector<16xi32>
      %add3A_2107 = arith.addi %add3A_1577, %add3A_2106 : vector<16xi32>
      %add3A_2108 = arith.addf %scan3A_1948, %add3A_2042 : vector<16xf32>
      tpu.vector_store_idx %arg6[%add3A_2107], %add3A_2108 : memref<32769xf32, #tpu.memory_space<vmem>>[vector<16xi32>], vector<16xf32>,
      %add3A_2109 = arith.constant 13 : i32
      %add3A_2110 = arith.addi %mul3A_1950, %add3A_2109 : i32
      %add3A_2111 = vector.broadcast %add3A_2110 : i32 to vector<16xi32>
      %add3A_2112 = arith.addi %add3A_1577, %add3A_2111 : vector<16xi32>
      %add3A_2113 = arith.addf %scan3A_1948, %add3A_2043 : vector<16xf32>
      tpu.vector_store_idx %arg6[%add3A_2112], %add3A_2113 : memref<32769xf32, #tpu.memory_space<vmem>>[vector<16xi32>], vector<16xf32>,
      %add3A_2114 = arith.constant 14 : i32
      %add3A_2115 = arith.addi %mul3A_1950, %add3A_2114 : i32
      %add3A_2116 = vector.broadcast %add3A_2115 : i32 to vector<16xi32>
      %add3A_2117 = arith.addi %add3A_1577, %add3A_2116 : vector<16xi32>
      %add3A_2118 = arith.addf %scan3A_1948, %add3A_2044 : vector<16xf32>
      tpu.vector_store_idx %arg6[%add3A_2117], %add3A_2118 : memref<32769xf32, #tpu.memory_space<vmem>>[vector<16xi32>], vector<16xf32>,
      %add3A_2119 = arith.constant 15 : i32
      %add3A_2120 = arith.addi %mul3A_1950, %add3A_2119 : i32
      %add3A_2121 = vector.broadcast %add3A_2120 : i32 to vector<16xi32>
      %add3A_2122 = arith.addi %add3A_1577, %add3A_2121 : vector<16xi32>
      %add3A_2123 = arith.addf %scan3A_1948, %add3A_2045 : vector<16xf32>
      tpu.vector_store_idx %arg6[%add3A_2122], %add3A_2123 : memref<32769xf32, #tpu.memory_space<vmem>>[vector<16xi32>], vector<16xf32>,
      %add3A_2124 = arith.addf %scan3A_1948, %add3A_2045 : vector<16xf32>
      scf.yield %add3A_2124 : vector<16xf32>
    }
    %scan3A_1584 = arith.constant 127 : i32
    %add3A_1585 = arith.constant 2032 : i32
    %add3A_1586 = vector.broadcast %add3A_1585 : i32 to vector<16xi32>
    %add3A_1587 = arith.addi %add3A_7, %add3A_1586 : vector<16xi32>
    %ge3A_1588 = arith.cmpi sge, %add3A_1587, %add3A_6 : vector<16xi32>
    %add3A_1589 = arith.constant 2032 : i32
    %add3A_1590 = vector.broadcast %add3A_1589 : i32 to vector<16xi32>
    %add3A_1591 = arith.addi %add3A_7, %add3A_1590 : vector<16xi32>
    %eq3A_1592 = arith.cmpi eq, %add3A_1591, %add3A_6 : vector<16xi32>
    %add3A_1593 = arith.constant -16 : i32
    %add3A_1594 = vector.broadcast %add3A_1593 : i32 to vector<16xi32>
    %add3A_1595 = arith.addi %add3A_7, %add3A_1594 : vector<16xi32>
    %add3A_1596 = arith.constant 2032 : i32
    %add3A_1597 = vector.broadcast %add3A_1596 : i32 to vector<16xi32>
    %add3A_1598 = arith.addi %add3A_7, %add3A_1597 : vector<16xi32>
    %select_n3A_1599 = arith.select %ge3A_1588, %add3A_1595, %add3A_1598 : vector<16xi1>, vector<16xi32>
    %select_n3A_1600 = arith.select %eq3A_1592, %sub3A_1568, %scan3A_1583 : vector<16xi1>, vector<16xf32>
    %gather3A_1601 = tpu.vector_load_idx %arg4[%select_n3A_1599] : memref<32768xf32, #tpu.memory_space<vmem>>[vector<16xi32>], vector<16xf32>,
    %add3A_1602 = arith.addf %select_n3A_1600, %gather3A_1601 : vector<16xf32>
    %add3A_1603 = arith.constant 1 : i32
    %add3A_1604 = vector.broadcast %add3A_1603 : i32 to vector<16xi32>
    %add3A_1605 = arith.addi %select_n3A_1599, %add3A_1604 : vector<16xi32>
    tpu.vector_store_idx %arg6[%add3A_1605], %add3A_1602 : memref<32769xf32, #tpu.memory_space<vmem>>[vector<16xi32>], vector<16xf32>,
    %add3A_1606 = arith.constant 2033 : i32
    %add3A_1607 = vector.broadcast %add3A_1606 : i32 to vector<16xi32>
    %add3A_1608 = arith.addi %add3A_7, %add3A_1607 : vector<16xi32>
    %ge3A_1609 = arith.cmpi sge, %add3A_1608, %add3A_6 : vector<16xi32>
    %add3A_1610 = arith.constant 2033 : i32
    %add3A_1611 = vector.broadcast %add3A_1610 : i32 to vector<16xi32>
    %add3A_1612 = arith.addi %add3A_7, %add3A_1611 : vector<16xi32>
    %eq3A_1613 = arith.cmpi eq, %add3A_1612, %add3A_6 : vector<16xi32>
    %add3A_1614 = arith.constant -15 : i32
    %add3A_1615 = vector.broadcast %add3A_1614 : i32 to vector<16xi32>
    %add3A_1616 = arith.addi %add3A_7, %add3A_1615 : vector<16xi32>
    %add3A_1617 = arith.constant 2033 : i32
    %add3A_1618 = vector.broadcast %add3A_1617 : i32 to vector<16xi32>
    %add3A_1619 = arith.addi %add3A_7, %add3A_1618 : vector<16xi32>
    %select_n3A_1620 = arith.select %ge3A_1609, %add3A_1616, %add3A_1619 : vector<16xi1>, vector<16xi32>
    %select_n3A_1621 = arith.select %eq3A_1613, %sub3A_1568, %add3A_1602 : vector<16xi1>, vector<16xf32>
    %gather3A_1622 = tpu.vector_load_idx %arg4[%select_n3A_1620] : memref<32768xf32, #tpu.memory_space<vmem>>[vector<16xi32>], vector<16xf32>,
    %add3A_1623 = arith.addf %select_n3A_1621, %gather3A_1622 : vector<16xf32>
    %add3A_1624 = arith.constant 1 : i32
    %add3A_1625 = vector.broadcast %add3A_1624 : i32 to vector<16xi32>
    %add3A_1626 = arith.addi %select_n3A_1620, %add3A_1625 : vector<16xi32>
    tpu.vector_store_idx %arg6[%add3A_1626], %add3A_1623 : memref<32769xf32, #tpu.memory_space<vmem>>[vector<16xi32>], vector<16xf32>,
    %add3A_1627 = arith.constant 2034 : i32
    %add3A_1628 = vector.broadcast %add3A_1627 : i32 to vector<16xi32>
    %add3A_1629 = arith.addi %add3A_7, %add3A_1628 : vector<16xi32>
    %ge3A_1630 = arith.cmpi sge, %add3A_1629, %add3A_6 : vector<16xi32>
    %add3A_1631 = arith.constant 2034 : i32
    %add3A_1632 = vector.broadcast %add3A_1631 : i32 to vector<16xi32>
    %add3A_1633 = arith.addi %add3A_7, %add3A_1632 : vector<16xi32>
    %eq3A_1634 = arith.cmpi eq, %add3A_1633, %add3A_6 : vector<16xi32>
    %add3A_1635 = arith.constant -14 : i32
    %add3A_1636 = vector.broadcast %add3A_1635 : i32 to vector<16xi32>
    %add3A_1637 = arith.addi %add3A_7, %add3A_1636 : vector<16xi32>
    %add3A_1638 = arith.constant 2034 : i32
    %add3A_1639 = vector.broadcast %add3A_1638 : i32 to vector<16xi32>
    %add3A_1640 = arith.addi %add3A_7, %add3A_1639 : vector<16xi32>
    %select_n3A_1641 = arith.select %ge3A_1630, %add3A_1637, %add3A_1640 : vector<16xi1>, vector<16xi32>
    %select_n3A_1642 = arith.select %eq3A_1634, %sub3A_1568, %add3A_1623 : vector<16xi1>, vector<16xf32>
    %gather3A_1643 = tpu.vector_load_idx %arg4[%select_n3A_1641] : memref<32768xf32, #tpu.memory_space<vmem>>[vector<16xi32>], vector<16xf32>,
    %add3A_1644 = arith.addf %select_n3A_1642, %gather3A_1643 : vector<16xf32>
    %add3A_1645 = arith.constant 1 : i32
    %add3A_1646 = vector.broadcast %add3A_1645 : i32 to vector<16xi32>
    %add3A_1647 = arith.addi %select_n3A_1641, %add3A_1646 : vector<16xi32>
    tpu.vector_store_idx %arg6[%add3A_1647], %add3A_1644 : memref<32769xf32, #tpu.memory_space<vmem>>[vector<16xi32>], vector<16xf32>,
    %add3A_1648 = arith.constant 2035 : i32
    %add3A_1649 = vector.broadcast %add3A_1648 : i32 to vector<16xi32>
    %add3A_1650 = arith.addi %add3A_7, %add3A_1649 : vector<16xi32>
    %ge3A_1651 = arith.cmpi sge, %add3A_1650, %add3A_6 : vector<16xi32>
    %add3A_1652 = arith.constant 2035 : i32
    %add3A_1653 = vector.broadcast %add3A_1652 : i32 to vector<16xi32>
    %add3A_1654 = arith.addi %add3A_7, %add3A_1653 : vector<16xi32>
    %eq3A_1655 = arith.cmpi eq, %add3A_1654, %add3A_6 : vector<16xi32>
    %add3A_1656 = arith.constant -13 : i32
    %add3A_1657 = vector.broadcast %add3A_1656 : i32 to vector<16xi32>
    %add3A_1658 = arith.addi %add3A_7, %add3A_1657 : vector<16xi32>
    %add3A_1659 = arith.constant 2035 : i32
    %add3A_1660 = vector.broadcast %add3A_1659 : i32 to vector<16xi32>
    %add3A_1661 = arith.addi %add3A_7, %add3A_1660 : vector<16xi32>
    %select_n3A_1662 = arith.select %ge3A_1651, %add3A_1658, %add3A_1661 : vector<16xi1>, vector<16xi32>
    %select_n3A_1663 = arith.select %eq3A_1655, %sub3A_1568, %add3A_1644 : vector<16xi1>, vector<16xf32>
    %gather3A_1664 = tpu.vector_load_idx %arg4[%select_n3A_1662] : memref<32768xf32, #tpu.memory_space<vmem>>[vector<16xi32>], vector<16xf32>,
    %add3A_1665 = arith.addf %select_n3A_1663, %gather3A_1664 : vector<16xf32>
    %add3A_1666 = arith.constant 1 : i32
    %add3A_1667 = vector.broadcast %add3A_1666 : i32 to vector<16xi32>
    %add3A_1668 = arith.addi %select_n3A_1662, %add3A_1667 : vector<16xi32>
    tpu.vector_store_idx %arg6[%add3A_1668], %add3A_1665 : memref<32769xf32, #tpu.memory_space<vmem>>[vector<16xi32>], vector<16xf32>,
    %add3A_1669 = arith.constant 2036 : i32
    %add3A_1670 = vector.broadcast %add3A_1669 : i32 to vector<16xi32>
    %add3A_1671 = arith.addi %add3A_7, %add3A_1670 : vector<16xi32>
    %ge3A_1672 = arith.cmpi sge, %add3A_1671, %add3A_6 : vector<16xi32>
    %add3A_1673 = arith.constant 2036 : i32
    %add3A_1674 = vector.broadcast %add3A_1673 : i32 to vector<16xi32>
    %add3A_1675 = arith.addi %add3A_7, %add3A_1674 : vector<16xi32>
    %eq3A_1676 = arith.cmpi eq, %add3A_1675, %add3A_6 : vector<16xi32>
    %add3A_1677 = arith.constant -12 : i32
    %add3A_1678 = vector.broadcast %add3A_1677 : i32 to vector<16xi32>
    %add3A_1679 = arith.addi %add3A_7, %add3A_1678 : vector<16xi32>
    %add3A_1680 = arith.constant 2036 : i32
    %add3A_1681 = vector.broadcast %add3A_1680 : i32 to vector<16xi32>
    %add3A_1682 = arith.addi %add3A_7, %add3A_1681 : vector<16xi32>
    %select_n3A_1683 = arith.select %ge3A_1672, %add3A_1679, %add3A_1682 : vector<16xi1>, vector<16xi32>
    %select_n3A_1684 = arith.select %eq3A_1676, %sub3A_1568, %add3A_1665 : vector<16xi1>, vector<16xf32>
    %gather3A_1685 = tpu.vector_load_idx %arg4[%select_n3A_1683] : memref<32768xf32, #tpu.memory_space<vmem>>[vector<16xi32>], vector<16xf32>,
    %add3A_1686 = arith.addf %select_n3A_1684, %gather3A_1685 : vector<16xf32>
    %add3A_1687 = arith.constant 1 : i32
    %add3A_1688 = vector.broadcast %add3A_1687 : i32 to vector<16xi32>
    %add3A_1689 = arith.addi %select_n3A_1683, %add3A_1688 : vector<16xi32>
    tpu.vector_store_idx %arg6[%add3A_1689], %add3A_1686 : memref<32769xf32, #tpu.memory_space<vmem>>[vector<16xi32>], vector<16xf32>,
    %add3A_1690 = arith.constant 2037 : i32
    %add3A_1691 = vector.broadcast %add3A_1690 : i32 to vector<16xi32>
    %add3A_1692 = arith.addi %add3A_7, %add3A_1691 : vector<16xi32>
    %ge3A_1693 = arith.cmpi sge, %add3A_1692, %add3A_6 : vector<16xi32>
    %add3A_1694 = arith.constant 2037 : i32
    %add3A_1695 = vector.broadcast %add3A_1694 : i32 to vector<16xi32>
    %add3A_1696 = arith.addi %add3A_7, %add3A_1695 : vector<16xi32>
    %eq3A_1697 = arith.cmpi eq, %add3A_1696, %add3A_6 : vector<16xi32>
    %add3A_1698 = arith.constant -11 : i32
    %add3A_1699 = vector.broadcast %add3A_1698 : i32 to vector<16xi32>
    %add3A_1700 = arith.addi %add3A_7, %add3A_1699 : vector<16xi32>
    %add3A_1701 = arith.constant 2037 : i32
    %add3A_1702 = vector.broadcast %add3A_1701 : i32 to vector<16xi32>
    %add3A_1703 = arith.addi %add3A_7, %add3A_1702 : vector<16xi32>
    %select_n3A_1704 = arith.select %ge3A_1693, %add3A_1700, %add3A_1703 : vector<16xi1>, vector<16xi32>
    %select_n3A_1705 = arith.select %eq3A_1697, %sub3A_1568, %add3A_1686 : vector<16xi1>, vector<16xf32>
    %gather3A_1706 = tpu.vector_load_idx %arg4[%select_n3A_1704] : memref<32768xf32, #tpu.memory_space<vmem>>[vector<16xi32>], vector<16xf32>,
    %add3A_1707 = arith.addf %select_n3A_1705, %gather3A_1706 : vector<16xf32>
    %add3A_1708 = arith.constant 1 : i32
    %add3A_1709 = vector.broadcast %add3A_1708 : i32 to vector<16xi32>
    %add3A_1710 = arith.addi %select_n3A_1704, %add3A_1709 : vector<16xi32>
    tpu.vector_store_idx %arg6[%add3A_1710], %add3A_1707 : memref<32769xf32, #tpu.memory_space<vmem>>[vector<16xi32>], vector<16xf32>,
    %add3A_1711 = arith.constant 2038 : i32
    %add3A_1712 = vector.broadcast %add3A_1711 : i32 to vector<16xi32>
    %add3A_1713 = arith.addi %add3A_7, %add3A_1712 : vector<16xi32>
    %ge3A_1714 = arith.cmpi sge, %add3A_1713, %add3A_6 : vector<16xi32>
    %add3A_1715 = arith.constant 2038 : i32
    %add3A_1716 = vector.broadcast %add3A_1715 : i32 to vector<16xi32>
    %add3A_1717 = arith.addi %add3A_7, %add3A_1716 : vector<16xi32>
    %eq3A_1718 = arith.cmpi eq, %add3A_1717, %add3A_6 : vector<16xi32>
    %add3A_1719 = arith.constant -10 : i32
    %add3A_1720 = vector.broadcast %add3A_1719 : i32 to vector<16xi32>
    %add3A_1721 = arith.addi %add3A_7, %add3A_1720 : vector<16xi32>
    %add3A_1722 = arith.constant 2038 : i32
    %add3A_1723 = vector.broadcast %add3A_1722 : i32 to vector<16xi32>
    %add3A_1724 = arith.addi %add3A_7, %add3A_1723 : vector<16xi32>
    %select_n3A_1725 = arith.select %ge3A_1714, %add3A_1721, %add3A_1724 : vector<16xi1>, vector<16xi32>
    %select_n3A_1726 = arith.select %eq3A_1718, %sub3A_1568, %add3A_1707 : vector<16xi1>, vector<16xf32>
    %gather3A_1727 = tpu.vector_load_idx %arg4[%select_n3A_1725] : memref<32768xf32, #tpu.memory_space<vmem>>[vector<16xi32>], vector<16xf32>,
    %add3A_1728 = arith.addf %select_n3A_1726, %gather3A_1727 : vector<16xf32>
    %add3A_1729 = arith.constant 1 : i32
    %add3A_1730 = vector.broadcast %add3A_1729 : i32 to vector<16xi32>
    %add3A_1731 = arith.addi %select_n3A_1725, %add3A_1730 : vector<16xi32>
    tpu.vector_store_idx %arg6[%add3A_1731], %add3A_1728 : memref<32769xf32, #tpu.memory_space<vmem>>[vector<16xi32>], vector<16xf32>,
    %add3A_1732 = arith.constant 2039 : i32
    %add3A_1733 = vector.broadcast %add3A_1732 : i32 to vector<16xi32>
    %add3A_1734 = arith.addi %add3A_7, %add3A_1733 : vector<16xi32>
    %ge3A_1735 = arith.cmpi sge, %add3A_1734, %add3A_6 : vector<16xi32>
    %add3A_1736 = arith.constant 2039 : i32
    %add3A_1737 = vector.broadcast %add3A_1736 : i32 to vector<16xi32>
    %add3A_1738 = arith.addi %add3A_7, %add3A_1737 : vector<16xi32>
    %eq3A_1739 = arith.cmpi eq, %add3A_1738, %add3A_6 : vector<16xi32>
    %add3A_1740 = arith.constant -9 : i32
    %add3A_1741 = vector.broadcast %add3A_1740 : i32 to vector<16xi32>
    %add3A_1742 = arith.addi %add3A_7, %add3A_1741 : vector<16xi32>
    %add3A_1743 = arith.constant 2039 : i32
    %add3A_1744 = vector.broadcast %add3A_1743 : i32 to vector<16xi32>
    %add3A_1745 = arith.addi %add3A_7, %add3A_1744 : vector<16xi32>
    %select_n3A_1746 = arith.select %ge3A_1735, %add3A_1742, %add3A_1745 : vector<16xi1>, vector<16xi32>
    %select_n3A_1747 = arith.select %eq3A_1739, %sub3A_1568, %add3A_1728 : vector<16xi1>, vector<16xf32>
    %gather3A_1748 = tpu.vector_load_idx %arg4[%select_n3A_1746] : memref<32768xf32, #tpu.memory_space<vmem>>[vector<16xi32>], vector<16xf32>,
    %add3A_1749 = arith.addf %select_n3A_1747, %gather3A_1748 : vector<16xf32>
    %add3A_1750 = arith.constant 1 : i32
    %add3A_1751 = vector.broadcast %add3A_1750 : i32 to vector<16xi32>
    %add3A_1752 = arith.addi %select_n3A_1746, %add3A_1751 : vector<16xi32>
    tpu.vector_store_idx %arg6[%add3A_1752], %add3A_1749 : memref<32769xf32, #tpu.memory_space<vmem>>[vector<16xi32>], vector<16xf32>,
    %add3A_1753 = arith.constant 2040 : i32
    %add3A_1754 = vector.broadcast %add3A_1753 : i32 to vector<16xi32>
    %add3A_1755 = arith.addi %add3A_7, %add3A_1754 : vector<16xi32>
    %ge3A_1756 = arith.cmpi sge, %add3A_1755, %add3A_6 : vector<16xi32>
    %add3A_1757 = arith.constant 2040 : i32
    %add3A_1758 = vector.broadcast %add3A_1757 : i32 to vector<16xi32>
    %add3A_1759 = arith.addi %add3A_7, %add3A_1758 : vector<16xi32>
    %eq3A_1760 = arith.cmpi eq, %add3A_1759, %add3A_6 : vector<16xi32>
    %add3A_1761 = arith.constant -8 : i32
    %add3A_1762 = vector.broadcast %add3A_1761 : i32 to vector<16xi32>
    %add3A_1763 = arith.addi %add3A_7, %add3A_1762 : vector<16xi32>
    %add3A_1764 = arith.constant 2040 : i32
    %add3A_1765 = vector.broadcast %add3A_1764 : i32 to vector<16xi32>
    %add3A_1766 = arith.addi %add3A_7, %add3A_1765 : vector<16xi32>
    %select_n3A_1767 = arith.select %ge3A_1756, %add3A_1763, %add3A_1766 : vector<16xi1>, vector<16xi32>
    %select_n3A_1768 = arith.select %eq3A_1760, %sub3A_1568, %add3A_1749 : vector<16xi1>, vector<16xf32>
    %gather3A_1769 = tpu.vector_load_idx %arg4[%select_n3A_1767] : memref<32768xf32, #tpu.memory_space<vmem>>[vector<16xi32>], vector<16xf32>,
    %add3A_1770 = arith.addf %select_n3A_1768, %gather3A_1769 : vector<16xf32>
    %add3A_1771 = arith.constant 1 : i32
    %add3A_1772 = vector.broadcast %add3A_1771 : i32 to vector<16xi32>
    %add3A_1773 = arith.addi %select_n3A_1767, %add3A_1772 : vector<16xi32>
    tpu.vector_store_idx %arg6[%add3A_1773], %add3A_1770 : memref<32769xf32, #tpu.memory_space<vmem>>[vector<16xi32>], vector<16xf32>,
    %add3A_1774 = arith.constant 2041 : i32
    %add3A_1775 = vector.broadcast %add3A_1774 : i32 to vector<16xi32>
    %add3A_1776 = arith.addi %add3A_7, %add3A_1775 : vector<16xi32>
    %ge3A_1777 = arith.cmpi sge, %add3A_1776, %add3A_6 : vector<16xi32>
    %add3A_1778 = arith.constant 2041 : i32
    %add3A_1779 = vector.broadcast %add3A_1778 : i32 to vector<16xi32>
    %add3A_1780 = arith.addi %add3A_7, %add3A_1779 : vector<16xi32>
    %eq3A_1781 = arith.cmpi eq, %add3A_1780, %add3A_6 : vector<16xi32>
    %add3A_1782 = arith.constant -7 : i32
    %add3A_1783 = vector.broadcast %add3A_1782 : i32 to vector<16xi32>
    %add3A_1784 = arith.addi %add3A_7, %add3A_1783 : vector<16xi32>
    %add3A_1785 = arith.constant 2041 : i32
    %add3A_1786 = vector.broadcast %add3A_1785 : i32 to vector<16xi32>
    %add3A_1787 = arith.addi %add3A_7, %add3A_1786 : vector<16xi32>
    %select_n3A_1788 = arith.select %ge3A_1777, %add3A_1784, %add3A_1787 : vector<16xi1>, vector<16xi32>
    %select_n3A_1789 = arith.select %eq3A_1781, %sub3A_1568, %add3A_1770 : vector<16xi1>, vector<16xf32>
    %gather3A_1790 = tpu.vector_load_idx %arg4[%select_n3A_1788] : memref<32768xf32, #tpu.memory_space<vmem>>[vector<16xi32>], vector<16xf32>,
    %add3A_1791 = arith.addf %select_n3A_1789, %gather3A_1790 : vector<16xf32>
    %add3A_1792 = arith.constant 1 : i32
    %add3A_1793 = vector.broadcast %add3A_1792 : i32 to vector<16xi32>
    %add3A_1794 = arith.addi %select_n3A_1788, %add3A_1793 : vector<16xi32>
    tpu.vector_store_idx %arg6[%add3A_1794], %add3A_1791 : memref<32769xf32, #tpu.memory_space<vmem>>[vector<16xi32>], vector<16xf32>,
    %add3A_1795 = arith.constant 2042 : i32
    %add3A_1796 = vector.broadcast %add3A_1795 : i32 to vector<16xi32>
    %add3A_1797 = arith.addi %add3A_7, %add3A_1796 : vector<16xi32>
    %ge3A_1798 = arith.cmpi sge, %add3A_1797, %add3A_6 : vector<16xi32>
    %add3A_1799 = arith.constant 2042 : i32
    %add3A_1800 = vector.broadcast %add3A_1799 : i32 to vector<16xi32>
    %add3A_1801 = arith.addi %add3A_7, %add3A_1800 : vector<16xi32>
    %eq3A_1802 = arith.cmpi eq, %add3A_1801, %add3A_6 : vector<16xi32>
    %add3A_1803 = arith.constant -6 : i32
    %add3A_1804 = vector.broadcast %add3A_1803 : i32 to vector<16xi32>
    %add3A_1805 = arith.addi %add3A_7, %add3A_1804 : vector<16xi32>
    %add3A_1806 = arith.constant 2042 : i32
    %add3A_1807 = vector.broadcast %add3A_1806 : i32 to vector<16xi32>
    %add3A_1808 = arith.addi %add3A_7, %add3A_1807 : vector<16xi32>
    %select_n3A_1809 = arith.select %ge3A_1798, %add3A_1805, %add3A_1808 : vector<16xi1>, vector<16xi32>
    %select_n3A_1810 = arith.select %eq3A_1802, %sub3A_1568, %add3A_1791 : vector<16xi1>, vector<16xf32>
    %gather3A_1811 = tpu.vector_load_idx %arg4[%select_n3A_1809] : memref<32768xf32, #tpu.memory_space<vmem>>[vector<16xi32>], vector<16xf32>,
    %add3A_1812 = arith.addf %select_n3A_1810, %gather3A_1811 : vector<16xf32>
    %add3A_1813 = arith.constant 1 : i32
    %add3A_1814 = vector.broadcast %add3A_1813 : i32 to vector<16xi32>
    %add3A_1815 = arith.addi %select_n3A_1809, %add3A_1814 : vector<16xi32>
    tpu.vector_store_idx %arg6[%add3A_1815], %add3A_1812 : memref<32769xf32, #tpu.memory_space<vmem>>[vector<16xi32>], vector<16xf32>,
    %add3A_1816 = arith.constant 2043 : i32
    %add3A_1817 = vector.broadcast %add3A_1816 : i32 to vector<16xi32>
    %add3A_1818 = arith.addi %add3A_7, %add3A_1817 : vector<16xi32>
    %ge3A_1819 = arith.cmpi sge, %add3A_1818, %add3A_6 : vector<16xi32>
    %add3A_1820 = arith.constant 2043 : i32
    %add3A_1821 = vector.broadcast %add3A_1820 : i32 to vector<16xi32>
    %add3A_1822 = arith.addi %add3A_7, %add3A_1821 : vector<16xi32>
    %eq3A_1823 = arith.cmpi eq, %add3A_1822, %add3A_6 : vector<16xi32>
    %add3A_1824 = arith.constant -5 : i32
    %add3A_1825 = vector.broadcast %add3A_1824 : i32 to vector<16xi32>
    %add3A_1826 = arith.addi %add3A_7, %add3A_1825 : vector<16xi32>
    %add3A_1827 = arith.constant 2043 : i32
    %add3A_1828 = vector.broadcast %add3A_1827 : i32 to vector<16xi32>
    %add3A_1829 = arith.addi %add3A_7, %add3A_1828 : vector<16xi32>
    %select_n3A_1830 = arith.select %ge3A_1819, %add3A_1826, %add3A_1829 : vector<16xi1>, vector<16xi32>
    %select_n3A_1831 = arith.select %eq3A_1823, %sub3A_1568, %add3A_1812 : vector<16xi1>, vector<16xf32>
    %gather3A_1832 = tpu.vector_load_idx %arg4[%select_n3A_1830] : memref<32768xf32, #tpu.memory_space<vmem>>[vector<16xi32>], vector<16xf32>,
    %add3A_1833 = arith.addf %select_n3A_1831, %gather3A_1832 : vector<16xf32>
    %add3A_1834 = arith.constant 1 : i32
    %add3A_1835 = vector.broadcast %add3A_1834 : i32 to vector<16xi32>
    %add3A_1836 = arith.addi %select_n3A_1830, %add3A_1835 : vector<16xi32>
    tpu.vector_store_idx %arg6[%add3A_1836], %add3A_1833 : memref<32769xf32, #tpu.memory_space<vmem>>[vector<16xi32>], vector<16xf32>,
    %add3A_1837 = arith.constant 2044 : i32
    %add3A_1838 = vector.broadcast %add3A_1837 : i32 to vector<16xi32>
    %add3A_1839 = arith.addi %add3A_7, %add3A_1838 : vector<16xi32>
    %ge3A_1840 = arith.cmpi sge, %add3A_1839, %add3A_6 : vector<16xi32>
    %add3A_1841 = arith.constant 2044 : i32
    %add3A_1842 = vector.broadcast %add3A_1841 : i32 to vector<16xi32>
    %add3A_1843 = arith.addi %add3A_7, %add3A_1842 : vector<16xi32>
    %eq3A_1844 = arith.cmpi eq, %add3A_1843, %add3A_6 : vector<16xi32>
    %add3A_1845 = arith.constant -4 : i32
    %add3A_1846 = vector.broadcast %add3A_1845 : i32 to vector<16xi32>
    %add3A_1847 = arith.addi %add3A_7, %add3A_1846 : vector<16xi32>
    %add3A_1848 = arith.constant 2044 : i32
    %add3A_1849 = vector.broadcast %add3A_1848 : i32 to vector<16xi32>
    %add3A_1850 = arith.addi %add3A_7, %add3A_1849 : vector<16xi32>
    %select_n3A_1851 = arith.select %ge3A_1840, %add3A_1847, %add3A_1850 : vector<16xi1>, vector<16xi32>
    %select_n3A_1852 = arith.select %eq3A_1844, %sub3A_1568, %add3A_1833 : vector<16xi1>, vector<16xf32>
    %gather3A_1853 = tpu.vector_load_idx %arg4[%select_n3A_1851] : memref<32768xf32, #tpu.memory_space<vmem>>[vector<16xi32>], vector<16xf32>,
    %add3A_1854 = arith.addf %select_n3A_1852, %gather3A_1853 : vector<16xf32>
    %add3A_1855 = arith.constant 1 : i32
    %add3A_1856 = vector.broadcast %add3A_1855 : i32 to vector<16xi32>
    %add3A_1857 = arith.addi %select_n3A_1851, %add3A_1856 : vector<16xi32>
    tpu.vector_store_idx %arg6[%add3A_1857], %add3A_1854 : memref<32769xf32, #tpu.memory_space<vmem>>[vector<16xi32>], vector<16xf32>,
    %add3A_1858 = arith.constant 2045 : i32
    %add3A_1859 = vector.broadcast %add3A_1858 : i32 to vector<16xi32>
    %add3A_1860 = arith.addi %add3A_7, %add3A_1859 : vector<16xi32>
    %ge3A_1861 = arith.cmpi sge, %add3A_1860, %add3A_6 : vector<16xi32>
    %add3A_1862 = arith.constant 2045 : i32
    %add3A_1863 = vector.broadcast %add3A_1862 : i32 to vector<16xi32>
    %add3A_1864 = arith.addi %add3A_7, %add3A_1863 : vector<16xi32>
    %eq3A_1865 = arith.cmpi eq, %add3A_1864, %add3A_6 : vector<16xi32>
    %add3A_1866 = arith.constant -3 : i32
    %add3A_1867 = vector.broadcast %add3A_1866 : i32 to vector<16xi32>
    %add3A_1868 = arith.addi %add3A_7, %add3A_1867 : vector<16xi32>
    %add3A_1869 = arith.constant 2045 : i32
    %add3A_1870 = vector.broadcast %add3A_1869 : i32 to vector<16xi32>
    %add3A_1871 = arith.addi %add3A_7, %add3A_1870 : vector<16xi32>
    %select_n3A_1872 = arith.select %ge3A_1861, %add3A_1868, %add3A_1871 : vector<16xi1>, vector<16xi32>
    %select_n3A_1873 = arith.select %eq3A_1865, %sub3A_1568, %add3A_1854 : vector<16xi1>, vector<16xf32>
    %gather3A_1874 = tpu.vector_load_idx %arg4[%select_n3A_1872] : memref<32768xf32, #tpu.memory_space<vmem>>[vector<16xi32>], vector<16xf32>,
    %add3A_1875 = arith.addf %select_n3A_1873, %gather3A_1874 : vector<16xf32>
    %add3A_1876 = arith.constant 1 : i32
    %add3A_1877 = vector.broadcast %add3A_1876 : i32 to vector<16xi32>
    %add3A_1878 = arith.addi %select_n3A_1872, %add3A_1877 : vector<16xi32>
    tpu.vector_store_idx %arg6[%add3A_1878], %add3A_1875 : memref<32769xf32, #tpu.memory_space<vmem>>[vector<16xi32>], vector<16xf32>,
    %add3A_1879 = arith.constant 2046 : i32
    %add3A_1880 = vector.broadcast %add3A_1879 : i32 to vector<16xi32>
    %add3A_1881 = arith.addi %add3A_7, %add3A_1880 : vector<16xi32>
    %ge3A_1882 = arith.cmpi sge, %add3A_1881, %add3A_6 : vector<16xi32>
    %add3A_1883 = arith.constant 2046 : i32
    %add3A_1884 = vector.broadcast %add3A_1883 : i32 to vector<16xi32>
    %add3A_1885 = arith.addi %add3A_7, %add3A_1884 : vector<16xi32>
    %eq3A_1886 = arith.cmpi eq, %add3A_1885, %add3A_6 : vector<16xi32>
    %add3A_1887 = arith.constant -2 : i32
    %add3A_1888 = vector.broadcast %add3A_1887 : i32 to vector<16xi32>
    %add3A_1889 = arith.addi %add3A_7, %add3A_1888 : vector<16xi32>
    %add3A_1890 = arith.constant 2046 : i32
    %add3A_1891 = vector.broadcast %add3A_1890 : i32 to vector<16xi32>
    %add3A_1892 = arith.addi %add3A_7, %add3A_1891 : vector<16xi32>
    %select_n3A_1893 = arith.select %ge3A_1882, %add3A_1889, %add3A_1892 : vector<16xi1>, vector<16xi32>
    %select_n3A_1894 = arith.select %eq3A_1886, %sub3A_1568, %add3A_1875 : vector<16xi1>, vector<16xf32>
    %gather3A_1895 = tpu.vector_load_idx %arg4[%select_n3A_1893] : memref<32768xf32, #tpu.memory_space<vmem>>[vector<16xi32>], vector<16xf32>,
    %add3A_1896 = arith.addf %select_n3A_1894, %gather3A_1895 : vector<16xf32>
    %add3A_1897 = arith.constant 1 : i32
    %add3A_1898 = vector.broadcast %add3A_1897 : i32 to vector<16xi32>
    %add3A_1899 = arith.addi %select_n3A_1893, %add3A_1898 : vector<16xi32>
    tpu.vector_store_idx %arg6[%add3A_1899], %add3A_1896 : memref<32769xf32, #tpu.memory_space<vmem>>[vector<16xi32>], vector<16xf32>,
    %add3A_1900 = arith.constant 2047 : i32
    %add3A_1901 = vector.broadcast %add3A_1900 : i32 to vector<16xi32>
    %add3A_1902 = arith.addi %add3A_7, %add3A_1901 : vector<16xi32>
    %ge3A_1903 = arith.cmpi sge, %add3A_1902, %add3A_6 : vector<16xi32>
    %add3A_1904 = arith.constant 2047 : i32
    %add3A_1905 = vector.broadcast %add3A_1904 : i32 to vector<16xi32>
    %add3A_1906 = arith.addi %add3A_7, %add3A_1905 : vector<16xi32>
    %eq3A_1907 = arith.cmpi eq, %add3A_1906, %add3A_6 : vector<16xi32>
    %add3A_1908 = arith.constant -1 : i32
    %add3A_1909 = vector.broadcast %add3A_1908 : i32 to vector<16xi32>
    %add3A_1910 = arith.addi %add3A_7, %add3A_1909 : vector<16xi32>
    %add3A_1911 = arith.constant 2047 : i32
    %add3A_1912 = vector.broadcast %add3A_1911 : i32 to vector<16xi32>
    %add3A_1913 = arith.addi %add3A_7, %add3A_1912 : vector<16xi32>
    %select_n3A_1914 = arith.select %ge3A_1903, %add3A_1910, %add3A_1913 : vector<16xi1>, vector<16xi32>
    %select_n3A_1915 = arith.select %eq3A_1907, %sub3A_1568, %add3A_1896 : vector<16xi1>, vector<16xf32>
    %gather3A_1916 = tpu.vector_load_idx %arg4[%select_n3A_1914] : memref<32768xf32, #tpu.memory_space<vmem>>[vector<16xi32>], vector<16xf32>,
    %add3A_1917 = arith.addf %select_n3A_1915, %gather3A_1916 : vector<16xf32>
    %add3A_1918 = arith.constant 1 : i32
    %add3A_1919 = vector.broadcast %add3A_1918 : i32 to vector<16xi32>
    %add3A_1920 = arith.addi %select_n3A_1914, %add3A_1919 : vector<16xi32>
    tpu.vector_store_idx %arg6[%add3A_1920], %add3A_1917 : memref<32769xf32, #tpu.memory_space<vmem>>[vector<16xi32>], vector<16xf32>,
    %broadcast_in_dim3A_1921 = arith.constant 0 : i32
    %broadcast_in_dim3A_1922 = vector.broadcast %broadcast_in_dim3A_1921 : i32 to vector<16xi32>
    %eq3A_1923 = arith.constant 0 : i32
    %eq3A_1924 = vector.broadcast %eq3A_1923 : i32 to vector<16xi32>
    %eq3A_1925 = arith.cmpi eq, %iota3A, %eq3A_1924 : vector<16xi32>
    tpu.vector_store_idx %arg6[%broadcast_in_dim3A_1922], %broadcast_in_dim3A_8 masked %eq3A_1925 : memref<32769xf32, #tpu.memory_space<vmem>>[vector<16xi32>], vector<16xf32>, vector<16xi1>
    %dma_start3A_1926 = arith.constant 0 : i32
    %dma_start3A_1927 = tpu.memref_slice %arg3[%add3A_1289, %dma_start3A_1926] : memref<127x32769xf32, #tpu.memory_space<hbm>> -> memref<1x32769xf32, #tpu.memory_space<hbm>>
    %dma_start3A_1928 = tpu.memref_squeeze %dma_start3A_1927 : memref<1x32769xf32, #tpu.memory_space<hbm>> -> memref<32769xf32, #tpu.memory_space<hbm>>
    %dma_start3A_1929 = arith.constant 0 : i32
    %dma_start3A_1930 = tpu.memref_slice %arg3[%add3A_1289, %dma_start3A_1929] : memref<127x32769xf32, #tpu.memory_space<hbm>> -> memref<1x32769xf32, #tpu.memory_space<hbm>>
    %dma_start3A_1931 = tpu.memref_squeeze %dma_start3A_1930 : memref<1x32769xf32, #tpu.memory_space<hbm>> -> memref<32769xf32, #tpu.memory_space<hbm>>
    tpu.enqueue_dma source(%arg6 : memref<32769xf32, #tpu.memory_space<vmem>>) target(%dma_start3A_1931 : memref<32769xf32, #tpu.memory_space<hbm>>) target_semaphore(%arg9 : memref<!tpu.dma_semaphore, #tpu.memory_space<semaphore_mem>>)
    %add3A_1932 = arith.constant 96 : i32
    %add3A_1933 = arith.addi %add3A, %add3A_1932 : i32
    %dma_wait3A_1934 = arith.constant 0 : i32
    %dma_wait3A_1935 = tpu.memref_slice %arg2[%add3A_1297, %dma_wait3A_1934] : memref<128x32768xf32, #tpu.memory_space<hbm>> -> memref<1x32768xf32, #tpu.memory_space<hbm>>
    %dma_wait3A_1936 = tpu.memref_squeeze %dma_wait3A_1935 : memref<1x32768xf32, #tpu.memory_space<hbm>> -> memref<32768xf32, #tpu.memory_space<hbm>>
    %dma_wait3A_1937 = arith.constant 0 : i32
    %dma_wait3A_1938 = tpu.memref_slice %arg2[%add3A_1297, %dma_wait3A_1937] : memref<128x32768xf32, #tpu.memory_space<hbm>> -> memref<1x32768xf32, #tpu.memory_space<hbm>>
    %dma_wait3A_1939 = tpu.memref_squeeze %dma_wait3A_1938 : memref<1x32768xf32, #tpu.memory_space<hbm>> -> memref<32768xf32, #tpu.memory_space<hbm>>
    tpu.wait_dma2 semaphore(%arg8 : memref<!tpu.dma_semaphore, #tpu.memory_space<semaphore_mem>>) src(%dma_wait3A_1939 : memref<32768xf32, #tpu.memory_space<hbm>>) dst(%arg5 : memref<32768xf32, #tpu.memory_space<vmem>>)
    %lt3A = arith.constant 127 : i32
    %lt3A_1940 = arith.cmpi slt, %add3A_1933, %lt3A : i32
    %convert_element_type3A = arith.extui %lt3A_1940 : i1 to i32
    %cond3A = arith.constant 0 : i32
    %cond3A_1941 = arith.cmpi ne, %convert_element_type3A, %cond3A : i32
    scf.if %cond3A_1941 {
      %scan3A_1947 = arith.constant 0 : i32
      %scan3A_1948 = arith.constant 127 : i32
      %scan3A_1949 = arith.addi %scan3A_1947, %scan3A_1948 : i32
      %scan3A_1950 = arith.constant 1 : i32
      %scan3A_1951:16 = scf.for %scan3A_2581 = %scan3A_1947 to %scan3A_1949 step %scan3A_1950 iter_args(%scan3A_2582 = %broadcast_in_dim3A_8, %scan3A_2583 = %broadcast_in_dim3A_8, %scan3A_2584 = %broadcast_in_dim3A_8, %scan3A_2585 = %broadcast_in_dim3A_8, %scan3A_2586 = %broadcast_in_dim3A_8, %scan3A_2587 = %broadcast_in_dim3A_8, %scan3A_2588 = %broadcast_in_dim3A_8, %scan3A_2589 = %broadcast_in_dim3A_8, %scan3A_2590 = %broadcast_in_dim3A_8, %scan3A_2591 = %broadcast_in_dim3A_8, %scan3A_2592 = %broadcast_in_dim3A_8, %scan3A_2593 = %broadcast_in_dim3A_8, %scan3A_2594 = %broadcast_in_dim3A_8, %scan3A_2595 = %broadcast_in_dim3A_8, %scan3A_2596 = %broadcast_in_dim3A_8, %scan3A_2597 = %broadcast_in_dim3A_8) -> (vector<16xf32>, vector<16xf32>, vector<16xf32>, vector<16xf32>, vector<16xf32>, vector<16xf32>, vector<16xf32>, vector<16xf32>, vector<16xf32>, vector<16xf32>, vector<16xf32>, vector<16xf32>, vector<16xf32>, vector<16xf32>, vector<16xf32>, vector<16xf32>)  : i32 {
        %mul3A_2598 = arith.constant 16 : i32
        %mul3A_2599 = arith.muli %scan3A_2581, %mul3A_2598 : i32
        %add3A_2600 = arith.constant 0 : i32
        %add3A_2601 = arith.addi %mul3A_2599, %add3A_2600 : i32
        %add3A_2602 = vector.broadcast %add3A_2601 : i32 to vector<16xi32>
        %add3A_2603 = arith.addi %add3A_7, %add3A_2602 : vector<16xi32>
        %gather3A_2604 = tpu.vector_load_idx %arg5[%add3A_2603] : memref<32768xf32, #tpu.memory_space<vmem>>[vector<16xi32>], vector<16xf32>,
        %add3A_2605 = arith.addf %scan3A_2582, %gather3A_2604 : vector<16xf32>
        %add3A_2606 = arith.constant 1 : i32
        %add3A_2607 = arith.addi %mul3A_2599, %add3A_2606 : i32
        %add3A_2608 = vector.broadcast %add3A_2607 : i32 to vector<16xi32>
        %add3A_2609 = arith.addi %add3A_7, %add3A_2608 : vector<16xi32>
        %gather3A_2610 = tpu.vector_load_idx %arg5[%add3A_2609] : memref<32768xf32, #tpu.memory_space<vmem>>[vector<16xi32>], vector<16xf32>,
        %add3A_2611 = arith.addf %scan3A_2583, %gather3A_2610 : vector<16xf32>
        %add3A_2612 = arith.constant 2 : i32
        %add3A_2613 = arith.addi %mul3A_2599, %add3A_2612 : i32
        %add3A_2614 = vector.broadcast %add3A_2613 : i32 to vector<16xi32>
        %add3A_2615 = arith.addi %add3A_7, %add3A_2614 : vector<16xi32>
        %gather3A_2616 = tpu.vector_load_idx %arg5[%add3A_2615] : memref<32768xf32, #tpu.memory_space<vmem>>[vector<16xi32>], vector<16xf32>,
        %add3A_2617 = arith.addf %scan3A_2584, %gather3A_2616 : vector<16xf32>
        %add3A_2618 = arith.constant 3 : i32
        %add3A_2619 = arith.addi %mul3A_2599, %add3A_2618 : i32
        %add3A_2620 = vector.broadcast %add3A_2619 : i32 to vector<16xi32>
        %add3A_2621 = arith.addi %add3A_7, %add3A_2620 : vector<16xi32>
        %gather3A_2622 = tpu.vector_load_idx %arg5[%add3A_2621] : memref<32768xf32, #tpu.memory_space<vmem>>[vector<16xi32>], vector<16xf32>,
        %add3A_2623 = arith.addf %scan3A_2585, %gather3A_2622 : vector<16xf32>
        %add3A_2624 = arith.constant 4 : i32
        %add3A_2625 = arith.addi %mul3A_2599, %add3A_2624 : i32
        %add3A_2626 = vector.broadcast %add3A_2625 : i32 to vector<16xi32>
        %add3A_2627 = arith.addi %add3A_7, %add3A_2626 : vector<16xi32>
        %gather3A_2628 = tpu.vector_load_idx %arg5[%add3A_2627] : memref<32768xf32, #tpu.memory_space<vmem>>[vector<16xi32>], vector<16xf32>,
        %add3A_2629 = arith.addf %scan3A_2586, %gather3A_2628 : vector<16xf32>
        %add3A_2630 = arith.constant 5 : i32
        %add3A_2631 = arith.addi %mul3A_2599, %add3A_2630 : i32
        %add3A_2632 = vector.broadcast %add3A_2631 : i32 to vector<16xi32>
        %add3A_2633 = arith.addi %add3A_7, %add3A_2632 : vector<16xi32>
        %gather3A_2634 = tpu.vector_load_idx %arg5[%add3A_2633] : memref<32768xf32, #tpu.memory_space<vmem>>[vector<16xi32>], vector<16xf32>,
        %add3A_2635 = arith.addf %scan3A_2587, %gather3A_2634 : vector<16xf32>
        %add3A_2636 = arith.constant 6 : i32
        %add3A_2637 = arith.addi %mul3A_2599, %add3A_2636 : i32
        %add3A_2638 = vector.broadcast %add3A_2637 : i32 to vector<16xi32>
        %add3A_2639 = arith.addi %add3A_7, %add3A_2638 : vector<16xi32>
        %gather3A_2640 = tpu.vector_load_idx %arg5[%add3A_2639] : memref<32768xf32, #tpu.memory_space<vmem>>[vector<16xi32>], vector<16xf32>,
        %add3A_2641 = arith.addf %scan3A_2588, %gather3A_2640 : vector<16xf32>
        %add3A_2642 = arith.constant 7 : i32
        %add3A_2643 = arith.addi %mul3A_2599, %add3A_2642 : i32
        %add3A_2644 = vector.broadcast %add3A_2643 : i32 to vector<16xi32>
        %add3A_2645 = arith.addi %add3A_7, %add3A_2644 : vector<16xi32>
        %gather3A_2646 = tpu.vector_load_idx %arg5[%add3A_2645] : memref<32768xf32, #tpu.memory_space<vmem>>[vector<16xi32>], vector<16xf32>,
        %add3A_2647 = arith.addf %scan3A_2589, %gather3A_2646 : vector<16xf32>
        %add3A_2648 = arith.constant 8 : i32
        %add3A_2649 = arith.addi %mul3A_2599, %add3A_2648 : i32
        %add3A_2650 = vector.broadcast %add3A_2649 : i32 to vector<16xi32>
        %add3A_2651 = arith.addi %add3A_7, %add3A_2650 : vector<16xi32>
        %gather3A_2652 = tpu.vector_load_idx %arg5[%add3A_2651] : memref<32768xf32, #tpu.memory_space<vmem>>[vector<16xi32>], vector<16xf32>,
        %add3A_2653 = arith.addf %scan3A_2590, %gather3A_2652 : vector<16xf32>
        %add3A_2654 = arith.constant 9 : i32
        %add3A_2655 = arith.addi %mul3A_2599, %add3A_2654 : i32
        %add3A_2656 = vector.broadcast %add3A_2655 : i32 to vector<16xi32>
        %add3A_2657 = arith.addi %add3A_7, %add3A_2656 : vector<16xi32>
        %gather3A_2658 = tpu.vector_load_idx %arg5[%add3A_2657] : memref<32768xf32, #tpu.memory_space<vmem>>[vector<16xi32>], vector<16xf32>,
        %add3A_2659 = arith.addf %scan3A_2591, %gather3A_2658 : vector<16xf32>
        %add3A_2660 = arith.constant 10 : i32
        %add3A_2661 = arith.addi %mul3A_2599, %add3A_2660 : i32
        %add3A_2662 = vector.broadcast %add3A_2661 : i32 to vector<16xi32>
        %add3A_2663 = arith.addi %add3A_7, %add3A_2662 : vector<16xi32>
        %gather3A_2664 = tpu.vector_load_idx %arg5[%add3A_2663] : memref<32768xf32, #tpu.memory_space<vmem>>[vector<16xi32>], vector<16xf32>,
        %add3A_2665 = arith.addf %scan3A_2592, %gather3A_2664 : vector<16xf32>
        %add3A_2666 = arith.constant 11 : i32
        %add3A_2667 = arith.addi %mul3A_2599, %add3A_2666 : i32
        %add3A_2668 = vector.broadcast %add3A_2667 : i32 to vector<16xi32>
        %add3A_2669 = arith.addi %add3A_7, %add3A_2668 : vector<16xi32>
        %gather3A_2670 = tpu.vector_load_idx %arg5[%add3A_2669] : memref<32768xf32, #tpu.memory_space<vmem>>[vector<16xi32>], vector<16xf32>,
        %add3A_2671 = arith.addf %scan3A_2593, %gather3A_2670 : vector<16xf32>
        %add3A_2672 = arith.constant 12 : i32
        %add3A_2673 = arith.addi %mul3A_2599, %add3A_2672 : i32
        %add3A_2674 = vector.broadcast %add3A_2673 : i32 to vector<16xi32>
        %add3A_2675 = arith.addi %add3A_7, %add3A_2674 : vector<16xi32>
        %gather3A_2676 = tpu.vector_load_idx %arg5[%add3A_2675] : memref<32768xf32, #tpu.memory_space<vmem>>[vector<16xi32>], vector<16xf32>,
        %add3A_2677 = arith.addf %scan3A_2594, %gather3A_2676 : vector<16xf32>
        %add3A_2678 = arith.constant 13 : i32
        %add3A_2679 = arith.addi %mul3A_2599, %add3A_2678 : i32
        %add3A_2680 = vector.broadcast %add3A_2679 : i32 to vector<16xi32>
        %add3A_2681 = arith.addi %add3A_7, %add3A_2680 : vector<16xi32>
        %gather3A_2682 = tpu.vector_load_idx %arg5[%add3A_2681] : memref<32768xf32, #tpu.memory_space<vmem>>[vector<16xi32>], vector<16xf32>,
        %add3A_2683 = arith.addf %scan3A_2595, %gather3A_2682 : vector<16xf32>
        %add3A_2684 = arith.constant 14 : i32
        %add3A_2685 = arith.addi %mul3A_2599, %add3A_2684 : i32
        %add3A_2686 = vector.broadcast %add3A_2685 : i32 to vector<16xi32>
        %add3A_2687 = arith.addi %add3A_7, %add3A_2686 : vector<16xi32>
        %gather3A_2688 = tpu.vector_load_idx %arg5[%add3A_2687] : memref<32768xf32, #tpu.memory_space<vmem>>[vector<16xi32>], vector<16xf32>,
        %add3A_2689 = arith.addf %scan3A_2596, %gather3A_2688 : vector<16xf32>
        %add3A_2690 = arith.constant 15 : i32
        %add3A_2691 = arith.addi %mul3A_2599, %add3A_2690 : i32
        %add3A_2692 = vector.broadcast %add3A_2691 : i32 to vector<16xi32>
        %add3A_2693 = arith.addi %add3A_7, %add3A_2692 : vector<16xi32>
        %gather3A_2694 = tpu.vector_load_idx %arg5[%add3A_2693] : memref<32768xf32, #tpu.memory_space<vmem>>[vector<16xi32>], vector<16xf32>,
        %add3A_2695 = arith.addf %scan3A_2597, %gather3A_2694 : vector<16xf32>
        scf.yield %add3A_2605, %add3A_2611, %add3A_2617, %add3A_2623, %add3A_2629, %add3A_2635, %add3A_2641, %add3A_2647, %add3A_2653, %add3A_2659, %add3A_2665, %add3A_2671, %add3A_2677, %add3A_2683, %add3A_2689, %add3A_2695 : vector<16xf32>, vector<16xf32>, vector<16xf32>, vector<16xf32>, vector<16xf32>, vector<16xf32>, vector<16xf32>, vector<16xf32>, vector<16xf32>, vector<16xf32>, vector<16xf32>, vector<16xf32>, vector<16xf32>, vector<16xf32>, vector<16xf32>, vector<16xf32>
      }
      %scan3A_1952 = arith.constant 127 : i32
      %add3A_1953 = arith.addf %scan3A_1951#0, %scan3A_1951#1 : vector<16xf32>
      %add3A_1954 = arith.addf %add3A_1953, %scan3A_1951#2 : vector<16xf32>
      %add3A_1955 = arith.addf %add3A_1954, %scan3A_1951#3 : vector<16xf32>
      %add3A_1956 = arith.addf %add3A_1955, %scan3A_1951#4 : vector<16xf32>
      %add3A_1957 = arith.addf %add3A_1956, %scan3A_1951#5 : vector<16xf32>
      %add3A_1958 = arith.addf %add3A_1957, %scan3A_1951#6 : vector<16xf32>
      %add3A_1959 = arith.addf %add3A_1958, %scan3A_1951#7 : vector<16xf32>
      %add3A_1960 = arith.addf %add3A_1959, %scan3A_1951#8 : vector<16xf32>
      %add3A_1961 = arith.addf %add3A_1960, %scan3A_1951#9 : vector<16xf32>
      %add3A_1962 = arith.addf %add3A_1961, %scan3A_1951#10 : vector<16xf32>
      %add3A_1963 = arith.addf %add3A_1962, %scan3A_1951#11 : vector<16xf32>
      %add3A_1964 = arith.addf %add3A_1963, %scan3A_1951#12 : vector<16xf32>
      %add3A_1965 = arith.addf %add3A_1964, %scan3A_1951#13 : vector<16xf32>
      %add3A_1966 = arith.addf %add3A_1965, %scan3A_1951#14 : vector<16xf32>
      %add3A_1967 = arith.addf %add3A_1966, %scan3A_1951#15 : vector<16xf32>
      %add3A_1968 = arith.constant 2032 : i32
      %add3A_1969 = vector.broadcast %add3A_1968 : i32 to vector<16xi32>
      %add3A_1970 = arith.addi %add3A_7, %add3A_1969 : vector<16xi32>
      %ge3A_1971 = arith.cmpi sge, %add3A_1970, %add3A_6 : vector<16xi32>
      %add3A_1972 = arith.constant -16 : i32
      %add3A_1973 = vector.broadcast %add3A_1972 : i32 to vector<16xi32>
      %add3A_1974 = arith.addi %add3A_7, %add3A_1973 : vector<16xi32>
      %add3A_1975 = arith.constant 2032 : i32
      %add3A_1976 = vector.broadcast %add3A_1975 : i32 to vector<16xi32>
      %add3A_1977 = arith.addi %add3A_7, %add3A_1976 : vector<16xi32>
      %select_n3A_1978 = arith.select %ge3A_1971, %add3A_1974, %add3A_1977 : vector<16xi1>, vector<16xi32>
      %gather3A_1979 = tpu.vector_load_idx %arg5[%select_n3A_1978] : memref<32768xf32, #tpu.memory_space<vmem>>[vector<16xi32>], vector<16xf32>,
      %add3A_1980 = arith.addf %add3A_1967, %gather3A_1979 : vector<16xf32>
      %select_n3A_1981 = arith.select %ge3A_1971, %gather3A_1979, %broadcast_in_dim3A_8 : vector<16xi1>, vector<16xf32>
      %add3A_1982 = arith.addf %broadcast_in_dim3A_8, %select_n3A_1981 : vector<16xf32>
      %add3A_1983 = arith.constant 2033 : i32
      %add3A_1984 = vector.broadcast %add3A_1983 : i32 to vector<16xi32>
      %add3A_1985 = arith.addi %add3A_7, %add3A_1984 : vector<16xi32>
      %ge3A_1986 = arith.cmpi sge, %add3A_1985, %add3A_6 : vector<16xi32>
      %add3A_1987 = arith.constant -15 : i32
      %add3A_1988 = vector.broadcast %add3A_1987 : i32 to vector<16xi32>
      %add3A_1989 = arith.addi %add3A_7, %add3A_1988 : vector<16xi32>
      %add3A_1990 = arith.constant 2033 : i32
      %add3A_1991 = vector.broadcast %add3A_1990 : i32 to vector<16xi32>
      %add3A_1992 = arith.addi %add3A_7, %add3A_1991 : vector<16xi32>
      %select_n3A_1993 = arith.select %ge3A_1986, %add3A_1989, %add3A_1992 : vector<16xi1>, vector<16xi32>
      %gather3A_1994 = tpu.vector_load_idx %arg5[%select_n3A_1993] : memref<32768xf32, #tpu.memory_space<vmem>>[vector<16xi32>], vector<16xf32>,
      %add3A_1995 = arith.addf %add3A_1980, %gather3A_1994 : vector<16xf32>
      %select_n3A_1996 = arith.select %ge3A_1986, %gather3A_1994, %broadcast_in_dim3A_8 : vector<16xi1>, vector<16xf32>
      %add3A_1997 = arith.addf %add3A_1982, %select_n3A_1996 : vector<16xf32>
      %add3A_1998 = arith.constant 2034 : i32
      %add3A_1999 = vector.broadcast %add3A_1998 : i32 to vector<16xi32>
      %add3A_2000 = arith.addi %add3A_7, %add3A_1999 : vector<16xi32>
      %ge3A_2001 = arith.cmpi sge, %add3A_2000, %add3A_6 : vector<16xi32>
      %add3A_2002 = arith.constant -14 : i32
      %add3A_2003 = vector.broadcast %add3A_2002 : i32 to vector<16xi32>
      %add3A_2004 = arith.addi %add3A_7, %add3A_2003 : vector<16xi32>
      %add3A_2005 = arith.constant 2034 : i32
      %add3A_2006 = vector.broadcast %add3A_2005 : i32 to vector<16xi32>
      %add3A_2007 = arith.addi %add3A_7, %add3A_2006 : vector<16xi32>
      %select_n3A_2008 = arith.select %ge3A_2001, %add3A_2004, %add3A_2007 : vector<16xi1>, vector<16xi32>
      %gather3A_2009 = tpu.vector_load_idx %arg5[%select_n3A_2008] : memref<32768xf32, #tpu.memory_space<vmem>>[vector<16xi32>], vector<16xf32>,
      %add3A_2010 = arith.addf %add3A_1995, %gather3A_2009 : vector<16xf32>
      %select_n3A_2011 = arith.select %ge3A_2001, %gather3A_2009, %broadcast_in_dim3A_8 : vector<16xi1>, vector<16xf32>
      %add3A_2012 = arith.addf %add3A_1997, %select_n3A_2011 : vector<16xf32>
      %add3A_2013 = arith.constant 2035 : i32
      %add3A_2014 = vector.broadcast %add3A_2013 : i32 to vector<16xi32>
      %add3A_2015 = arith.addi %add3A_7, %add3A_2014 : vector<16xi32>
      %ge3A_2016 = arith.cmpi sge, %add3A_2015, %add3A_6 : vector<16xi32>
      %add3A_2017 = arith.constant -13 : i32
      %add3A_2018 = vector.broadcast %add3A_2017 : i32 to vector<16xi32>
      %add3A_2019 = arith.addi %add3A_7, %add3A_2018 : vector<16xi32>
      %add3A_2020 = arith.constant 2035 : i32
      %add3A_2021 = vector.broadcast %add3A_2020 : i32 to vector<16xi32>
      %add3A_2022 = arith.addi %add3A_7, %add3A_2021 : vector<16xi32>
      %select_n3A_2023 = arith.select %ge3A_2016, %add3A_2019, %add3A_2022 : vector<16xi1>, vector<16xi32>
      %gather3A_2024 = tpu.vector_load_idx %arg5[%select_n3A_2023] : memref<32768xf32, #tpu.memory_space<vmem>>[vector<16xi32>], vector<16xf32>,
      %add3A_2025 = arith.addf %add3A_2010, %gather3A_2024 : vector<16xf32>
      %select_n3A_2026 = arith.select %ge3A_2016, %gather3A_2024, %broadcast_in_dim3A_8 : vector<16xi1>, vector<16xf32>
      %add3A_2027 = arith.addf %add3A_2012, %select_n3A_2026 : vector<16xf32>
      %add3A_2028 = arith.constant 2036 : i32
      %add3A_2029 = vector.broadcast %add3A_2028 : i32 to vector<16xi32>
      %add3A_2030 = arith.addi %add3A_7, %add3A_2029 : vector<16xi32>
      %ge3A_2031 = arith.cmpi sge, %add3A_2030, %add3A_6 : vector<16xi32>
      %add3A_2032 = arith.constant -12 : i32
      %add3A_2033 = vector.broadcast %add3A_2032 : i32 to vector<16xi32>
      %add3A_2034 = arith.addi %add3A_7, %add3A_2033 : vector<16xi32>
      %add3A_2035 = arith.constant 2036 : i32
      %add3A_2036 = vector.broadcast %add3A_2035 : i32 to vector<16xi32>
      %add3A_2037 = arith.addi %add3A_7, %add3A_2036 : vector<16xi32>
      %select_n3A_2038 = arith.select %ge3A_2031, %add3A_2034, %add3A_2037 : vector<16xi1>, vector<16xi32>
      %gather3A_2039 = tpu.vector_load_idx %arg5[%select_n3A_2038] : memref<32768xf32, #tpu.memory_space<vmem>>[vector<16xi32>], vector<16xf32>,
      %add3A_2040 = arith.addf %add3A_2025, %gather3A_2039 : vector<16xf32>
      %select_n3A_2041 = arith.select %ge3A_2031, %gather3A_2039, %broadcast_in_dim3A_8 : vector<16xi1>, vector<16xf32>
      %add3A_2042 = arith.addf %add3A_2027, %select_n3A_2041 : vector<16xf32>
      %add3A_2043 = arith.constant 2037 : i32
      %add3A_2044 = vector.broadcast %add3A_2043 : i32 to vector<16xi32>
      %add3A_2045 = arith.addi %add3A_7, %add3A_2044 : vector<16xi32>
      %ge3A_2046 = arith.cmpi sge, %add3A_2045, %add3A_6 : vector<16xi32>
      %add3A_2047 = arith.constant -11 : i32
      %add3A_2048 = vector.broadcast %add3A_2047 : i32 to vector<16xi32>
      %add3A_2049 = arith.addi %add3A_7, %add3A_2048 : vector<16xi32>
      %add3A_2050 = arith.constant 2037 : i32
      %add3A_2051 = vector.broadcast %add3A_2050 : i32 to vector<16xi32>
      %add3A_2052 = arith.addi %add3A_7, %add3A_2051 : vector<16xi32>
      %select_n3A_2053 = arith.select %ge3A_2046, %add3A_2049, %add3A_2052 : vector<16xi1>, vector<16xi32>
      %gather3A_2054 = tpu.vector_load_idx %arg5[%select_n3A_2053] : memref<32768xf32, #tpu.memory_space<vmem>>[vector<16xi32>], vector<16xf32>,
      %add3A_2055 = arith.addf %add3A_2040, %gather3A_2054 : vector<16xf32>
      %select_n3A_2056 = arith.select %ge3A_2046, %gather3A_2054, %broadcast_in_dim3A_8 : vector<16xi1>, vector<16xf32>
      %add3A_2057 = arith.addf %add3A_2042, %select_n3A_2056 : vector<16xf32>
      %add3A_2058 = arith.constant 2038 : i32
      %add3A_2059 = vector.broadcast %add3A_2058 : i32 to vector<16xi32>
      %add3A_2060 = arith.addi %add3A_7, %add3A_2059 : vector<16xi32>
      %ge3A_2061 = arith.cmpi sge, %add3A_2060, %add3A_6 : vector<16xi32>
      %add3A_2062 = arith.constant -10 : i32
      %add3A_2063 = vector.broadcast %add3A_2062 : i32 to vector<16xi32>
      %add3A_2064 = arith.addi %add3A_7, %add3A_2063 : vector<16xi32>
      %add3A_2065 = arith.constant 2038 : i32
      %add3A_2066 = vector.broadcast %add3A_2065 : i32 to vector<16xi32>
      %add3A_2067 = arith.addi %add3A_7, %add3A_2066 : vector<16xi32>
      %select_n3A_2068 = arith.select %ge3A_2061, %add3A_2064, %add3A_2067 : vector<16xi1>, vector<16xi32>
      %gather3A_2069 = tpu.vector_load_idx %arg5[%select_n3A_2068] : memref<32768xf32, #tpu.memory_space<vmem>>[vector<16xi32>], vector<16xf32>,
      %add3A_2070 = arith.addf %add3A_2055, %gather3A_2069 : vector<16xf32>
      %select_n3A_2071 = arith.select %ge3A_2061, %gather3A_2069, %broadcast_in_dim3A_8 : vector<16xi1>, vector<16xf32>
      %add3A_2072 = arith.addf %add3A_2057, %select_n3A_2071 : vector<16xf32>
      %add3A_2073 = arith.constant 2039 : i32
      %add3A_2074 = vector.broadcast %add3A_2073 : i32 to vector<16xi32>
      %add3A_2075 = arith.addi %add3A_7, %add3A_2074 : vector<16xi32>
      %ge3A_2076 = arith.cmpi sge, %add3A_2075, %add3A_6 : vector<16xi32>
      %add3A_2077 = arith.constant -9 : i32
      %add3A_2078 = vector.broadcast %add3A_2077 : i32 to vector<16xi32>
      %add3A_2079 = arith.addi %add3A_7, %add3A_2078 : vector<16xi32>
      %add3A_2080 = arith.constant 2039 : i32
      %add3A_2081 = vector.broadcast %add3A_2080 : i32 to vector<16xi32>
      %add3A_2082 = arith.addi %add3A_7, %add3A_2081 : vector<16xi32>
      %select_n3A_2083 = arith.select %ge3A_2076, %add3A_2079, %add3A_2082 : vector<16xi1>, vector<16xi32>
      %gather3A_2084 = tpu.vector_load_idx %arg5[%select_n3A_2083] : memref<32768xf32, #tpu.memory_space<vmem>>[vector<16xi32>], vector<16xf32>,
      %add3A_2085 = arith.addf %add3A_2070, %gather3A_2084 : vector<16xf32>
      %select_n3A_2086 = arith.select %ge3A_2076, %gather3A_2084, %broadcast_in_dim3A_8 : vector<16xi1>, vector<16xf32>
      %add3A_2087 = arith.addf %add3A_2072, %select_n3A_2086 : vector<16xf32>
      %add3A_2088 = arith.constant 2040 : i32
      %add3A_2089 = vector.broadcast %add3A_2088 : i32 to vector<16xi32>
      %add3A_2090 = arith.addi %add3A_7, %add3A_2089 : vector<16xi32>
      %ge3A_2091 = arith.cmpi sge, %add3A_2090, %add3A_6 : vector<16xi32>
      %add3A_2092 = arith.constant -8 : i32
      %add3A_2093 = vector.broadcast %add3A_2092 : i32 to vector<16xi32>
      %add3A_2094 = arith.addi %add3A_7, %add3A_2093 : vector<16xi32>
      %add3A_2095 = arith.constant 2040 : i32
      %add3A_2096 = vector.broadcast %add3A_2095 : i32 to vector<16xi32>
      %add3A_2097 = arith.addi %add3A_7, %add3A_2096 : vector<16xi32>
      %select_n3A_2098 = arith.select %ge3A_2091, %add3A_2094, %add3A_2097 : vector<16xi1>, vector<16xi32>
      %gather3A_2099 = tpu.vector_load_idx %arg5[%select_n3A_2098] : memref<32768xf32, #tpu.memory_space<vmem>>[vector<16xi32>], vector<16xf32>,
      %add3A_2100 = arith.addf %add3A_2085, %gather3A_2099 : vector<16xf32>
      %select_n3A_2101 = arith.select %ge3A_2091, %gather3A_2099, %broadcast_in_dim3A_8 : vector<16xi1>, vector<16xf32>
      %add3A_2102 = arith.addf %add3A_2087, %select_n3A_2101 : vector<16xf32>
      %add3A_2103 = arith.constant 2041 : i32
      %add3A_2104 = vector.broadcast %add3A_2103 : i32 to vector<16xi32>
      %add3A_2105 = arith.addi %add3A_7, %add3A_2104 : vector<16xi32>
      %ge3A_2106 = arith.cmpi sge, %add3A_2105, %add3A_6 : vector<16xi32>
      %add3A_2107 = arith.constant -7 : i32
      %add3A_2108 = vector.broadcast %add3A_2107 : i32 to vector<16xi32>
      %add3A_2109 = arith.addi %add3A_7, %add3A_2108 : vector<16xi32>
      %add3A_2110 = arith.constant 2041 : i32
      %add3A_2111 = vector.broadcast %add3A_2110 : i32 to vector<16xi32>
      %add3A_2112 = arith.addi %add3A_7, %add3A_2111 : vector<16xi32>
      %select_n3A_2113 = arith.select %ge3A_2106, %add3A_2109, %add3A_2112 : vector<16xi1>, vector<16xi32>
      %gather3A_2114 = tpu.vector_load_idx %arg5[%select_n3A_2113] : memref<32768xf32, #tpu.memory_space<vmem>>[vector<16xi32>], vector<16xf32>,
      %add3A_2115 = arith.addf %add3A_2100, %gather3A_2114 : vector<16xf32>
      %select_n3A_2116 = arith.select %ge3A_2106, %gather3A_2114, %broadcast_in_dim3A_8 : vector<16xi1>, vector<16xf32>
      %add3A_2117 = arith.addf %add3A_2102, %select_n3A_2116 : vector<16xf32>
      %add3A_2118 = arith.constant 2042 : i32
      %add3A_2119 = vector.broadcast %add3A_2118 : i32 to vector<16xi32>
      %add3A_2120 = arith.addi %add3A_7, %add3A_2119 : vector<16xi32>
      %ge3A_2121 = arith.cmpi sge, %add3A_2120, %add3A_6 : vector<16xi32>
      %add3A_2122 = arith.constant -6 : i32
      %add3A_2123 = vector.broadcast %add3A_2122 : i32 to vector<16xi32>
      %add3A_2124 = arith.addi %add3A_7, %add3A_2123 : vector<16xi32>
      %add3A_2125 = arith.constant 2042 : i32
      %add3A_2126 = vector.broadcast %add3A_2125 : i32 to vector<16xi32>
      %add3A_2127 = arith.addi %add3A_7, %add3A_2126 : vector<16xi32>
      %select_n3A_2128 = arith.select %ge3A_2121, %add3A_2124, %add3A_2127 : vector<16xi1>, vector<16xi32>
      %gather3A_2129 = tpu.vector_load_idx %arg5[%select_n3A_2128] : memref<32768xf32, #tpu.memory_space<vmem>>[vector<16xi32>], vector<16xf32>,
      %add3A_2130 = arith.addf %add3A_2115, %gather3A_2129 : vector<16xf32>
      %select_n3A_2131 = arith.select %ge3A_2121, %gather3A_2129, %broadcast_in_dim3A_8 : vector<16xi1>, vector<16xf32>
      %add3A_2132 = arith.addf %add3A_2117, %select_n3A_2131 : vector<16xf32>
      %add3A_2133 = arith.constant 2043 : i32
      %add3A_2134 = vector.broadcast %add3A_2133 : i32 to vector<16xi32>
      %add3A_2135 = arith.addi %add3A_7, %add3A_2134 : vector<16xi32>
      %ge3A_2136 = arith.cmpi sge, %add3A_2135, %add3A_6 : vector<16xi32>
      %add3A_2137 = arith.constant -5 : i32
      %add3A_2138 = vector.broadcast %add3A_2137 : i32 to vector<16xi32>
      %add3A_2139 = arith.addi %add3A_7, %add3A_2138 : vector<16xi32>
      %add3A_2140 = arith.constant 2043 : i32
      %add3A_2141 = vector.broadcast %add3A_2140 : i32 to vector<16xi32>
      %add3A_2142 = arith.addi %add3A_7, %add3A_2141 : vector<16xi32>
      %select_n3A_2143 = arith.select %ge3A_2136, %add3A_2139, %add3A_2142 : vector<16xi1>, vector<16xi32>
      %gather3A_2144 = tpu.vector_load_idx %arg5[%select_n3A_2143] : memref<32768xf32, #tpu.memory_space<vmem>>[vector<16xi32>], vector<16xf32>,
      %add3A_2145 = arith.addf %add3A_2130, %gather3A_2144 : vector<16xf32>
      %select_n3A_2146 = arith.select %ge3A_2136, %gather3A_2144, %broadcast_in_dim3A_8 : vector<16xi1>, vector<16xf32>
      %add3A_2147 = arith.addf %add3A_2132, %select_n3A_2146 : vector<16xf32>
      %add3A_2148 = arith.constant 2044 : i32
      %add3A_2149 = vector.broadcast %add3A_2148 : i32 to vector<16xi32>
      %add3A_2150 = arith.addi %add3A_7, %add3A_2149 : vector<16xi32>
      %ge3A_2151 = arith.cmpi sge, %add3A_2150, %add3A_6 : vector<16xi32>
      %add3A_2152 = arith.constant -4 : i32
      %add3A_2153 = vector.broadcast %add3A_2152 : i32 to vector<16xi32>
      %add3A_2154 = arith.addi %add3A_7, %add3A_2153 : vector<16xi32>
      %add3A_2155 = arith.constant 2044 : i32
      %add3A_2156 = vector.broadcast %add3A_2155 : i32 to vector<16xi32>
      %add3A_2157 = arith.addi %add3A_7, %add3A_2156 : vector<16xi32>
      %select_n3A_2158 = arith.select %ge3A_2151, %add3A_2154, %add3A_2157 : vector<16xi1>, vector<16xi32>
      %gather3A_2159 = tpu.vector_load_idx %arg5[%select_n3A_2158] : memref<32768xf32, #tpu.memory_space<vmem>>[vector<16xi32>], vector<16xf32>,
      %add3A_2160 = arith.addf %add3A_2145, %gather3A_2159 : vector<16xf32>
      %select_n3A_2161 = arith.select %ge3A_2151, %gather3A_2159, %broadcast_in_dim3A_8 : vector<16xi1>, vector<16xf32>
      %add3A_2162 = arith.addf %add3A_2147, %select_n3A_2161 : vector<16xf32>
      %add3A_2163 = arith.constant 2045 : i32
      %add3A_2164 = vector.broadcast %add3A_2163 : i32 to vector<16xi32>
      %add3A_2165 = arith.addi %add3A_7, %add3A_2164 : vector<16xi32>
      %ge3A_2166 = arith.cmpi sge, %add3A_2165, %add3A_6 : vector<16xi32>
      %add3A_2167 = arith.constant -3 : i32
      %add3A_2168 = vector.broadcast %add3A_2167 : i32 to vector<16xi32>
      %add3A_2169 = arith.addi %add3A_7, %add3A_2168 : vector<16xi32>
      %add3A_2170 = arith.constant 2045 : i32
      %add3A_2171 = vector.broadcast %add3A_2170 : i32 to vector<16xi32>
      %add3A_2172 = arith.addi %add3A_7, %add3A_2171 : vector<16xi32>
      %select_n3A_2173 = arith.select %ge3A_2166, %add3A_2169, %add3A_2172 : vector<16xi1>, vector<16xi32>
      %gather3A_2174 = tpu.vector_load_idx %arg5[%select_n3A_2173] : memref<32768xf32, #tpu.memory_space<vmem>>[vector<16xi32>], vector<16xf32>,
      %add3A_2175 = arith.addf %add3A_2160, %gather3A_2174 : vector<16xf32>
      %select_n3A_2176 = arith.select %ge3A_2166, %gather3A_2174, %broadcast_in_dim3A_8 : vector<16xi1>, vector<16xf32>
      %add3A_2177 = arith.addf %add3A_2162, %select_n3A_2176 : vector<16xf32>
      %add3A_2178 = arith.constant 2046 : i32
      %add3A_2179 = vector.broadcast %add3A_2178 : i32 to vector<16xi32>
      %add3A_2180 = arith.addi %add3A_7, %add3A_2179 : vector<16xi32>
      %ge3A_2181 = arith.cmpi sge, %add3A_2180, %add3A_6 : vector<16xi32>
      %add3A_2182 = arith.constant -2 : i32
      %add3A_2183 = vector.broadcast %add3A_2182 : i32 to vector<16xi32>
      %add3A_2184 = arith.addi %add3A_7, %add3A_2183 : vector<16xi32>
      %add3A_2185 = arith.constant 2046 : i32
      %add3A_2186 = vector.broadcast %add3A_2185 : i32 to vector<16xi32>
      %add3A_2187 = arith.addi %add3A_7, %add3A_2186 : vector<16xi32>
      %select_n3A_2188 = arith.select %ge3A_2181, %add3A_2184, %add3A_2187 : vector<16xi1>, vector<16xi32>
      %gather3A_2189 = tpu.vector_load_idx %arg5[%select_n3A_2188] : memref<32768xf32, #tpu.memory_space<vmem>>[vector<16xi32>], vector<16xf32>,
      %add3A_2190 = arith.addf %add3A_2175, %gather3A_2189 : vector<16xf32>
      %select_n3A_2191 = arith.select %ge3A_2181, %gather3A_2189, %broadcast_in_dim3A_8 : vector<16xi1>, vector<16xf32>
      %add3A_2192 = arith.addf %add3A_2177, %select_n3A_2191 : vector<16xf32>
      %add3A_2193 = arith.constant 2047 : i32
      %add3A_2194 = vector.broadcast %add3A_2193 : i32 to vector<16xi32>
      %add3A_2195 = arith.addi %add3A_7, %add3A_2194 : vector<16xi32>
      %ge3A_2196 = arith.cmpi sge, %add3A_2195, %add3A_6 : vector<16xi32>
      %add3A_2197 = arith.constant -1 : i32
      %add3A_2198 = vector.broadcast %add3A_2197 : i32 to vector<16xi32>
      %add3A_2199 = arith.addi %add3A_7, %add3A_2198 : vector<16xi32>
      %add3A_2200 = arith.constant 2047 : i32
      %add3A_2201 = vector.broadcast %add3A_2200 : i32 to vector<16xi32>
      %add3A_2202 = arith.addi %add3A_7, %add3A_2201 : vector<16xi32>
      %select_n3A_2203 = arith.select %ge3A_2196, %add3A_2199, %add3A_2202 : vector<16xi1>, vector<16xi32>
      %gather3A_2204 = tpu.vector_load_idx %arg5[%select_n3A_2203] : memref<32768xf32, #tpu.memory_space<vmem>>[vector<16xi32>], vector<16xf32>,
      %add3A_2205 = arith.addf %add3A_2190, %gather3A_2204 : vector<16xf32>
      %select_n3A_2206 = arith.select %ge3A_2196, %gather3A_2204, %broadcast_in_dim3A_8 : vector<16xi1>, vector<16xf32>
      %add3A_2207 = arith.addf %add3A_2192, %select_n3A_2206 : vector<16xf32>
      %broadcast_in_dim3A_2208 = arith.constant true
      %broadcast_in_dim3A_2209 = vector.broadcast %broadcast_in_dim3A_2208 : i1 to vector<16xi1>
      %masked_cumsum3A_2210 = tpu.scan <sum>, %add3A_2205 masked %broadcast_in_dim3A_2209 : vector<16xf32>, vector<16xi1> -> vector<16xf32>
      %sub3A_2211 = arith.subf %masked_cumsum3A_2210, %add3A_2205 : vector<16xf32>
      %dma_wait3A_2212 = arith.constant 0 : i32
      %dma_wait3A_2213 = tpu.memref_slice %arg3[%add3A_1289, %dma_wait3A_2212] : memref<127x32769xf32, #tpu.memory_space<hbm>> -> memref<1x32769xf32, #tpu.memory_space<hbm>>
      %dma_wait3A_2214 = tpu.memref_squeeze %dma_wait3A_2213 : memref<1x32769xf32, #tpu.memory_space<hbm>> -> memref<32769xf32, #tpu.memory_space<hbm>>
      %dma_wait3A_2215 = arith.constant 0 : i32
      %dma_wait3A_2216 = tpu.memref_slice %arg3[%add3A_1289, %dma_wait3A_2215] : memref<127x32769xf32, #tpu.memory_space<hbm>> -> memref<1x32769xf32, #tpu.memory_space<hbm>>
      %dma_wait3A_2217 = tpu.memref_squeeze %dma_wait3A_2216 : memref<1x32769xf32, #tpu.memory_space<hbm>> -> memref<32769xf32, #tpu.memory_space<hbm>>
      tpu.wait_dma2 semaphore(%arg9 : memref<!tpu.dma_semaphore, #tpu.memory_space<semaphore_mem>>) src(%arg6 : memref<32769xf32, #tpu.memory_space<vmem>>) dst(%dma_wait3A_2217 : memref<32769xf32, #tpu.memory_space<hbm>>)
      %add3A_2218 = arith.constant 1 : i32
      %add3A_2219 = vector.broadcast %add3A_2218 : i32 to vector<16xi32>
      %add3A_2220 = arith.addi %add3A_7, %add3A_2219 : vector<16xi32>
      %add3A_2221 = arith.addf %sub3A_2211, %add3A_2207 : vector<16xf32>
      %scan3A_2222 = arith.constant 0 : i32
      %scan3A_2223 = arith.constant 127 : i32
      %scan3A_2224 = arith.addi %scan3A_2222, %scan3A_2223 : i32
      %scan3A_2225 = arith.constant 1 : i32
      %scan3A_2226 = scf.for %scan3A_2581 = %scan3A_2222 to %scan3A_2224 step %scan3A_2225 iter_args(%scan3A_2582 = %add3A_2221) -> (vector<16xf32>)  : i32 {
        %mul3A_2583 = arith.constant 16 : i32
        %mul3A_2584 = arith.muli %scan3A_2581, %mul3A_2583 : i32
        %add3A_2585 = arith.constant 0 : i32
        %add3A_2586 = arith.addi %mul3A_2584, %add3A_2585 : i32
        %add3A_2587 = vector.broadcast %add3A_2586 : i32 to vector<16xi32>
        %add3A_2588 = arith.addi %add3A_7, %add3A_2587 : vector<16xi32>
        %gather3A_2589 = tpu.vector_load_idx %arg5[%add3A_2588] : memref<32768xf32, #tpu.memory_space<vmem>>[vector<16xi32>], vector<16xf32>,
        %add3A_2590 = arith.constant 1 : i32
        %add3A_2591 = arith.addi %mul3A_2584, %add3A_2590 : i32
        %add3A_2592 = vector.broadcast %add3A_2591 : i32 to vector<16xi32>
        %add3A_2593 = arith.addi %add3A_7, %add3A_2592 : vector<16xi32>
        %gather3A_2594 = tpu.vector_load_idx %arg5[%add3A_2593] : memref<32768xf32, #tpu.memory_space<vmem>>[vector<16xi32>], vector<16xf32>,
        %add3A_2595 = arith.constant 2 : i32
        %add3A_2596 = arith.addi %mul3A_2584, %add3A_2595 : i32
        %add3A_2597 = vector.broadcast %add3A_2596 : i32 to vector<16xi32>
        %add3A_2598 = arith.addi %add3A_7, %add3A_2597 : vector<16xi32>
        %gather3A_2599 = tpu.vector_load_idx %arg5[%add3A_2598] : memref<32768xf32, #tpu.memory_space<vmem>>[vector<16xi32>], vector<16xf32>,
        %add3A_2600 = arith.constant 3 : i32
        %add3A_2601 = arith.addi %mul3A_2584, %add3A_2600 : i32
        %add3A_2602 = vector.broadcast %add3A_2601 : i32 to vector<16xi32>
        %add3A_2603 = arith.addi %add3A_7, %add3A_2602 : vector<16xi32>
        %gather3A_2604 = tpu.vector_load_idx %arg5[%add3A_2603] : memref<32768xf32, #tpu.memory_space<vmem>>[vector<16xi32>], vector<16xf32>,
        %add3A_2605 = arith.constant 4 : i32
        %add3A_2606 = arith.addi %mul3A_2584, %add3A_2605 : i32
        %add3A_2607 = vector.broadcast %add3A_2606 : i32 to vector<16xi32>
        %add3A_2608 = arith.addi %add3A_7, %add3A_2607 : vector<16xi32>
        %gather3A_2609 = tpu.vector_load_idx %arg5[%add3A_2608] : memref<32768xf32, #tpu.memory_space<vmem>>[vector<16xi32>], vector<16xf32>,
        %add3A_2610 = arith.constant 5 : i32
        %add3A_2611 = arith.addi %mul3A_2584, %add3A_2610 : i32
        %add3A_2612 = vector.broadcast %add3A_2611 : i32 to vector<16xi32>
        %add3A_2613 = arith.addi %add3A_7, %add3A_2612 : vector<16xi32>
        %gather3A_2614 = tpu.vector_load_idx %arg5[%add3A_2613] : memref<32768xf32, #tpu.memory_space<vmem>>[vector<16xi32>], vector<16xf32>,
        %add3A_2615 = arith.constant 6 : i32
        %add3A_2616 = arith.addi %mul3A_2584, %add3A_2615 : i32
        %add3A_2617 = vector.broadcast %add3A_2616 : i32 to vector<16xi32>
        %add3A_2618 = arith.addi %add3A_7, %add3A_2617 : vector<16xi32>
        %gather3A_2619 = tpu.vector_load_idx %arg5[%add3A_2618] : memref<32768xf32, #tpu.memory_space<vmem>>[vector<16xi32>], vector<16xf32>,
        %add3A_2620 = arith.constant 7 : i32
        %add3A_2621 = arith.addi %mul3A_2584, %add3A_2620 : i32
        %add3A_2622 = vector.broadcast %add3A_2621 : i32 to vector<16xi32>
        %add3A_2623 = arith.addi %add3A_7, %add3A_2622 : vector<16xi32>
        %gather3A_2624 = tpu.vector_load_idx %arg5[%add3A_2623] : memref<32768xf32, #tpu.memory_space<vmem>>[vector<16xi32>], vector<16xf32>,
        %add3A_2625 = arith.constant 8 : i32
        %add3A_2626 = arith.addi %mul3A_2584, %add3A_2625 : i32
        %add3A_2627 = vector.broadcast %add3A_2626 : i32 to vector<16xi32>
        %add3A_2628 = arith.addi %add3A_7, %add3A_2627 : vector<16xi32>
        %gather3A_2629 = tpu.vector_load_idx %arg5[%add3A_2628] : memref<32768xf32, #tpu.memory_space<vmem>>[vector<16xi32>], vector<16xf32>,
        %add3A_2630 = arith.constant 9 : i32
        %add3A_2631 = arith.addi %mul3A_2584, %add3A_2630 : i32
        %add3A_2632 = vector.broadcast %add3A_2631 : i32 to vector<16xi32>
        %add3A_2633 = arith.addi %add3A_7, %add3A_2632 : vector<16xi32>
        %gather3A_2634 = tpu.vector_load_idx %arg5[%add3A_2633] : memref<32768xf32, #tpu.memory_space<vmem>>[vector<16xi32>], vector<16xf32>,
        %add3A_2635 = arith.constant 10 : i32
        %add3A_2636 = arith.addi %mul3A_2584, %add3A_2635 : i32
        %add3A_2637 = vector.broadcast %add3A_2636 : i32 to vector<16xi32>
        %add3A_2638 = arith.addi %add3A_7, %add3A_2637 : vector<16xi32>
        %gather3A_2639 = tpu.vector_load_idx %arg5[%add3A_2638] : memref<32768xf32, #tpu.memory_space<vmem>>[vector<16xi32>], vector<16xf32>,
        %add3A_2640 = arith.constant 11 : i32
        %add3A_2641 = arith.addi %mul3A_2584, %add3A_2640 : i32
        %add3A_2642 = vector.broadcast %add3A_2641 : i32 to vector<16xi32>
        %add3A_2643 = arith.addi %add3A_7, %add3A_2642 : vector<16xi32>
        %gather3A_2644 = tpu.vector_load_idx %arg5[%add3A_2643] : memref<32768xf32, #tpu.memory_space<vmem>>[vector<16xi32>], vector<16xf32>,
        %add3A_2645 = arith.constant 12 : i32
        %add3A_2646 = arith.addi %mul3A_2584, %add3A_2645 : i32
        %add3A_2647 = vector.broadcast %add3A_2646 : i32 to vector<16xi32>
        %add3A_2648 = arith.addi %add3A_7, %add3A_2647 : vector<16xi32>
        %gather3A_2649 = tpu.vector_load_idx %arg5[%add3A_2648] : memref<32768xf32, #tpu.memory_space<vmem>>[vector<16xi32>], vector<16xf32>,
        %add3A_2650 = arith.constant 13 : i32
        %add3A_2651 = arith.addi %mul3A_2584, %add3A_2650 : i32
        %add3A_2652 = vector.broadcast %add3A_2651 : i32 to vector<16xi32>
        %add3A_2653 = arith.addi %add3A_7, %add3A_2652 : vector<16xi32>
        %gather3A_2654 = tpu.vector_load_idx %arg5[%add3A_2653] : memref<32768xf32, #tpu.memory_space<vmem>>[vector<16xi32>], vector<16xf32>,
        %add3A_2655 = arith.constant 14 : i32
        %add3A_2656 = arith.addi %mul3A_2584, %add3A_2655 : i32
        %add3A_2657 = vector.broadcast %add3A_2656 : i32 to vector<16xi32>
        %add3A_2658 = arith.addi %add3A_7, %add3A_2657 : vector<16xi32>
        %gather3A_2659 = tpu.vector_load_idx %arg5[%add3A_2658] : memref<32768xf32, #tpu.memory_space<vmem>>[vector<16xi32>], vector<16xf32>,
        %add3A_2660 = arith.constant 15 : i32
        %add3A_2661 = arith.addi %mul3A_2584, %add3A_2660 : i32
        %add3A_2662 = vector.broadcast %add3A_2661 : i32 to vector<16xi32>
        %add3A_2663 = arith.addi %add3A_7, %add3A_2662 : vector<16xi32>
        %gather3A_2664 = tpu.vector_load_idx %arg5[%add3A_2663] : memref<32768xf32, #tpu.memory_space<vmem>>[vector<16xi32>], vector<16xf32>,
        %add3A_2665 = arith.addf %gather3A_2589, %gather3A_2594 : vector<16xf32>
        %add3A_2666 = arith.addf %add3A_2665, %gather3A_2599 : vector<16xf32>
        %add3A_2667 = arith.addf %add3A_2666, %gather3A_2604 : vector<16xf32>
        %add3A_2668 = arith.addf %add3A_2667, %gather3A_2609 : vector<16xf32>
        %add3A_2669 = arith.addf %add3A_2668, %gather3A_2614 : vector<16xf32>
        %add3A_2670 = arith.addf %add3A_2669, %gather3A_2619 : vector<16xf32>
        %add3A_2671 = arith.addf %add3A_2670, %gather3A_2624 : vector<16xf32>
        %add3A_2672 = arith.addf %add3A_2671, %gather3A_2629 : vector<16xf32>
        %add3A_2673 = arith.addf %add3A_2672, %gather3A_2634 : vector<16xf32>
        %add3A_2674 = arith.addf %add3A_2673, %gather3A_2639 : vector<16xf32>
        %add3A_2675 = arith.addf %add3A_2674, %gather3A_2644 : vector<16xf32>
        %add3A_2676 = arith.addf %add3A_2675, %gather3A_2649 : vector<16xf32>
        %add3A_2677 = arith.addf %add3A_2676, %gather3A_2654 : vector<16xf32>
        %add3A_2678 = arith.addf %add3A_2677, %gather3A_2659 : vector<16xf32>
        %add3A_2679 = arith.addf %add3A_2678, %gather3A_2664 : vector<16xf32>
        %add3A_2680 = vector.broadcast %mul3A_2584 : i32 to vector<16xi32>
        %add3A_2681 = arith.addi %add3A_2220, %add3A_2680 : vector<16xi32>
        %add3A_2682 = arith.addf %scan3A_2582, %gather3A_2589 : vector<16xf32>
        tpu.vector_store_idx %arg6[%add3A_2681], %add3A_2682 : memref<32769xf32, #tpu.memory_space<vmem>>[vector<16xi32>], vector<16xf32>,
        %add3A_2683 = arith.constant 1 : i32
        %add3A_2684 = arith.addi %mul3A_2584, %add3A_2683 : i32
        %add3A_2685 = vector.broadcast %add3A_2684 : i32 to vector<16xi32>
        %add3A_2686 = arith.addi %add3A_2220, %add3A_2685 : vector<16xi32>
        %add3A_2687 = arith.addf %scan3A_2582, %add3A_2665 : vector<16xf32>
        tpu.vector_store_idx %arg6[%add3A_2686], %add3A_2687 : memref<32769xf32, #tpu.memory_space<vmem>>[vector<16xi32>], vector<16xf32>,
        %add3A_2688 = arith.constant 2 : i32
        %add3A_2689 = arith.addi %mul3A_2584, %add3A_2688 : i32
        %add3A_2690 = vector.broadcast %add3A_2689 : i32 to vector<16xi32>
        %add3A_2691 = arith.addi %add3A_2220, %add3A_2690 : vector<16xi32>
        %add3A_2692 = arith.addf %scan3A_2582, %add3A_2666 : vector<16xf32>
        tpu.vector_store_idx %arg6[%add3A_2691], %add3A_2692 : memref<32769xf32, #tpu.memory_space<vmem>>[vector<16xi32>], vector<16xf32>,
        %add3A_2693 = arith.constant 3 : i32
        %add3A_2694 = arith.addi %mul3A_2584, %add3A_2693 : i32
        %add3A_2695 = vector.broadcast %add3A_2694 : i32 to vector<16xi32>
        %add3A_2696 = arith.addi %add3A_2220, %add3A_2695 : vector<16xi32>
        %add3A_2697 = arith.addf %scan3A_2582, %add3A_2667 : vector<16xf32>
        tpu.vector_store_idx %arg6[%add3A_2696], %add3A_2697 : memref<32769xf32, #tpu.memory_space<vmem>>[vector<16xi32>], vector<16xf32>,
        %add3A_2698 = arith.constant 4 : i32
        %add3A_2699 = arith.addi %mul3A_2584, %add3A_2698 : i32
        %add3A_2700 = vector.broadcast %add3A_2699 : i32 to vector<16xi32>
        %add3A_2701 = arith.addi %add3A_2220, %add3A_2700 : vector<16xi32>
        %add3A_2702 = arith.addf %scan3A_2582, %add3A_2668 : vector<16xf32>
        tpu.vector_store_idx %arg6[%add3A_2701], %add3A_2702 : memref<32769xf32, #tpu.memory_space<vmem>>[vector<16xi32>], vector<16xf32>,
        %add3A_2703 = arith.constant 5 : i32
        %add3A_2704 = arith.addi %mul3A_2584, %add3A_2703 : i32
        %add3A_2705 = vector.broadcast %add3A_2704 : i32 to vector<16xi32>
        %add3A_2706 = arith.addi %add3A_2220, %add3A_2705 : vector<16xi32>
        %add3A_2707 = arith.addf %scan3A_2582, %add3A_2669 : vector<16xf32>
        tpu.vector_store_idx %arg6[%add3A_2706], %add3A_2707 : memref<32769xf32, #tpu.memory_space<vmem>>[vector<16xi32>], vector<16xf32>,
        %add3A_2708 = arith.constant 6 : i32
        %add3A_2709 = arith.addi %mul3A_2584, %add3A_2708 : i32
        %add3A_2710 = vector.broadcast %add3A_2709 : i32 to vector<16xi32>
        %add3A_2711 = arith.addi %add3A_2220, %add3A_2710 : vector<16xi32>
        %add3A_2712 = arith.addf %scan3A_2582, %add3A_2670 : vector<16xf32>
        tpu.vector_store_idx %arg6[%add3A_2711], %add3A_2712 : memref<32769xf32, #tpu.memory_space<vmem>>[vector<16xi32>], vector<16xf32>,
        %add3A_2713 = arith.constant 7 : i32
        %add3A_2714 = arith.addi %mul3A_2584, %add3A_2713 : i32
        %add3A_2715 = vector.broadcast %add3A_2714 : i32 to vector<16xi32>
        %add3A_2716 = arith.addi %add3A_2220, %add3A_2715 : vector<16xi32>
        %add3A_2717 = arith.addf %scan3A_2582, %add3A_2671 : vector<16xf32>
        tpu.vector_store_idx %arg6[%add3A_2716], %add3A_2717 : memref<32769xf32, #tpu.memory_space<vmem>>[vector<16xi32>], vector<16xf32>,
        %add3A_2718 = arith.constant 8 : i32
        %add3A_2719 = arith.addi %mul3A_2584, %add3A_2718 : i32
        %add3A_2720 = vector.broadcast %add3A_2719 : i32 to vector<16xi32>
        %add3A_2721 = arith.addi %add3A_2220, %add3A_2720 : vector<16xi32>
        %add3A_2722 = arith.addf %scan3A_2582, %add3A_2672 : vector<16xf32>
        tpu.vector_store_idx %arg6[%add3A_2721], %add3A_2722 : memref<32769xf32, #tpu.memory_space<vmem>>[vector<16xi32>], vector<16xf32>,
        %add3A_2723 = arith.constant 9 : i32
        %add3A_2724 = arith.addi %mul3A_2584, %add3A_2723 : i32
        %add3A_2725 = vector.broadcast %add3A_2724 : i32 to vector<16xi32>
        %add3A_2726 = arith.addi %add3A_2220, %add3A_2725 : vector<16xi32>
        %add3A_2727 = arith.addf %scan3A_2582, %add3A_2673 : vector<16xf32>
        tpu.vector_store_idx %arg6[%add3A_2726], %add3A_2727 : memref<32769xf32, #tpu.memory_space<vmem>>[vector<16xi32>], vector<16xf32>,
        %add3A_2728 = arith.constant 10 : i32
        %add3A_2729 = arith.addi %mul3A_2584, %add3A_2728 : i32
        %add3A_2730 = vector.broadcast %add3A_2729 : i32 to vector<16xi32>
        %add3A_2731 = arith.addi %add3A_2220, %add3A_2730 : vector<16xi32>
        %add3A_2732 = arith.addf %scan3A_2582, %add3A_2674 : vector<16xf32>
        tpu.vector_store_idx %arg6[%add3A_2731], %add3A_2732 : memref<32769xf32, #tpu.memory_space<vmem>>[vector<16xi32>], vector<16xf32>,
        %add3A_2733 = arith.constant 11 : i32
        %add3A_2734 = arith.addi %mul3A_2584, %add3A_2733 : i32
        %add3A_2735 = vector.broadcast %add3A_2734 : i32 to vector<16xi32>
        %add3A_2736 = arith.addi %add3A_2220, %add3A_2735 : vector<16xi32>
        %add3A_2737 = arith.addf %scan3A_2582, %add3A_2675 : vector<16xf32>
        tpu.vector_store_idx %arg6[%add3A_2736], %add3A_2737 : memref<32769xf32, #tpu.memory_space<vmem>>[vector<16xi32>], vector<16xf32>,
        %add3A_2738 = arith.constant 12 : i32
        %add3A_2739 = arith.addi %mul3A_2584, %add3A_2738 : i32
        %add3A_2740 = vector.broadcast %add3A_2739 : i32 to vector<16xi32>
        %add3A_2741 = arith.addi %add3A_2220, %add3A_2740 : vector<16xi32>
        %add3A_2742 = arith.addf %scan3A_2582, %add3A_2676 : vector<16xf32>
        tpu.vector_store_idx %arg6[%add3A_2741], %add3A_2742 : memref<32769xf32, #tpu.memory_space<vmem>>[vector<16xi32>], vector<16xf32>,
        %add3A_2743 = arith.constant 13 : i32
        %add3A_2744 = arith.addi %mul3A_2584, %add3A_2743 : i32
        %add3A_2745 = vector.broadcast %add3A_2744 : i32 to vector<16xi32>
        %add3A_2746 = arith.addi %add3A_2220, %add3A_2745 : vector<16xi32>
        %add3A_2747 = arith.addf %scan3A_2582, %add3A_2677 : vector<16xf32>
        tpu.vector_store_idx %arg6[%add3A_2746], %add3A_2747 : memref<32769xf32, #tpu.memory_space<vmem>>[vector<16xi32>], vector<16xf32>,
        %add3A_2748 = arith.constant 14 : i32
        %add3A_2749 = arith.addi %mul3A_2584, %add3A_2748 : i32
        %add3A_2750 = vector.broadcast %add3A_2749 : i32 to vector<16xi32>
        %add3A_2751 = arith.addi %add3A_2220, %add3A_2750 : vector<16xi32>
        %add3A_2752 = arith.addf %scan3A_2582, %add3A_2678 : vector<16xf32>
        tpu.vector_store_idx %arg6[%add3A_2751], %add3A_2752 : memref<32769xf32, #tpu.memory_space<vmem>>[vector<16xi32>], vector<16xf32>,
        %add3A_2753 = arith.constant 15 : i32
        %add3A_2754 = arith.addi %mul3A_2584, %add3A_2753 : i32
        %add3A_2755 = vector.broadcast %add3A_2754 : i32 to vector<16xi32>
        %add3A_2756 = arith.addi %add3A_2220, %add3A_2755 : vector<16xi32>
        %add3A_2757 = arith.addf %scan3A_2582, %add3A_2679 : vector<16xf32>
        tpu.vector_store_idx %arg6[%add3A_2756], %add3A_2757 : memref<32769xf32, #tpu.memory_space<vmem>>[vector<16xi32>], vector<16xf32>,
        %add3A_2758 = arith.addf %scan3A_2582, %add3A_2679 : vector<16xf32>
        scf.yield %add3A_2758 : vector<16xf32>
      }
      %scan3A_2227 = arith.constant 127 : i32
      %add3A_2228 = arith.constant 2032 : i32
      %add3A_2229 = vector.broadcast %add3A_2228 : i32 to vector<16xi32>
      %add3A_2230 = arith.addi %add3A_7, %add3A_2229 : vector<16xi32>
      %ge3A_2231 = arith.cmpi sge, %add3A_2230, %add3A_6 : vector<16xi32>
      %add3A_2232 = arith.constant 2032 : i32
      %add3A_2233 = vector.broadcast %add3A_2232 : i32 to vector<16xi32>
      %add3A_2234 = arith.addi %add3A_7, %add3A_2233 : vector<16xi32>
      %eq3A_2235 = arith.cmpi eq, %add3A_2234, %add3A_6 : vector<16xi32>
      %add3A_2236 = arith.constant -16 : i32
      %add3A_2237 = vector.broadcast %add3A_2236 : i32 to vector<16xi32>
      %add3A_2238 = arith.addi %add3A_7, %add3A_2237 : vector<16xi32>
      %add3A_2239 = arith.constant 2032 : i32
      %add3A_2240 = vector.broadcast %add3A_2239 : i32 to vector<16xi32>
      %add3A_2241 = arith.addi %add3A_7, %add3A_2240 : vector<16xi32>
      %select_n3A_2242 = arith.select %ge3A_2231, %add3A_2238, %add3A_2241 : vector<16xi1>, vector<16xi32>
      %select_n3A_2243 = arith.select %eq3A_2235, %sub3A_2211, %scan3A_2226 : vector<16xi1>, vector<16xf32>
      %gather3A_2244 = tpu.vector_load_idx %arg5[%select_n3A_2242] : memref<32768xf32, #tpu.memory_space<vmem>>[vector<16xi32>], vector<16xf32>,
      %add3A_2245 = arith.addf %select_n3A_2243, %gather3A_2244 : vector<16xf32>
      %add3A_2246 = arith.constant 1 : i32
      %add3A_2247 = vector.broadcast %add3A_2246 : i32 to vector<16xi32>
      %add3A_2248 = arith.addi %select_n3A_2242, %add3A_2247 : vector<16xi32>
      tpu.vector_store_idx %arg6[%add3A_2248], %add3A_2245 : memref<32769xf32, #tpu.memory_space<vmem>>[vector<16xi32>], vector<16xf32>,
      %add3A_2249 = arith.constant 2033 : i32
      %add3A_2250 = vector.broadcast %add3A_2249 : i32 to vector<16xi32>
      %add3A_2251 = arith.addi %add3A_7, %add3A_2250 : vector<16xi32>
      %ge3A_2252 = arith.cmpi sge, %add3A_2251, %add3A_6 : vector<16xi32>
      %add3A_2253 = arith.constant 2033 : i32
      %add3A_2254 = vector.broadcast %add3A_2253 : i32 to vector<16xi32>
      %add3A_2255 = arith.addi %add3A_7, %add3A_2254 : vector<16xi32>
      %eq3A_2256 = arith.cmpi eq, %add3A_2255, %add3A_6 : vector<16xi32>
      %add3A_2257 = arith.constant -15 : i32
      %add3A_2258 = vector.broadcast %add3A_2257 : i32 to vector<16xi32>
      %add3A_2259 = arith.addi %add3A_7, %add3A_2258 : vector<16xi32>
      %add3A_2260 = arith.constant 2033 : i32
      %add3A_2261 = vector.broadcast %add3A_2260 : i32 to vector<16xi32>
      %add3A_2262 = arith.addi %add3A_7, %add3A_2261 : vector<16xi32>
      %select_n3A_2263 = arith.select %ge3A_2252, %add3A_2259, %add3A_2262 : vector<16xi1>, vector<16xi32>
      %select_n3A_2264 = arith.select %eq3A_2256, %sub3A_2211, %add3A_2245 : vector<16xi1>, vector<16xf32>
      %gather3A_2265 = tpu.vector_load_idx %arg5[%select_n3A_2263] : memref<32768xf32, #tpu.memory_space<vmem>>[vector<16xi32>], vector<16xf32>,
      %add3A_2266 = arith.addf %select_n3A_2264, %gather3A_2265 : vector<16xf32>
      %add3A_2267 = arith.constant 1 : i32
      %add3A_2268 = vector.broadcast %add3A_2267 : i32 to vector<16xi32>
      %add3A_2269 = arith.addi %select_n3A_2263, %add3A_2268 : vector<16xi32>
      tpu.vector_store_idx %arg6[%add3A_2269], %add3A_2266 : memref<32769xf32, #tpu.memory_space<vmem>>[vector<16xi32>], vector<16xf32>,
      %add3A_2270 = arith.constant 2034 : i32
      %add3A_2271 = vector.broadcast %add3A_2270 : i32 to vector<16xi32>
      %add3A_2272 = arith.addi %add3A_7, %add3A_2271 : vector<16xi32>
      %ge3A_2273 = arith.cmpi sge, %add3A_2272, %add3A_6 : vector<16xi32>
      %add3A_2274 = arith.constant 2034 : i32
      %add3A_2275 = vector.broadcast %add3A_2274 : i32 to vector<16xi32>
      %add3A_2276 = arith.addi %add3A_7, %add3A_2275 : vector<16xi32>
      %eq3A_2277 = arith.cmpi eq, %add3A_2276, %add3A_6 : vector<16xi32>
      %add3A_2278 = arith.constant -14 : i32
      %add3A_2279 = vector.broadcast %add3A_2278 : i32 to vector<16xi32>
      %add3A_2280 = arith.addi %add3A_7, %add3A_2279 : vector<16xi32>
      %add3A_2281 = arith.constant 2034 : i32
      %add3A_2282 = vector.broadcast %add3A_2281 : i32 to vector<16xi32>
      %add3A_2283 = arith.addi %add3A_7, %add3A_2282 : vector<16xi32>
      %select_n3A_2284 = arith.select %ge3A_2273, %add3A_2280, %add3A_2283 : vector<16xi1>, vector<16xi32>
      %select_n3A_2285 = arith.select %eq3A_2277, %sub3A_2211, %add3A_2266 : vector<16xi1>, vector<16xf32>
      %gather3A_2286 = tpu.vector_load_idx %arg5[%select_n3A_2284] : memref<32768xf32, #tpu.memory_space<vmem>>[vector<16xi32>], vector<16xf32>,
      %add3A_2287 = arith.addf %select_n3A_2285, %gather3A_2286 : vector<16xf32>
      %add3A_2288 = arith.constant 1 : i32
      %add3A_2289 = vector.broadcast %add3A_2288 : i32 to vector<16xi32>
      %add3A_2290 = arith.addi %select_n3A_2284, %add3A_2289 : vector<16xi32>
      tpu.vector_store_idx %arg6[%add3A_2290], %add3A_2287 : memref<32769xf32, #tpu.memory_space<vmem>>[vector<16xi32>], vector<16xf32>,
      %add3A_2291 = arith.constant 2035 : i32
      %add3A_2292 = vector.broadcast %add3A_2291 : i32 to vector<16xi32>
      %add3A_2293 = arith.addi %add3A_7, %add3A_2292 : vector<16xi32>
      %ge3A_2294 = arith.cmpi sge, %add3A_2293, %add3A_6 : vector<16xi32>
      %add3A_2295 = arith.constant 2035 : i32
      %add3A_2296 = vector.broadcast %add3A_2295 : i32 to vector<16xi32>
      %add3A_2297 = arith.addi %add3A_7, %add3A_2296 : vector<16xi32>
      %eq3A_2298 = arith.cmpi eq, %add3A_2297, %add3A_6 : vector<16xi32>
      %add3A_2299 = arith.constant -13 : i32
      %add3A_2300 = vector.broadcast %add3A_2299 : i32 to vector<16xi32>
      %add3A_2301 = arith.addi %add3A_7, %add3A_2300 : vector<16xi32>
      %add3A_2302 = arith.constant 2035 : i32
      %add3A_2303 = vector.broadcast %add3A_2302 : i32 to vector<16xi32>
      %add3A_2304 = arith.addi %add3A_7, %add3A_2303 : vector<16xi32>
      %select_n3A_2305 = arith.select %ge3A_2294, %add3A_2301, %add3A_2304 : vector<16xi1>, vector<16xi32>
      %select_n3A_2306 = arith.select %eq3A_2298, %sub3A_2211, %add3A_2287 : vector<16xi1>, vector<16xf32>
      %gather3A_2307 = tpu.vector_load_idx %arg5[%select_n3A_2305] : memref<32768xf32, #tpu.memory_space<vmem>>[vector<16xi32>], vector<16xf32>,
      %add3A_2308 = arith.addf %select_n3A_2306, %gather3A_2307 : vector<16xf32>
      %add3A_2309 = arith.constant 1 : i32
      %add3A_2310 = vector.broadcast %add3A_2309 : i32 to vector<16xi32>
      %add3A_2311 = arith.addi %select_n3A_2305, %add3A_2310 : vector<16xi32>
      tpu.vector_store_idx %arg6[%add3A_2311], %add3A_2308 : memref<32769xf32, #tpu.memory_space<vmem>>[vector<16xi32>], vector<16xf32>,
      %add3A_2312 = arith.constant 2036 : i32
      %add3A_2313 = vector.broadcast %add3A_2312 : i32 to vector<16xi32>
      %add3A_2314 = arith.addi %add3A_7, %add3A_2313 : vector<16xi32>
      %ge3A_2315 = arith.cmpi sge, %add3A_2314, %add3A_6 : vector<16xi32>
      %add3A_2316 = arith.constant 2036 : i32
      %add3A_2317 = vector.broadcast %add3A_2316 : i32 to vector<16xi32>
      %add3A_2318 = arith.addi %add3A_7, %add3A_2317 : vector<16xi32>
      %eq3A_2319 = arith.cmpi eq, %add3A_2318, %add3A_6 : vector<16xi32>
      %add3A_2320 = arith.constant -12 : i32
      %add3A_2321 = vector.broadcast %add3A_2320 : i32 to vector<16xi32>
      %add3A_2322 = arith.addi %add3A_7, %add3A_2321 : vector<16xi32>
      %add3A_2323 = arith.constant 2036 : i32
      %add3A_2324 = vector.broadcast %add3A_2323 : i32 to vector<16xi32>
      %add3A_2325 = arith.addi %add3A_7, %add3A_2324 : vector<16xi32>
      %select_n3A_2326 = arith.select %ge3A_2315, %add3A_2322, %add3A_2325 : vector<16xi1>, vector<16xi32>
      %select_n3A_2327 = arith.select %eq3A_2319, %sub3A_2211, %add3A_2308 : vector<16xi1>, vector<16xf32>
      %gather3A_2328 = tpu.vector_load_idx %arg5[%select_n3A_2326] : memref<32768xf32, #tpu.memory_space<vmem>>[vector<16xi32>], vector<16xf32>,
      %add3A_2329 = arith.addf %select_n3A_2327, %gather3A_2328 : vector<16xf32>
      %add3A_2330 = arith.constant 1 : i32
      %add3A_2331 = vector.broadcast %add3A_2330 : i32 to vector<16xi32>
      %add3A_2332 = arith.addi %select_n3A_2326, %add3A_2331 : vector<16xi32>
      tpu.vector_store_idx %arg6[%add3A_2332], %add3A_2329 : memref<32769xf32, #tpu.memory_space<vmem>>[vector<16xi32>], vector<16xf32>,
      %add3A_2333 = arith.constant 2037 : i32
      %add3A_2334 = vector.broadcast %add3A_2333 : i32 to vector<16xi32>
      %add3A_2335 = arith.addi %add3A_7, %add3A_2334 : vector<16xi32>
      %ge3A_2336 = arith.cmpi sge, %add3A_2335, %add3A_6 : vector<16xi32>
      %add3A_2337 = arith.constant 2037 : i32
      %add3A_2338 = vector.broadcast %add3A_2337 : i32 to vector<16xi32>
      %add3A_2339 = arith.addi %add3A_7, %add3A_2338 : vector<16xi32>
      %eq3A_2340 = arith.cmpi eq, %add3A_2339, %add3A_6 : vector<16xi32>
      %add3A_2341 = arith.constant -11 : i32
      %add3A_2342 = vector.broadcast %add3A_2341 : i32 to vector<16xi32>
      %add3A_2343 = arith.addi %add3A_7, %add3A_2342 : vector<16xi32>
      %add3A_2344 = arith.constant 2037 : i32
      %add3A_2345 = vector.broadcast %add3A_2344 : i32 to vector<16xi32>
      %add3A_2346 = arith.addi %add3A_7, %add3A_2345 : vector<16xi32>
      %select_n3A_2347 = arith.select %ge3A_2336, %add3A_2343, %add3A_2346 : vector<16xi1>, vector<16xi32>
      %select_n3A_2348 = arith.select %eq3A_2340, %sub3A_2211, %add3A_2329 : vector<16xi1>, vector<16xf32>
      %gather3A_2349 = tpu.vector_load_idx %arg5[%select_n3A_2347] : memref<32768xf32, #tpu.memory_space<vmem>>[vector<16xi32>], vector<16xf32>,
      %add3A_2350 = arith.addf %select_n3A_2348, %gather3A_2349 : vector<16xf32>
      %add3A_2351 = arith.constant 1 : i32
      %add3A_2352 = vector.broadcast %add3A_2351 : i32 to vector<16xi32>
      %add3A_2353 = arith.addi %select_n3A_2347, %add3A_2352 : vector<16xi32>
      tpu.vector_store_idx %arg6[%add3A_2353], %add3A_2350 : memref<32769xf32, #tpu.memory_space<vmem>>[vector<16xi32>], vector<16xf32>,
      %add3A_2354 = arith.constant 2038 : i32
      %add3A_2355 = vector.broadcast %add3A_2354 : i32 to vector<16xi32>
      %add3A_2356 = arith.addi %add3A_7, %add3A_2355 : vector<16xi32>
      %ge3A_2357 = arith.cmpi sge, %add3A_2356, %add3A_6 : vector<16xi32>
      %add3A_2358 = arith.constant 2038 : i32
      %add3A_2359 = vector.broadcast %add3A_2358 : i32 to vector<16xi32>
      %add3A_2360 = arith.addi %add3A_7, %add3A_2359 : vector<16xi32>
      %eq3A_2361 = arith.cmpi eq, %add3A_2360, %add3A_6 : vector<16xi32>
      %add3A_2362 = arith.constant -10 : i32
      %add3A_2363 = vector.broadcast %add3A_2362 : i32 to vector<16xi32>
      %add3A_2364 = arith.addi %add3A_7, %add3A_2363 : vector<16xi32>
      %add3A_2365 = arith.constant 2038 : i32
      %add3A_2366 = vector.broadcast %add3A_2365 : i32 to vector<16xi32>
      %add3A_2367 = arith.addi %add3A_7, %add3A_2366 : vector<16xi32>
      %select_n3A_2368 = arith.select %ge3A_2357, %add3A_2364, %add3A_2367 : vector<16xi1>, vector<16xi32>
      %select_n3A_2369 = arith.select %eq3A_2361, %sub3A_2211, %add3A_2350 : vector<16xi1>, vector<16xf32>
      %gather3A_2370 = tpu.vector_load_idx %arg5[%select_n3A_2368] : memref<32768xf32, #tpu.memory_space<vmem>>[vector<16xi32>], vector<16xf32>,
      %add3A_2371 = arith.addf %select_n3A_2369, %gather3A_2370 : vector<16xf32>
      %add3A_2372 = arith.constant 1 : i32
      %add3A_2373 = vector.broadcast %add3A_2372 : i32 to vector<16xi32>
      %add3A_2374 = arith.addi %select_n3A_2368, %add3A_2373 : vector<16xi32>
      tpu.vector_store_idx %arg6[%add3A_2374], %add3A_2371 : memref<32769xf32, #tpu.memory_space<vmem>>[vector<16xi32>], vector<16xf32>,
      %add3A_2375 = arith.constant 2039 : i32
      %add3A_2376 = vector.broadcast %add3A_2375 : i32 to vector<16xi32>
      %add3A_2377 = arith.addi %add3A_7, %add3A_2376 : vector<16xi32>
      %ge3A_2378 = arith.cmpi sge, %add3A_2377, %add3A_6 : vector<16xi32>
      %add3A_2379 = arith.constant 2039 : i32
      %add3A_2380 = vector.broadcast %add3A_2379 : i32 to vector<16xi32>
      %add3A_2381 = arith.addi %add3A_7, %add3A_2380 : vector<16xi32>
      %eq3A_2382 = arith.cmpi eq, %add3A_2381, %add3A_6 : vector<16xi32>
      %add3A_2383 = arith.constant -9 : i32
      %add3A_2384 = vector.broadcast %add3A_2383 : i32 to vector<16xi32>
      %add3A_2385 = arith.addi %add3A_7, %add3A_2384 : vector<16xi32>
      %add3A_2386 = arith.constant 2039 : i32
      %add3A_2387 = vector.broadcast %add3A_2386 : i32 to vector<16xi32>
      %add3A_2388 = arith.addi %add3A_7, %add3A_2387 : vector<16xi32>
      %select_n3A_2389 = arith.select %ge3A_2378, %add3A_2385, %add3A_2388 : vector<16xi1>, vector<16xi32>
      %select_n3A_2390 = arith.select %eq3A_2382, %sub3A_2211, %add3A_2371 : vector<16xi1>, vector<16xf32>
      %gather3A_2391 = tpu.vector_load_idx %arg5[%select_n3A_2389] : memref<32768xf32, #tpu.memory_space<vmem>>[vector<16xi32>], vector<16xf32>,
      %add3A_2392 = arith.addf %select_n3A_2390, %gather3A_2391 : vector<16xf32>
      %add3A_2393 = arith.constant 1 : i32
      %add3A_2394 = vector.broadcast %add3A_2393 : i32 to vector<16xi32>
      %add3A_2395 = arith.addi %select_n3A_2389, %add3A_2394 : vector<16xi32>
      tpu.vector_store_idx %arg6[%add3A_2395], %add3A_2392 : memref<32769xf32, #tpu.memory_space<vmem>>[vector<16xi32>], vector<16xf32>,
      %add3A_2396 = arith.constant 2040 : i32
      %add3A_2397 = vector.broadcast %add3A_2396 : i32 to vector<16xi32>
      %add3A_2398 = arith.addi %add3A_7, %add3A_2397 : vector<16xi32>
      %ge3A_2399 = arith.cmpi sge, %add3A_2398, %add3A_6 : vector<16xi32>
      %add3A_2400 = arith.constant 2040 : i32
      %add3A_2401 = vector.broadcast %add3A_2400 : i32 to vector<16xi32>
      %add3A_2402 = arith.addi %add3A_7, %add3A_2401 : vector<16xi32>
      %eq3A_2403 = arith.cmpi eq, %add3A_2402, %add3A_6 : vector<16xi32>
      %add3A_2404 = arith.constant -8 : i32
      %add3A_2405 = vector.broadcast %add3A_2404 : i32 to vector<16xi32>
      %add3A_2406 = arith.addi %add3A_7, %add3A_2405 : vector<16xi32>
      %add3A_2407 = arith.constant 2040 : i32
      %add3A_2408 = vector.broadcast %add3A_2407 : i32 to vector<16xi32>
      %add3A_2409 = arith.addi %add3A_7, %add3A_2408 : vector<16xi32>
      %select_n3A_2410 = arith.select %ge3A_2399, %add3A_2406, %add3A_2409 : vector<16xi1>, vector<16xi32>
      %select_n3A_2411 = arith.select %eq3A_2403, %sub3A_2211, %add3A_2392 : vector<16xi1>, vector<16xf32>
      %gather3A_2412 = tpu.vector_load_idx %arg5[%select_n3A_2410] : memref<32768xf32, #tpu.memory_space<vmem>>[vector<16xi32>], vector<16xf32>,
      %add3A_2413 = arith.addf %select_n3A_2411, %gather3A_2412 : vector<16xf32>
      %add3A_2414 = arith.constant 1 : i32
      %add3A_2415 = vector.broadcast %add3A_2414 : i32 to vector<16xi32>
      %add3A_2416 = arith.addi %select_n3A_2410, %add3A_2415 : vector<16xi32>
      tpu.vector_store_idx %arg6[%add3A_2416], %add3A_2413 : memref<32769xf32, #tpu.memory_space<vmem>>[vector<16xi32>], vector<16xf32>,
      %add3A_2417 = arith.constant 2041 : i32
      %add3A_2418 = vector.broadcast %add3A_2417 : i32 to vector<16xi32>
      %add3A_2419 = arith.addi %add3A_7, %add3A_2418 : vector<16xi32>
      %ge3A_2420 = arith.cmpi sge, %add3A_2419, %add3A_6 : vector<16xi32>
      %add3A_2421 = arith.constant 2041 : i32
      %add3A_2422 = vector.broadcast %add3A_2421 : i32 to vector<16xi32>
      %add3A_2423 = arith.addi %add3A_7, %add3A_2422 : vector<16xi32>
      %eq3A_2424 = arith.cmpi eq, %add3A_2423, %add3A_6 : vector<16xi32>
      %add3A_2425 = arith.constant -7 : i32
      %add3A_2426 = vector.broadcast %add3A_2425 : i32 to vector<16xi32>
      %add3A_2427 = arith.addi %add3A_7, %add3A_2426 : vector<16xi32>
      %add3A_2428 = arith.constant 2041 : i32
      %add3A_2429 = vector.broadcast %add3A_2428 : i32 to vector<16xi32>
      %add3A_2430 = arith.addi %add3A_7, %add3A_2429 : vector<16xi32>
      %select_n3A_2431 = arith.select %ge3A_2420, %add3A_2427, %add3A_2430 : vector<16xi1>, vector<16xi32>
      %select_n3A_2432 = arith.select %eq3A_2424, %sub3A_2211, %add3A_2413 : vector<16xi1>, vector<16xf32>
      %gather3A_2433 = tpu.vector_load_idx %arg5[%select_n3A_2431] : memref<32768xf32, #tpu.memory_space<vmem>>[vector<16xi32>], vector<16xf32>,
      %add3A_2434 = arith.addf %select_n3A_2432, %gather3A_2433 : vector<16xf32>
      %add3A_2435 = arith.constant 1 : i32
      %add3A_2436 = vector.broadcast %add3A_2435 : i32 to vector<16xi32>
      %add3A_2437 = arith.addi %select_n3A_2431, %add3A_2436 : vector<16xi32>
      tpu.vector_store_idx %arg6[%add3A_2437], %add3A_2434 : memref<32769xf32, #tpu.memory_space<vmem>>[vector<16xi32>], vector<16xf32>,
      %add3A_2438 = arith.constant 2042 : i32
      %add3A_2439 = vector.broadcast %add3A_2438 : i32 to vector<16xi32>
      %add3A_2440 = arith.addi %add3A_7, %add3A_2439 : vector<16xi32>
      %ge3A_2441 = arith.cmpi sge, %add3A_2440, %add3A_6 : vector<16xi32>
      %add3A_2442 = arith.constant 2042 : i32
      %add3A_2443 = vector.broadcast %add3A_2442 : i32 to vector<16xi32>
      %add3A_2444 = arith.addi %add3A_7, %add3A_2443 : vector<16xi32>
      %eq3A_2445 = arith.cmpi eq, %add3A_2444, %add3A_6 : vector<16xi32>
      %add3A_2446 = arith.constant -6 : i32
      %add3A_2447 = vector.broadcast %add3A_2446 : i32 to vector<16xi32>
      %add3A_2448 = arith.addi %add3A_7, %add3A_2447 : vector<16xi32>
      %add3A_2449 = arith.constant 2042 : i32
      %add3A_2450 = vector.broadcast %add3A_2449 : i32 to vector<16xi32>
      %add3A_2451 = arith.addi %add3A_7, %add3A_2450 : vector<16xi32>
      %select_n3A_2452 = arith.select %ge3A_2441, %add3A_2448, %add3A_2451 : vector<16xi1>, vector<16xi32>
      %select_n3A_2453 = arith.select %eq3A_2445, %sub3A_2211, %add3A_2434 : vector<16xi1>, vector<16xf32>
      %gather3A_2454 = tpu.vector_load_idx %arg5[%select_n3A_2452] : memref<32768xf32, #tpu.memory_space<vmem>>[vector<16xi32>], vector<16xf32>,
      %add3A_2455 = arith.addf %select_n3A_2453, %gather3A_2454 : vector<16xf32>
      %add3A_2456 = arith.constant 1 : i32
      %add3A_2457 = vector.broadcast %add3A_2456 : i32 to vector<16xi32>
      %add3A_2458 = arith.addi %select_n3A_2452, %add3A_2457 : vector<16xi32>
      tpu.vector_store_idx %arg6[%add3A_2458], %add3A_2455 : memref<32769xf32, #tpu.memory_space<vmem>>[vector<16xi32>], vector<16xf32>,
      %add3A_2459 = arith.constant 2043 : i32
      %add3A_2460 = vector.broadcast %add3A_2459 : i32 to vector<16xi32>
      %add3A_2461 = arith.addi %add3A_7, %add3A_2460 : vector<16xi32>
      %ge3A_2462 = arith.cmpi sge, %add3A_2461, %add3A_6 : vector<16xi32>
      %add3A_2463 = arith.constant 2043 : i32
      %add3A_2464 = vector.broadcast %add3A_2463 : i32 to vector<16xi32>
      %add3A_2465 = arith.addi %add3A_7, %add3A_2464 : vector<16xi32>
      %eq3A_2466 = arith.cmpi eq, %add3A_2465, %add3A_6 : vector<16xi32>
      %add3A_2467 = arith.constant -5 : i32
      %add3A_2468 = vector.broadcast %add3A_2467 : i32 to vector<16xi32>
      %add3A_2469 = arith.addi %add3A_7, %add3A_2468 : vector<16xi32>
      %add3A_2470 = arith.constant 2043 : i32
      %add3A_2471 = vector.broadcast %add3A_2470 : i32 to vector<16xi32>
      %add3A_2472 = arith.addi %add3A_7, %add3A_2471 : vector<16xi32>
      %select_n3A_2473 = arith.select %ge3A_2462, %add3A_2469, %add3A_2472 : vector<16xi1>, vector<16xi32>
      %select_n3A_2474 = arith.select %eq3A_2466, %sub3A_2211, %add3A_2455 : vector<16xi1>, vector<16xf32>
      %gather3A_2475 = tpu.vector_load_idx %arg5[%select_n3A_2473] : memref<32768xf32, #tpu.memory_space<vmem>>[vector<16xi32>], vector<16xf32>,
      %add3A_2476 = arith.addf %select_n3A_2474, %gather3A_2475 : vector<16xf32>
      %add3A_2477 = arith.constant 1 : i32
      %add3A_2478 = vector.broadcast %add3A_2477 : i32 to vector<16xi32>
      %add3A_2479 = arith.addi %select_n3A_2473, %add3A_2478 : vector<16xi32>
      tpu.vector_store_idx %arg6[%add3A_2479], %add3A_2476 : memref<32769xf32, #tpu.memory_space<vmem>>[vector<16xi32>], vector<16xf32>,
      %add3A_2480 = arith.constant 2044 : i32
      %add3A_2481 = vector.broadcast %add3A_2480 : i32 to vector<16xi32>
      %add3A_2482 = arith.addi %add3A_7, %add3A_2481 : vector<16xi32>
      %ge3A_2483 = arith.cmpi sge, %add3A_2482, %add3A_6 : vector<16xi32>
      %add3A_2484 = arith.constant 2044 : i32
      %add3A_2485 = vector.broadcast %add3A_2484 : i32 to vector<16xi32>
      %add3A_2486 = arith.addi %add3A_7, %add3A_2485 : vector<16xi32>
      %eq3A_2487 = arith.cmpi eq, %add3A_2486, %add3A_6 : vector<16xi32>
      %add3A_2488 = arith.constant -4 : i32
      %add3A_2489 = vector.broadcast %add3A_2488 : i32 to vector<16xi32>
      %add3A_2490 = arith.addi %add3A_7, %add3A_2489 : vector<16xi32>
      %add3A_2491 = arith.constant 2044 : i32
      %add3A_2492 = vector.broadcast %add3A_2491 : i32 to vector<16xi32>
      %add3A_2493 = arith.addi %add3A_7, %add3A_2492 : vector<16xi32>
      %select_n3A_2494 = arith.select %ge3A_2483, %add3A_2490, %add3A_2493 : vector<16xi1>, vector<16xi32>
      %select_n3A_2495 = arith.select %eq3A_2487, %sub3A_2211, %add3A_2476 : vector<16xi1>, vector<16xf32>
      %gather3A_2496 = tpu.vector_load_idx %arg5[%select_n3A_2494] : memref<32768xf32, #tpu.memory_space<vmem>>[vector<16xi32>], vector<16xf32>,
      %add3A_2497 = arith.addf %select_n3A_2495, %gather3A_2496 : vector<16xf32>
      %add3A_2498 = arith.constant 1 : i32
      %add3A_2499 = vector.broadcast %add3A_2498 : i32 to vector<16xi32>
      %add3A_2500 = arith.addi %select_n3A_2494, %add3A_2499 : vector<16xi32>
      tpu.vector_store_idx %arg6[%add3A_2500], %add3A_2497 : memref<32769xf32, #tpu.memory_space<vmem>>[vector<16xi32>], vector<16xf32>,
      %add3A_2501 = arith.constant 2045 : i32
      %add3A_2502 = vector.broadcast %add3A_2501 : i32 to vector<16xi32>
      %add3A_2503 = arith.addi %add3A_7, %add3A_2502 : vector<16xi32>
      %ge3A_2504 = arith.cmpi sge, %add3A_2503, %add3A_6 : vector<16xi32>
      %add3A_2505 = arith.constant 2045 : i32
      %add3A_2506 = vector.broadcast %add3A_2505 : i32 to vector<16xi32>
      %add3A_2507 = arith.addi %add3A_7, %add3A_2506 : vector<16xi32>
      %eq3A_2508 = arith.cmpi eq, %add3A_2507, %add3A_6 : vector<16xi32>
      %add3A_2509 = arith.constant -3 : i32
      %add3A_2510 = vector.broadcast %add3A_2509 : i32 to vector<16xi32>
      %add3A_2511 = arith.addi %add3A_7, %add3A_2510 : vector<16xi32>
      %add3A_2512 = arith.constant 2045 : i32
      %add3A_2513 = vector.broadcast %add3A_2512 : i32 to vector<16xi32>
      %add3A_2514 = arith.addi %add3A_7, %add3A_2513 : vector<16xi32>
      %select_n3A_2515 = arith.select %ge3A_2504, %add3A_2511, %add3A_2514 : vector<16xi1>, vector<16xi32>
      %select_n3A_2516 = arith.select %eq3A_2508, %sub3A_2211, %add3A_2497 : vector<16xi1>, vector<16xf32>
      %gather3A_2517 = tpu.vector_load_idx %arg5[%select_n3A_2515] : memref<32768xf32, #tpu.memory_space<vmem>>[vector<16xi32>], vector<16xf32>,
      %add3A_2518 = arith.addf %select_n3A_2516, %gather3A_2517 : vector<16xf32>
      %add3A_2519 = arith.constant 1 : i32
      %add3A_2520 = vector.broadcast %add3A_2519 : i32 to vector<16xi32>
      %add3A_2521 = arith.addi %select_n3A_2515, %add3A_2520 : vector<16xi32>
      tpu.vector_store_idx %arg6[%add3A_2521], %add3A_2518 : memref<32769xf32, #tpu.memory_space<vmem>>[vector<16xi32>], vector<16xf32>,
      %add3A_2522 = arith.constant 2046 : i32
      %add3A_2523 = vector.broadcast %add3A_2522 : i32 to vector<16xi32>
      %add3A_2524 = arith.addi %add3A_7, %add3A_2523 : vector<16xi32>
      %ge3A_2525 = arith.cmpi sge, %add3A_2524, %add3A_6 : vector<16xi32>
      %add3A_2526 = arith.constant 2046 : i32
      %add3A_2527 = vector.broadcast %add3A_2526 : i32 to vector<16xi32>
      %add3A_2528 = arith.addi %add3A_7, %add3A_2527 : vector<16xi32>
      %eq3A_2529 = arith.cmpi eq, %add3A_2528, %add3A_6 : vector<16xi32>
      %add3A_2530 = arith.constant -2 : i32
      %add3A_2531 = vector.broadcast %add3A_2530 : i32 to vector<16xi32>
      %add3A_2532 = arith.addi %add3A_7, %add3A_2531 : vector<16xi32>
      %add3A_2533 = arith.constant 2046 : i32
      %add3A_2534 = vector.broadcast %add3A_2533 : i32 to vector<16xi32>
      %add3A_2535 = arith.addi %add3A_7, %add3A_2534 : vector<16xi32>
      %select_n3A_2536 = arith.select %ge3A_2525, %add3A_2532, %add3A_2535 : vector<16xi1>, vector<16xi32>
      %select_n3A_2537 = arith.select %eq3A_2529, %sub3A_2211, %add3A_2518 : vector<16xi1>, vector<16xf32>
      %gather3A_2538 = tpu.vector_load_idx %arg5[%select_n3A_2536] : memref<32768xf32, #tpu.memory_space<vmem>>[vector<16xi32>], vector<16xf32>,
      %add3A_2539 = arith.addf %select_n3A_2537, %gather3A_2538 : vector<16xf32>
      %add3A_2540 = arith.constant 1 : i32
      %add3A_2541 = vector.broadcast %add3A_2540 : i32 to vector<16xi32>
      %add3A_2542 = arith.addi %select_n3A_2536, %add3A_2541 : vector<16xi32>
      tpu.vector_store_idx %arg6[%add3A_2542], %add3A_2539 : memref<32769xf32, #tpu.memory_space<vmem>>[vector<16xi32>], vector<16xf32>,
      %add3A_2543 = arith.constant 2047 : i32
      %add3A_2544 = vector.broadcast %add3A_2543 : i32 to vector<16xi32>
      %add3A_2545 = arith.addi %add3A_7, %add3A_2544 : vector<16xi32>
      %ge3A_2546 = arith.cmpi sge, %add3A_2545, %add3A_6 : vector<16xi32>
      %add3A_2547 = arith.constant 2047 : i32
      %add3A_2548 = vector.broadcast %add3A_2547 : i32 to vector<16xi32>
      %add3A_2549 = arith.addi %add3A_7, %add3A_2548 : vector<16xi32>
      %eq3A_2550 = arith.cmpi eq, %add3A_2549, %add3A_6 : vector<16xi32>
      %add3A_2551 = arith.constant -1 : i32
      %add3A_2552 = vector.broadcast %add3A_2551 : i32 to vector<16xi32>
      %add3A_2553 = arith.addi %add3A_7, %add3A_2552 : vector<16xi32>
      %add3A_2554 = arith.constant 2047 : i32
      %add3A_2555 = vector.broadcast %add3A_2554 : i32 to vector<16xi32>
      %add3A_2556 = arith.addi %add3A_7, %add3A_2555 : vector<16xi32>
      %select_n3A_2557 = arith.select %ge3A_2546, %add3A_2553, %add3A_2556 : vector<16xi1>, vector<16xi32>
      %select_n3A_2558 = arith.select %eq3A_2550, %sub3A_2211, %add3A_2539 : vector<16xi1>, vector<16xf32>
      %gather3A_2559 = tpu.vector_load_idx %arg5[%select_n3A_2557] : memref<32768xf32, #tpu.memory_space<vmem>>[vector<16xi32>], vector<16xf32>,
      %add3A_2560 = arith.addf %select_n3A_2558, %gather3A_2559 : vector<16xf32>
      %add3A_2561 = arith.constant 1 : i32
      %add3A_2562 = vector.broadcast %add3A_2561 : i32 to vector<16xi32>
      %add3A_2563 = arith.addi %select_n3A_2557, %add3A_2562 : vector<16xi32>
      tpu.vector_store_idx %arg6[%add3A_2563], %add3A_2560 : memref<32769xf32, #tpu.memory_space<vmem>>[vector<16xi32>], vector<16xf32>,
      %broadcast_in_dim3A_2564 = arith.constant 0 : i32
      %broadcast_in_dim3A_2565 = vector.broadcast %broadcast_in_dim3A_2564 : i32 to vector<16xi32>
      %eq3A_2566 = arith.constant 0 : i32
      %eq3A_2567 = vector.broadcast %eq3A_2566 : i32 to vector<16xi32>
      %eq3A_2568 = arith.cmpi eq, %iota3A, %eq3A_2567 : vector<16xi32>
      tpu.vector_store_idx %arg6[%broadcast_in_dim3A_2565], %broadcast_in_dim3A_8 masked %eq3A_2568 : memref<32769xf32, #tpu.memory_space<vmem>>[vector<16xi32>], vector<16xf32>, vector<16xi1>
      %dma_start3A_2569 = arith.constant 0 : i32
      %dma_start3A_2570 = tpu.memref_slice %arg3[%add3A_1933, %dma_start3A_2569] : memref<127x32769xf32, #tpu.memory_space<hbm>> -> memref<1x32769xf32, #tpu.memory_space<hbm>>
      %dma_start3A_2571 = tpu.memref_squeeze %dma_start3A_2570 : memref<1x32769xf32, #tpu.memory_space<hbm>> -> memref<32769xf32, #tpu.memory_space<hbm>>
      %dma_start3A_2572 = arith.constant 0 : i32
      %dma_start3A_2573 = tpu.memref_slice %arg3[%add3A_1933, %dma_start3A_2572] : memref<127x32769xf32, #tpu.memory_space<hbm>> -> memref<1x32769xf32, #tpu.memory_space<hbm>>
      %dma_start3A_2574 = tpu.memref_squeeze %dma_start3A_2573 : memref<1x32769xf32, #tpu.memory_space<hbm>> -> memref<32769xf32, #tpu.memory_space<hbm>>
      tpu.enqueue_dma source(%arg6 : memref<32769xf32, #tpu.memory_space<vmem>>) target(%dma_start3A_2574 : memref<32769xf32, #tpu.memory_space<hbm>>) target_semaphore(%arg9 : memref<!tpu.dma_semaphore, #tpu.memory_space<semaphore_mem>>)
      %dma_wait3A_2575 = arith.constant 0 : i32
      %dma_wait3A_2576 = tpu.memref_slice %arg3[%add3A_1933, %dma_wait3A_2575] : memref<127x32769xf32, #tpu.memory_space<hbm>> -> memref<1x32769xf32, #tpu.memory_space<hbm>>
      %dma_wait3A_2577 = tpu.memref_squeeze %dma_wait3A_2576 : memref<1x32769xf32, #tpu.memory_space<hbm>> -> memref<32769xf32, #tpu.memory_space<hbm>>
      %dma_wait3A_2578 = arith.constant 0 : i32
      %dma_wait3A_2579 = tpu.memref_slice %arg3[%add3A_1933, %dma_wait3A_2578] : memref<127x32769xf32, #tpu.memory_space<hbm>> -> memref<1x32769xf32, #tpu.memory_space<hbm>>
      %dma_wait3A_2580 = tpu.memref_squeeze %dma_wait3A_2579 : memref<1x32769xf32, #tpu.memory_space<hbm>> -> memref<32769xf32, #tpu.memory_space<hbm>>
      tpu.wait_dma2 semaphore(%arg9 : memref<!tpu.dma_semaphore, #tpu.memory_space<semaphore_mem>>) src(%arg6 : memref<32769xf32, #tpu.memory_space<vmem>>) dst(%dma_wait3A_2580 : memref<32769xf32, #tpu.memory_space<hbm>>)
    } else {
    }
    %ge3A_1942 = arith.constant 127 : i32
    %ge3A_1943 = arith.cmpi sge, %add3A_1933, %ge3A_1942 : i32
    %convert_element_type3A_1944 = arith.extui %ge3A_1943 : i1 to i32
    %cond3A_1945 = arith.constant 0 : i32
    %cond3A_1946 = arith.cmpi ne, %convert_element_type3A_1944, %cond3A_1945 : i32
    scf.if %cond3A_1946 {
      %dma_wait3A_1947 = arith.constant 0 : i32
      %dma_wait3A_1948 = tpu.memref_slice %arg3[%add3A_1289, %dma_wait3A_1947] : memref<127x32769xf32, #tpu.memory_space<hbm>> -> memref<1x32769xf32, #tpu.memory_space<hbm>>
      %dma_wait3A_1949 = tpu.memref_squeeze %dma_wait3A_1948 : memref<1x32769xf32, #tpu.memory_space<hbm>> -> memref<32769xf32, #tpu.memory_space<hbm>>
      %dma_wait3A_1950 = arith.constant 0 : i32
      %dma_wait3A_1951 = tpu.memref_slice %arg3[%add3A_1289, %dma_wait3A_1950] : memref<127x32769xf32, #tpu.memory_space<hbm>> -> memref<1x32769xf32, #tpu.memory_space<hbm>>
      %dma_wait3A_1952 = tpu.memref_squeeze %dma_wait3A_1951 : memref<1x32769xf32, #tpu.memory_space<hbm>> -> memref<32769xf32, #tpu.memory_space<hbm>>
      tpu.wait_dma2 semaphore(%arg9 : memref<!tpu.dma_semaphore, #tpu.memory_space<semaphore_mem>>) src(%arg6 : memref<32769xf32, #tpu.memory_space<vmem>>) dst(%dma_wait3A_1952 : memref<32769xf32, #tpu.memory_space<hbm>>)
    } else {
    }
    return
  }
}

</mosaic_0001>

<sc_bundles>
// kernel: _exclusive_scan.3.cloned.1.call-start
scs
__scs_entry_jumppad:
0x0: {  	(pc) =	sbr.rel $0x88, $3  }
0x1: {  	(tag) =	ssettag $0x0;
	lr =	simm.s32 $0x1  }
0x2: {  	[smem:$0x3FA0] =	sst lr;
	_ =	strace $0xD0000000  }
0x3: {  	_ = 	snop  }
0x4: {  	_ = 	snop  }
0x5: {  	_ = 	snop  }
0x6: {  	_ = 	snop  }
0x7: {  	_ = 	snop  }
__scs_overlays_trampoline_lowered:
0x8: {  	[smem:$0x3FAF] =	sst s0  }
0x9: {  	[smem:$0x3FB0] =	sst s1  }
0xa: {  	[smem:$0x3FB1] =	sst s2  }
0xb: {  	[smem:$0x3FB2] =	sst s3  }
0xc: {  	[smem:$0x3FB3] =	sst s4  }
0xd: {  	[smem:$0x3FB4] =	sst s5  }
0xe: {  	[smem:$0x3FB5] =	sst s6  }
0xf: {  	[smem:$0x3FB6] =	sst s7  }
0x10: {  	[smem:$0x3FB7] =	sst s8  }
0x11: {  	[smem:$0x3FB8] =	sst s9;
	s0 =	simm.s32 @!p0 $0x0  }
0x12: {  	s1 =	sld [smem:$0x3F9E];
	s0 =	simm.s32 @p0 $0x1  }
0x13: {  	[smem:$0x3FB9] =	sst s0;
	s0 =	simm.s32 @!p1 $0x0  }
0x14: {  	s2 =	sld [smem:$0x3F9D];
	s0 =	simm.s32 @p1 $0x1  }
0x15: {  	[smem:$0x3FBA] =	sst s0;
	s0 =	simm.s32 @!p2 $0x0  }
0x16: {  	s3 =	sld [smem:$0x3FDB];
	s0 =	simm.s32 @p2 $0x1  }
0x17: {  	s4 =	simm.s32 $0x1BF5;
	[smem:$0x3FBC] =	sst s0  }
0x18: {  	s0 =	sld [smem:$0x3F9F];
	_ =	swait.ge [sflag:s4], $0x0  }
0x19: {  	s7 =	sld [smem:$0x3FA0]  }
0x1a: {  	s8 =	sadd.s32 $0xFFFFE003, lr  }
0x1b: {  	s9 =	sadd.s32 $0xFFFFFEF7, lr;
	s5 =	simm.s32 $0xFFFFFFFF;
	p2 =	slt.u32 s8, $0xFFFFF086  }
0x1c: {  	p1 =	slt.u32 s9, $0xF7A;
	s5 =	simm.s32 @!p2 $0x0  }
0x1d: {  	s5 =	simm.s32 @p1 $0x1;
	p0 =	seq.s32 s7, s2  }
0x1e: {  	s7 =	smul.u32 @!p0 $0xF7A, s2;
	p2 =	seq.s32 @!p0 s5, $0x0  }
0x1f: {  	s9 =	smul.u32 $0xF7A, s1;
	s8 =	simm.s32 @!p0 $0x1BF5;
	p2 =	por !p2, p0  }
0x20: {  	[sflag:s8] =	ssyncset.s32 @!p0 $0xFFFFF086;
	s6 =	sadd.s32 @!p0 s3, s7;
	s7 =	simm.s32 @!p0 $0x108  }
0x21: {  	s3 =	sadd.s32 s3, s9;
	s6 =	sadd.s32 @!p0 $0x88, s6;
	s7 =	simm.s32 @p2 $0x1082  }
0x22: {  	[simem:s7], [sflag:s8] =	dma.local @!p0 [hbm:s6], $0xF7A  }
0x23: {  	s9 =	sor.u32 $0xD0000000, s2;
	s6 =	simm.s32 $0x108;
	_ =	swait.ge @!p0 [sflag:s8], $0x0  }
0x24: {  	s3 =	sadd.s32 $0x88, s3;
	s6 =	simm.s32 @!p1 $0x1082;
	[sflag:s4] =	ssyncset.s32 $0xFFFFF086  }
0x25: {  	[simem:s6], [sflag:s4] =	dma.local [hbm:s3], $0xF7A  }
0x26: {  	[smem:$0x3FA0] =	sst s1;
	(tag) =	ssettag s2;
	_ =	strace s9  }
0x27: {  	s1 =	sld [smem:$0x3FB0]  }
0x28: {  	s2 =	sld [smem:$0x3FB1]  }
0x29: {  	s4 =	sld [smem:$0x3FB3]  }
0x2a: {  	p0 =	seq.s32 s5, $0x0;
	s5 =	sld [smem:$0x3FB4]  }
0x2b: {  	s6 =	sld [smem:$0x3FB5]  }
0x2c: {  	s7 =	sld [smem:$0x3FB6]  }
0x2d: {  	s3 =	simm.s32 $0x108;
	s8 =	sld [smem:$0x3FB7]  }
0x2e: {  	s3 =	simm.s32 @!p0 $0x1082;
	s9 =	sld [smem:$0x3FB8]  }
0x2f: {  	lr =	sadd.s32 s0, s3;
	s0 =	sld [smem:$0x3FAF]  }
0x30: {  	s3 =	sld [smem:$0x3FB2]  }
0x31: {  	[smem:$0x3FBB] =	sst s10  }
0x32: {  	s10 =	sld [smem:$0x3FB9];
	_ =	sdelay $0x3  }
0x33: {  	p0 =	seq.s32 s10, $0x1;
	s10 =	sld [smem:$0x3FBB];
	_ =	sdelay $0x3  }
0x34: {  	[smem:$0x3FBB] =	sst s10  }
0x35: {  	s10 =	sld [smem:$0x3FBA];
	_ =	sdelay $0x3  }
0x36: {  	p1 =	seq.s32 s10, $0x1;
	s10 =	sld [smem:$0x3FBB];
	_ =	sdelay $0x3  }
0x37: {  	[smem:$0x3FBB] =	sst s10  }
0x38: {  	s10 =	sld [smem:$0x3FBC]  }
0x39: {  	_ = 	snop;
	(pc) =	sbr.ind lr, $3  }
0x3a: {  	_ = 	snop  }
0x3b: {  	_ = 	snop  }
0x3c: {  	p2 =	seq.s32 s10, $0x1;
	s10 =	sld [smem:$0x3FBB]  }
0x3d: {  	_ =	shalt  }
0x3e: {  	_ =	shalt  }
0x3f: {  	_ =	shalt  }
0x40: {  	_ =	shalt  }
0x41: {  	_ =	shalt  }
0x42: {  	_ =	shalt  }
0x43: {  	_ =	shalt  }
0x44: {  	_ =	shalt  }
0x45: {  	_ =	shalt  }
0x46: {  	_ =	shalt  }
0x47: {  	_ =	shalt  }
0x48: {  	_ =	shalt  }
0x49: {  	_ =	shalt  }
0x4a: {  	_ =	shalt  }
0x4b: {  	_ =	shalt  }
0x4c: {  	_ =	shalt  }
0x4d: {  	_ =	shalt  }
0x4e: {  	_ =	shalt  }
0x4f: {  	_ =	shalt  }
0x50: {  	_ =	shalt  }
0x51: {  	_ =	shalt  }
0x52: {  	_ =	shalt  }
0x53: {  	_ =	shalt  }
0x54: {  	_ =	shalt  }
0x55: {  	_ =	shalt  }
0x56: {  	_ =	shalt  }
0x57: {  	_ =	shalt  }
0x58: {  	_ =	shalt  }
0x59: {  	_ =	shalt  }
0x5a: {  	_ =	shalt  }
0x5b: {  	_ =	shalt  }
0x5c: {  	_ =	shalt  }
0x5d: {  	_ =	shalt  }
0x5e: {  	_ =	shalt  }
0x5f: {  	_ =	shalt  }
0x60: {  	_ =	shalt  }
0x61: {  	_ =	shalt  }
0x62: {  	_ =	shalt  }
0x63: {  	_ =	shalt  }
0x64: {  	_ =	shalt  }
0x65: {  	_ =	shalt  }
0x66: {  	_ =	shalt  }
0x67: {  	_ =	shalt  }
0x68: {  	_ =	shalt  }
0x69: {  	_ =	shalt  }
0x6a: {  	_ =	shalt  }
0x6b: {  	_ =	shalt  }
0x6c: {  	_ =	shalt  }
0x6d: {  	_ =	shalt  }
0x6e: {  	_ =	shalt  }
0x6f: {  	_ =	shalt  }
0x70: {  	_ =	shalt  }
0x71: {  	_ =	shalt  }
0x72: {  	_ =	shalt  }
0x73: {  	_ =	shalt  }
0x74: {  	_ =	shalt  }
0x75: {  	_ =	shalt  }
0x76: {  	_ =	shalt  }
0x77: {  	_ =	shalt  }
0x78: {  	_ =	shalt  }
0x79: {  	_ =	shalt  }
0x7a: {  	_ =	shalt  }
0x7b: {  	_ =	shalt  }
0x7c: {  	_ =	shalt  }
0x7d: {  	_ =	shalt  }
0x7e: {  	_ =	shalt  }
0x7f: {  	_ =	shalt  }
0x80: {  	_ =	shalt  }
0x81: {  	_ =	shalt  }
0x82: {  	_ =	shalt  }
0x83: {  	_ =	shalt  }
0x84: {  	_ =	shalt  }
0x85: {  	_ =	shalt  }
0x86: {  	_ =	shalt  }
0x87: {  	_ =	shalt  }
.Lfunc_end0:
.L_simem_size_0:
called_computation_lowered:
.L_overlay_start_0:
0x88: {  	s2 =	sld [smem:$0x3FD9]  }
0x89: {  	s3 =	sld [smem:$0x3FFE];
	_ =	sdelay $0x1  }
0x8a: {  	s1 =	srdreg.scid  }
0x8b: {  	s0 =	sand.u32 $0x1, s1  }
0x8c: {  	s17 =	sshll.u32 s0, $0xA;
	s2 =	sadd.s32 s3, s2  }
0x8d: {  	s2 =	sadd.s32 s2, s17  }
0x8e: {  	[smem:$0x3FC7] =	sst s2  }
0x8f: {  	_ = 	snop  }
0x90: {  	s2 =	sld [smem:$0x3FC9];
	(tm) =	ssettm $0x1  }
0x91: {  	s18 =	sld [smem:$0x3FFB];
	_ =	sdelay $0x3  }
0x92: {  	_ =	strace s18  }
0x93: {  	s3 =	sld [smem:$0x3FFC];
	_ =	sdelay $0x3  }
0x94: {  	_ =	strace s3  }
0x95: {  	s3 =	sld [smem:$0x3FFD];
	_ =	sdelay $0x3  }
0x96: {  	_ =	strace s3  }
0x97: {  	_ =	strace $0x8FFFFFFF  }
0x98: {  	s19 =	sld [smem:$0x3FDB];
	_ =	sdelay $0x1  }
0x99: {  	s4 =	simm.s32 $_scs_section_size  }
0x9a: {  	s5 =	simm.s32 $_size__tile_overlayer_lowered;
	s6 =	simm.s32 $_tile_overlayer_lowered  }
0x9b: {  	s22 =	simm.s32 $0x1BFF;
	s21 =	sshll.u32 s6, $0x1;
	s3 =	sadd.s32 s4, s19  }
0x9c: {  	s7 =	simm.s32 $0x0;
	s20 =	sshll.u32 s5, $0x1;
	s5 =	sadd.s32 s21, s3  }
0x9d: {  	[timem:s7], [sflag:s22] =	dma.local [hbm:s5], s20  }
0x9e: {  	_ =	swait.ge [sflag:s22], s20  }
0x9f: {  	s4 =	ssub.s32 $0x0, s20;
	[sflag:s22] =	ssyncset.done $0x0  }
0xa0: {  	[sflag:s22] =	ssyncadd.s32 s4;
	_ =	sdelay $0x1  }
0xa1: {  	s23 =	simm.s32 $0x1B8B  }
0xa2: {  	_ =	swait.ge [sflag:s23], $0x1  }
0xa3: {  	[sflag:s23] =	ssyncset.done $0x0  }
0xa4: {  	s25 =	simm.s32 $0x1B8E;
	s24 =	sld [smem:$0x3FFE];
	[sflag:s23] =	ssyncadd.s32 $0xFFFFFFFF  }
0xa5: {  	s26 =	simm.s32 $execute0_lowered;
	[smem:$0x3FD2] =	sst s25  }
0xa6: {  	s5 =	sshll.u32 s26, $0x1;
	_ =	strace $0x80000046;
	[dreg:$0x1] =	wrdreg $0xFFFFFFFF  }
0xa7: {  	s28 =	simm.s32 $_size_execute0_lowered;
	s3 =	sadd.s32 s3, s5;
	[dreg:$0x0] =	wrdreg $0x0  }
0xa8: {  	s5 =	sshll.u32 s28, $0x1;
	[dreg:$0x2] =	wrdreg s3  }
0xa9: {  	[dreg:$0x3] =	wrdreg s5  }
0xaa: {  	[dreg:$0x4] =	wrdreg $0xC0  }
0xab: {  	_ =	task [dreg:s7], $0x5FFFF  }
0xac: {  	[dreg:$0x1] =	wrdreg $0xFFFFFFFF  }
0xad: {  	[dreg:$0x0] =	wrdreg $0x60  }
0xae: {  	[dreg:$0x2] =	wrdreg s2  }
0xaf: {  	[dreg:$0x3] =	wrdreg s24  }
0xb0: {  	[dreg:$0x4] =	wrdreg $0x9  }
0xb1: {  	_ =	task.clear_ibuf [dreg:s7], $0x5FFFF;
	_ =	strace $0x90000046  }
0xb2: {  	s29 =	simm.s32 $0x9;
	_ =	strace $0x80000048  }
0xb3: {  	_ =	swait.ge [sflag:s29], $0x1  }
0xb4: {  	[sflag:s29] =	ssyncadd.s32 $0xFFFFFFFF  }
0xb5: {  	_ =	strace $0x90000048  }
0xb6: {  	_ =	sfence  }
0xb7: {  	s30 =	sld [smem:$0x0];
	_ =	sdelay $0x2  }
0xb8: {  	s31 =	sshll.u32 s1, $0xD;
	s1 =	sshrl.u32 s1, $0x2  }
0xb9: {  	s3 =	sand.u32 $0x4000, s31;
	s1 =	sadd.s32 s1, s30  }
0xba: {  	s0 =	sor.u32 s3, s0;
	s1 =	sshll.u32 s1, $0x11  }
0xbb: {  	s0 =	sor.u32 s1, s0  }
0xbc: {  	s0 =	sadd.s32 $0x8F2B, s0  }
0xbd: {  	[sflag:s0] =	ssyncadd.remote.s32 $0x1  }
0xbe: {  	_ =	sfence.sel $0xFFFF  }
0xbf: {  	[dreg:$0x0] =	wrdreg $0xFFFFFFFF;
	(pc) =	sbr.abs _section_cstart, $3  }
0xc0: {  	[dreg:$0x1] =	wrdreg $0xFFFFFFFF  }
0xc1: {  	_ =	task.clear_ibuf [dreg:s7], $0x2FFFF;
	_ =	strace $0x9FFFFFFF  }
0xc2: {  	(tm) =	ssettm $0x7FFFFFFF  }
0xc3: {  	_ =	shalt  }
tec
execute0_lowered:
.L_overlay_start_1:
0x0: {  	(tag) =	ssettag $0x1  }
0x1: {  	v0 =	vimm.s32 $0x7800;
	vm0 =	vcmask $0x300  }
0x2: {  	vm1 =	vcmask $0x704;
	vm2 =	vcmask $0xB08;
	vm3 =	vcmask $0xF0C  }
0x3: {  	vm4 =	vcmask $0x1310;
	vm5 =	vcmask $0x1714;
	vm6 =	vcmask $0x1B18  }
0x4: {  	vm7 =	vcmask $0x1F1C;
	vm8 =	vcmask $0x2320;
	v3 =	vimm.s32 $0x7801  }
0x5: {  	vm9 =	vcmask $0x2724;
	v4 =	vimm.s32 $0x7802;
	vm10 =	vcmask $0x2B28  }
0x6: {  	vm11 =	vcmask $0x2F2C;
	vm12 =	vcmask $0x3330;
	vm13 =	vcmask $0x3734  }
0x7: {  	vm15 =	vcmask $0x3B38;
	v6 =	vimm.s32 $0x7805;
	v8 =	vimm.s32 $0x7808  }
0x8: {  	v0 =	vsel vm0, $0x7F1, v0;
	v3 =	vsel vm0, $0x7F2, v3;
	v4 =	vsel vm0, $0x7F3, v4  }
0x9: {  	v7 =	vsel vm0, $0x7F6, v6;
	v6 =	vimm.s32 $0x7806;
	v12 =	vsel vm0, $0x7F9, v8  }
0xa: {  	v8 =	vimm.s32 $0x780B;
	v0 =	vsel vm1, $0xFF2, v0;
	v3 =	vsel vm1, $0xFF3, v3  }
0xb: {  	v4 =	vsel vm1, $0xFF4, v4;
	v10 =	vsel vm0, $0x7F7, v6;
	v6 =	vimm.s32 $0x7807  }
0xc: {  	v15 =	vsel vm0, $0x7FC, v8;
	v8 =	vimm.s32 $0x780E;
	v0 =	vsel vm2, $0x17F3, v0  }
0xd: {  	v7 =	vsel vm1, $0xFF7, v7;
	v3 =	vsel vm2, $0x17F4, v3;
	v0 =	vsel vm3, $0x1FF4, v0  }
0xe: {  	v4 =	vsel vm2, $0x17F5, v4;
	v11 =	vsel vm0, $0x7F8, v6;
	v0 =	vsel vm4, $0x27F5, v0  }
0xf: {  	v6 =	vimm.s32 $0x7809;
	v3 =	vsel vm3, $0x1FF5, v3;
	v0 =	vsel vm5, $0x2FF6, v0  }
0x10: {  	v21 =	vsel vm0, $0x7FF, v8;
	v3 =	vsel vm4, $0x27F6, v3;
	v0 =	vsel vm6, $0x37F7, v0  }
0x11: {  	v4 =	vsel vm3, $0x1FF6, v4;
	v3 =	vsel vm5, $0x2FF7, v3;
	v0 =	vsel vm7, $0x3FF8, v0  }
0x12: {  	v4 =	vsel vm4, $0x27F7, v4;
	v3 =	vsel vm6, $0x37F8, v3;
	v0 =	vsel vm8, $0x47F9, v0  }
0x13: {  	v4 =	vsel vm5, $0x2FF8, v4;
	v3 =	vsel vm7, $0x3FF9, v3;
	v0 =	vsel vm9, $0x4FFA, v0  }
0x14: {  	v4 =	vsel vm6, $0x37F9, v4;
	v3 =	vsel vm8, $0x47FA, v3;
	v0 =	vsel vm10, $0x57FB, v0  }
0x15: {  	v4 =	vsel vm7, $0x3FFA, v4;
	v3 =	vsel vm9, $0x4FFB, v3;
	v0 =	vsel vm11, $0x5FFC, v0  }
0x16: {  	v4 =	vsel vm8, $0x47FB, v4;
	v3 =	vsel vm10, $0x57FC, v3;
	v0 =	vsel vm12, $0x67FD, v0  }
0x17: {  	v4 =	vsel vm9, $0x4FFC, v4;
	v5 =	vsel vm11, $0x5FFD, v3;
	v0 =	vsel vm13, $0x6FFE, v0  }
0x18: {  	v4 =	vsel vm10, $0x57FD, v4;
	v3 =	vsel vm15, $0x77FF, v0;
	v0 =	vsel vm12, $0x67FE, v5  }
0x19: {  	v7 =	vsel vm2, $0x17F8, v7;
	v26 =	vsel vm13, $0x6FFF, v0;
	v0 =	vsel vm11, $0x5FFE, v4  }
0x1a: {  	v5 =	vimm.s32 $0x7804;
	v27 =	vsel vm12, $0x67FF, v0;
	v0 =	vimm.s32 $0x7803  }
0x1b: {  	v13 =	vsel vm0, $0x7FA, v6;
	v5 =	vsel vm0, $0x7F5, v5;
	v0 =	vsel vm0, $0x7F4, v0  }
0x1c: {  	v6 =	vimm.s32 $0x780A;
	v5 =	vsel vm1, $0xFF6, v5;
	v0 =	vsel vm1, $0xFF5, v0  }
0x1d: {  	v7 =	vsel vm3, $0x1FF9, v7;
	v5 =	vsel vm2, $0x17F7, v5;
	v0 =	vsel vm2, $0x17F6, v0  }
0x1e: {  	v14 =	vsel vm0, $0x7FB, v6;
	v5 =	vsel vm3, $0x1FF8, v5;
	v0 =	vsel vm3, $0x1FF7, v0  }
0x1f: {  	v6 =	vimm.s32 $0x780C;
	v5 =	vsel vm4, $0x27F9, v5;
	v0 =	vsel vm4, $0x27F8, v0  }
0x20: {  	v7 =	vsel vm4, $0x27FA, v7;
	v5 =	vsel vm5, $0x2FFA, v5;
	v0 =	vsel vm5, $0x2FF9, v0  }
0x21: {  	v7 =	vsel vm5, $0x2FFB, v7;
	v5 =	vsel vm6, $0x37FB, v5;
	v0 =	vsel vm6, $0x37FA, v0  }
0x22: {  	v7 =	vsel vm6, $0x37FC, v7;
	v5 =	vsel vm7, $0x3FFC, v5;
	v0 =	vsel vm7, $0x3FFB, v0  }
0x23: {  	v7 =	vsel vm7, $0x3FFD, v7;
	v5 =	vsel vm8, $0x47FD, v5;
	v0 =	vsel vm8, $0x47FC, v0  }
0x24: {  	v7 =	vsel vm8, $0x47FE, v7;
	v5 =	vsel vm9, $0x4FFE, v5;
	v0 =	vsel vm9, $0x4FFD, v0  }
0x25: {  	v31 =	vsel vm9, $0x4FFF, v7;
	v28 =	vsel vm10, $0x57FF, v5;
	v0 =	vsel vm10, $0x57FE, v0  }
0x26: {  	v5 =	vsel vm10, $0x5000, v31;
	v29 =	vsel vm11, $0x5FFF, v0;
	v0 =	vsel vm11, $0x5800, v28  }
0x27: {  	v19 =	vsel vm0, $0x7FD, v6;
	v5 =	vsel vm11, $0x5801, v5;
	v0 =	vsel vm12, $0x6001, v0  }
0x28: {  	v6 =	vimm.s32 $0x780D;
	v5 =	vsel vm12, $0x6002, v5;
	v0 =	vsel vm13, $0x6802, v0  }
0x29: {  	v20 =	vsel vm0, $0x7FE, v6;
	v8 =	vsel vm15, $0x7003, v0;
	v0 =	vsel vm13, $0x6803, v5  }
0x2a: {  	v5 =	vsel vm1, $0xFF9, v11;
	v9 =	vsel vm15, $0x7004, v0;
	v0 =	vsel vm1, $0xFF8, v10  }
0x2b: {  	v5 =	vsel vm2, $0x17FA, v5;
	v10 =	vsel vm1, $0xFFA, v12;
	v0 =	vsel vm2, $0x17F9, v0  }
0x2c: {  	v5 =	vsel vm3, $0x1FFB, v5;
	v10 =	vsel vm2, $0x17FB, v10;
	v0 =	vsel vm3, $0x1FFA, v0  }
0x2d: {  	v5 =	vsel vm4, $0x27FC, v5;
	v10 =	vsel vm3, $0x1FFC, v10;
	v0 =	vsel vm4, $0x27FB, v0  }
0x2e: {  	v5 =	vsel vm5, $0x2FFD, v5;
	v10 =	vsel vm4, $0x27FD, v10;
	v0 =	vsel vm5, $0x2FFC, v0  }
0x2f: {  	v5 =	vsel vm6, $0x37FE, v5;
	v10 =	vsel vm5, $0x2FFE, v10;
	v0 =	vsel vm6, $0x37FD, v0  }
0x30: {  	v32 =	vsel vm7, $0x3FFF, v5;
	v33 =	vsel vm6, $0x37FF, v10;
	v0 =	vsel vm7, $0x3FFE, v0  }
0x31: {  	v5 =	vsel vm8, $0x4000, v32;
	v10 =	vsel vm7, $0x3800, v33;
	v0 =	vsel vm8, $0x47FF, v0  }
0x32: {  	v5 =	vsel vm9, $0x4801, v5;
	v10 =	vsel vm8, $0x4001, v10;
	v11 =	vsel vm9, $0x4800, v0  }
0x33: {  	v5 =	vsel vm10, $0x5002, v5;
	v10 =	vsel vm9, $0x4802, v10;
	v11 =	vsel vm10, $0x5001, v11  }
0x34: {  	v5 =	vsel vm11, $0x5803, v5;
	v10 =	vsel vm10, $0x5003, v10;
	v11 =	vsel vm11, $0x5802, v11  }
0x35: {  	v5 =	vsel vm12, $0x6004, v5;
	v10 =	vsel vm11, $0x5804, v10;
	v11 =	vsel vm12, $0x6003, v11  }
0x36: {  	v5 =	vsel vm13, $0x6805, v5;
	v12 =	vsel vm12, $0x6005, v10;
	v11 =	vsel vm13, $0x6804, v11  }
0x37: {  	v10 =	vsel vm15, $0x7005, v11;
	v11 =	vsel vm15, $0x7006, v5;
	v5 =	vsel vm13, $0x6806, v12  }
0x38: {  	v12 =	vsel vm15, $0x7007, v5;
	v5 =	vsel vm1, $0xFFB, v13;
	v13 =	vsel vm1, $0xFFC, v14  }
0x39: {  	v14 =	vsel vm1, $0xFFD, v15;
	v5 =	vsel vm2, $0x17FC, v5;
	v13 =	vsel vm2, $0x17FD, v13  }
0x3a: {  	v14 =	vsel vm2, $0x17FE, v14;
	v5 =	vsel vm3, $0x1FFD, v5;
	v13 =	vsel vm3, $0x1FFE, v13  }
0x3b: {  	v14 =	vsel vm3, $0x1FFF, v14;
	v5 =	vsel vm4, $0x27FE, v5;
	v13 =	vsel vm4, $0x27FF, v13  }
0x3c: {  	v15 =	vsel vm5, $0x2FFF, v5;
	[tilespmem:$0x1FE60] =	vst v13;
	v5 =	vsel vm5, $0x2800, v13;
	v13 =	vsel vm4, $0x2000, v14  }
0x3d: {  	[tilespmem:$0x1FE70] =	vst v14;
	v14 =	vsel vm6, $0x3000, v15;
	v5 =	vsel vm6, $0x3001, v5;
	v13 =	vsel vm5, $0x2801, v13  }
0x3e: {  	v14 =	vsel vm7, $0x3801, v14;
	v5 =	vsel vm7, $0x3802, v5;
	v13 =	vsel vm6, $0x3002, v13  }
0x3f: {  	v14 =	vsel vm8, $0x4002, v14;
	v5 =	vsel vm8, $0x4003, v5;
	v13 =	vsel vm7, $0x3803, v13  }
0x40: {  	v14 =	vsel vm9, $0x4803, v14;
	v5 =	vsel vm9, $0x4804, v5;
	v13 =	vsel vm8, $0x4004, v13  }
0x41: {  	v14 =	vsel vm10, $0x5004, v14;
	v5 =	vsel vm10, $0x5005, v5;
	v13 =	vsel vm9, $0x4805, v13  }
0x42: {  	v14 =	vsel vm11, $0x5805, v14;
	v5 =	vsel vm11, $0x5806, v5;
	v13 =	vsel vm10, $0x5006, v13  }
0x43: {  	v14 =	vsel vm12, $0x6006, v14;
	v5 =	vsel vm12, $0x6007, v5;
	v13 =	vsel vm11, $0x5807, v13  }
0x44: {  	v14 =	vsel vm13, $0x6807, v14;
	v5 =	vsel vm13, $0x6808, v5;
	v13 =	vsel vm12, $0x6008, v13  }
0x45: {  	v16 =	vsel vm15, $0x7008, v14;
	v17 =	vsel vm15, $0x7009, v5;
	v5 =	vsel vm13, $0x6809, v13  }
0x46: {  	v13 =	vsel vm1, $0xFFF, v20;
	v18 =	vsel vm15, $0x700A, v5;
	v5 =	vsel vm1, $0xFFE, v19  }
0x47: {  	[tilespmem:$0x1FE90] =	vst v13;
	v14 =	vsel vm2, $0x17FF, v5;
	v5 =	vsel vm2, $0x1000, v13;
	v13 =	vsel vm1, $0x800, v21  }
0x48: {  	v5 =	vsel vm3, $0x1801, v5;
	v13 =	vsel vm2, $0x1001, v13  }
0x49: {  	v5 =	vsel vm4, $0x2002, v5;
	v13 =	vsel vm3, $0x1802, v13  }
0x4a: {  	v5 =	vsel vm5, $0x2803, v5;
	v13 =	vsel vm4, $0x2003, v13  }
0x4b: {  	v5 =	vsel vm6, $0x3004, v5;
	v13 =	vsel vm5, $0x2804, v13  }
0x4c: {  	v5 =	vsel vm7, $0x3805, v5;
	v13 =	vsel vm6, $0x3005, v13  }
0x4d: {  	v5 =	vsel vm8, $0x4006, v5;
	v13 =	vsel vm7, $0x3806, v13  }
0x4e: {  	v5 =	vsel vm9, $0x4807, v5;
	v13 =	vsel vm8, $0x4007, v13  }
0x4f: {  	v5 =	vsel vm10, $0x5008, v5;
	v13 =	vsel vm9, $0x4808, v13  }
0x50: {  	v1 =	vlaneseq.u32;
	v5 =	vsel vm11, $0x5809, v5;
	v13 =	vsel vm10, $0x5009, v13  }
0x51: {  	v1 =	vmul.u32 $0x801, v1;
	v5 =	vsel vm12, $0x600A, v5;
	v13 =	vsel vm11, $0x580A, v13  }
0x52: {  	[tilespmem:$0x1FEB0] =	vst v14;
	v14 =	vsel vm3, $0x1800, v14;
	v5 =	vsel vm13, $0x680B, v5;
	v13 =	vsel vm12, $0x600B, v13  }
0x53: {  	v14 =	vsel vm4, $0x2001, v14;
	v22 =	vsel vm15, $0x700C, v5;
	v5 =	vsel vm13, $0x680C, v13  }
0x54: {  	v14 =	vsel vm5, $0x2802, v14;
	v23 =	vsel vm15, $0x700D, v5;
	v5 =	vadd.s32 $0x7F1, v1  }
0x55: {  	v6 =	vimm.s32 $0x780F;
	v14 =	vsel vm6, $0x3003, v14;
	[tilespmem:$0x1FEC0] =	vst v5;
	v5 =	vsel vm15, $0x7800, v26  }
0x56: {  	v30 =	vsel vm0, $0x800, v6;
	v14 =	vsel vm7, $0x3804, v14;
	[tilespmem:$0x1FED0] =	vst v5;
	v5 =	vsel vm12, $0x6800, v29  }
0x57: {  	v14 =	vsel vm8, $0x4005, v14;
	v13 =	vsel vm11, $0x6000, v28;
	v5 =	vsel vm13, $0x6801, v5  }
0x58: {  	v14 =	vsel vm9, $0x4806, v14;
	v13 =	vsel vm12, $0x6001, v13;
	v5 =	vsel vm15, $0x7002, v5  }
0x59: {  	v0 =	vsel vm9, $0x5000, v0;
	v14 =	vsel vm10, $0x5007, v14;
	[tilespmem:$0x1FEF0] =	vst v5;
	v5 =	vsel vm13, $0x6802, v13  }
0x5a: {  	v0 =	vsel vm10, $0x5001, v0;
	v14 =	vsel vm11, $0x5808, v14;
	v5 =	vsel vm15, $0x7003, v5  }
0x5b: {  	v0 =	vsel vm11, $0x5802, v0;
	v14 =	vsel vm12, $0x6009, v14;
	[tilespmem:$0x1FF00] =	vst v5;
	v5 =	vsel vm1, $0x801, v30  }
0x5c: {  	v0 =	vsel vm12, $0x6003, v0;
	v14 =	vsel vm13, $0x680A, v14;
	v5 =	vsel vm2, $0x1002, v5  }
0x5d: {  	[tilespmem:$0x1FEA0] =	vst v21;
	v21 =	vsel vm15, $0x700B, v14;
	v14 =	vsel vm13, $0x7000, v27;
	v5 =	vsel vm3, $0x1803, v5  }
0x5e: {  	s8 =	rddreg [dreg:$0x0];
	s2 =	simm.s32 $0x0;
	v0 =	vsel vm13, $0x6804, v0;
	[tilespmem:$0x1FE80] =	vst v15;
	v14 =	vsel vm15, $0x7001, v14;
	v5 =	vsel vm4, $0x2004, v5  }
0x5f: {  	[smem:$0x7FF] =	sst s2;
	v0 =	vsel vm15, $0x7005, v0;
	[tilespmem:$0x1FEE0] =	vst v14;
	v5 =	vsel vm5, $0x2805, v5  }
0x60: {  	s0 =	rddreg [dreg:$0x1];
	_ =	strace $0x80000047;
	[tilespmem:$0x1FF20] =	vst v0;
	v0 =	vsel vm6, $0x3006, v5  }
0x61: {  	v0 =	vsel vm7, $0x3807, v0  }
0x62: {  	v0 =	vsel vm8, $0x4008, v0  }
0x63: {  	v0 =	vsel vm9, $0x4809, v0  }
0x64: {  	v0 =	vsel vm10, $0x500A, v0  }
0x65: {  	v0 =	vsel vm11, $0x580B, v0  }
0x66: {  	v0 =	vsel vm12, $0x600C, v0  }
0x67: {  	v0 =	vsel vm13, $0x680D, v0  }
0x68: {  	vm0 =	vmmov $0x3fff;
	v34 =	vsel vm15, $0x700E, v0;
	v0 =	vimm.s32 $0x0  }
0x69: {  	v0 =	vsel vm0, $0xFFFFFFFF, v0  }
0x6a: {  	vm1 =	vmmov $0x1fff;
	[tilespmem:$0x1FF40] =	vst v0;
	v0 =	vimm.s32 $0x0  }
0x6b: {  	v0 =	vsel vm1, $0xFFFFFFFF, v0  }
0x6c: {  	s1 =	srdreg.scid;
	s4 =	stileid.u32;
	v13 =	vsel vm10, $0x5800, v31;
	vm3 =	vmmov $0xfff;
	[tilespmem:$0x1FF50] =	vst v0;
	v0 =	vimm.s32 $0x0  }
0x6d: {  	s1 =	sand.u32 $0x1, s1;
	s3 =	sshll.u32 s4, $0x1;
	v13 =	vsel vm11, $0x5801, v13;
	v0 =	vsel vm3, $0xFFFFFFFF, v0  }
0x6e: {  	s10 =	sadd.s32 $0x400, s0;
	s15 =	sshrl.u32 s4, $0x2;
	s19 =	sor.u32 s1, s3;
	v13 =	vsel vm12, $0x6002, v13;
	vm4 =	vmmov $0x7ff;
	[tilespmem:$0x1FF60] =	vst v0;
	v0 =	vimm.s32 $0x0  }
0x6f: {  	s14 =	ssub.s32 $0x2, s1;
	s17 =	sshll.u32 s15, $0x12;
	s20 =	sor.u32 $0x4, s15;
	v13 =	vsel vm13, $0x6803, v13;
	v0 =	vsel vm4, $0xFFFFFFFF, v0  }
0x70: {  	s6 =	smul.u32 $0x40400, s15;
	s7 =	sor.u32 $0x8, s15;
	s1 =	sor.u32 $0xC, s15;
	v13 =	vsel vm15, $0x7004, v13;
	vm6 =	vmmov $0x1ff;
	[tilespmem:$0x1FF70] =	vst v0;
	v0 =	vimm.s32 $0x0  }
0x71: {  	s15 =	simm.s32 $0x8000;
	s3 =	sshll.u32 s19, $0x7;
	s12 =	smul.u32 $0x40400, s20;
	v4 =	vsel vm15, $0x7000, v26;
	v6 =	vsel vm13, $0x6800, v27;
	[tilespmem:$0x1FF10] =	vst v13;
	v0 =	vsel vm6, $0xFFFFFFFF, v0  }
0x72: {  	s16 =	sshrl.u32 s14, $0x1;
	s5 =	sshll.u32 s20, $0x12;
	s26 =	smul.u32 $0x40400, s7;
	v13 =	vsel vm7, $0x4000, v33;
	vm7 =	vmmov $0xff;
	[tilespmem:$0x1FF80] =	vst v0;
	v0 =	vimm.s32 $0x0  }
0x73: {  	s23 =	sshll.u32 s7, $0x12;
	s13 =	sshll.u32 s1, $0x12;
	s1 =	smul.u32 $0x40400, s1;
	v7 =	vsel vm12, $0x6000, v29;
	v13 =	vsel vm8, $0x4001, v13;
	v0 =	vsel vm7, $0xFFFFFFFF, v0  }
0x74: {  	p0 =	seq.s32 s19, $0x1F;
	s19 =	simm.s32 $0x0;
	s9 =	sand.u32 $0x380, s3;
	vm5 =	vmmov $0x3ff;
	v5 =	vsel vm8, $0x4800, v32;
	[tilespmem:$0x1FF90] =	vst v0;
	v0 =	vimm.s32 $0x0  }
0x75: {  	s11 =	ssub.s32 s14, s16;
	s14 =	simm.s32 $0x1;
	s16 =	simm.s32 $0x10000;
	v13 =	vsel vm9, $0x4802, v13;
	v5 =	vsel vm9, $0x4801, v5;
	v0 =	vsel vm5, $0xFFFFFFFF, v0  }
0x76: {  	s18 =	sor.u32 s17, s9;
	s21 =	sor.u32 s5, s9;
	s22 =	sor.u32 s6, s9;
	v5 =	vsel vm10, $0x5002, v5;
	vm8 =	vmmov $0x7f;
	[tilespmem:$0x1FFA0] =	vst v0;
	v0 =	vimm.s32 $0x0  }
0x77: {  	s6 =	sor.u32 s23, s9;
	s25 =	sor.u32 s12, s9;
	s29 =	sor.u32 s13, s9;
	v13 =	vsel vm10, $0x5003, v13;
	v5 =	vsel vm11, $0x5803, v5;
	v0 =	vsel vm8, $0xFFFFFFFF, v0  }
0x78: {  	s12 =	sor.u32 s26, s9;
	s1 =	sor.u32 s1, s9;
	s11 =	smax.u32 s11, $0x1;
	vm9 =	vmmov $0x3f;
	v5 =	vsel vm12, $0x6004, v5;
	[tilespmem:$0x1FFB0] =	vst v0;
	v0 =	vimm.s32 $0x0  }
0x79: {  	s13 =	simm.s32 $0x400;
	s17 =	simm.s32 $0x2;
	s0 =	sshrl.u32 s18, $0x3;
	v13 =	vsel vm11, $0x5804, v13;
	v5 =	vsel vm13, $0x6805, v5;
	v0 =	vsel vm9, $0xFFFFFFFF, v0  }
0x7a: {  	s5 =	sshrl.u32 s22, $0x3;
	s24 =	sshrl.u32 s6, $0x3;
	s28 =	sshrl.u32 s25, $0x3;
	vm11 =	vmmov $0xf;
	v5 =	vsel vm15, $0x7006, v5;
	[tilespmem:$0x1FFC0] =	vst v0;
	v0 =	vimm.s32 $0x0  }
0x7b: {  	s30 =	sshrl.u32 s12, $0x3;
	s1 =	sshrl.u32 s1, $0x3;
	s12 =	simm.s32 $0x80;
	v7 =	vsel vm13, $0x6801, v7;
	v13 =	vsel vm12, $0x6005, v13;
	[tilespmem:$0x1FF30] =	vst v5;
	v0 =	vsel vm11, $0xFFFFFFFF, v0  }
.Ltmp0:
0x7c: {  	s18 =	simm.s32 $0x3;
	s0 =	sadd.s32 s8, s0;
	v5 =	vsel vm13, $0x6806, v13;
	vm13 =	vmmov $0x7;
	[tilespmem:$0x1FFD0] =	vst v0;
	v0 =	vimm.s32 $0x0;
	(pc) =	sbr.rel .LBB2_1-.Ltmp0, $4  }
0x7d: {  	s5 =	sadd.s32 s10, s5;
	v6 =	vsel vm15, $0x7001, v6;
	v7 =	vsel vm15, $0x7002, v7;
	[dreg:$0x3] =	wrdreg s0;
	s0 =	sshrl.u32 s21, $0x3;
	v0 =	vsel vm13, $0xFFFFFFFF, v0  }
0x7e: {  	s6 =	sadd.s32 s8, s24;
	s7 =	sadd.s32 s10, s28;
	s0 =	sadd.s32 s8, s0;
	v33 =	vsel vm15, $0x7007, v5;
	vm15 =	vmmov $0x3;
	[tilespmem:$0x1FFE0] =	vst v0;
	v0 =	vimm.s32 $0x0  }
0x7f: {  	vm14 =	vmmov $0x7fff;
	v2 =	vadd.s32 $0x7F0, v1;
	s31 =	sadd.s32 s10, s1;
	[dreg:$0x4] =	wrdreg s0;
	s0 =	sshrl.u32 s29, $0x3;
	v0 =	vsel vm15, $0xFFFFFFFF, v0  }
0x80: {  	v24 =	vadd.s32 $0x1, v1;
	s9 =	sadd.s32 s10, s30;
	vm2 =	vmmov vm14;
	[dreg:$0x5] =	wrdreg s31;
	s8 =	sadd.s32 s8, s0;
	vm10 =	vmmov $0x1f;
	[tilespmem:$0x1FFF0] =	vst v0  }
.LBB2_18:
0x81: {  	_ =	sdelay $0x3  }
0x82: {  	s0 =	sadd.s32 $0xFFFFFFF4, s20;
	[tilespmem:v0+s16+$0x0] =	vst.idx.msk $0xffff, v44  }
0x83: {  	v0 =	vld.idx.msk [tilespmem:v5+s15+$0x0], $0xffff;
	v5 =	vadd.s32 s0, v1  }
0x84: {  	s1 =	sadd.s32 $0xFFFFFFF5, s20;
	v13 =	vld.idx.msk [tilespmem:v13+s15+$0x0], $0xffff  }
0x85: {  	v15 =	vadd.s32 s1, v1  }
0x86: {  	s3 =	sadd.s32 $0xFFFFFFF6, s20;
	v14 =	vld.idx.msk [tilespmem:v14+s15+$0x0], $0xffff  }
0x87: {  	v19 =	vadd.s32 s3, v1  }
0x88: {  	s4 =	sadd.s32 $0xFFFFFFF7, s20;
	v5 =	vld.idx.msk [tilespmem:v5+s15+$0x0], $0xffff  }
0x89: {  	v20 =	vadd.s32 s4, v1;
	v13 =	vadd.f32 v13, v0  }
0x8a: {  	s10 =	sadd.s32 $0xFFFFFFF8, s20;
	v15 =	vld.idx.msk [tilespmem:v15+s15+$0x0], $0xffff  }
0x8b: {  	v25 =	vadd.s32 s10, v1;
	v14 =	vadd.f32 v14, v13  }
0x8c: {  	s21 =	sadd.s32 $0xFFFFFFF9, s20;
	v19 =	vld.idx.msk [tilespmem:v19+s15+$0x0], $0xffff  }
0x8d: {  	v26 =	vadd.s32 s21, v1;
	v5 =	vadd.f32 v5, v14  }
0x8e: {  	s24 =	sadd.s32 $0xFFFFFFFA, s20;
	v20 =	vld.idx.msk [tilespmem:v20+s15+$0x0], $0xffff  }
0x8f: {  	v28 =	vadd.s32 s24, v1;
	v15 =	vadd.f32 v15, v5  }
0x90: {  	s23 =	sadd.s32 $0xFFFFFFFB, s20;
	v30 =	vadd.s32 s20, v1;
	v25 =	vld.idx.msk [tilespmem:v25+s15+$0x0], $0xffff  }
0x91: {  	s25 =	sadd.s32 $0xFFFFFFFC, s20;
	v27 =	vadd.s32 s23, v1;
	v19 =	vadd.f32 v19, v15  }
0x92: {  	s26 =	sadd.s32 $0xFFFFFFFF, s20;
	v29 =	vadd.s32 s25, v1;
	v26 =	vld.idx.msk [tilespmem:v26+s15+$0x0], $0xffff  }
0x93: {  	s28 =	sadd.s32 $0xFFFFFFFE, s20;
	v31 =	vadd.s32 s26, v1;
	v20 =	vadd.f32 v20, v19  }
0x94: {  	s29 =	sadd.s32 $0xFFFFFFFD, s20;
	v32 =	vadd.s32 s28, v1;
	v28 =	vld.idx.msk [tilespmem:v28+s15+$0x0], $0xffff  }
0x95: {  	v35 =	vadd.s32 s29, v1;
	v30 =	vld.idx.msk [tilespmem:v30+s15+$0x0], $0xffff;
	v25 =	vadd.f32 v25, v20  }
0x96: {  	v27 =	vld.idx.msk [tilespmem:v27+s15+$0x0], $0xffff  }
0x97: {  	v36 =	vadd.s32 s22, v24;
	v29 =	vld.idx.msk [tilespmem:v29+s15+$0x0], $0xffff;
	v26 =	vadd.f32 v26, v25  }
0x98: {  	v47 =	vadd.s32 s0, v24;
	v31 =	vld.idx.msk [tilespmem:v31+s15+$0x0], $0xffff;
	v0 =	vadd.f32 v0, v44  }
0x99: {  	v48 =	vadd.s32 s1, v24;
	v32 =	vld.idx.msk [tilespmem:v32+s15+$0x0], $0xffff;
	v13 =	vadd.f32 v13, v44;
	v28 =	vadd.f32 v28, v26  }
0x9a: {  	v35 =	vld.idx.msk [tilespmem:v35+s15+$0x0], $0xffff;
	[tilespmem:v46+s16+$0x0] =	vst.idx.msk $0xffff, v0;
	v0 =	vadd.f32 v14, v44;
	v14 =	vadd.s32 s3, v24  }
0x9b: {  	[tilespmem:v45+s16+$0x0] =	vst.idx.msk $0xffff, v13;
	v13 =	vadd.s32 s4, v24;
	v5 =	vadd.f32 v5, v44;
	v27 =	vadd.f32 v27, v28  }
0x9c: {  	[tilespmem:v36+s16+$0x0] =	vst.idx.msk $0xffff, v0;
	v0 =	vadd.f32 v15, v44;
	v15 =	vadd.s32 s10, v24  }
0x9d: {  	[tilespmem:v47+s16+$0x0] =	vst.idx.msk $0xffff, v5;
	v5 =	vadd.f32 v19, v44;
	v19 =	vadd.s32 s21, v24;
	v29 =	vadd.f32 v29, v27  }
0x9e: {  	[tilespmem:v48+s16+$0x0] =	vst.idx.msk $0xffff, v0;
	v0 =	vadd.s32 s24, v24;
	v20 =	vadd.f32 v20, v44  }
0x9f: {  	[tilespmem:v14+s16+$0x0] =	vst.idx.msk $0xffff, v5;
	v5 =	vadd.s32 s23, v24;
	v25 =	vadd.f32 v25, v44;
	v14 =	vadd.f32 v35, v29  }
0xa0: {  	[tilespmem:v13+s16+$0x0] =	vst.idx.msk $0xffff, v20;
	v20 =	vadd.s32 s25, v24;
	v13 =	vadd.f32 v26, v44  }
0xa1: {  	[tilespmem:v15+s16+$0x0] =	vst.idx.msk $0xffff, v25;
	v15 =	vadd.s32 s29, v24;
	v26 =	vadd.f32 v28, v44;
	v25 =	vadd.f32 v32, v14  }
0xa2: {  	[tilespmem:v19+s16+$0x0] =	vst.idx.msk $0xffff, v13;
	v13 =	vadd.s32 s28, v24;
	v27 =	vadd.f32 v27, v44  }
0xa3: {  	[tilespmem:v0+s16+$0x0] =	vst.idx.msk $0xffff, v26;
	v0 =	vadd.s32 s26, v24;
	v19 =	vadd.f32 v29, v44;
	v26 =	vadd.f32 v31, v25  }
0xa4: {  	[tilespmem:v5+s16+$0x0] =	vst.idx.msk $0xffff, v27;
	v5 =	vadd.s32 s20, v24;
	v14 =	vadd.f32 v14, v44  }
0xa5: {  	[tilespmem:v20+s16+$0x0] =	vst.idx.msk $0xffff, v19;
	v19 =	vadd.f32 v25, v44;
	v20 =	vadd.f32 v30, v26  }
0xa6: {  	[tilespmem:v15+s16+$0x0] =	vst.idx.msk $0xffff, v14;
	v14 =	vadd.f32 v26, v44  }
0xa7: {  	[tilespmem:v13+s16+$0x0] =	vst.idx.msk $0xffff, v19;
	v13 =	vadd.f32 v20, v44  }
0xa8: {  	[tilespmem:v0+s16+$0x0] =	vst.idx.msk $0xffff, v14  }
0xa9: {  	[tilespmem:v5+s16+$0x0] =	vst.idx.msk $0xffff, v13;
	v5 =	vld [tilespmem:$0x1FEC0]  }
0xaa: {  	v0 =	vld.idx.msk [tilespmem:v2+s15+$0x0], $0xffff;
	_ =	sdelay $0x4  }
0xab: {  	v0 =	vadd.f32 v0, v13;
	_ =	sdelay $0x1  }
0xac: {  	[tilespmem:v5+s16+$0x0] =	vst.idx.msk $0xffff, v0  }
0xad: {  	v5 =	vld.idx.msk [tilespmem:v3+s15+$0x0], $0xffff;
	_ =	sdelay $0x3  }
0xae: {  	v0 =	vsel vm2, v0, v43  }
0xaf: {  	v0 =	vadd.f32 v5, v0;
	v5 =	vld [tilespmem:$0x1FED0];
	_ =	sdelay $0x7  }
0xb0: {  	[tilespmem:v5+s16+$0x0] =	vst.idx.msk $0xffff, v0  }
0xb1: {  	v5 =	vld.idx.msk [tilespmem:v4+s15+$0x0], $0xffff;
	_ =	sdelay $0x2  }
0xb2: {  	vm12 =	vcmask $0x373C  }
0xb3: {  	v0 =	vsel vm12, v0, v43  }
0xb4: {  	v0 =	vadd.f32 v5, v0;
	v5 =	vld [tilespmem:$0x1FEE0];
	_ =	sdelay $0x7  }
0xb5: {  	[tilespmem:v5+s16+$0x0] =	vst.idx.msk $0xffff, v0  }
0xb6: {  	v5 =	vld.idx.msk [tilespmem:v6+s15+$0x0], $0xffff;
	_ =	sdelay $0x2  }
0xb7: {  	vm12 =	vcmask $0x3338  }
0xb8: {  	v0 =	vsel vm12, v0, v43  }
0xb9: {  	v0 =	vadd.f32 v5, v0;
	v5 =	vld [tilespmem:$0x1FEF0];
	_ =	sdelay $0x7  }
0xba: {  	[tilespmem:v5+s16+$0x0] =	vst.idx.msk $0xffff, v0  }
0xbb: {  	v5 =	vld.idx.msk [tilespmem:v7+s15+$0x0], $0xffff;
	_ =	sdelay $0x2  }
0xbc: {  	vm12 =	vcmask $0x2F34  }
0xbd: {  	v0 =	vsel vm12, v0, v43  }
0xbe: {  	v0 =	vadd.f32 v5, v0;
	v5 =	vld [tilespmem:$0x1FF00];
	_ =	sdelay $0x7  }
0xbf: {  	[tilespmem:v5+s16+$0x0] =	vst.idx.msk $0xffff, v0  }
0xc0: {  	v5 =	vld.idx.msk [tilespmem:v8+s15+$0x0], $0xffff;
	_ =	sdelay $0x2  }
0xc1: {  	vm12 =	vcmask $0x2B30  }
0xc2: {  	v0 =	vsel vm12, v0, v43  }
0xc3: {  	v0 =	vadd.f32 v5, v0;
	v5 =	vld [tilespmem:$0x1FF10];
	_ =	sdelay $0x7  }
0xc4: {  	[tilespmem:v5+s16+$0x0] =	vst.idx.msk $0xffff, v0  }
0xc5: {  	v5 =	vld.idx.msk [tilespmem:v9+s15+$0x0], $0xffff;
	_ =	sdelay $0x2  }
0xc6: {  	vm12 =	vcmask $0x272C  }
0xc7: {  	v0 =	vsel vm12, v0, v43  }
0xc8: {  	v0 =	vadd.f32 v5, v0;
	v5 =	vld [tilespmem:$0x1FF20];
	_ =	sdelay $0x7  }
0xc9: {  	[tilespmem:v5+s16+$0x0] =	vst.idx.msk $0xffff, v0  }
0xca: {  	v5 =	vld.idx.msk [tilespmem:v10+s15+$0x0], $0xffff;
	_ =	sdelay $0x2  }
0xcb: {  	vm12 =	vcmask $0x2328  }
0xcc: {  	v0 =	vsel vm12, v0, v43  }
0xcd: {  	v0 =	vadd.f32 v5, v0;
	v5 =	vld [tilespmem:$0x1FF30];
	_ =	sdelay $0x7  }
0xce: {  	[tilespmem:v5+s16+$0x0] =	vst.idx.msk $0xffff, v0  }
0xcf: {  	v5 =	vld.idx.msk [tilespmem:v11+s15+$0x0], $0xffff;
	_ =	sdelay $0x2  }
0xd0: {  	vm12 =	vcmask $0x1F24  }
0xd1: {  	v0 =	vsel vm12, v0, v43  }
0xd2: {  	v0 =	vadd.f32 v5, v0;
	_ =	sdelay $0x1  }
0xd3: {  	[tilespmem:v33+s16+$0x0] =	vst.idx.msk $0xffff, v0  }
0xd4: {  	v5 =	vld.idx.msk [tilespmem:v12+s15+$0x0], $0xffff;
	_ =	sdelay $0x2  }
0xd5: {  	vm12 =	vcmask $0x1B20  }
0xd6: {  	v0 =	vsel vm12, v0, v43  }
0xd7: {  	v0 =	vadd.f32 v5, v0;
	_ =	sdelay $0x1  }
0xd8: {  	[tilespmem:v37+s16+$0x0] =	vst.idx.msk $0xffff, v0  }
0xd9: {  	v5 =	vld.idx.msk [tilespmem:v16+s15+$0x0], $0xffff;
	_ =	sdelay $0x2  }
0xda: {  	vm12 =	vcmask $0x171C  }
0xdb: {  	v0 =	vsel vm12, v0, v43  }
0xdc: {  	v0 =	vadd.f32 v5, v0;
	_ =	sdelay $0x1  }
0xdd: {  	[tilespmem:v38+s16+$0x0] =	vst.idx.msk $0xffff, v0  }
0xde: {  	v5 =	vld.idx.msk [tilespmem:v17+s15+$0x0], $0xffff;
	_ =	sdelay $0x2  }
0xdf: {  	vm12 =	vcmask $0x1318  }
0xe0: {  	v0 =	vsel vm12, v0, v43  }
0xe1: {  	v0 =	vadd.f32 v5, v0;
	_ =	sdelay $0x1  }
0xe2: {  	[tilespmem:v39+s16+$0x0] =	vst.idx.msk $0xffff, v0  }
0xe3: {  	v5 =	vld.idx.msk [tilespmem:v18+s15+$0x0], $0xffff;
	_ =	sdelay $0x2  }
0xe4: {  	vm12 =	vcmask $0xF14  }
0xe5: {  	v0 =	vsel vm12, v0, v43  }
0xe6: {  	v0 =	vadd.f32 v5, v0;
	_ =	sdelay $0x1  }
0xe7: {  	[tilespmem:v40+s16+$0x0] =	vst.idx.msk $0xffff, v0  }
0xe8: {  	v5 =	vld.idx.msk [tilespmem:v21+s15+$0x0], $0xffff;
	_ =	sdelay $0x2  }
0xe9: {  	vm12 =	vcmask $0xB10  }
0xea: {  	v0 =	vsel vm12, v0, v43  }
0xeb: {  	v0 =	vadd.f32 v5, v0;
	_ =	sdelay $0x1  }
0xec: {  	[tilespmem:v41+s16+$0x0] =	vst.idx.msk $0xffff, v0  }
0xed: {  	v5 =	vld.idx.msk [tilespmem:v22+s15+$0x0], $0xffff;
	_ =	sdelay $0x2  }
0xee: {  	vm12 =	vcmask $0x70C  }
0xef: {  	v0 =	vsel vm12, v0, v43  }
0xf0: {  	v0 =	vadd.f32 v5, v0;
	_ =	sdelay $0x1  }
0xf1: {  	[tilespmem:v42+s16+$0x0] =	vst.idx.msk $0xffff, v0  }
0xf2: {  	v5 =	vld.idx.msk [tilespmem:v23+s15+$0x0], $0xffff;
	_ =	sdelay $0x2  }
0xf3: {  	vm12 =	vcmask $0x308  }
0xf4: {  	v0 =	vsel vm12, v0, v43  }
0xf5: {  	v0 =	vadd.f32 v5, v0;
	_ =	sdelay $0x1  }
0xf6: {  	[tilespmem:v34+s16+$0x0] =	vst.idx.msk $0xffff, v0;
	v0 =	vimm.s32 $0x0;
	_ =	sdelay $0x3  }
0xf7: {  	v5 =	vimm.f32 $0.0e+00  }
0xf8: {  	s31 =	rddreg [dreg:$0x5];
	[tilespmem:v0+s16+$0x0] =	vst.idx.msk $0x1, v5  }
0xf9: {  	[hbm4b:s31+s12] =	stream.strided.scatter [tilespmem:s16], [sflag:$0x3], $0x8080, s13, s12, $0x38;
	[tilespmem:$0x18080] =	vst v63  }
.LBB2_19:
0xfa: {  	s19 =	sadd.s32 $0x1, s19  }
0xfb: {  	p1 =	sne.s32 s19, s11  }
.Ltmp1:
0xfc: {  	_ = 	snop;
	(pc) =	sbr.rel @!p1 .LBB2_20-.Ltmp1, $4  }
0xfd: {  	_ = 	snop  }
0xfe: {  	_ =	swait.ge [sflag:s18], $0x8080  }
0xff: {  	[sflag:s18] =	ssyncset.done $0x0  }
0x100: {  	[sflag:s18] =	ssyncadd.s32 $0xFFFF7F80  }
.LBB2_1:
0x101: {  	s0 =	rddreg [dreg:$0x3];
	s4 =	simm.s32 $0xF;
	s1 =	simm.s32 $0xE  }
0x102: {  	[tilespmem:s2], [sflag:$0x1] =	stream.strided.gather [hbm4b:s0+s12], $0x8000, s13, s12, $0x38;
	v0 =	vadd.s32 s4, v1;
	[tilespmem:$0x18080] =	vst v63  }
0x103: {  	s10 =	simm.s32 $0xD;
	v5 =	vadd.s32 s1, v1;
	_ =	swait.ge [sflag:s14], $0x8000  }
0x104: {  	s20 =	simm.s32 $0xC;
	s21 =	simm.s32 $0xB;
	v13 =	vadd.s32 s10, v1;
	[sflag:s14] =	ssyncset.done $0x0  }
0x105: {  	s22 =	simm.s32 $0xA;
	v14 =	vadd.s32 s20, v1;
	s3 =	rddreg [dreg:$0x4];
	[sflag:s14] =	ssyncadd.s32 $0xFFFF8000  }
0x106: {  	v25 =	vadd.s32 s21, v1;
	[tilespmem:s15], [sflag:$0x2] =	stream.strided.gather [hbm4b:s3+s12], $0x8000, s13, s12, $0x38;
	[tilespmem:$0x18080] =	vst v63  }
0x107: {  	s23 =	simm.s32 $0x9;
	v36 =	vadd.s32 s22, v1;
	v37 =	vld.idx.msk [tilespmem:v0+s2+$0x0], $0xffff  }
0x108: {  	v44 =	vadd.s32 s23, v1;
	s10 =	simm.s32 $0x6;
	v38 =	vld.idx.msk [tilespmem:v5+s2+$0x0], $0xffff  }
0x109: {  	s24 =	simm.s32 $0x8;
	v40 =	vimm.f32 $0.0e+00;
	v39 =	vimm.f32 $0.0e+00;
	v56 =	vadd.s32 s10, v1;
	v41 =	vld.idx.msk [tilespmem:v13+s2+$0x0], $0xffff  }
0x10a: {  	s25 =	simm.s32 $0x7;
	v43 =	vimm.f32 $0.0e+00;
	v42 =	vimm.f32 $0.0e+00;
	v5 =	vadd.s32 s24, v1;
	v46 =	vld.idx.msk [tilespmem:v14+s2+$0x0], $0xffff  }
0x10b: {  	s26 =	simm.s32 $0x5;
	v45 =	vimm.f32 $0.0e+00;
	v47 =	vimm.f32 $0.0e+00;
	v13 =	vadd.s32 s25, v1;
	v49 =	vld.idx.msk [tilespmem:v25+s2+$0x0], $0xffff  }
0x10c: {  	s28 =	simm.s32 $0x4;
	v48 =	vimm.f32 $0.0e+00;
	v51 =	vimm.f32 $0.0e+00;
	v15 =	vadd.s32 s26, v1;
	v54 =	vld.idx.msk [tilespmem:v36+s2+$0x0], $0xffff  }
0x10d: {  	s29 =	simm.s32 $0x3;
	v50 =	vimm.f32 $0.0e+00;
	v53 =	vimm.f32 $0.0e+00;
	v19 =	vadd.s32 s28, v1;
	v57 =	vld.idx.msk [tilespmem:v44+s2+$0x0], $0xffff  }
0x10e: {  	s30 =	simm.s32 $0x2;
	v52 =	vimm.f32 $0.0e+00;
	v55 =	vimm.f32 $0.0e+00;
	v20 =	vadd.s32 s29, v1;
	v14 =	vld.idx.msk [tilespmem:v56+s2+$0x0], $0xffff  }
0x10f: {  	s31 =	simm.s32 $0x1;
	v58 =	vimm.f32 $0.0e+00;
	v59 =	vimm.f32 $0.0e+00;
	v0 =	vadd.s32 s30, v1;
	v5 =	vld.idx.msk [tilespmem:v5+s2+$0x0], $0xffff  }
0x110: {  	v35 =	vadd.s32 s31, v1;
	s0 =	simm.s32 $0x0;
	s20 =	simm.s32 $0x1F;
	v44 =	vimm.f32 $0.0e+00;
	v56 =	vimm.f32 $0.0e+00;
	v13 =	vld.idx.msk [tilespmem:v13+s2+$0x0], $0xffff  }
.LBB2_2:
0x111: {  	p1 =	sne.s32 s20, $0x7EF;
	v25 =	vor.u32 s0, v1;
	v15 =	vld.idx.msk [tilespmem:v15+s2+$0x0], $0xffff  }
0x112: {  	s0 =	sadd.s32 $0xFFFFFFFF, s20;
	v36 =	vadd.s32 s20, v1;
	v19 =	vld.idx.msk [tilespmem:v19+s2+$0x0], $0xffff  }
0x113: {  	s1 =	sadd.s32 $0xFFFFFFFE, s20;
	v60 =	vadd.s32 s0, v1;
	v20 =	vld.idx.msk [tilespmem:v20+s2+$0x0], $0xffff  }
0x114: {  	s0 =	sadd.s32 $0xFFFFFFFD, s20;
	v61 =	vadd.s32 s1, v1;
	v0 =	vld.idx.msk [tilespmem:v0+s2+$0x0], $0xffff  }
0x115: {  	v40 =	vadd.f32 v38, v40;
	v39 =	vadd.f32 v37, v39;
	s1 =	sadd.s32 $0xFFFFFFFC, s20;
	v62 =	vadd.s32 s0, v1;
	v35 =	vld.idx.msk [tilespmem:v35+s2+$0x0], $0xffff  }
0x116: {  	v43 =	vadd.f32 v46, v43;
	v42 =	vadd.f32 v41, v42;
	s0 =	sadd.s32 $0xFFFFFFFB, s20;
	v63 =	vadd.s32 s1, v1;
	v25 =	vld.idx.msk [tilespmem:v25+s2+$0x0], $0xffff  }
0x117: {  	v45 =	vadd.f32 v54, v45;
	v44 =	vadd.f32 v49, v44;
	s1 =	sadd.s32 $0xFFFFFFFA, s20;
	v26 =	vadd.s32 s0, v1;
	v37 =	vld.idx.msk [tilespmem:v36+s2+$0x0], $0xffff  }
0x118: {  	v48 =	vadd.f32 v57, v48;
	v47 =	vadd.f32 v5, v47;
	s0 =	sadd.s32 $0xFFFFFFF9, s20;
	v36 =	vadd.s32 s1, v1;
	v38 =	vld.idx.msk [tilespmem:v60+s2+$0x0], $0xffff  }
0x119: {  	v50 =	vadd.f32 v13, v50;
	v5 =	vadd.s32 s0, v1;
	v51 =	vadd.f32 v14, v51;
	s1 =	sadd.s32 $0xFFFFFFF8, s20;
	v41 =	vld.idx.msk [tilespmem:v61+s2+$0x0], $0xffff  }
0x11a: {  	s0 =	sadd.s32 $0xFFFFFFF7, s20;
	v52 =	vadd.f32 v15, v52;
	v53 =	vadd.f32 v19, v53;
	v13 =	vadd.s32 s1, v1;
	v46 =	vld.idx.msk [tilespmem:v62+s2+$0x0], $0xffff  }
0x11b: {  	v14 =	vadd.s32 s0, v1;
	s1 =	sadd.s32 $0xFFFFFFF6, s20;
	v56 =	vadd.f32 v20, v56;
	v55 =	vadd.f32 v0, v55;
	v49 =	vld.idx.msk [tilespmem:v63+s2+$0x0], $0xffff  }
.Ltmp2:
0x11c: {  	s0 =	sadd.s32 $0xFFFFFFF5, s20;
	v15 =	vadd.s32 s1, v1;
	v59 =	vadd.f32 v35, v59;
	v58 =	vadd.f32 v25, v58;
	v54 =	vld.idx.msk [tilespmem:v26+s2+$0x0], $0xffff;
	(pc) =	sbr.rel @p1 .LBB2_2-.Ltmp2, $4  }
0x11d: {  	v19 =	vadd.s32 s0, v1;
	s1 =	sadd.s32 $0xFFFFFFF4, s20;
	v57 =	vld.idx.msk [tilespmem:v36+s2+$0x0], $0xffff  }
0x11e: {  	s0 =	sadd.s32 $0xFFFFFFF3, s20;
	v20 =	vadd.s32 s1, v1;
	v5 =	vld.idx.msk [tilespmem:v5+s2+$0x0], $0xffff  }
0x11f: {  	v0 =	vadd.s32 s0, v1;
	s1 =	sadd.s32 $0xFFFFFFF2, s20;
	v13 =	vld.idx.msk [tilespmem:v13+s2+$0x0], $0xffff  }
0x120: {  	s0 =	sadd.s32 $0xFFFFFFF1, s20;
	s20 =	sadd.s32 $0x10, s20;
	v35 =	vadd.s32 s1, v1;
	v14 =	vld.idx.msk [tilespmem:v14+s2+$0x0], $0xffff  }
0x121: {  	v25 =	vor.u32 s0, v1;
	_ =	sdelay $0x3  }
0x122: {  	v26 =	vld.idx.msk [tilespmem:v35+s2+$0x0], $0xffff  }
0x123: {  	v25 =	vld.idx.msk [tilespmem:v25+s2+$0x0], $0xffff;
	_ =	sdelay $0x1  }
0x124: {  	v0 =	vld.idx.msk [tilespmem:v0+s2+$0x0], $0xffff;
	_ =	sdelay $0x1  }
0x125: {  	v20 =	vld.idx.msk [tilespmem:v20+s2+$0x0], $0xffff  }
0x126: {  	v26 =	vadd.f32 v26, v59;
	v25 =	vadd.f32 v25, v58  }
0x127: {  	v19 =	vld.idx.msk [tilespmem:v19+s2+$0x0], $0xffff  }
0x128: {  	v0 =	vadd.f32 v0, v55;
	v25 =	vadd.f32 v26, v25  }
0x129: {  	v15 =	vld.idx.msk [tilespmem:v15+s2+$0x0], $0xffff  }
0x12a: {  	v20 =	vadd.f32 v20, v56;
	v0 =	vadd.f32 v0, v25;
	_ =	sdelay $0x1  }
0x12b: {  	v19 =	vadd.f32 v19, v53;
	v0 =	vadd.f32 v20, v0;
	_ =	sdelay $0x1  }
0x12c: {  	v15 =	vadd.f32 v15, v52;
	v0 =	vadd.f32 v19, v0;
	_ =	sdelay $0x1  }
0x12d: {  	v14 =	vadd.f32 v14, v51;
	v0 =	vadd.f32 v15, v0;
	_ =	sdelay $0x1  }
0x12e: {  	v13 =	vadd.f32 v13, v50;
	v0 =	vadd.f32 v14, v0;
	_ =	sdelay $0x1  }
0x12f: {  	v5 =	vadd.f32 v5, v47;
	v0 =	vadd.f32 v13, v0;
	_ =	sdelay $0x1  }
0x130: {  	v13 =	vadd.f32 v57, v48;
	v0 =	vadd.f32 v5, v0;
	_ =	sdelay $0x1  }
0x131: {  	v5 =	vadd.f32 v54, v45;
	v0 =	vadd.f32 v13, v0;
	_ =	sdelay $0x1  }
0x132: {  	v13 =	vadd.f32 v49, v44;
	v0 =	vadd.f32 v5, v0;
	_ =	sdelay $0x1  }
0x133: {  	v5 =	vadd.f32 v46, v43;
	v0 =	vadd.f32 v13, v0;
	_ =	sdelay $0x1  }
0x134: {  	v13 =	vadd.f32 v41, v42;
	v0 =	vadd.f32 v5, v0;
	_ =	sdelay $0x1  }
0x135: {  	v5 =	vadd.f32 v38, v40;
	v0 =	vadd.f32 v13, v0  }
0x136: {  	v13 =	vld.idx.msk [tilespmem:v2+s2+$0x0], $0xffff  }
0x137: {  	v14 =	vadd.f32 v37, v39;
	v0 =	vadd.f32 v5, v0  }
0x138: {  	v5 =	vld.idx.msk [tilespmem:v3+s2+$0x0], $0xffff  }
0x139: {  	v0 =	vadd.f32 v14, v0  }
0x13a: {  	v14 =	vld.idx.msk [tilespmem:v4+s2+$0x0], $0xffff  }
0x13b: {  	v0 =	vadd.f32 v13, v0  }
0x13c: {  	v13 =	vld.idx.msk [tilespmem:v6+s2+$0x0], $0xffff  }
0x13d: {  	v0 =	vadd.f32 v5, v0  }
0x13e: {  	v15 =	vld.idx.msk [tilespmem:v7+s2+$0x0], $0xffff  }
0x13f: {  	v0 =	vadd.f32 v14, v0  }
0x140: {  	v19 =	vld.idx.msk [tilespmem:v8+s2+$0x0], $0xffff  }
0x141: {  	v0 =	vadd.f32 v13, v0  }
0x142: {  	v20 =	vld.idx.msk [tilespmem:v9+s2+$0x0], $0xffff  }
0x143: {  	v0 =	vadd.f32 v15, v0  }
0x144: {  	v25 =	vld.idx.msk [tilespmem:v10+s2+$0x0], $0xffff  }
0x145: {  	v0 =	vadd.f32 v19, v0  }
0x146: {  	v26 =	vld.idx.msk [tilespmem:v11+s2+$0x0], $0xffff  }
0x147: {  	v0 =	vadd.f32 v20, v0  }
0x148: {  	v28 =	vld.idx.msk [tilespmem:v12+s2+$0x0], $0xffff;
	v5 =	vsel vm2, $0x0, v5  }
0x149: {  	v5 =	vadd.f32 $0.0e+00, v5;
	v0 =	vadd.f32 v25, v0  }
0x14a: {  	v36 =	vld.idx.msk [tilespmem:v16+s2+$0x0], $0xffff;
	v14 =	vsel vm0, $0x0, v14  }
0x14b: {  	v5 =	vadd.f32 v14, v5;
	v0 =	vadd.f32 v26, v0  }
0x14c: {  	v14 =	vld.idx.msk [tilespmem:v17+s2+$0x0], $0xffff;
	v13 =	vsel vm1, $0x0, v13  }
0x14d: {  	v5 =	vadd.f32 v13, v5;
	v0 =	vadd.f32 v28, v0  }
0x14e: {  	v13 =	vsel vm3, $0x0, v15;
	v15 =	vld.idx.msk [tilespmem:v18+s2+$0x0], $0xffff  }
0x14f: {  	v5 =	vadd.f32 v13, v5;
	v0 =	vadd.f32 v36, v0  }
0x150: {  	s20 =	simm.s32 $0x0;
	v13 =	vsel vm4, $0x0, v19;
	v19 =	vld.idx.msk [tilespmem:v21+s2+$0x0], $0xffff  }
0x151: {  	s21 =	simm.s32 $0x1;
	v5 =	vadd.f32 v13, v5;
	v13 =	vor.u32 s20, v1;
	v0 =	vadd.f32 v14, v0  }
0x152: {  	v29 =	vld.idx.msk [tilespmem:v22+s2+$0x0], $0xffff;
	v30 =	vadd.s32 s21, v1;
	v20 =	vsel vm5, $0x0, v20  }
0x153: {  	s23 =	simm.s32 $0x2;
	v5 =	vadd.f32 v20, v5;
	v0 =	vadd.f32 v15, v0  }
0x154: {  	v31 =	vadd.s32 s23, v1;
	v20 =	vsel vm6, $0x0, v25;
	v25 =	vld.idx.msk [tilespmem:v23+s2+$0x0], $0xffff  }
0x155: {  	s24 =	simm.s32 $0x3;
	v5 =	vadd.f32 v20, v5;
	v0 =	vadd.f32 v19, v0  }
0x156: {  	v20 =	vsel vm7, $0x0, v26;
	v13 =	vld.idx.msk [tilespmem:v13+s2+$0x0], $0xffff;
	v26 =	vadd.s32 s24, v1  }
0x157: {  	s25 =	simm.s32 $0x4;
	v5 =	vadd.f32 v20, v5;
	v20 =	vld.idx.msk [tilespmem:v30+s2+$0x0], $0xffff;
	v0 =	vadd.f32 v29, v0  }
0x158: {  	v35 =	vsel vm8, $0x0, v28;
	v42 =	vadd.s32 s25, v1  }
0x159: {  	s28 =	simm.s32 $0x5;
	v43 =	vld.idx.msk [tilespmem:v31+s2+$0x0], $0xffff;
	v5 =	vadd.f32 v35, v5;
	v0 =	vadd.f32 v25, v0  }
0x15a: {  	v44 =	vadd.s32 s28, v1;
	v36 =	vsel vm9, $0x0, v36  }
0x15b: {  	s0 =	simm.s32 $0x6;
	v5 =	vadd.f32 v36, v5;
	v26 =	vld.idx.msk [tilespmem:v26+s2+$0x0], $0xffff;
	(xrf2) =	vadd.scan.msk.f32 $0xffff, v0  }
0x15c: {  	v45 =	vadd.s32 s0, v1;
	v14 =	vsel vm10, $0x0, v14;
	v20 =	vadd.f32 v20, v13  }
0x15d: {  	s10 =	simm.s32 $0x7;
	v27 =	vlaneseq.u32;
	v5 =	vadd.f32 v14, v5;
	v14 =	vld.idx.msk [tilespmem:v42+s2+$0x0], $0xffff  }
0x15e: {  	v46 =	vadd.s32 s10, v1;
	v15 =	vsel vm11, $0x0, v15;
	v35 =	vadd.f32 v43, v20  }
0x15f: {  	s30 =	simm.s32 $0x8;
	vm12 =	veq.s32 v27, $0x0;
	v5 =	vadd.f32 v15, v5;
	v15 =	vld.idx.msk [tilespmem:v44+s2+$0x0], $0xffff  }
0x160: {  	s26 =	simm.s32 $0xA;
	s31 =	simm.s32 $0x9;
	v48 =	vadd.s32 s30, v1;
	v19 =	vsel vm13, $0x0, v19;
	v26 =	vadd.f32 v26, v35  }
0x161: {  	v47 =	vadd.s32 s26, v1;
	v50 =	vadd.s32 s31, v1;
	v5 =	vadd.f32 v19, v5;
	v19 =	vld.idx.msk [tilespmem:v45+s2+$0x0], $0xffff  }
0x162: {  	s22 =	simm.s32 $0xF;
	v37 =	vsel vm15, $0x0, v29;
	v14 =	vadd.f32 v14, v26;
	v25 =	vsel vm12, $0x0, v25  }
0x163: {  	s1 =	simm.s32 $0xE;
	v52 =	vadd.s32 s22, v1;
	v51 =	vld.idx.msk [tilespmem:v46+s2+$0x0], $0xffff;
	v5 =	vadd.f32 v37, v5  }
0x164: {  	s3 =	simm.s32 $0xD;
	v53 =	vadd.s32 s1, v1;
	v15 =	vadd.f32 v15, v14  }
0x165: {  	s29 =	simm.s32 $0xB;
	v54 =	vadd.s32 s3, v1;
	v40 =	vld.idx.msk [tilespmem:v48+s2+$0x0], $0xffff;
	v5 =	vadd.f32 v25, v5;
	v25, _, _ =	vpop (xrf2)  }
0x166: {  	s4 =	simm.s32 $0xC;
	v39 =	vld.idx.msk [tilespmem:v47+s2+$0x0], $0xffff;
	v49 =	vadd.s32 s29, v1;
	v19 =	vadd.f32 v19, v15;
	v43 =	vsub.f32 v25, v0  }
0x167: {  	v55 =	vadd.s32 s20, v24;
	v41 =	vld.idx.msk [tilespmem:v50+s2+$0x0], $0xffff;
	v25 =	vadd.s32 s4, v1  }
0x168: {  	v38 =	vld.idx.msk [tilespmem:v52+s2+$0x0], $0xffff;
	v37 =	vadd.f32 v51, v19;
	v56 =	vadd.f32 v43, v5;
	v5 =	vadd.s32 s21, v24  }
0x169: {  	v57 =	vadd.s32 s23, v24;
	v42 =	vld.idx.msk [tilespmem:v53+s2+$0x0], $0xffff  }
0x16a: {  	v58 =	vadd.s32 s24, v24;
	v44 =	vld.idx.msk [tilespmem:v54+s2+$0x0], $0xffff;
	v40 =	vadd.f32 v40, v37;
	v13 =	vadd.f32 v13, v56  }
0x16b: {  	v60 =	vadd.s32 s28, v24;
	v59 =	vadd.s32 s25, v24;
	v0 =	vld.idx.msk [tilespmem:v49+s2+$0x0], $0xffff;
	v20 =	vadd.f32 v20, v56  }
0x16c: {  	v61 =	vadd.f32 v41, v40;
	v25 =	vld.idx.msk [tilespmem:v25+s2+$0x0], $0xffff;
	[tilespmem:v55+s16+$0x0] =	vst.idx.msk $0xffff, v13;
	v13 =	vadd.f32 v35, v56  }
0x16d: {  	[tilespmem:v5+s16+$0x0] =	vst.idx.msk $0xffff, v20;
	v5 =	vadd.f32 v26, v56;
	v20 =	vadd.s32 s0, v24  }
0x16e: {  	v26 =	vadd.f32 v39, v61;
	[tilespmem:v57+s16+$0x0] =	vst.idx.msk $0xffff, v13;
	v13 =	vadd.f32 v14, v56;
	v14 =	vadd.s32 s10, v24  }
0x16f: {  	[tilespmem:v58+s16+$0x0] =	vst.idx.msk $0xffff, v5;
	v5 =	vadd.f32 v15, v56;
	v15 =	vadd.s32 s30, v24  }
0x170: {  	v19 =	vadd.f32 v19, v56;
	v0 =	vadd.f32 v0, v26;
	[tilespmem:v59+s16+$0x0] =	vst.idx.msk $0xffff, v13;
	v13 =	vadd.s32 s31, v24  }
0x171: {  	v37 =	vadd.f32 v37, v56;
	[tilespmem:v60+s16+$0x0] =	vst.idx.msk $0xffff, v5;
	v5 =	vadd.s32 s26, v24  }
0x172: {  	v25 =	vadd.f32 v25, v0;
	[tilespmem:v20+s16+$0x0] =	vst.idx.msk $0xffff, v19;
	v19 =	vadd.f32 v40, v56;
	v20 =	vadd.s32 s29, v24  }
0x173: {  	v62 =	vadd.f32 v61, v56;
	[tilespmem:v14+s16+$0x0] =	vst.idx.msk $0xffff, v37;
	v14 =	vadd.s32 s4, v24  }
0x174: {  	v26 =	vadd.f32 v26, v56;
	[tilespmem:v15+s16+$0x0] =	vst.idx.msk $0xffff, v19;
	v15 =	vadd.s32 s3, v24;
	v19 =	vadd.f32 v44, v25  }
0x175: {  	v63 =	vadd.s32 s1, v24;
	v0 =	vadd.f32 v0, v56;
	[tilespmem:v13+s16+$0x0] =	vst.idx.msk $0xffff, v62  }
0x176: {  	v13 =	vadd.f32 v25, v56;
	[tilespmem:v5+s16+$0x0] =	vst.idx.msk $0xffff, v26;
	v5 =	vadd.f32 v42, v19  }
0x177: {  	s30 =	simm.s32 $0x10;
	v19 =	vadd.f32 v19, v56;
	[tilespmem:v20+s16+$0x0] =	vst.idx.msk $0xffff, v0;
	v0 =	vadd.s32 s22, v24  }
0x178: {  	s31 =	simm.s32 $0x11;
	[tilespmem:v14+s16+$0x0] =	vst.idx.msk $0xffff, v13;
	v14 =	vadd.f32 v38, v5;
	v20 =	vadd.f32 v5, v56;
	v5 =	vor.u32 s30, v1  }
0x179: {  	vm14 =	vmmov vm10;
	v39 =	vadd.s32 s30, v24;
	s22 =	simm.s32 $0x12;
	v13 =	vadd.s32 s31, v1;
	[tilespmem:v15+s16+$0x0] =	vst.idx.msk $0xffff, v19  }
0x17a: {  	s20 =	simm.s32 $0x1F;
	s21 =	simm.s32 $0x2F;
	v38 =	vadd.s32 s31, v24;
	[tilespmem:v63+s16+$0x0] =	vst.idx.msk $0xffff, v20;
	v37 =	vadd.f32 v14, v56;
	v14 =	vadd.s32 s22, v1  }
.LBB2_4:
0x17b: {  	p1 =	sne.s32 s21, $0x7EF  }
0x17c: {  	s26 =	sadd.s32 $0xFFFFFFF4, s20;
	[tilespmem:v0+s16+$0x0] =	vst.idx.msk $0xffff, v37;
	s23 =	smov.u32 s21;
	s21 =	sadd.s32 $0x10, s21  }
0x17d: {  	v0 =	vld.idx.msk [tilespmem:v5+s2+$0x0], $0xffff;
	v5 =	vadd.s32 s26, v1  }
0x17e: {  	s29 =	sadd.s32 $0xFFFFFFF5, s20;
	v13 =	vld.idx.msk [tilespmem:v13+s2+$0x0], $0xffff  }
0x17f: {  	v15 =	vadd.s32 s29, v1  }
0x180: {  	s30 =	sadd.s32 $0xFFFFFFF6, s20;
	v14 =	vld.idx.msk [tilespmem:v14+s2+$0x0], $0xffff  }
0x181: {  	v19 =	vadd.s32 s30, v1  }
0x182: {  	s31 =	sadd.s32 $0xFFFFFFF7, s20;
	v5 =	vld.idx.msk [tilespmem:v5+s2+$0x0], $0xffff  }
0x183: {  	v20 =	vadd.s32 s31, v1;
	v25 =	vadd.f32 v0, v37  }
0x184: {  	s0 =	sadd.s32 $0xFFFFFFF8, s20;
	v0 =	vadd.f32 v13, v0;
	v15 =	vld.idx.msk [tilespmem:v15+s2+$0x0], $0xffff  }
0x185: {  	s25 =	sadd.s32 $0xFFFFFFFB, s20;
	v13 =	vadd.s32 s0, v1  }
0x186: {  	s1 =	sadd.s32 $0xFFFFFFF9, s20;
	v26 =	vadd.s32 s25, v1;
	v14 =	vadd.f32 v14, v0;
	v0 =	vadd.f32 v0, v37;
	v19 =	vld.idx.msk [tilespmem:v19+s2+$0x0], $0xffff  }
0x187: {  	s28 =	sadd.s32 $0xFFFFFFFC, s20;
	v35 =	vadd.s32 s1, v1  }
0x188: {  	s3 =	sadd.s32 $0xFFFFFFFA, s20;
	v36 =	vadd.s32 s28, v1;
	v5 =	vadd.f32 v5, v14;
	v20 =	vld.idx.msk [tilespmem:v20+s2+$0x0], $0xffff  }
0x189: {  	v40 =	vadd.s32 s3, v1  }
0x18a: {  	s24 =	sadd.s32 $0xFFFFFFFF, s20;
	v41 =	vadd.s32 s20, v1;
	v15 =	vadd.f32 v15, v5;
	v13 =	vld.idx.msk [tilespmem:v13+s2+$0x0], $0xffff  }
0x18b: {  	s10 =	sadd.s32 $0xFFFFFFFE, s20;
	v42 =	vadd.s32 s24, v1;
	v26 =	vld.idx.msk [tilespmem:v26+s2+$0x0], $0xffff  }
0x18c: {  	s4 =	sadd.s32 $0xFFFFFFFD, s20;
	v44 =	vadd.s32 s10, v1;
	v19 =	vadd.f32 v19, v15;
	v35 =	vld.idx.msk [tilespmem:v35+s2+$0x0], $0xffff  }
0x18d: {  	v45 =	vadd.s32 s4, v1;
	v36 =	vld.idx.msk [tilespmem:v36+s2+$0x0], $0xffff  }
0x18e: {  	v20 =	vadd.f32 v20, v19;
	v40 =	vld.idx.msk [tilespmem:v40+s2+$0x0], $0xffff  }
0x18f: {  	v41 =	vld.idx.msk [tilespmem:v41+s2+$0x0], $0xffff  }
0x190: {  	v46 =	vadd.s32 s22, v24;
	v13 =	vadd.f32 v13, v20;
	v20 =	vadd.f32 v20, v37;
	v42 =	vld.idx.msk [tilespmem:v42+s2+$0x0], $0xffff  }
0x191: {  	v47 =	vadd.s32 s26, v24;
	v44 =	vld.idx.msk [tilespmem:v44+s2+$0x0], $0xffff  }
0x192: {  	v48 =	vadd.s32 s29, v24;
	v35 =	vadd.f32 v35, v13;
	v13 =	vadd.f32 v13, v37;
	v45 =	vld.idx.msk [tilespmem:v45+s2+$0x0], $0xffff  }
0x193: {  	v14 =	vadd.f32 v14, v37;
	[tilespmem:v39+s16+$0x0] =	vst.idx.msk $0xffff, v25;
	v25 =	vadd.s32 s30, v24  }
0x194: {  	v39 =	vadd.f32 v40, v35;
	[tilespmem:v38+s16+$0x0] =	vst.idx.msk $0xffff, v0;
	v0 =	vadd.f32 v5, v37;
	v5 =	vadd.s32 s31, v24  }
0x195: {  	[tilespmem:v46+s16+$0x0] =	vst.idx.msk $0xffff, v14;
	v14 =	vadd.f32 v15, v37;
	v15 =	vadd.s32 s0, v24  }
0x196: {  	v26 =	vadd.f32 v26, v39;
	[tilespmem:v47+s16+$0x0] =	vst.idx.msk $0xffff, v0;
	v0 =	vadd.f32 v19, v37;
	v19 =	vadd.s32 s1, v24  }
0x197: {  	[tilespmem:v48+s16+$0x0] =	vst.idx.msk $0xffff, v14;
	v14 =	vadd.s32 s3, v24  }
0x198: {  	v36 =	vadd.f32 v36, v26;
	[tilespmem:v25+s16+$0x0] =	vst.idx.msk $0xffff, v0;
	v0 =	vadd.s32 s25, v24;
	v25 =	vadd.f32 v26, v37  }
0x199: {  	v26 =	vadd.s32 s28, v24;
	[tilespmem:v5+s16+$0x0] =	vst.idx.msk $0xffff, v20;
	v5 =	vadd.f32 v35, v37;
	v20 =	vadd.f32 v39, v37  }
0x19a: {  	v35 =	vadd.f32 v45, v36;
	[tilespmem:v15+s16+$0x0] =	vst.idx.msk $0xffff, v13;
	v13 =	vadd.f32 v36, v37;
	v15 =	vadd.s32 s4, v24  }
0x19b: {  	[tilespmem:v19+s16+$0x0] =	vst.idx.msk $0xffff, v5;
	v19 =	vadd.s32 s10, v24  }
0x19c: {  	v5 =	vadd.f32 v44, v35;
	[tilespmem:v14+s16+$0x0] =	vst.idx.msk $0xffff, v20;
	v14 =	vadd.f32 v35, v37  }
0x19d: {  	v20 =	vadd.s32 s24, v24;
	[tilespmem:v0+s16+$0x0] =	vst.idx.msk $0xffff, v25  }
0x19e: {  	v25 =	vadd.f32 v42, v5;
	[tilespmem:v26+s16+$0x0] =	vst.idx.msk $0xffff, v13;
	v13 =	vadd.f32 v5, v37  }
.Ltmp3:
0x19f: {  	s0 =	sadd.s32 $0xFFFFFFF1, s23;
	v0 =	vadd.s32 s20, v24;
	s20 =	smov.u32 s23;
	[tilespmem:v15+s16+$0x0] =	vst.idx.msk $0xffff, v14;
	(pc) =	sbr.rel @p1 .LBB2_4-.Ltmp3, $4  }
0x1a0: {  	v5 =	vor.u32 s0, v1;
	s1 =	sadd.s32 $0xFFFFFFF2, s20;
	v14 =	vadd.f32 v41, v25;
	v15 =	vadd.f32 v25, v37;
	[tilespmem:v19+s16+$0x0] =	vst.idx.msk $0xffff, v13  }
0x1a1: {  	v39 =	vadd.s32 s0, v24;
	v38 =	vadd.s32 s1, v24;
	v13 =	vadd.s32 s1, v1  }
0x1a2: {  	s22 =	sadd.s32 $0xFFFFFFF3, s20;
	v37 =	vadd.f32 v14, v37;
	[tilespmem:v20+s16+$0x0] =	vst.idx.msk $0xffff, v15  }
0x1a3: {  	v14 =	vadd.s32 s22, v1  }
0x1a4: {  	_ =	sdelay $0x3  }
0x1a5: {  	s0 =	sadd.s32 $0xFFFFFFF4, s20;
	[tilespmem:v0+s16+$0x0] =	vst.idx.msk $0xffff, v37  }
0x1a6: {  	v0 =	vld.idx.msk [tilespmem:v5+s2+$0x0], $0xffff;
	v5 =	vadd.s32 s0, v1  }
0x1a7: {  	s1 =	sadd.s32 $0xFFFFFFF5, s20;
	v13 =	vld.idx.msk [tilespmem:v13+s2+$0x0], $0xffff  }
0x1a8: {  	v15 =	vadd.s32 s1, v1  }
0x1a9: {  	s3 =	sadd.s32 $0xFFFFFFF6, s20;
	v14 =	vld.idx.msk [tilespmem:v14+s2+$0x0], $0xffff  }
0x1aa: {  	v19 =	vadd.s32 s3, v1  }
0x1ab: {  	s4 =	sadd.s32 $0xFFFFFFF7, s20;
	v5 =	vld.idx.msk [tilespmem:v5+s2+$0x0], $0xffff  }
0x1ac: {  	v20 =	vadd.s32 s4, v1;
	v13 =	vadd.f32 v13, v0  }
0x1ad: {  	s10 =	sadd.s32 $0xFFFFFFF8, s20;
	v15 =	vld.idx.msk [tilespmem:v15+s2+$0x0], $0xffff  }
0x1ae: {  	v25 =	vadd.s32 s10, v1;
	v14 =	vadd.f32 v14, v13  }
0x1af: {  	s21 =	sadd.s32 $0xFFFFFFF9, s20;
	v19 =	vld.idx.msk [tilespmem:v19+s2+$0x0], $0xffff  }
0x1b0: {  	v26 =	vadd.s32 s21, v1;
	v5 =	vadd.f32 v5, v14  }
0x1b1: {  	s24 =	sadd.s32 $0xFFFFFFFA, s20;
	v20 =	vld.idx.msk [tilespmem:v20+s2+$0x0], $0xffff  }
0x1b2: {  	v36 =	vadd.s32 s24, v1;
	v15 =	vadd.f32 v15, v5  }
0x1b3: {  	s23 =	sadd.s32 $0xFFFFFFFB, s20;
	v41 =	vadd.s32 s20, v1;
	v25 =	vld.idx.msk [tilespmem:v25+s2+$0x0], $0xffff  }
0x1b4: {  	s25 =	sadd.s32 $0xFFFFFFFC, s20;
	v35 =	vadd.s32 s23, v1;
	v19 =	vadd.f32 v19, v15  }
0x1b5: {  	s26 =	sadd.s32 $0xFFFFFFFF, s20;
	v40 =	vadd.s32 s25, v1;
	v26 =	vld.idx.msk [tilespmem:v26+s2+$0x0], $0xffff  }
0x1b6: {  	s28 =	sadd.s32 $0xFFFFFFFE, s20;
	v42 =	vadd.s32 s26, v1;
	v20 =	vadd.f32 v20, v19  }
0x1b7: {  	s29 =	sadd.s32 $0xFFFFFFFD, s20;
	v44 =	vadd.s32 s28, v1;
	v36 =	vld.idx.msk [tilespmem:v36+s2+$0x0], $0xffff  }
0x1b8: {  	v45 =	vadd.s32 s29, v1;
	v41 =	vld.idx.msk [tilespmem:v41+s2+$0x0], $0xffff;
	v25 =	vadd.f32 v25, v20  }
0x1b9: {  	v35 =	vld.idx.msk [tilespmem:v35+s2+$0x0], $0xffff  }
0x1ba: {  	v46 =	vadd.s32 s22, v24;
	v40 =	vld.idx.msk [tilespmem:v40+s2+$0x0], $0xffff;
	v26 =	vadd.f32 v26, v25  }
0x1bb: {  	v47 =	vadd.s32 s0, v24;
	v42 =	vld.idx.msk [tilespmem:v42+s2+$0x0], $0xffff;
	v0 =	vadd.f32 v0, v37  }
0x1bc: {  	v48 =	vadd.s32 s1, v24;
	v44 =	vld.idx.msk [tilespmem:v44+s2+$0x0], $0xffff;
	v13 =	vadd.f32 v13, v37;
	v36 =	vadd.f32 v36, v26  }
0x1bd: {  	v45 =	vld.idx.msk [tilespmem:v45+s2+$0x0], $0xffff;
	[tilespmem:v39+s16+$0x0] =	vst.idx.msk $0xffff, v0;
	v0 =	vadd.f32 v14, v37;
	v14 =	vadd.s32 s3, v24  }
0x1be: {  	[tilespmem:v38+s16+$0x0] =	vst.idx.msk $0xffff, v13;
	v13 =	vadd.s32 s4, v24;
	v5 =	vadd.f32 v5, v37;
	v35 =	vadd.f32 v35, v36  }
0x1bf: {  	[tilespmem:v46+s16+$0x0] =	vst.idx.msk $0xffff, v0;
	v0 =	vadd.f32 v15, v37;
	v15 =	vadd.s32 s10, v24  }
0x1c0: {  	[tilespmem:v47+s16+$0x0] =	vst.idx.msk $0xffff, v5;
	v5 =	vadd.f32 v19, v37;
	v19 =	vadd.s32 s21, v24;
	v30 =	vadd.f32 v40, v35  }
0x1c1: {  	[tilespmem:v48+s16+$0x0] =	vst.idx.msk $0xffff, v0;
	v0 =	vadd.s32 s24, v24;
	v20 =	vadd.f32 v20, v37  }
0x1c2: {  	[tilespmem:v14+s16+$0x0] =	vst.idx.msk $0xffff, v5;
	v5 =	vadd.s32 s23, v24;
	v25 =	vadd.f32 v25, v37;
	v14 =	vadd.f32 v45, v30  }
0x1c3: {  	[tilespmem:v13+s16+$0x0] =	vst.idx.msk $0xffff, v20;
	v20 =	vadd.s32 s25, v24;
	v13 =	vadd.f32 v26, v37  }
0x1c4: {  	[tilespmem:v15+s16+$0x0] =	vst.idx.msk $0xffff, v25;
	v15 =	vadd.s32 s29, v24;
	v26 =	vadd.f32 v36, v37;
	v25 =	vadd.f32 v44, v14  }
0x1c5: {  	[tilespmem:v19+s16+$0x0] =	vst.idx.msk $0xffff, v13;
	v13 =	vadd.s32 s28, v24;
	v35 =	vadd.f32 v35, v37  }
0x1c6: {  	[tilespmem:v0+s16+$0x0] =	vst.idx.msk $0xffff, v26;
	v0 =	vadd.s32 s26, v24;
	v19 =	vadd.f32 v30, v37;
	v26 =	vadd.f32 v42, v25  }
0x1c7: {  	[tilespmem:v5+s16+$0x0] =	vst.idx.msk $0xffff, v35;
	v5 =	vadd.s32 s20, v24;
	v14 =	vadd.f32 v14, v37  }
0x1c8: {  	[tilespmem:v20+s16+$0x0] =	vst.idx.msk $0xffff, v19;
	v19 =	vadd.f32 v25, v37;
	v20 =	vadd.f32 v41, v26  }
0x1c9: {  	[tilespmem:v15+s16+$0x0] =	vst.idx.msk $0xffff, v14;
	v14 =	vadd.f32 v26, v37  }
0x1ca: {  	[tilespmem:v13+s16+$0x0] =	vst.idx.msk $0xffff, v19;
	v13 =	vadd.f32 v20, v37  }
0x1cb: {  	[tilespmem:v0+s16+$0x0] =	vst.idx.msk $0xffff, v14  }
0x1cc: {  	[tilespmem:v5+s16+$0x0] =	vst.idx.msk $0xffff, v13;
	v5 =	vld [tilespmem:$0x1FEC0]  }
0x1cd: {  	v0 =	vld.idx.msk [tilespmem:v2+s2+$0x0], $0xffff;
	_ =	sdelay $0x4  }
0x1ce: {  	v0 =	vadd.f32 v0, v13;
	_ =	sdelay $0x1  }
0x1cf: {  	[tilespmem:v5+s16+$0x0] =	vst.idx.msk $0xffff, v0  }
0x1d0: {  	v5 =	vld.idx.msk [tilespmem:v3+s2+$0x0], $0xffff;
	_ =	sdelay $0x3  }
0x1d1: {  	v0 =	vsel vm2, v0, v43  }
0x1d2: {  	v0 =	vadd.f32 v5, v0;
	v5 =	vld [tilespmem:$0x1FED0];
	_ =	sdelay $0x7  }
0x1d3: {  	[tilespmem:v5+s16+$0x0] =	vst.idx.msk $0xffff, v0  }
0x1d4: {  	v5 =	vld.idx.msk [tilespmem:v4+s2+$0x0], $0xffff;
	_ =	sdelay $0x2  }
0x1d5: {  	vm0 =	vcmask $0x373C  }
0x1d6: {  	v0 =	vsel vm0, v0, v43  }
0x1d7: {  	v0 =	vadd.f32 v5, v0;
	v5 =	vld [tilespmem:$0x1FEE0];
	_ =	sdelay $0x7  }
0x1d8: {  	[tilespmem:v5+s16+$0x0] =	vst.idx.msk $0xffff, v0  }
0x1d9: {  	v5 =	vld.idx.msk [tilespmem:v6+s2+$0x0], $0xffff;
	_ =	sdelay $0x2  }
0x1da: {  	vm4 =	vcmask $0x3338  }
0x1db: {  	v0 =	vsel vm4, v0, v43  }
0x1dc: {  	v0 =	vadd.f32 v5, v0;
	v5 =	vld [tilespmem:$0x1FEF0];
	_ =	sdelay $0x7  }
0x1dd: {  	[tilespmem:v5+s16+$0x0] =	vst.idx.msk $0xffff, v0  }
0x1de: {  	v5 =	vld.idx.msk [tilespmem:v7+s2+$0x0], $0xffff;
	_ =	sdelay $0x2  }
0x1df: {  	vm5 =	vcmask $0x2F34  }
0x1e0: {  	v0 =	vsel vm5, v0, v43  }
0x1e1: {  	v0 =	vadd.f32 v5, v0;
	v5 =	vld [tilespmem:$0x1FF00];
	_ =	sdelay $0x7  }
0x1e2: {  	[tilespmem:v5+s16+$0x0] =	vst.idx.msk $0xffff, v0  }
0x1e3: {  	v5 =	vld.idx.msk [tilespmem:v8+s2+$0x0], $0xffff;
	_ =	sdelay $0x2  }
0x1e4: {  	vm6 =	vcmask $0x2B30  }
0x1e5: {  	v0 =	vsel vm6, v0, v43  }
0x1e6: {  	v0 =	vadd.f32 v5, v0;
	v5 =	vld [tilespmem:$0x1FF10];
	_ =	sdelay $0x7  }
0x1e7: {  	[tilespmem:v5+s16+$0x0] =	vst.idx.msk $0xffff, v0  }
0x1e8: {  	v5 =	vld.idx.msk [tilespmem:v9+s2+$0x0], $0xffff;
	_ =	sdelay $0x2  }
0x1e9: {  	vm7 =	vcmask $0x272C  }
0x1ea: {  	v0 =	vsel vm7, v0, v43  }
0x1eb: {  	v0 =	vadd.f32 v5, v0;
	v5 =	vld [tilespmem:$0x1FF20];
	_ =	sdelay $0x7  }
0x1ec: {  	[tilespmem:v5+s16+$0x0] =	vst.idx.msk $0xffff, v0  }
0x1ed: {  	v5 =	vld.idx.msk [tilespmem:v10+s2+$0x0], $0xffff;
	_ =	sdelay $0x2  }
0x1ee: {  	vm4 =	vcmask $0x2328  }
0x1ef: {  	v0 =	vsel vm4, v0, v43  }
0x1f0: {  	v0 =	vadd.f32 v5, v0;
	v5 =	vld [tilespmem:$0x1FF30];
	_ =	sdelay $0x5  }
0x1f1: {  	v13 =	vld [tilespmem:$0x1FE80];
	_ =	sdelay $0x1  }
0x1f2: {  	[tilespmem:v5+s16+$0x0] =	vst.idx.msk $0xffff, v0  }
0x1f3: {  	v5 =	vld.idx.msk [tilespmem:v11+s2+$0x0], $0xffff  }
0x1f4: {  	vm11 =	vmmov vm2;
	vm2 =	vcmask $0x1B18  }
0x1f5: {  	vm3 =	vcmask $0x1F1C;
	v13 =	vsel vm2, $0x3800, v13  }
0x1f6: {  	v13 =	vsel vm3, $0x3801, v13;
	vm5 =	vcmask $0x1F24;
	vm4 =	vcmask $0x2320  }
0x1f7: {  	v13 =	vsel vm4, $0x4002, v13;
	v0 =	vsel vm5, v0, v43;
	vm5 =	vcmask $0x2724  }
0x1f8: {  	vm6 =	vcmask $0x2B28;
	v0 =	vadd.f32 v5, v0;
	v5 =	vsel vm5, $0x4803, v13  }
0x1f9: {  	vm7 =	vcmask $0x2F2C;
	v5 =	vsel vm6, $0x5004, v5  }
0x1fa: {  	vm8 =	vcmask $0x3330;
	v14 =	vld [tilespmem:$0x1FE60];
	[tilespmem:v33+s16+$0x0] =	vst.idx.msk $0xffff, v0;
	v5 =	vsel vm7, $0x5805, v5  }
0x1fb: {  	vm9 =	vcmask $0x3734;
	v13 =	vld.idx.msk [tilespmem:v12+s2+$0x0], $0xffff;
	v5 =	vsel vm8, $0x6006, v5  }
0x1fc: {  	vm10 =	vcmask $0x3B38;
	v5 =	vsel vm9, $0x6807, v5  }
0x1fd: {  	v37 =	vsel vm10, $0x7008, v5  }
0x1fe: {  	vm1 =	vcmask $0x1714;
	vm0 =	vcmask $0x1B20  }
0x1ff: {  	v14 =	vsel vm1, $0x3000, v14;
	v0 =	vsel vm0, v0, v43  }
0x200: {  	v5 =	vsel vm2, $0x3001, v14;
	v0 =	vadd.f32 v13, v0  }
0x201: {  	v14 =	vld [tilespmem:$0x1FE70];
	v5 =	vsel vm3, $0x3802, v5  }
0x202: {  	v5 =	vsel vm4, $0x4003, v5;
	[tilespmem:v37+s16+$0x0] =	vst.idx.msk $0xffff, v0  }
0x203: {  	v5 =	vsel vm5, $0x4804, v5;
	v13 =	vld.idx.msk [tilespmem:v16+s2+$0x0], $0xffff  }
0x204: {  	v5 =	vsel vm6, $0x5005, v5  }
0x205: {  	vm0 =	vcmask $0x1310;
	v5 =	vsel vm7, $0x5806, v5  }
0x206: {  	vm12 =	vcmask $0x171C;
	v14 =	vsel vm0, $0x2800, v14;
	v5 =	vsel vm8, $0x6007, v5  }
0x207: {  	v0 =	vsel vm12, v0, v43;
	v14 =	vsel vm1, $0x2801, v14;
	v5 =	vsel vm9, $0x6808, v5  }
0x208: {  	v38 =	vsel vm10, $0x7009, v5;
	v5 =	vsel vm2, $0x3002, v14;
	v0 =	vadd.f32 v13, v0;
	v13 =	vld [tilespmem:$0x1FEB0]  }
0x209: {  	v5 =	vsel vm3, $0x3803, v5  }
0x20a: {  	v5 =	vsel vm4, $0x4004, v5  }
0x20b: {  	v5 =	vsel vm5, $0x4805, v5  }
0x20c: {  	vm15 =	vcmask $0xF0C;
	v5 =	vsel vm6, $0x5006, v5  }
0x20d: {  	v5 =	vsel vm7, $0x5807, v5;
	v13 =	vsel vm15, $0x2000, v13  }
0x20e: {  	[tilespmem:v38+s16+$0x0] =	vst.idx.msk $0xffff, v0;
	v5 =	vsel vm8, $0x6008, v5;
	v13 =	vsel vm0, $0x2001, v13  }
0x20f: {  	v14 =	vld.idx.msk [tilespmem:v17+s2+$0x0], $0xffff;
	v5 =	vsel vm9, $0x6809, v5;
	v13 =	vsel vm1, $0x2802, v13  }
0x210: {  	v39 =	vsel vm10, $0x700A, v5;
	v5 =	vsel vm2, $0x3003, v13;
	v13 =	vld [tilespmem:$0x1FE90];
	_ =	sdelay $0x1  }
0x211: {  	v5 =	vsel vm3, $0x3804, v5  }
0x212: {  	vm12 =	vcmask $0x1318;
	v5 =	vsel vm4, $0x4005, v5  }
0x213: {  	vm13 =	vcmask $0xB08;
	v0 =	vsel vm12, v0, v43;
	v5 =	vsel vm5, $0x4806, v5  }
0x214: {  	v0 =	vadd.f32 v14, v0;
	v5 =	vsel vm6, $0x5007, v5;
	v13 =	vsel vm13, $0x1800, v13  }
0x215: {  	v5 =	vsel vm7, $0x5808, v5;
	v13 =	vsel vm15, $0x1801, v13  }
0x216: {  	[tilespmem:v39+s16+$0x0] =	vst.idx.msk $0xffff, v0;
	v5 =	vsel vm8, $0x6009, v5;
	v13 =	vsel vm0, $0x2002, v13  }
0x217: {  	v14 =	vld.idx.msk [tilespmem:v18+s2+$0x0], $0xffff;
	v5 =	vsel vm9, $0x680A, v5;
	v13 =	vsel vm1, $0x2803, v13  }
0x218: {  	v40 =	vsel vm10, $0x700B, v5;
	v5 =	vsel vm2, $0x3004, v13;
	v13 =	vld [tilespmem:$0x1FEA0];
	_ =	sdelay $0x2  }
0x219: {  	vm12 =	vcmask $0xF14;
	v5 =	vsel vm3, $0x3805, v5  }
0x21a: {  	v0 =	vsel vm12, v0, v43;
	vm12 =	vcmask $0x704;
	v5 =	vsel vm4, $0x4006, v5  }
0x21b: {  	v0 =	vadd.f32 v14, v0;
	v5 =	vsel vm5, $0x4807, v5;
	v13 =	vsel vm12, $0x1000, v13  }
0x21c: {  	v5 =	vsel vm6, $0x5008, v5;
	v13 =	vsel vm13, $0x1001, v13  }
0x21d: {  	[tilespmem:v40+s16+$0x0] =	vst.idx.msk $0xffff, v0;
	v5 =	vsel vm7, $0x5809, v5;
	v13 =	vsel vm15, $0x1802, v13  }
0x21e: {  	v14 =	vld.idx.msk [tilespmem:v21+s2+$0x0], $0xffff;
	v5 =	vsel vm8, $0x600A, v5;
	v13 =	vsel vm0, $0x2003, v13  }
0x21f: {  	v5 =	vsel vm9, $0x680B, v5;
	v13 =	vsel vm1, $0x2804, v13  }
0x220: {  	v41 =	vsel vm10, $0x700C, v5;
	v5 =	vsel vm2, $0x3005, v13  }
0x221: {  	vm0 =	vcmask $0xB10;
	v5 =	vsel vm3, $0x3806, v5  }
0x222: {  	v0 =	vsel vm0, v0, v43;
	v5 =	vsel vm4, $0x4007, v5  }
0x223: {  	v0 =	vadd.f32 v14, v0;
	v5 =	vsel vm5, $0x4808, v5  }
0x224: {  	v5 =	vsel vm6, $0x5009, v5  }
0x225: {  	[tilespmem:v41+s16+$0x0] =	vst.idx.msk $0xffff, v0;
	v5 =	vsel vm7, $0x580A, v5  }
0x226: {  	v13 =	vld.idx.msk [tilespmem:v22+s2+$0x0], $0xffff;
	v5 =	vsel vm8, $0x600B, v5  }
0x227: {  	v5 =	vsel vm9, $0x680C, v5  }
0x228: {  	v42 =	vsel vm10, $0x700D, v5  }
0x229: {  	vm6 =	vcmask $0x70C  }
0x22a: {  	v0 =	vsel vm6, v0, v43  }
0x22b: {  	v0 =	vadd.f32 v13, v0;
	_ =	sdelay $0x1  }
0x22c: {  	[tilespmem:v42+s16+$0x0] =	vst.idx.msk $0xffff, v0  }
0x22d: {  	v5 =	vld.idx.msk [tilespmem:v23+s2+$0x0], $0xffff;
	_ =	sdelay $0x2  }
0x22e: {  	vm7 =	vcmask $0x308  }
0x22f: {  	v0 =	vsel vm7, v0, v43  }
0x230: {  	v0 =	vadd.f32 v5, v0;
	_ =	sdelay $0x1  }
0x231: {  	[tilespmem:v34+s16+$0x0] =	vst.idx.msk $0xffff, v0;
	v0 =	vimm.s32 $0x0;
	_ =	sdelay $0x3  }
0x232: {  	v43 =	vimm.f32 $0.0e+00  }
0x233: {  	s1 =	simm.s32 $0xF;
	s3 =	simm.s32 $0xE;
	[tilespmem:v0+s16+$0x0] =	vst.idx.msk $0x1, v43  }
0x234: {  	v0 =	vadd.s32 s1, v1;
	[hbm4b:s5+s12] =	stream.strided.scatter [tilespmem:s16], [sflag:$0x3], $0x8080, s13, s12, $0x38;
	[tilespmem:$0x18080] =	vst v63  }
0x235: {  	s4 =	simm.s32 $0xD;
	v5 =	vadd.s32 s3, v1;
	_ =	swait.ge [sflag:s17], $0x8000  }
0x236: {  	s10 =	simm.s32 $0xC;
	v13 =	vadd.s32 s4, v1;
	[sflag:s17] =	ssyncset.done $0x0  }
0x237: {  	s21 =	simm.s32 $0xA;
	s20 =	simm.s32 $0xB;
	v14 =	vadd.s32 s10, v1;
	[sflag:s17] =	ssyncadd.s32 $0xFFFF8000  }
0x238: {  	v15 =	vadd.s32 s20, v1;
	[tilespmem:s2], [sflag:$0x1] =	stream.strided.gather [hbm4b:s6+s12], $0x8000, s13, s12, $0x38;
	[tilespmem:$0x18080] =	vst v63  }
0x239: {  	s22 =	simm.s32 $0x9;
	v26 =	vadd.s32 s21, v1;
	v44 =	vld.idx.msk [tilespmem:v0+s15+$0x0], $0xffff  }
0x23a: {  	v31 =	vadd.s32 s22, v1;
	s24 =	simm.s32 $0x7;
	v45 =	vld.idx.msk [tilespmem:v5+s15+$0x0], $0xffff  }
0x23b: {  	v49 =	vimm.f32 $0.0e+00;
	v58 =	vadd.s32 s24, v1;
	s25 =	simm.s32 $0x6;
	v47 =	vld.idx.msk [tilespmem:v13+s15+$0x0], $0xffff  }
0x23c: {  	v51 =	vimm.f32 $0.0e+00;
	v50 =	vimm.f32 $0.0e+00;
	s23 =	simm.s32 $0x8;
	v62 =	vadd.s32 s25, v1;
	v52 =	vld.idx.msk [tilespmem:v14+s15+$0x0], $0xffff  }
0x23d: {  	v53 =	vimm.f32 $0.0e+00;
	v54 =	vimm.f32 $0.0e+00;
	s26 =	simm.s32 $0x5;
	v5 =	vadd.s32 s23, v1;
	v55 =	vld.idx.msk [tilespmem:v15+s15+$0x0], $0xffff  }
0x23e: {  	v57 =	vimm.f32 $0.0e+00;
	v56 =	vimm.f32 $0.0e+00;
	s28 =	simm.s32 $0x4;
	v19 =	vadd.s32 s26, v1;
	v60 =	vld.idx.msk [tilespmem:v26+s15+$0x0], $0xffff  }
0x23f: {  	v59 =	vimm.f32 $0.0e+00;
	v61 =	vimm.f32 $0.0e+00;
	s29 =	simm.s32 $0x3;
	v20 =	vadd.s32 s28, v1;
	v63 =	vld.idx.msk [tilespmem:v31+s15+$0x0], $0xffff  }
0x240: {  	s30 =	simm.s32 $0x2;
	s31 =	simm.s32 $0x1;
	v46 =	vimm.f32 $0.0e+00;
	v48 =	vimm.f32 $0.0e+00;
	v0 =	vadd.s32 s29, v1;
	v14 =	vld.idx.msk [tilespmem:v58+s15+$0x0], $0xffff  }
0x241: {  	v36 =	vimm.f32 $0.0e+00;
	v35 =	vadd.s32 s30, v1;
	v25 =	vadd.s32 s31, v1;
	v15 =	vld.idx.msk [tilespmem:v62+s15+$0x0], $0xffff  }
0x242: {  	s0 =	simm.s32 $0x0;
	s20 =	simm.s32 $0x1F;
	v58 =	vimm.f32 $0.0e+00;
	v62 =	vimm.f32 $0.0e+00;
	v13 =	vld.idx.msk [tilespmem:v5+s15+$0x0], $0xffff;
	v5 =	vimm.f32 $0.0e+00  }
.LBB2_6:
0x243: {  	p1 =	sne.s32 s20, $0x7EF;
	v26 =	vor.u32 s0, v1;
	v19 =	vld.idx.msk [tilespmem:v19+s15+$0x0], $0xffff  }
0x244: {  	s0 =	sadd.s32 $0xFFFFFFFF, s20;
	v27 =	vadd.s32 s20, v1;
	v20 =	vld.idx.msk [tilespmem:v20+s15+$0x0], $0xffff  }
0x245: {  	s1 =	sadd.s32 $0xFFFFFFFE, s20;
	v28 =	vadd.s32 s0, v1;
	v0 =	vld.idx.msk [tilespmem:v0+s15+$0x0], $0xffff  }
0x246: {  	s0 =	sadd.s32 $0xFFFFFFFD, s20;
	v29 =	vadd.s32 s1, v1;
	v35 =	vld.idx.msk [tilespmem:v35+s15+$0x0], $0xffff  }
0x247: {  	v43 =	vadd.f32 v45, v43;
	v46 =	vadd.f32 v44, v46;
	s1 =	sadd.s32 $0xFFFFFFFC, s20;
	v30 =	vadd.s32 s0, v1;
	v25 =	vld.idx.msk [tilespmem:v25+s15+$0x0], $0xffff  }
0x248: {  	v49 =	vadd.f32 v52, v49;
	v48 =	vadd.f32 v47, v48;
	s0 =	sadd.s32 $0xFFFFFFFB, s20;
	v31 =	vadd.s32 s1, v1;
	v26 =	vld.idx.msk [tilespmem:v26+s15+$0x0], $0xffff  }
0x249: {  	v51 =	vadd.f32 v60, v51;
	v50 =	vadd.f32 v55, v50;
	s1 =	sadd.s32 $0xFFFFFFFA, s20;
	v32 =	vadd.s32 s0, v1;
	v44 =	vld.idx.msk [tilespmem:v27+s15+$0x0], $0xffff  }
0x24a: {  	v54 =	vadd.f32 v63, v54;
	v53 =	vadd.f32 v13, v53;
	s0 =	sadd.s32 $0xFFFFFFF9, s20;
	v27 =	vadd.s32 s1, v1;
	v45 =	vld.idx.msk [tilespmem:v28+s15+$0x0], $0xffff  }
0x24b: {  	v56 =	vadd.f32 v14, v56;
	v13 =	vadd.s32 s0, v1;
	v57 =	vadd.f32 v15, v57;
	s1 =	sadd.s32 $0xFFFFFFF8, s20;
	v47 =	vld.idx.msk [tilespmem:v29+s15+$0x0], $0xffff  }
0x24c: {  	s0 =	sadd.s32 $0xFFFFFFF7, s20;
	v58 =	vadd.f32 v19, v58;
	v59 =	vadd.f32 v20, v59;
	v14 =	vadd.s32 s1, v1;
	v52 =	vld.idx.msk [tilespmem:v30+s15+$0x0], $0xffff  }
0x24d: {  	v15 =	vadd.s32 s0, v1;
	s1 =	sadd.s32 $0xFFFFFFF6, s20;
	v62 =	vadd.f32 v0, v62;
	v61 =	vadd.f32 v35, v61;
	v55 =	vld.idx.msk [tilespmem:v31+s15+$0x0], $0xffff  }
.Ltmp4:
0x24e: {  	s0 =	sadd.s32 $0xFFFFFFF5, s20;
	v19 =	vadd.s32 s1, v1;
	v5 =	vadd.f32 v25, v5;
	v36 =	vadd.f32 v26, v36;
	v60 =	vld.idx.msk [tilespmem:v32+s15+$0x0], $0xffff;
	(pc) =	sbr.rel @p1 .LBB2_6-.Ltmp4, $4  }
0x24f: {  	v20 =	vadd.s32 s0, v1;
	s1 =	sadd.s32 $0xFFFFFFF4, s20;
	v63 =	vld.idx.msk [tilespmem:v27+s15+$0x0], $0xffff  }
0x250: {  	s0 =	sadd.s32 $0xFFFFFFF3, s20;
	v0 =	vadd.s32 s1, v1;
	v13 =	vld.idx.msk [tilespmem:v13+s15+$0x0], $0xffff  }
0x251: {  	v35 =	vadd.s32 s0, v1;
	s1 =	sadd.s32 $0xFFFFFFF2, s20;
	v14 =	vld.idx.msk [tilespmem:v14+s15+$0x0], $0xffff  }
0x252: {  	s0 =	sadd.s32 $0xFFFFFFF1, s20;
	s20 =	sadd.s32 $0x10, s20;
	v25 =	vadd.s32 s1, v1;
	v15 =	vld.idx.msk [tilespmem:v15+s15+$0x0], $0xffff  }
0x253: {  	v26 =	vor.u32 s0, v1;
	_ =	sdelay $0x3  }
0x254: {  	v25 =	vld.idx.msk [tilespmem:v25+s15+$0x0], $0xffff  }
0x255: {  	v26 =	vld.idx.msk [tilespmem:v26+s15+$0x0], $0xffff;
	_ =	sdelay $0x1  }
0x256: {  	v27 =	vld.idx.msk [tilespmem:v35+s15+$0x0], $0xffff;
	_ =	sdelay $0x1  }
0x257: {  	v0 =	vld.idx.msk [tilespmem:v0+s15+$0x0], $0xffff  }
0x258: {  	v5 =	vadd.f32 v25, v5;
	v26 =	vadd.f32 v26, v36  }
0x259: {  	v20 =	vld.idx.msk [tilespmem:v20+s15+$0x0], $0xffff  }
0x25a: {  	v25 =	vadd.f32 v27, v61;
	v5 =	vadd.f32 v5, v26  }
0x25b: {  	v19 =	vld.idx.msk [tilespmem:v19+s15+$0x0], $0xffff  }
0x25c: {  	v0 =	vadd.f32 v0, v62;
	v5 =	vadd.f32 v25, v5;
	_ =	sdelay $0x1  }
0x25d: {  	v20 =	vadd.f32 v20, v59;
	v0 =	vadd.f32 v0, v5;
	_ =	sdelay $0x1  }
0x25e: {  	v5 =	vadd.f32 v19, v58;
	v0 =	vadd.f32 v20, v0;
	_ =	sdelay $0x1  }
0x25f: {  	v15 =	vadd.f32 v15, v57;
	v0 =	vadd.f32 v5, v0;
	_ =	sdelay $0x1  }
0x260: {  	v5 =	vadd.f32 v14, v56;
	v0 =	vadd.f32 v15, v0;
	_ =	sdelay $0x1  }
0x261: {  	v13 =	vadd.f32 v13, v53;
	v0 =	vadd.f32 v5, v0;
	_ =	sdelay $0x1  }
0x262: {  	v5 =	vadd.f32 v63, v54;
	v0 =	vadd.f32 v13, v0;
	_ =	sdelay $0x1  }
0x263: {  	v13 =	vadd.f32 v60, v51;
	v0 =	vadd.f32 v5, v0;
	_ =	sdelay $0x1  }
0x264: {  	v5 =	vadd.f32 v55, v50;
	v0 =	vadd.f32 v13, v0;
	_ =	sdelay $0x1  }
0x265: {  	v13 =	vadd.f32 v52, v49;
	v0 =	vadd.f32 v5, v0;
	_ =	sdelay $0x1  }
0x266: {  	v5 =	vadd.f32 v47, v48;
	v0 =	vadd.f32 v13, v0;
	_ =	sdelay $0x1  }
0x267: {  	v13 =	vadd.f32 v45, v43;
	v0 =	vadd.f32 v5, v0  }
0x268: {  	v5 =	vld.idx.msk [tilespmem:v2+s15+$0x0], $0xffff  }
0x269: {  	v14 =	vadd.f32 v44, v46;
	v0 =	vadd.f32 v13, v0  }
0x26a: {  	v13 =	vld.idx.msk [tilespmem:v3+s15+$0x0], $0xffff  }
0x26b: {  	v0 =	vadd.f32 v14, v0  }
0x26c: {  	v14 =	vld.idx.msk [tilespmem:v4+s15+$0x0], $0xffff  }
0x26d: {  	v0 =	vadd.f32 v5, v0  }
0x26e: {  	v5 =	vld.idx.msk [tilespmem:v6+s15+$0x0], $0xffff  }
0x26f: {  	v0 =	vadd.f32 v13, v0  }
0x270: {  	v15 =	vld.idx.msk [tilespmem:v7+s15+$0x0], $0xffff  }
0x271: {  	v0 =	vadd.f32 v14, v0  }
0x272: {  	v19 =	vld.idx.msk [tilespmem:v8+s15+$0x0], $0xffff  }
0x273: {  	v0 =	vadd.f32 v5, v0  }
0x274: {  	v20 =	vld.idx.msk [tilespmem:v9+s15+$0x0], $0xffff  }
0x275: {  	v0 =	vadd.f32 v15, v0  }
0x276: {  	v25 =	vld.idx.msk [tilespmem:v10+s15+$0x0], $0xffff  }
0x277: {  	v0 =	vadd.f32 v19, v0  }
0x278: {  	v26 =	vld.idx.msk [tilespmem:v11+s15+$0x0], $0xffff  }
0x279: {  	v0 =	vadd.f32 v20, v0  }
0x27a: {  	v27 =	vld.idx.msk [tilespmem:v12+s15+$0x0], $0xffff  }
0x27b: {  	v45 =	vld [tilespmem:$0x1FF40];
	v0 =	vadd.f32 v25, v0  }
0x27c: {  	v28 =	vld.idx.msk [tilespmem:v16+s15+$0x0], $0xffff  }
0x27d: {  	v0 =	vadd.f32 v26, v0  }
0x27e: {  	v29 =	vld.idx.msk [tilespmem:v17+s15+$0x0], $0xffff  }
0x27f: {  	v13 =	vsel vm11, $0x0, v13;
	v0 =	vadd.f32 v27, v0  }
0x280: {  	v30 =	vld.idx.msk [tilespmem:v18+s15+$0x0], $0xffff;
	vm0 =	vnez.u8 v45;
	v13 =	vadd.f32 $0.0e+00, v13  }
0x281: {  	v31 =	vld.idx.msk [tilespmem:v21+s15+$0x0], $0xffff;
	v14 =	vsel vm0, $0x0, v14;
	v0 =	vadd.f32 v28, v0  }
0x282: {  	v13 =	vadd.f32 v14, v13;
	v14 =	vld [tilespmem:$0x1FF50]  }
0x283: {  	v0 =	vadd.f32 v29, v0  }
0x284: {  	v32 =	vld.idx.msk [tilespmem:v22+s15+$0x0], $0xffff  }
0x285: {  	v0 =	vadd.f32 v30, v0  }
0x286: {  	v44 =	vld.idx.msk [tilespmem:v23+s15+$0x0], $0xffff  }
0x287: {  	vm1 =	vnez.u8 v14;
	v0 =	vadd.f32 v31, v0  }
0x288: {  	v5 =	vsel vm1, $0x0, v5  }
0x289: {  	v5 =	vadd.f32 v5, v13;
	v13 =	vld [tilespmem:$0x1FF60];
	v0 =	vadd.f32 v32, v0;
	_ =	sdelay $0x1  }
0x28a: {  	v0 =	vadd.f32 v44, v0;
	_ =	sdelay $0x1  }
0x28b: {  	(xrf2) =	vadd.scan.msk.f32 $0xffff, v0  }
0x28c: {  	vm3 =	vnez.u8 v13  }
0x28d: {  	v13 =	vsel vm3, $0x0, v15  }
0x28e: {  	v5 =	vadd.f32 v13, v5;
	v13 =	vld [tilespmem:$0x1FF70];
	_ =	sdelay $0x1  }
0x28f: {  	v14 =	vld [tilespmem:$0x1FFA0];
	_ =	sdelay $0x2  }
0x290: {  	vm4 =	vnez.u8 v13  }
0x291: {  	v13 =	vsel vm4, $0x0, v19  }
0x292: {  	vm5 =	vnez.u8 v14;
	v5 =	vadd.f32 v13, v5;
	v15, _, _ =	vpop (xrf2)  }
0x293: {  	v14 =	vsel vm5, $0x0, v20;
	_ =	swait.ge [sflag:s18], $0x8080  }
0x294: {  	v5 =	vadd.f32 v14, v5;
	v14 =	vld [tilespmem:$0x1FF80];
	_ =	sdelay $0x4  }
0x295: {  	vm6 =	vnez.u8 v14  }
0x296: {  	v14 =	vsel vm6, $0x0, v25  }
0x297: {  	v5 =	vadd.f32 v14, v5;
	v14 =	vld [tilespmem:$0x1FF90]  }
0x298: {  	s22 =	simm.s32 $0x1  }
0x299: {  	v19 =	vadd.s32 s22, v1;
	_ =	sdelay $0x2  }
0x29a: {  	[sflag:s18] =	ssyncset.done $0x0;
	vm7 =	vnez.u8 v14  }
0x29b: {  	[sflag:s18] =	ssyncadd.s32 $0xFFFF7F80;
	v14 =	vsel vm7, $0x0, v26  }
0x29c: {  	v5 =	vadd.f32 v14, v5;
	v14 =	vld.idx.msk [tilespmem:v19+s15+$0x0], $0xffff  }
0x29d: {  	v19 =	vld [tilespmem:$0x1FFB0]  }
0x29e: {  	s23 =	simm.s32 $0x2  }
0x29f: {  	v20 =	vadd.s32 s23, v1;
	_ =	sdelay $0x2  }
0x2a0: {  	vm8 =	vnez.u8 v19  }
0x2a1: {  	v19 =	vsel vm8, $0x0, v27  }
0x2a2: {  	v5 =	vadd.f32 v19, v5;
	v19 =	vld.idx.msk [tilespmem:v20+s15+$0x0], $0xffff  }
0x2a3: {  	v20 =	vld [tilespmem:$0x1FFC0]  }
0x2a4: {  	s21 =	simm.s32 $0x0  }
0x2a5: {  	s24 =	simm.s32 $0x3;
	v13 =	vor.u32 s21, v1  }
0x2a6: {  	s26 =	simm.s32 $0x4;
	v25 =	vadd.s32 s24, v1  }
0x2a7: {  	v26 =	vadd.s32 s26, v1  }
0x2a8: {  	vm9 =	vnez.u8 v20  }
0x2a9: {  	v20 =	vsel vm9, $0x0, v28  }
0x2aa: {  	v13 =	vld.idx.msk [tilespmem:v13+s15+$0x0], $0xffff;
	v5 =	vadd.f32 v20, v5  }
0x2ab: {  	v20 =	vld.idx.msk [tilespmem:v25+s15+$0x0], $0xffff;
	v25 =	vsel vm14, $0x0, v29  }
0x2ac: {  	v5 =	vadd.f32 v25, v5;
	v25 =	vld.idx.msk [tilespmem:v26+s15+$0x0], $0xffff  }
0x2ad: {  	v26 =	vld [tilespmem:$0x1FFD0]  }
0x2ae: {  	s0 =	simm.s32 $0x5  }
0x2af: {  	v27 =	vadd.s32 s0, v1  }
0x2b0: {  	s1 =	simm.s32 $0x6;
	v48 =	vld [tilespmem:$0x1FFE0]  }
0x2b1: {  	v46 =	vadd.s32 s1, v1;
	v14 =	vadd.f32 v14, v13  }
0x2b2: {  	vm2 =	vmmov vm11;
	s29 =	simm.s32 $0x7;
	v53 =	vlaneseq.u32;
	v51 =	vld [tilespmem:$0x1FFF0];
	vm11 =	vnez.u8 v26  }
0x2b3: {  	s10 =	simm.s32 $0xB;
	v47 =	vadd.s32 s29, v1;
	v19 =	vadd.f32 v19, v14;
	v26 =	vsel vm11, $0x0, v30  }
0x2b4: {  	s3 =	simm.s32 $0x8;
	vm12 =	veq.s32 v53, $0x0;
	v50 =	vadd.s32 s10, v1;
	v5 =	vadd.f32 v26, v5;
	v26 =	vld.idx.msk [tilespmem:v27+s15+$0x0], $0xffff  }
0x2b5: {  	s4 =	simm.s32 $0x9;
	s28 =	simm.s32 $0xE;
	v49 =	vadd.s32 s3, v1;
	vm13 =	vnez.u8 v48;
	v20 =	vadd.f32 v20, v19  }
0x2b6: {  	v55 =	vadd.s32 s28, v1;
	v52 =	vadd.s32 s4, v1;
	v28 =	vld.idx.msk [tilespmem:v46+s15+$0x0], $0xffff;
	v30 =	vsel vm13, $0x0, v31  }
0x2b7: {  	s31 =	simm.s32 $0xC;
	vm15 =	vnez.u8 v51;
	v25 =	vadd.f32 v25, v20;
	v5 =	vadd.f32 v30, v5  }
0x2b8: {  	s25 =	simm.s32 $0xA;
	v43 =	vsub.f32 v15, v0;
	v15 =	vadd.s32 s31, v1;
	v32 =	vsel vm15, $0x0, v32;
	v29 =	vld.idx.msk [tilespmem:v47+s15+$0x0], $0xffff  }
0x2b9: {  	s20 =	simm.s32 $0xF;
	v0 =	vld.idx.msk [tilespmem:v50+s15+$0x0], $0xffff;
	v27 =	vadd.s32 s25, v1;
	v5 =	vadd.f32 v32, v5;
	v26 =	vadd.f32 v26, v25  }
0x2ba: {  	s30 =	simm.s32 $0xD;
	v54 =	vadd.s32 s20, v1;
	v35 =	vsel vm12, $0x0, v44;
	v31 =	vld.idx.msk [tilespmem:v49+s15+$0x0], $0xffff  }
0x2bb: {  	v56 =	vadd.s32 s30, v1;
	v36 =	vld.idx.msk [tilespmem:v52+s15+$0x0], $0xffff;
	v5 =	vadd.f32 v35, v5;
	v28 =	vadd.f32 v28, v26  }
0x2bc: {  	v57 =	vadd.s32 s21, v24;
	v44 =	vld.idx.msk [tilespmem:v55+s15+$0x0], $0xffff  }
0x2bd: {  	v15 =	vld.idx.msk [tilespmem:v15+s15+$0x0], $0xffff;
	v58 =	vadd.f32 v43, v5;
	v5 =	vadd.s32 s22, v24;
	v29 =	vadd.f32 v29, v28  }
0x2be: {  	v59 =	vadd.s32 s23, v24;
	v27 =	vld.idx.msk [tilespmem:v27+s15+$0x0], $0xffff  }
0x2bf: {  	v60 =	vadd.s32 s24, v24;
	v32 =	vld.idx.msk [tilespmem:v54+s15+$0x0], $0xffff;
	v13 =	vadd.f32 v13, v58;
	v31 =	vadd.f32 v31, v29  }
0x2c0: {  	v61 =	vadd.s32 s26, v24;
	v35 =	vld.idx.msk [tilespmem:v56+s15+$0x0], $0xffff;
	v14 =	vadd.f32 v14, v58  }
0x2c1: {  	[tilespmem:v57+s16+$0x0] =	vst.idx.msk $0xffff, v13;
	v13 =	vadd.f32 v19, v58;
	v19 =	vadd.s32 s0, v24;
	v62 =	vadd.f32 v36, v31  }
0x2c2: {  	[tilespmem:v5+s16+$0x0] =	vst.idx.msk $0xffff, v14;
	v5 =	vadd.f32 v20, v58;
	v14 =	vadd.s32 s1, v24  }
0x2c3: {  	v20 =	vadd.s32 s29, v24;
	[tilespmem:v59+s16+$0x0] =	vst.idx.msk $0xffff, v13;
	v13 =	vadd.f32 v25, v58;
	v25 =	vadd.f32 v27, v62  }
0x2c4: {  	[tilespmem:v60+s16+$0x0] =	vst.idx.msk $0xffff, v5;
	v5 =	vadd.f32 v26, v58;
	v26 =	vadd.s32 s3, v24  }
0x2c5: {  	v27 =	vadd.f32 v28, v58;
	[tilespmem:v61+s16+$0x0] =	vst.idx.msk $0xffff, v13;
	v13 =	vadd.s32 s4, v24;
	v0 =	vadd.f32 v0, v25  }
0x2c6: {  	v63 =	vadd.f32 v29, v58;
	[tilespmem:v19+s16+$0x0] =	vst.idx.msk $0xffff, v5;
	v5 =	vadd.s32 s25, v24  }
0x2c7: {  	v19 =	vadd.s32 s10, v24;
	[tilespmem:v14+s16+$0x0] =	vst.idx.msk $0xffff, v27;
	v14 =	vadd.f32 v31, v58;
	v15 =	vadd.f32 v15, v0  }
0x2c8: {  	v27 =	vadd.f32 v62, v58;
	[tilespmem:v20+s16+$0x0] =	vst.idx.msk $0xffff, v63;
	v20 =	vadd.s32 s31, v24  }
0x2c9: {  	v25 =	vadd.f32 v25, v58;
	[tilespmem:v26+s16+$0x0] =	vst.idx.msk $0xffff, v14;
	v14 =	vadd.s32 s30, v24;
	v26 =	vadd.f32 v35, v15  }
0x2ca: {  	v0 =	vadd.f32 v0, v58;
	[tilespmem:v13+s16+$0x0] =	vst.idx.msk $0xffff, v27;
	v27 =	vadd.s32 s28, v24  }
0x2cb: {  	v13 =	vadd.f32 v15, v58;
	[tilespmem:v5+s16+$0x0] =	vst.idx.msk $0xffff, v25;
	v5 =	vadd.f32 v44, v26  }
0x2cc: {  	s30 =	simm.s32 $0x10;
	[tilespmem:v19+s16+$0x0] =	vst.idx.msk $0xffff, v0;
	v15 =	vadd.f32 v26, v58;
	v0 =	vadd.s32 s20, v24  }
0x2cd: {  	s31 =	simm.s32 $0x11;
	[tilespmem:v20+s16+$0x0] =	vst.idx.msk $0xffff, v13;
	v19 =	vadd.f32 v32, v5;
	v20 =	vadd.f32 v5, v58;
	v5 =	vor.u32 s30, v1  }
0x2ce: {  	vm10 =	vmmov vm14;
	s22 =	simm.s32 $0x12;
	v45 =	vadd.s32 s31, v24;
	v13 =	vadd.s32 s31, v1;
	[tilespmem:v14+s16+$0x0] =	vst.idx.msk $0xffff, v15  }
0x2cf: {  	s21 =	simm.s32 $0x2F;
	v46 =	vadd.s32 s30, v24;
	s20 =	simm.s32 $0x1F;
	v14 =	vadd.s32 s22, v1;
	[tilespmem:v27+s16+$0x0] =	vst.idx.msk $0xffff, v20;
	v44 =	vadd.f32 v19, v58  }
.LBB2_8:
0x2d0: {  	p1 =	sne.s32 s21, $0x7EF  }
0x2d1: {  	s26 =	sadd.s32 $0xFFFFFFF4, s20;
	[tilespmem:v0+s16+$0x0] =	vst.idx.msk $0xffff, v44;
	s23 =	smov.u32 s21;
	s21 =	sadd.s32 $0x10, s21  }
0x2d2: {  	v0 =	vld.idx.msk [tilespmem:v5+s15+$0x0], $0xffff;
	v5 =	vadd.s32 s26, v1  }
0x2d3: {  	s29 =	sadd.s32 $0xFFFFFFF5, s20;
	v13 =	vld.idx.msk [tilespmem:v13+s15+$0x0], $0xffff  }
0x2d4: {  	v15 =	vadd.s32 s29, v1  }
0x2d5: {  	s30 =	sadd.s32 $0xFFFFFFF6, s20;
	v14 =	vld.idx.msk [tilespmem:v14+s15+$0x0], $0xffff  }
0x2d6: {  	v19 =	vadd.s32 s30, v1  }
0x2d7: {  	s31 =	sadd.s32 $0xFFFFFFF7, s20;
	v5 =	vld.idx.msk [tilespmem:v5+s15+$0x0], $0xffff  }
0x2d8: {  	v20 =	vadd.s32 s31, v1;
	v25 =	vadd.f32 v0, v44  }
0x2d9: {  	s0 =	sadd.s32 $0xFFFFFFF8, s20;
	v0 =	vadd.f32 v13, v0;
	v15 =	vld.idx.msk [tilespmem:v15+s15+$0x0], $0xffff  }
0x2da: {  	s25 =	sadd.s32 $0xFFFFFFFB, s20;
	v13 =	vadd.s32 s0, v1  }
0x2db: {  	s1 =	sadd.s32 $0xFFFFFFF9, s20;
	v26 =	vadd.s32 s25, v1;
	v14 =	vadd.f32 v14, v0;
	v0 =	vadd.f32 v0, v44;
	v19 =	vld.idx.msk [tilespmem:v19+s15+$0x0], $0xffff  }
0x2dc: {  	s28 =	sadd.s32 $0xFFFFFFFC, s20;
	v27 =	vadd.s32 s1, v1  }
0x2dd: {  	s3 =	sadd.s32 $0xFFFFFFFA, s20;
	v28 =	vadd.s32 s28, v1;
	v5 =	vadd.f32 v5, v14;
	v20 =	vld.idx.msk [tilespmem:v20+s15+$0x0], $0xffff  }
0x2de: {  	v29 =	vadd.s32 s3, v1  }
0x2df: {  	s24 =	sadd.s32 $0xFFFFFFFF, s20;
	v30 =	vadd.s32 s20, v1;
	v15 =	vadd.f32 v15, v5;
	v13 =	vld.idx.msk [tilespmem:v13+s15+$0x0], $0xffff  }
0x2e0: {  	s10 =	sadd.s32 $0xFFFFFFFE, s20;
	v31 =	vadd.s32 s24, v1;
	v26 =	vld.idx.msk [tilespmem:v26+s15+$0x0], $0xffff  }
0x2e1: {  	s4 =	sadd.s32 $0xFFFFFFFD, s20;
	v32 =	vadd.s32 s10, v1;
	v19 =	vadd.f32 v19, v15;
	v27 =	vld.idx.msk [tilespmem:v27+s15+$0x0], $0xffff  }
0x2e2: {  	v35 =	vadd.s32 s4, v1;
	v28 =	vld.idx.msk [tilespmem:v28+s15+$0x0], $0xffff  }
0x2e3: {  	v20 =	vadd.f32 v20, v19;
	v29 =	vld.idx.msk [tilespmem:v29+s15+$0x0], $0xffff  }
0x2e4: {  	v30 =	vld.idx.msk [tilespmem:v30+s15+$0x0], $0xffff  }
0x2e5: {  	v36 =	vadd.s32 s22, v24;
	v13 =	vadd.f32 v13, v20;
	v20 =	vadd.f32 v20, v44;
	v31 =	vld.idx.msk [tilespmem:v31+s15+$0x0], $0xffff  }
0x2e6: {  	v47 =	vadd.s32 s26, v24;
	v32 =	vld.idx.msk [tilespmem:v32+s15+$0x0], $0xffff  }
0x2e7: {  	v48 =	vadd.s32 s29, v24;
	v27 =	vadd.f32 v27, v13;
	v13 =	vadd.f32 v13, v44;
	v35 =	vld.idx.msk [tilespmem:v35+s15+$0x0], $0xffff  }
0x2e8: {  	v14 =	vadd.f32 v14, v44;
	[tilespmem:v46+s16+$0x0] =	vst.idx.msk $0xffff, v25;
	v25 =	vadd.s32 s30, v24  }
0x2e9: {  	v29 =	vadd.f32 v29, v27;
	[tilespmem:v45+s16+$0x0] =	vst.idx.msk $0xffff, v0;
	v0 =	vadd.f32 v5, v44;
	v5 =	vadd.s32 s31, v24  }
0x2ea: {  	[tilespmem:v36+s16+$0x0] =	vst.idx.msk $0xffff, v14;
	v14 =	vadd.f32 v15, v44;
	v15 =	vadd.s32 s0, v24  }
0x2eb: {  	v26 =	vadd.f32 v26, v29;
	[tilespmem:v47+s16+$0x0] =	vst.idx.msk $0xffff, v0;
	v0 =	vadd.f32 v19, v44;
	v19 =	vadd.s32 s1, v24  }
0x2ec: {  	[tilespmem:v48+s16+$0x0] =	vst.idx.msk $0xffff, v14;
	v14 =	vadd.s32 s3, v24  }
0x2ed: {  	v28 =	vadd.f32 v28, v26;
	[tilespmem:v25+s16+$0x0] =	vst.idx.msk $0xffff, v0;
	v0 =	vadd.s32 s25, v24;
	v25 =	vadd.f32 v26, v44  }
0x2ee: {  	v26 =	vadd.s32 s28, v24;
	[tilespmem:v5+s16+$0x0] =	vst.idx.msk $0xffff, v20;
	v5 =	vadd.f32 v27, v44;
	v20 =	vadd.f32 v29, v44  }
0x2ef: {  	v27 =	vadd.f32 v35, v28;
	[tilespmem:v15+s16+$0x0] =	vst.idx.msk $0xffff, v13;
	v13 =	vadd.f32 v28, v44;
	v15 =	vadd.s32 s4, v24  }
0x2f0: {  	[tilespmem:v19+s16+$0x0] =	vst.idx.msk $0xffff, v5;
	v19 =	vadd.s32 s10, v24  }
0x2f1: {  	v5 =	vadd.f32 v32, v27;
	[tilespmem:v14+s16+$0x0] =	vst.idx.msk $0xffff, v20;
	v14 =	vadd.f32 v27, v44  }
0x2f2: {  	v20 =	vadd.s32 s24, v24;
	[tilespmem:v0+s16+$0x0] =	vst.idx.msk $0xffff, v25  }
0x2f3: {  	v25 =	vadd.f32 v31, v5;
	[tilespmem:v26+s16+$0x0] =	vst.idx.msk $0xffff, v13;
	v13 =	vadd.f32 v5, v44  }
.Ltmp5:
0x2f4: {  	s0 =	sadd.s32 $0xFFFFFFF1, s23;
	v0 =	vadd.s32 s20, v24;
	s20 =	smov.u32 s23;
	[tilespmem:v15+s16+$0x0] =	vst.idx.msk $0xffff, v14;
	(pc) =	sbr.rel @p1 .LBB2_8-.Ltmp5, $4  }
0x2f5: {  	v5 =	vor.u32 s0, v1;
	s1 =	sadd.s32 $0xFFFFFFF2, s20;
	v14 =	vadd.f32 v30, v25;
	v15 =	vadd.f32 v25, v44;
	[tilespmem:v19+s16+$0x0] =	vst.idx.msk $0xffff, v13  }
0x2f6: {  	v46 =	vadd.s32 s0, v24;
	v45 =	vadd.s32 s1, v24;
	v13 =	vadd.s32 s1, v1  }
0x2f7: {  	s22 =	sadd.s32 $0xFFFFFFF3, s20;
	v44 =	vadd.f32 v14, v44;
	[tilespmem:v20+s16+$0x0] =	vst.idx.msk $0xffff, v15  }
0x2f8: {  	v14 =	vadd.s32 s22, v1  }
0x2f9: {  	_ =	sdelay $0x3  }
0x2fa: {  	s0 =	sadd.s32 $0xFFFFFFF4, s20;
	[tilespmem:v0+s16+$0x0] =	vst.idx.msk $0xffff, v44  }
0x2fb: {  	v0 =	vld.idx.msk [tilespmem:v5+s15+$0x0], $0xffff;
	v5 =	vadd.s32 s0, v1  }
0x2fc: {  	s1 =	sadd.s32 $0xFFFFFFF5, s20;
	v13 =	vld.idx.msk [tilespmem:v13+s15+$0x0], $0xffff  }
0x2fd: {  	v15 =	vadd.s32 s1, v1  }
0x2fe: {  	s3 =	sadd.s32 $0xFFFFFFF6, s20;
	v14 =	vld.idx.msk [tilespmem:v14+s15+$0x0], $0xffff  }
0x2ff: {  	v19 =	vadd.s32 s3, v1  }
0x300: {  	s4 =	sadd.s32 $0xFFFFFFF7, s20;
	v5 =	vld.idx.msk [tilespmem:v5+s15+$0x0], $0xffff  }
0x301: {  	v20 =	vadd.s32 s4, v1;
	v13 =	vadd.f32 v13, v0  }
0x302: {  	s10 =	sadd.s32 $0xFFFFFFF8, s20;
	v15 =	vld.idx.msk [tilespmem:v15+s15+$0x0], $0xffff  }
0x303: {  	v25 =	vadd.s32 s10, v1;
	v14 =	vadd.f32 v14, v13  }
0x304: {  	s21 =	sadd.s32 $0xFFFFFFF9, s20;
	v19 =	vld.idx.msk [tilespmem:v19+s15+$0x0], $0xffff  }
0x305: {  	v26 =	vadd.s32 s21, v1;
	v5 =	vadd.f32 v5, v14  }
0x306: {  	s24 =	sadd.s32 $0xFFFFFFFA, s20;
	v20 =	vld.idx.msk [tilespmem:v20+s15+$0x0], $0xffff  }
0x307: {  	v28 =	vadd.s32 s24, v1;
	v15 =	vadd.f32 v15, v5  }
0x308: {  	s23 =	sadd.s32 $0xFFFFFFFB, s20;
	v30 =	vadd.s32 s20, v1;
	v25 =	vld.idx.msk [tilespmem:v25+s15+$0x0], $0xffff  }
0x309: {  	s25 =	sadd.s32 $0xFFFFFFFC, s20;
	v27 =	vadd.s32 s23, v1;
	v19 =	vadd.f32 v19, v15  }
0x30a: {  	s26 =	sadd.s32 $0xFFFFFFFF, s20;
	v29 =	vadd.s32 s25, v1;
	v26 =	vld.idx.msk [tilespmem:v26+s15+$0x0], $0xffff  }
0x30b: {  	s28 =	sadd.s32 $0xFFFFFFFE, s20;
	v31 =	vadd.s32 s26, v1;
	v20 =	vadd.f32 v20, v19  }
0x30c: {  	s29 =	sadd.s32 $0xFFFFFFFD, s20;
	v32 =	vadd.s32 s28, v1;
	v28 =	vld.idx.msk [tilespmem:v28+s15+$0x0], $0xffff  }
0x30d: {  	v35 =	vadd.s32 s29, v1;
	v30 =	vld.idx.msk [tilespmem:v30+s15+$0x0], $0xffff;
	v25 =	vadd.f32 v25, v20  }
0x30e: {  	v27 =	vld.idx.msk [tilespmem:v27+s15+$0x0], $0xffff  }
0x30f: {  	v36 =	vadd.s32 s22, v24;
	v29 =	vld.idx.msk [tilespmem:v29+s15+$0x0], $0xffff;
	v26 =	vadd.f32 v26, v25  }
0x310: {  	v47 =	vadd.s32 s0, v24;
	v31 =	vld.idx.msk [tilespmem:v31+s15+$0x0], $0xffff;
	v0 =	vadd.f32 v0, v44  }
0x311: {  	v48 =	vadd.s32 s1, v24;
	v32 =	vld.idx.msk [tilespmem:v32+s15+$0x0], $0xffff;
	v13 =	vadd.f32 v13, v44;
	v28 =	vadd.f32 v28, v26  }
0x312: {  	v35 =	vld.idx.msk [tilespmem:v35+s15+$0x0], $0xffff;
	[tilespmem:v46+s16+$0x0] =	vst.idx.msk $0xffff, v0;
	v0 =	vadd.f32 v14, v44;
	v14 =	vadd.s32 s3, v24  }
0x313: {  	[tilespmem:v45+s16+$0x0] =	vst.idx.msk $0xffff, v13;
	v13 =	vadd.s32 s4, v24;
	v5 =	vadd.f32 v5, v44;
	v27 =	vadd.f32 v27, v28  }
0x314: {  	[tilespmem:v36+s16+$0x0] =	vst.idx.msk $0xffff, v0;
	v0 =	vadd.f32 v15, v44;
	v15 =	vadd.s32 s10, v24  }
0x315: {  	[tilespmem:v47+s16+$0x0] =	vst.idx.msk $0xffff, v5;
	v5 =	vadd.f32 v19, v44;
	v19 =	vadd.s32 s21, v24;
	v29 =	vadd.f32 v29, v27  }
0x316: {  	[tilespmem:v48+s16+$0x0] =	vst.idx.msk $0xffff, v0;
	v0 =	vadd.s32 s24, v24;
	v20 =	vadd.f32 v20, v44  }
0x317: {  	[tilespmem:v14+s16+$0x0] =	vst.idx.msk $0xffff, v5;
	v5 =	vadd.s32 s23, v24;
	v25 =	vadd.f32 v25, v44;
	v14 =	vadd.f32 v35, v29  }
0x318: {  	[tilespmem:v13+s16+$0x0] =	vst.idx.msk $0xffff, v20;
	v20 =	vadd.s32 s25, v24;
	v13 =	vadd.f32 v26, v44  }
0x319: {  	[tilespmem:v15+s16+$0x0] =	vst.idx.msk $0xffff, v25;
	v15 =	vadd.s32 s29, v24;
	v26 =	vadd.f32 v28, v44;
	v25 =	vadd.f32 v32, v14  }
0x31a: {  	[tilespmem:v19+s16+$0x0] =	vst.idx.msk $0xffff, v13;
	v13 =	vadd.s32 s28, v24;
	v27 =	vadd.f32 v27, v44  }
0x31b: {  	[tilespmem:v0+s16+$0x0] =	vst.idx.msk $0xffff, v26;
	v0 =	vadd.s32 s26, v24;
	v19 =	vadd.f32 v29, v44;
	v26 =	vadd.f32 v31, v25  }
0x31c: {  	[tilespmem:v5+s16+$0x0] =	vst.idx.msk $0xffff, v27;
	v5 =	vadd.s32 s20, v24;
	v14 =	vadd.f32 v14, v44  }
0x31d: {  	[tilespmem:v20+s16+$0x0] =	vst.idx.msk $0xffff, v19;
	v19 =	vadd.f32 v25, v44;
	v20 =	vadd.f32 v30, v26  }
0x31e: {  	[tilespmem:v15+s16+$0x0] =	vst.idx.msk $0xffff, v14;
	v14 =	vadd.f32 v26, v44  }
0x31f: {  	[tilespmem:v13+s16+$0x0] =	vst.idx.msk $0xffff, v19;
	v13 =	vadd.f32 v20, v44  }
0x320: {  	[tilespmem:v0+s16+$0x0] =	vst.idx.msk $0xffff, v14  }
0x321: {  	[tilespmem:v5+s16+$0x0] =	vst.idx.msk $0xffff, v13;
	v5 =	vld [tilespmem:$0x1FEC0]  }
0x322: {  	v0 =	vld.idx.msk [tilespmem:v2+s15+$0x0], $0xffff;
	_ =	sdelay $0x4  }
0x323: {  	v0 =	vadd.f32 v0, v13;
	_ =	sdelay $0x1  }
0x324: {  	[tilespmem:v5+s16+$0x0] =	vst.idx.msk $0xffff, v0  }
0x325: {  	v5 =	vld.idx.msk [tilespmem:v3+s15+$0x0], $0xffff;
	_ =	sdelay $0x3  }
0x326: {  	v0 =	vsel vm2, v0, v43  }
0x327: {  	v0 =	vadd.f32 v5, v0;
	v5 =	vld [tilespmem:$0x1FED0];
	_ =	sdelay $0x7  }
0x328: {  	[tilespmem:v5+s16+$0x0] =	vst.idx.msk $0xffff, v0  }
0x329: {  	v5 =	vld.idx.msk [tilespmem:v4+s15+$0x0], $0xffff;
	_ =	sdelay $0x2  }
0x32a: {  	vm12 =	vcmask $0x373C  }
0x32b: {  	v0 =	vsel vm12, v0, v43  }
0x32c: {  	v0 =	vadd.f32 v5, v0;
	v5 =	vld [tilespmem:$0x1FEE0];
	_ =	sdelay $0x7  }
0x32d: {  	[tilespmem:v5+s16+$0x0] =	vst.idx.msk $0xffff, v0  }
0x32e: {  	v5 =	vld.idx.msk [tilespmem:v6+s15+$0x0], $0xffff;
	_ =	sdelay $0x2  }
0x32f: {  	vm12 =	vcmask $0x3338  }
0x330: {  	v0 =	vsel vm12, v0, v43  }
0x331: {  	v0 =	vadd.f32 v5, v0;
	v5 =	vld [tilespmem:$0x1FEF0];
	_ =	sdelay $0x7  }
0x332: {  	[tilespmem:v5+s16+$0x0] =	vst.idx.msk $0xffff, v0  }
0x333: {  	v5 =	vld.idx.msk [tilespmem:v7+s15+$0x0], $0xffff;
	_ =	sdelay $0x2  }
0x334: {  	vm12 =	vcmask $0x2F34  }
0x335: {  	v0 =	vsel vm12, v0, v43  }
0x336: {  	v0 =	vadd.f32 v5, v0;
	v5 =	vld [tilespmem:$0x1FF00];
	_ =	sdelay $0x7  }
0x337: {  	[tilespmem:v5+s16+$0x0] =	vst.idx.msk $0xffff, v0  }
0x338: {  	v5 =	vld.idx.msk [tilespmem:v8+s15+$0x0], $0xffff;
	_ =	sdelay $0x2  }
0x339: {  	vm12 =	vcmask $0x2B30  }
0x33a: {  	v0 =	vsel vm12, v0, v43  }
0x33b: {  	v0 =	vadd.f32 v5, v0;
	v5 =	vld [tilespmem:$0x1FF10];
	_ =	sdelay $0x7  }
0x33c: {  	[tilespmem:v5+s16+$0x0] =	vst.idx.msk $0xffff, v0  }
0x33d: {  	v5 =	vld.idx.msk [tilespmem:v9+s15+$0x0], $0xffff;
	_ =	sdelay $0x2  }
0x33e: {  	vm12 =	vcmask $0x272C  }
0x33f: {  	v0 =	vsel vm12, v0, v43  }
0x340: {  	v0 =	vadd.f32 v5, v0;
	v5 =	vld [tilespmem:$0x1FF20];
	_ =	sdelay $0x7  }
0x341: {  	[tilespmem:v5+s16+$0x0] =	vst.idx.msk $0xffff, v0  }
0x342: {  	v5 =	vld.idx.msk [tilespmem:v10+s15+$0x0], $0xffff;
	_ =	sdelay $0x2  }
0x343: {  	vm12 =	vcmask $0x2328  }
0x344: {  	v0 =	vsel vm12, v0, v43  }
0x345: {  	v0 =	vadd.f32 v5, v0;
	v5 =	vld [tilespmem:$0x1FF30];
	_ =	sdelay $0x7  }
0x346: {  	[tilespmem:v5+s16+$0x0] =	vst.idx.msk $0xffff, v0  }
0x347: {  	v5 =	vld.idx.msk [tilespmem:v11+s15+$0x0], $0xffff;
	_ =	sdelay $0x2  }
0x348: {  	vm12 =	vcmask $0x1F24  }
0x349: {  	v0 =	vsel vm12, v0, v43  }
0x34a: {  	v0 =	vadd.f32 v5, v0;
	_ =	sdelay $0x1  }
0x34b: {  	[tilespmem:v33+s16+$0x0] =	vst.idx.msk $0xffff, v0  }
0x34c: {  	v5 =	vld.idx.msk [tilespmem:v12+s15+$0x0], $0xffff;
	_ =	sdelay $0x2  }
0x34d: {  	vm12 =	vcmask $0x1B20  }
0x34e: {  	v0 =	vsel vm12, v0, v43  }
0x34f: {  	v0 =	vadd.f32 v5, v0;
	_ =	sdelay $0x1  }
0x350: {  	[tilespmem:v37+s16+$0x0] =	vst.idx.msk $0xffff, v0  }
0x351: {  	v5 =	vld.idx.msk [tilespmem:v16+s15+$0x0], $0xffff;
	_ =	sdelay $0x2  }
0x352: {  	vm12 =	vcmask $0x171C  }
0x353: {  	v0 =	vsel vm12, v0, v43  }
0x354: {  	v0 =	vadd.f32 v5, v0;
	_ =	sdelay $0x1  }
0x355: {  	[tilespmem:v38+s16+$0x0] =	vst.idx.msk $0xffff, v0  }
0x356: {  	v5 =	vld.idx.msk [tilespmem:v17+s15+$0x0], $0xffff;
	_ =	sdelay $0x2  }
0x357: {  	vm12 =	vcmask $0x1318  }
0x358: {  	v0 =	vsel vm12, v0, v43  }
0x359: {  	v0 =	vadd.f32 v5, v0;
	_ =	sdelay $0x1  }
0x35a: {  	[tilespmem:v39+s16+$0x0] =	vst.idx.msk $0xffff, v0  }
0x35b: {  	v5 =	vld.idx.msk [tilespmem:v18+s15+$0x0], $0xffff;
	_ =	sdelay $0x2  }
0x35c: {  	vm12 =	vcmask $0xF14  }
0x35d: {  	v0 =	vsel vm12, v0, v43  }
0x35e: {  	v0 =	vadd.f32 v5, v0;
	_ =	sdelay $0x1  }
0x35f: {  	[tilespmem:v40+s16+$0x0] =	vst.idx.msk $0xffff, v0  }
0x360: {  	v5 =	vld.idx.msk [tilespmem:v21+s15+$0x0], $0xffff;
	_ =	sdelay $0x2  }
0x361: {  	vm12 =	vcmask $0xB10  }
0x362: {  	v0 =	vsel vm12, v0, v43  }
0x363: {  	v0 =	vadd.f32 v5, v0;
	_ =	sdelay $0x1  }
0x364: {  	[tilespmem:v41+s16+$0x0] =	vst.idx.msk $0xffff, v0  }
0x365: {  	v5 =	vld.idx.msk [tilespmem:v22+s15+$0x0], $0xffff;
	_ =	sdelay $0x2  }
0x366: {  	vm12 =	vcmask $0x70C  }
0x367: {  	v0 =	vsel vm12, v0, v43  }
0x368: {  	v0 =	vadd.f32 v5, v0;
	_ =	sdelay $0x1  }
0x369: {  	[tilespmem:v42+s16+$0x0] =	vst.idx.msk $0xffff, v0  }
0x36a: {  	v5 =	vld.idx.msk [tilespmem:v23+s15+$0x0], $0xffff;
	_ =	sdelay $0x2  }
0x36b: {  	vm12 =	vcmask $0x308  }
0x36c: {  	v0 =	vsel vm12, v0, v43  }
0x36d: {  	v0 =	vadd.f32 v5, v0;
	_ =	sdelay $0x1  }
0x36e: {  	[tilespmem:v34+s16+$0x0] =	vst.idx.msk $0xffff, v0;
	v0 =	vimm.s32 $0x0;
	_ =	sdelay $0x3  }
0x36f: {  	v43 =	vimm.f32 $0.0e+00  }
0x370: {  	s1 =	simm.s32 $0xF;
	s3 =	simm.s32 $0xE;
	[tilespmem:v0+s16+$0x0] =	vst.idx.msk $0x1, v43  }
0x371: {  	v0 =	vadd.s32 s1, v1;
	[hbm4b:s7+s12] =	stream.strided.scatter [tilespmem:s16], [sflag:$0x3], $0x8080, s13, s12, $0x38;
	[tilespmem:$0x18080] =	vst v63  }
0x372: {  	s4 =	simm.s32 $0xD;
	v5 =	vadd.s32 s3, v1;
	_ =	swait.ge [sflag:s14], $0x8000  }
0x373: {  	s10 =	simm.s32 $0xC;
	v13 =	vadd.s32 s4, v1;
	[sflag:s14] =	ssyncset.done $0x0  }
0x374: {  	s21 =	simm.s32 $0xA;
	s20 =	simm.s32 $0xB;
	v14 =	vadd.s32 s10, v1;
	[sflag:s14] =	ssyncadd.s32 $0xFFFF8000  }
0x375: {  	v15 =	vadd.s32 s20, v1;
	[tilespmem:s15], [sflag:$0x2] =	stream.strided.gather [hbm4b:s8+s12], $0x8000, s13, s12, $0x38;
	[tilespmem:$0x18080] =	vst v63  }
0x376: {  	s22 =	simm.s32 $0x9;
	v26 =	vadd.s32 s21, v1;
	v44 =	vld.idx.msk [tilespmem:v0+s2+$0x0], $0xffff  }
0x377: {  	s24 =	simm.s32 $0x7;
	v27 =	vadd.s32 s22, v1;
	v45 =	vld.idx.msk [tilespmem:v5+s2+$0x0], $0xffff  }
0x378: {  	v49 =	vimm.f32 $0.0e+00;
	s25 =	simm.s32 $0x6;
	v28 =	vadd.s32 s24, v1;
	v47 =	vld.idx.msk [tilespmem:v13+s2+$0x0], $0xffff  }
0x379: {  	v51 =	vimm.f32 $0.0e+00;
	v50 =	vimm.f32 $0.0e+00;
	s23 =	simm.s32 $0x8;
	v36 =	vadd.s32 s25, v1;
	v52 =	vld.idx.msk [tilespmem:v14+s2+$0x0], $0xffff  }
0x37a: {  	v53 =	vimm.f32 $0.0e+00;
	v54 =	vimm.f32 $0.0e+00;
	s26 =	simm.s32 $0x5;
	v5 =	vadd.s32 s23, v1;
	v55 =	vld.idx.msk [tilespmem:v15+s2+$0x0], $0xffff  }
0x37b: {  	v57 =	vimm.f32 $0.0e+00;
	v56 =	vimm.f32 $0.0e+00;
	s28 =	simm.s32 $0x4;
	v19 =	vadd.s32 s26, v1;
	v60 =	vld.idx.msk [tilespmem:v26+s2+$0x0], $0xffff  }
0x37c: {  	v59 =	vimm.f32 $0.0e+00;
	v58 =	vimm.f32 $0.0e+00;
	s29 =	simm.s32 $0x3;
	v20 =	vadd.s32 s28, v1;
	v63 =	vld.idx.msk [tilespmem:v27+s2+$0x0], $0xffff  }
0x37d: {  	s30 =	simm.s32 $0x2;
	v61 =	vimm.f32 $0.0e+00;
	v62 =	vimm.f32 $0.0e+00;
	v0 =	vadd.s32 s29, v1;
	v14 =	vld.idx.msk [tilespmem:v28+s2+$0x0], $0xffff  }
0x37e: {  	s31 =	simm.s32 $0x1;
	v46 =	vimm.f32 $0.0e+00;
	v48 =	vimm.f32 $0.0e+00;
	v35 =	vadd.s32 s30, v1;
	v15 =	vld.idx.msk [tilespmem:v36+s2+$0x0], $0xffff  }
0x37f: {  	s0 =	simm.s32 $0x0;
	v25 =	vadd.s32 s31, v1;
	s20 =	simm.s32 $0x1F;
	v36 =	vimm.f32 $0.0e+00;
	v13 =	vld.idx.msk [tilespmem:v5+s2+$0x0], $0xffff;
	v5 =	vimm.f32 $0.0e+00  }
.LBB2_10:
0x380: {  	p1 =	sne.s32 s20, $0x7EF;
	v26 =	vor.u32 s0, v1;
	v19 =	vld.idx.msk [tilespmem:v19+s2+$0x0], $0xffff  }
0x381: {  	s0 =	sadd.s32 $0xFFFFFFFF, s20;
	v27 =	vadd.s32 s20, v1;
	v20 =	vld.idx.msk [tilespmem:v20+s2+$0x0], $0xffff  }
0x382: {  	s1 =	sadd.s32 $0xFFFFFFFE, s20;
	v28 =	vadd.s32 s0, v1;
	v0 =	vld.idx.msk [tilespmem:v0+s2+$0x0], $0xffff  }
0x383: {  	s0 =	sadd.s32 $0xFFFFFFFD, s20;
	v29 =	vadd.s32 s1, v1;
	v30 =	vld.idx.msk [tilespmem:v35+s2+$0x0], $0xffff  }
0x384: {  	v43 =	vadd.f32 v45, v43;
	v46 =	vadd.f32 v44, v46;
	s1 =	sadd.s32 $0xFFFFFFFC, s20;
	v31 =	vadd.s32 s0, v1;
	v25 =	vld.idx.msk [tilespmem:v25+s2+$0x0], $0xffff  }
0x385: {  	v49 =	vadd.f32 v52, v49;
	v48 =	vadd.f32 v47, v48;
	s0 =	sadd.s32 $0xFFFFFFFB, s20;
	v32 =	vadd.s32 s1, v1;
	v26 =	vld.idx.msk [tilespmem:v26+s2+$0x0], $0xffff  }
0x386: {  	v51 =	vadd.f32 v60, v51;
	v50 =	vadd.f32 v55, v50;
	s1 =	sadd.s32 $0xFFFFFFFA, s20;
	v35 =	vadd.s32 s0, v1;
	v44 =	vld.idx.msk [tilespmem:v27+s2+$0x0], $0xffff  }
0x387: {  	v54 =	vadd.f32 v63, v54;
	v53 =	vadd.f32 v13, v53;
	s0 =	sadd.s32 $0xFFFFFFF9, s20;
	v27 =	vadd.s32 s1, v1;
	v45 =	vld.idx.msk [tilespmem:v28+s2+$0x0], $0xffff  }
0x388: {  	v56 =	vadd.f32 v14, v56;
	v13 =	vadd.s32 s0, v1;
	v57 =	vadd.f32 v15, v57;
	s1 =	sadd.s32 $0xFFFFFFF8, s20;
	v47 =	vld.idx.msk [tilespmem:v29+s2+$0x0], $0xffff  }
0x389: {  	s0 =	sadd.s32 $0xFFFFFFF7, s20;
	v58 =	vadd.f32 v19, v58;
	v59 =	vadd.f32 v20, v59;
	v14 =	vadd.s32 s1, v1;
	v52 =	vld.idx.msk [tilespmem:v31+s2+$0x0], $0xffff  }
0x38a: {  	v15 =	vadd.s32 s0, v1;
	s1 =	sadd.s32 $0xFFFFFFF6, s20;
	v62 =	vadd.f32 v0, v62;
	v61 =	vadd.f32 v30, v61;
	v55 =	vld.idx.msk [tilespmem:v32+s2+$0x0], $0xffff  }
.Ltmp6:
0x38b: {  	s0 =	sadd.s32 $0xFFFFFFF5, s20;
	v19 =	vadd.s32 s1, v1;
	v36 =	vadd.f32 v25, v36;
	v5 =	vadd.f32 v26, v5;
	v60 =	vld.idx.msk [tilespmem:v35+s2+$0x0], $0xffff;
	(pc) =	sbr.rel @p1 .LBB2_10-.Ltmp6, $4  }
0x38c: {  	v20 =	vadd.s32 s0, v1;
	s1 =	sadd.s32 $0xFFFFFFF4, s20;
	v63 =	vld.idx.msk [tilespmem:v27+s2+$0x0], $0xffff  }
0x38d: {  	s0 =	sadd.s32 $0xFFFFFFF3, s20;
	v0 =	vadd.s32 s1, v1;
	v13 =	vld.idx.msk [tilespmem:v13+s2+$0x0], $0xffff  }
0x38e: {  	s1 =	sadd.s32 $0xFFFFFFF2, s20;
	v35 =	vadd.s32 s0, v1;
	v14 =	vld.idx.msk [tilespmem:v14+s2+$0x0], $0xffff  }
0x38f: {  	v25 =	vadd.s32 s1, v1;
	s0 =	sadd.s32 $0xFFFFFFF1, s20;
	s20 =	sadd.s32 $0x10, s20;
	v15 =	vld.idx.msk [tilespmem:v15+s2+$0x0], $0xffff  }
0x390: {  	v26 =	vor.u32 s0, v1;
	_ =	sdelay $0x3  }
0x391: {  	v25 =	vld.idx.msk [tilespmem:v25+s2+$0x0], $0xffff  }
0x392: {  	v26 =	vld.idx.msk [tilespmem:v26+s2+$0x0], $0xffff;
	_ =	sdelay $0x1  }
0x393: {  	v27 =	vld.idx.msk [tilespmem:v35+s2+$0x0], $0xffff;
	_ =	sdelay $0x1  }
0x394: {  	v0 =	vld.idx.msk [tilespmem:v0+s2+$0x0], $0xffff  }
0x395: {  	v25 =	vadd.f32 v25, v36;
	v5 =	vadd.f32 v26, v5  }
0x396: {  	v20 =	vld.idx.msk [tilespmem:v20+s2+$0x0], $0xffff  }
0x397: {  	v26 =	vadd.f32 v27, v61;
	v5 =	vadd.f32 v25, v5  }
0x398: {  	v19 =	vld.idx.msk [tilespmem:v19+s2+$0x0], $0xffff  }
0x399: {  	v0 =	vadd.f32 v0, v62;
	v5 =	vadd.f32 v26, v5;
	_ =	sdelay $0x1  }
0x39a: {  	v20 =	vadd.f32 v20, v59;
	v0 =	vadd.f32 v0, v5;
	_ =	sdelay $0x1  }
0x39b: {  	v5 =	vadd.f32 v19, v58;
	v0 =	vadd.f32 v20, v0;
	_ =	sdelay $0x1  }
0x39c: {  	v15 =	vadd.f32 v15, v57;
	v0 =	vadd.f32 v5, v0;
	_ =	sdelay $0x1  }
0x39d: {  	v5 =	vadd.f32 v14, v56;
	v0 =	vadd.f32 v15, v0;
	_ =	sdelay $0x1  }
0x39e: {  	v13 =	vadd.f32 v13, v53;
	v0 =	vadd.f32 v5, v0;
	_ =	sdelay $0x1  }
0x39f: {  	v5 =	vadd.f32 v63, v54;
	v0 =	vadd.f32 v13, v0;
	_ =	sdelay $0x1  }
0x3a0: {  	v13 =	vadd.f32 v60, v51;
	v0 =	vadd.f32 v5, v0;
	_ =	sdelay $0x1  }
0x3a1: {  	v5 =	vadd.f32 v55, v50;
	v0 =	vadd.f32 v13, v0;
	_ =	sdelay $0x1  }
0x3a2: {  	v13 =	vadd.f32 v52, v49;
	v0 =	vadd.f32 v5, v0;
	_ =	sdelay $0x1  }
0x3a3: {  	v5 =	vadd.f32 v47, v48;
	v0 =	vadd.f32 v13, v0;
	_ =	sdelay $0x1  }
0x3a4: {  	v13 =	vadd.f32 v45, v43;
	v0 =	vadd.f32 v5, v0  }
0x3a5: {  	v5 =	vld.idx.msk [tilespmem:v2+s2+$0x0], $0xffff  }
0x3a6: {  	v14 =	vadd.f32 v44, v46;
	v0 =	vadd.f32 v13, v0  }
0x3a7: {  	v13 =	vld.idx.msk [tilespmem:v3+s2+$0x0], $0xffff  }
0x3a8: {  	v0 =	vadd.f32 v14, v0  }
0x3a9: {  	v14 =	vld.idx.msk [tilespmem:v4+s2+$0x0], $0xffff  }
0x3aa: {  	v0 =	vadd.f32 v5, v0  }
0x3ab: {  	v5 =	vld.idx.msk [tilespmem:v6+s2+$0x0], $0xffff  }
0x3ac: {  	v0 =	vadd.f32 v13, v0  }
0x3ad: {  	v15 =	vld.idx.msk [tilespmem:v7+s2+$0x0], $0xffff  }
0x3ae: {  	v0 =	vadd.f32 v14, v0  }
0x3af: {  	v19 =	vld.idx.msk [tilespmem:v8+s2+$0x0], $0xffff  }
0x3b0: {  	v0 =	vadd.f32 v5, v0  }
0x3b1: {  	v20 =	vld.idx.msk [tilespmem:v9+s2+$0x0], $0xffff  }
0x3b2: {  	v0 =	vadd.f32 v15, v0  }
0x3b3: {  	v25 =	vld.idx.msk [tilespmem:v10+s2+$0x0], $0xffff  }
0x3b4: {  	v0 =	vadd.f32 v19, v0  }
0x3b5: {  	v26 =	vld.idx.msk [tilespmem:v11+s2+$0x0], $0xffff  }
0x3b6: {  	v0 =	vadd.f32 v20, v0  }
0x3b7: {  	v27 =	vld.idx.msk [tilespmem:v12+s2+$0x0], $0xffff  }
0x3b8: {  	v0 =	vadd.f32 v25, v0  }
0x3b9: {  	v28 =	vld.idx.msk [tilespmem:v16+s2+$0x0], $0xffff  }
0x3ba: {  	v0 =	vadd.f32 v26, v0  }
0x3bb: {  	v29 =	vld.idx.msk [tilespmem:v17+s2+$0x0], $0xffff  }
0x3bc: {  	v0 =	vadd.f32 v27, v0  }
0x3bd: {  	v30 =	vld.idx.msk [tilespmem:v18+s2+$0x0], $0xffff  }
0x3be: {  	v0 =	vadd.f32 v28, v0  }
0x3bf: {  	v31 =	vld.idx.msk [tilespmem:v21+s2+$0x0], $0xffff  }
0x3c0: {  	v0 =	vadd.f32 v29, v0  }
0x3c1: {  	v32 =	vld.idx.msk [tilespmem:v22+s2+$0x0], $0xffff  }
0x3c2: {  	v0 =	vadd.f32 v30, v0  }
0x3c3: {  	v46 =	vld.idx.msk [tilespmem:v23+s2+$0x0], $0xffff  }
0x3c4: {  	v0 =	vadd.f32 v31, v0;
	_ =	sdelay $0x1  }
0x3c5: {  	v0 =	vadd.f32 v32, v0;
	_ =	sdelay $0x1  }
0x3c6: {  	v0 =	vadd.f32 v46, v0;
	_ =	sdelay $0x1  }
0x3c7: {  	v13 =	vsel vm2, $0x0, v13;
	(xrf2) =	vadd.scan.msk.f32 $0xffff, v0  }
0x3c8: {  	v13 =	vadd.f32 $0.0e+00, v13  }
0x3c9: {  	v14 =	vsel vm0, $0x0, v14  }
0x3ca: {  	v13 =	vadd.f32 v14, v13  }
0x3cb: {  	v5 =	vsel vm1, $0x0, v5  }
0x3cc: {  	v5 =	vadd.f32 v5, v13  }
0x3cd: {  	v13 =	vsel vm3, $0x0, v15  }
0x3ce: {  	v5 =	vadd.f32 v13, v5  }
0x3cf: {  	s21 =	simm.s32 $0x0;
	v13 =	vsel vm4, $0x0, v19  }
0x3d0: {  	s22 =	simm.s32 $0x1;
	v5 =	vadd.f32 v13, v5;
	v13 =	vor.u32 s21, v1  }
0x3d1: {  	v14 =	vsel vm5, $0x0, v20;
	v19 =	vadd.s32 s22, v1;
	v15, _, _ =	vpop (xrf2)  }
0x3d2: {  	s23 =	simm.s32 $0x2;
	v5 =	vadd.f32 v14, v5;
	_ =	swait.ge [sflag:s18], $0x8080  }
0x3d3: {  	v20 =	vadd.s32 s23, v1;
	v14 =	vsel vm6, $0x0, v25;
	[sflag:s18] =	ssyncset.done $0x0  }
0x3d4: {  	s24 =	simm.s32 $0x3;
	v5 =	vadd.f32 v14, v5;
	[sflag:s18] =	ssyncadd.s32 $0xFFFF7F80  }
0x3d5: {  	v25 =	vadd.s32 s24, v1;
	v14 =	vsel vm7, $0x0, v26;
	v13 =	vld.idx.msk [tilespmem:v13+s2+$0x0], $0xffff  }
0x3d6: {  	s26 =	simm.s32 $0x4;
	v5 =	vadd.f32 v14, v5;
	v14 =	vld.idx.msk [tilespmem:v19+s2+$0x0], $0xffff  }
0x3d7: {  	v26 =	vadd.s32 s26, v1;
	v19 =	vsel vm8, $0x0, v27  }
0x3d8: {  	s0 =	simm.s32 $0x5;
	v5 =	vadd.f32 v19, v5;
	v19 =	vld.idx.msk [tilespmem:v20+s2+$0x0], $0xffff  }
0x3d9: {  	v27 =	vadd.s32 s0, v1;
	v20 =	vsel vm9, $0x0, v28  }
0x3da: {  	s1 =	simm.s32 $0x6;
	v5 =	vadd.f32 v20, v5;
	v20 =	vld.idx.msk [tilespmem:v25+s2+$0x0], $0xffff  }
0x3db: {  	v47 =	vadd.s32 s1, v1;
	v25 =	vsel vm10, $0x0, v29;
	v14 =	vadd.f32 v14, v13  }
0x3dc: {  	s29 =	simm.s32 $0x7;
	v5 =	vadd.f32 v25, v5;
	v25 =	vld.idx.msk [tilespmem:v26+s2+$0x0], $0xffff  }
0x3dd: {  	s3 =	simm.s32 $0x8;
	v48 =	vadd.s32 s29, v1;
	v26 =	vsel vm11, $0x0, v30;
	v19 =	vadd.f32 v19, v14  }
0x3de: {  	s10 =	simm.s32 $0xB;
	v50 =	vadd.s32 s3, v1;
	v5 =	vadd.f32 v26, v5;
	v26 =	vld.idx.msk [tilespmem:v27+s2+$0x0], $0xffff  }
0x3df: {  	s4 =	simm.s32 $0x9;
	v53 =	vlaneseq.u32;
	v51 =	vadd.s32 s10, v1;
	v20 =	vadd.f32 v20, v19  }
0x3e0: {  	s28 =	simm.s32 $0xE;
	vm12 =	veq.s32 v53, $0x0;
	v49 =	vsel vm13, $0x0, v31;
	v52 =	vadd.s32 s4, v1;
	v28 =	vld.idx.msk [tilespmem:v47+s2+$0x0], $0xffff  }
0x3e1: {  	s31 =	simm.s32 $0xC;
	v55 =	vadd.s32 s28, v1;
	v5 =	vadd.f32 v49, v5;
	v25 =	vadd.f32 v25, v20  }
0x3e2: {  	s25 =	simm.s32 $0xA;
	v32 =	vsel vm15, $0x0, v32;
	v43 =	vsub.f32 v15, v0;
	v15 =	vadd.s32 s31, v1;
	v29 =	vld.idx.msk [tilespmem:v48+s2+$0x0], $0xffff  }
0x3e3: {  	s20 =	simm.s32 $0xF;
	v31 =	vld.idx.msk [tilespmem:v50+s2+$0x0], $0xffff;
	v27 =	vadd.s32 s25, v1;
	v5 =	vadd.f32 v32, v5;
	v26 =	vadd.f32 v26, v25  }
0x3e4: {  	s30 =	simm.s32 $0xD;
	v54 =	vadd.s32 s20, v1;
	v35 =	vsel vm12, $0x0, v46;
	v0 =	vld.idx.msk [tilespmem:v51+s2+$0x0], $0xffff  }
0x3e5: {  	v56 =	vadd.s32 s30, v1;
	v36 =	vld.idx.msk [tilespmem:v52+s2+$0x0], $0xffff;
	v5 =	vadd.f32 v35, v5;
	v28 =	vadd.f32 v28, v26  }
0x3e6: {  	v57 =	vadd.s32 s21, v24;
	v44 =	vld.idx.msk [tilespmem:v55+s2+$0x0], $0xffff  }
0x3e7: {  	v15 =	vld.idx.msk [tilespmem:v15+s2+$0x0], $0xffff;
	v58 =	vadd.f32 v43, v5;
	v5 =	vadd.s32 s22, v24;
	v29 =	vadd.f32 v29, v28  }
0x3e8: {  	v59 =	vadd.s32 s23, v24;
	v27 =	vld.idx.msk [tilespmem:v27+s2+$0x0], $0xffff  }
0x3e9: {  	v60 =	vadd.s32 s24, v24;
	v32 =	vld.idx.msk [tilespmem:v54+s2+$0x0], $0xffff;
	v13 =	vadd.f32 v13, v58;
	v31 =	vadd.f32 v31, v29  }
0x3ea: {  	v61 =	vadd.s32 s26, v24;
	v35 =	vld.idx.msk [tilespmem:v56+s2+$0x0], $0xffff;
	v14 =	vadd.f32 v14, v58  }
0x3eb: {  	[tilespmem:v57+s16+$0x0] =	vst.idx.msk $0xffff, v13;
	v13 =	vadd.f32 v19, v58;
	v19 =	vadd.s32 s0, v24;
	v62 =	vadd.f32 v36, v31  }
0x3ec: {  	[tilespmem:v5+s16+$0x0] =	vst.idx.msk $0xffff, v14;
	v5 =	vadd.f32 v20, v58;
	v14 =	vadd.s32 s1, v24  }
0x3ed: {  	v20 =	vadd.s32 s29, v24;
	[tilespmem:v59+s16+$0x0] =	vst.idx.msk $0xffff, v13;
	v13 =	vadd.f32 v25, v58;
	v25 =	vadd.f32 v27, v62  }
0x3ee: {  	[tilespmem:v60+s16+$0x0] =	vst.idx.msk $0xffff, v5;
	v5 =	vadd.f32 v26, v58;
	v26 =	vadd.s32 s3, v24  }
0x3ef: {  	v27 =	vadd.f32 v28, v58;
	[tilespmem:v61+s16+$0x0] =	vst.idx.msk $0xffff, v13;
	v13 =	vadd.s32 s4, v24;
	v0 =	vadd.f32 v0, v25  }
0x3f0: {  	v63 =	vadd.f32 v29, v58;
	[tilespmem:v19+s16+$0x0] =	vst.idx.msk $0xffff, v5;
	v5 =	vadd.s32 s25, v24  }
0x3f1: {  	v19 =	vadd.s32 s10, v24;
	[tilespmem:v14+s16+$0x0] =	vst.idx.msk $0xffff, v27;
	v14 =	vadd.f32 v31, v58;
	v15 =	vadd.f32 v15, v0  }
0x3f2: {  	v27 =	vadd.f32 v62, v58;
	[tilespmem:v20+s16+$0x0] =	vst.idx.msk $0xffff, v63;
	v20 =	vadd.s32 s31, v24  }
0x3f3: {  	v25 =	vadd.f32 v25, v58;
	[tilespmem:v26+s16+$0x0] =	vst.idx.msk $0xffff, v14;
	v14 =	vadd.s32 s30, v24;
	v26 =	vadd.f32 v35, v15  }
0x3f4: {  	v0 =	vadd.f32 v0, v58;
	[tilespmem:v13+s16+$0x0] =	vst.idx.msk $0xffff, v27;
	v27 =	vadd.s32 s28, v24  }
0x3f5: {  	v13 =	vadd.f32 v15, v58;
	[tilespmem:v5+s16+$0x0] =	vst.idx.msk $0xffff, v25;
	v5 =	vadd.f32 v44, v26  }
0x3f6: {  	s30 =	simm.s32 $0x10;
	[tilespmem:v19+s16+$0x0] =	vst.idx.msk $0xffff, v0;
	v0 =	vadd.s32 s20, v24;
	v15 =	vadd.f32 v26, v58  }
0x3f7: {  	s31 =	simm.s32 $0x11;
	[tilespmem:v20+s16+$0x0] =	vst.idx.msk $0xffff, v13;
	v19 =	vadd.f32 v32, v5;
	v20 =	vadd.f32 v5, v58;
	v5 =	vor.u32 s30, v1  }
0x3f8: {  	s22 =	simm.s32 $0x12;
	v45 =	vadd.s32 s31, v24;
	v13 =	vadd.s32 s31, v1;
	[tilespmem:v14+s16+$0x0] =	vst.idx.msk $0xffff, v15  }
0x3f9: {  	s21 =	simm.s32 $0x2F;
	v46 =	vadd.s32 s30, v24;
	s20 =	simm.s32 $0x1F;
	v14 =	vadd.s32 s22, v1;
	[tilespmem:v27+s16+$0x0] =	vst.idx.msk $0xffff, v20;
	v44 =	vadd.f32 v19, v58  }
.LBB2_12:
0x3fa: {  	p1 =	sne.s32 s21, $0x7EF  }
0x3fb: {  	s26 =	sadd.s32 $0xFFFFFFF4, s20;
	[tilespmem:v0+s16+$0x0] =	vst.idx.msk $0xffff, v44;
	s23 =	smov.u32 s21;
	s21 =	sadd.s32 $0x10, s21  }
0x3fc: {  	v0 =	vld.idx.msk [tilespmem:v5+s2+$0x0], $0xffff;
	v5 =	vadd.s32 s26, v1  }
0x3fd: {  	s29 =	sadd.s32 $0xFFFFFFF5, s20;
	v13 =	vld.idx.msk [tilespmem:v13+s2+$0x0], $0xffff  }
0x3fe: {  	v15 =	vadd.s32 s29, v1  }
0x3ff: {  	s30 =	sadd.s32 $0xFFFFFFF6, s20;
	v14 =	vld.idx.msk [tilespmem:v14+s2+$0x0], $0xffff  }
0x400: {  	v19 =	vadd.s32 s30, v1  }
0x401: {  	s31 =	sadd.s32 $0xFFFFFFF7, s20;
	v5 =	vld.idx.msk [tilespmem:v5+s2+$0x0], $0xffff  }
0x402: {  	v20 =	vadd.s32 s31, v1;
	v25 =	vadd.f32 v0, v44  }
0x403: {  	s0 =	sadd.s32 $0xFFFFFFF8, s20;
	v0 =	vadd.f32 v13, v0;
	v15 =	vld.idx.msk [tilespmem:v15+s2+$0x0], $0xffff  }
0x404: {  	s25 =	sadd.s32 $0xFFFFFFFB, s20;
	v13 =	vadd.s32 s0, v1  }
0x405: {  	s1 =	sadd.s32 $0xFFFFFFF9, s20;
	v26 =	vadd.s32 s25, v1;
	v14 =	vadd.f32 v14, v0;
	v0 =	vadd.f32 v0, v44;
	v19 =	vld.idx.msk [tilespmem:v19+s2+$0x0], $0xffff  }
0x406: {  	s28 =	sadd.s32 $0xFFFFFFFC, s20;
	v27 =	vadd.s32 s1, v1  }
0x407: {  	s3 =	sadd.s32 $0xFFFFFFFA, s20;
	v28 =	vadd.s32 s28, v1;
	v5 =	vadd.f32 v5, v14;
	v20 =	vld.idx.msk [tilespmem:v20+s2+$0x0], $0xffff  }
0x408: {  	v29 =	vadd.s32 s3, v1  }
0x409: {  	s24 =	sadd.s32 $0xFFFFFFFF, s20;
	v30 =	vadd.s32 s20, v1;
	v15 =	vadd.f32 v15, v5;
	v13 =	vld.idx.msk [tilespmem:v13+s2+$0x0], $0xffff  }
0x40a: {  	s10 =	sadd.s32 $0xFFFFFFFE, s20;
	v31 =	vadd.s32 s24, v1;
	v26 =	vld.idx.msk [tilespmem:v26+s2+$0x0], $0xffff  }
0x40b: {  	s4 =	sadd.s32 $0xFFFFFFFD, s20;
	v32 =	vadd.s32 s10, v1;
	v19 =	vadd.f32 v19, v15;
	v27 =	vld.idx.msk [tilespmem:v27+s2+$0x0], $0xffff  }
0x40c: {  	v35 =	vadd.s32 s4, v1;
	v28 =	vld.idx.msk [tilespmem:v28+s2+$0x0], $0xffff  }
0x40d: {  	v20 =	vadd.f32 v20, v19;
	v29 =	vld.idx.msk [tilespmem:v29+s2+$0x0], $0xffff  }
0x40e: {  	v30 =	vld.idx.msk [tilespmem:v30+s2+$0x0], $0xffff  }
0x40f: {  	v36 =	vadd.s32 s22, v24;
	v13 =	vadd.f32 v13, v20;
	v20 =	vadd.f32 v20, v44;
	v31 =	vld.idx.msk [tilespmem:v31+s2+$0x0], $0xffff  }
0x410: {  	v47 =	vadd.s32 s26, v24;
	v32 =	vld.idx.msk [tilespmem:v32+s2+$0x0], $0xffff  }
0x411: {  	v48 =	vadd.s32 s29, v24;
	v27 =	vadd.f32 v27, v13;
	v13 =	vadd.f32 v13, v44;
	v35 =	vld.idx.msk [tilespmem:v35+s2+$0x0], $0xffff  }
0x412: {  	v14 =	vadd.f32 v14, v44;
	[tilespmem:v46+s16+$0x0] =	vst.idx.msk $0xffff, v25;
	v25 =	vadd.s32 s30, v24  }
0x413: {  	v29 =	vadd.f32 v29, v27;
	[tilespmem:v45+s16+$0x0] =	vst.idx.msk $0xffff, v0;
	v0 =	vadd.f32 v5, v44;
	v5 =	vadd.s32 s31, v24  }
0x414: {  	[tilespmem:v36+s16+$0x0] =	vst.idx.msk $0xffff, v14;
	v14 =	vadd.f32 v15, v44;
	v15 =	vadd.s32 s0, v24  }
0x415: {  	v26 =	vadd.f32 v26, v29;
	[tilespmem:v47+s16+$0x0] =	vst.idx.msk $0xffff, v0;
	v0 =	vadd.f32 v19, v44;
	v19 =	vadd.s32 s1, v24  }
0x416: {  	[tilespmem:v48+s16+$0x0] =	vst.idx.msk $0xffff, v14;
	v14 =	vadd.s32 s3, v24  }
0x417: {  	v28 =	vadd.f32 v28, v26;
	[tilespmem:v25+s16+$0x0] =	vst.idx.msk $0xffff, v0;
	v0 =	vadd.s32 s25, v24;
	v25 =	vadd.f32 v26, v44  }
0x418: {  	v26 =	vadd.s32 s28, v24;
	[tilespmem:v5+s16+$0x0] =	vst.idx.msk $0xffff, v20;
	v5 =	vadd.f32 v27, v44;
	v20 =	vadd.f32 v29, v44  }
0x419: {  	v27 =	vadd.f32 v35, v28;
	[tilespmem:v15+s16+$0x0] =	vst.idx.msk $0xffff, v13;
	v13 =	vadd.f32 v28, v44;
	v15 =	vadd.s32 s4, v24  }
0x41a: {  	[tilespmem:v19+s16+$0x0] =	vst.idx.msk $0xffff, v5;
	v19 =	vadd.s32 s10, v24  }
0x41b: {  	v5 =	vadd.f32 v32, v27;
	[tilespmem:v14+s16+$0x0] =	vst.idx.msk $0xffff, v20;
	v14 =	vadd.f32 v27, v44  }
0x41c: {  	v20 =	vadd.s32 s24, v24;
	[tilespmem:v0+s16+$0x0] =	vst.idx.msk $0xffff, v25  }
0x41d: {  	v25 =	vadd.f32 v31, v5;
	[tilespmem:v26+s16+$0x0] =	vst.idx.msk $0xffff, v13;
	v13 =	vadd.f32 v5, v44  }
.Ltmp7:
0x41e: {  	s0 =	sadd.s32 $0xFFFFFFF1, s23;
	v0 =	vadd.s32 s20, v24;
	s20 =	smov.u32 s23;
	[tilespmem:v15+s16+$0x0] =	vst.idx.msk $0xffff, v14;
	(pc) =	sbr.rel @p1 .LBB2_12-.Ltmp7, $4  }
0x41f: {  	v5 =	vor.u32 s0, v1;
	s1 =	sadd.s32 $0xFFFFFFF2, s20;
	v14 =	vadd.f32 v30, v25;
	v15 =	vadd.f32 v25, v44;
	[tilespmem:v19+s16+$0x0] =	vst.idx.msk $0xffff, v13  }
0x420: {  	v46 =	vadd.s32 s0, v24;
	v45 =	vadd.s32 s1, v24;
	v13 =	vadd.s32 s1, v1  }
0x421: {  	s22 =	sadd.s32 $0xFFFFFFF3, s20;
	v44 =	vadd.f32 v14, v44;
	[tilespmem:v20+s16+$0x0] =	vst.idx.msk $0xffff, v15  }
0x422: {  	v14 =	vadd.s32 s22, v1  }
0x423: {  	_ =	sdelay $0x3  }
0x424: {  	s0 =	sadd.s32 $0xFFFFFFF4, s20;
	[tilespmem:v0+s16+$0x0] =	vst.idx.msk $0xffff, v44  }
0x425: {  	v0 =	vld.idx.msk [tilespmem:v5+s2+$0x0], $0xffff;
	v5 =	vadd.s32 s0, v1  }
0x426: {  	s1 =	sadd.s32 $0xFFFFFFF5, s20;
	v13 =	vld.idx.msk [tilespmem:v13+s2+$0x0], $0xffff  }
0x427: {  	v15 =	vadd.s32 s1, v1  }
0x428: {  	s3 =	sadd.s32 $0xFFFFFFF6, s20;
	v14 =	vld.idx.msk [tilespmem:v14+s2+$0x0], $0xffff  }
0x429: {  	v19 =	vadd.s32 s3, v1  }
0x42a: {  	s4 =	sadd.s32 $0xFFFFFFF7, s20;
	v5 =	vld.idx.msk [tilespmem:v5+s2+$0x0], $0xffff  }
0x42b: {  	v20 =	vadd.s32 s4, v1;
	v13 =	vadd.f32 v13, v0  }
0x42c: {  	s10 =	sadd.s32 $0xFFFFFFF8, s20;
	v15 =	vld.idx.msk [tilespmem:v15+s2+$0x0], $0xffff  }
0x42d: {  	v25 =	vadd.s32 s10, v1;
	v14 =	vadd.f32 v14, v13  }
0x42e: {  	s21 =	sadd.s32 $0xFFFFFFF9, s20;
	v19 =	vld.idx.msk [tilespmem:v19+s2+$0x0], $0xffff  }
0x42f: {  	v26 =	vadd.s32 s21, v1;
	v5 =	vadd.f32 v5, v14  }
0x430: {  	s24 =	sadd.s32 $0xFFFFFFFA, s20;
	v20 =	vld.idx.msk [tilespmem:v20+s2+$0x0], $0xffff  }
0x431: {  	v28 =	vadd.s32 s24, v1;
	v15 =	vadd.f32 v15, v5  }
0x432: {  	s23 =	sadd.s32 $0xFFFFFFFB, s20;
	v30 =	vadd.s32 s20, v1;
	v25 =	vld.idx.msk [tilespmem:v25+s2+$0x0], $0xffff  }
0x433: {  	s25 =	sadd.s32 $0xFFFFFFFC, s20;
	v27 =	vadd.s32 s23, v1;
	v19 =	vadd.f32 v19, v15  }
0x434: {  	s26 =	sadd.s32 $0xFFFFFFFF, s20;
	v29 =	vadd.s32 s25, v1;
	v26 =	vld.idx.msk [tilespmem:v26+s2+$0x0], $0xffff  }
0x435: {  	s28 =	sadd.s32 $0xFFFFFFFE, s20;
	v31 =	vadd.s32 s26, v1;
	v20 =	vadd.f32 v20, v19  }
0x436: {  	s29 =	sadd.s32 $0xFFFFFFFD, s20;
	v32 =	vadd.s32 s28, v1;
	v28 =	vld.idx.msk [tilespmem:v28+s2+$0x0], $0xffff  }
0x437: {  	v35 =	vadd.s32 s29, v1;
	v30 =	vld.idx.msk [tilespmem:v30+s2+$0x0], $0xffff;
	v25 =	vadd.f32 v25, v20  }
0x438: {  	v27 =	vld.idx.msk [tilespmem:v27+s2+$0x0], $0xffff  }
0x439: {  	v36 =	vadd.s32 s22, v24;
	v29 =	vld.idx.msk [tilespmem:v29+s2+$0x0], $0xffff;
	v26 =	vadd.f32 v26, v25  }
0x43a: {  	v47 =	vadd.s32 s0, v24;
	v31 =	vld.idx.msk [tilespmem:v31+s2+$0x0], $0xffff;
	v0 =	vadd.f32 v0, v44  }
0x43b: {  	v48 =	vadd.s32 s1, v24;
	v32 =	vld.idx.msk [tilespmem:v32+s2+$0x0], $0xffff;
	v13 =	vadd.f32 v13, v44;
	v28 =	vadd.f32 v28, v26  }
0x43c: {  	v35 =	vld.idx.msk [tilespmem:v35+s2+$0x0], $0xffff;
	[tilespmem:v46+s16+$0x0] =	vst.idx.msk $0xffff, v0;
	v0 =	vadd.f32 v14, v44;
	v14 =	vadd.s32 s3, v24  }
0x43d: {  	[tilespmem:v45+s16+$0x0] =	vst.idx.msk $0xffff, v13;
	v13 =	vadd.s32 s4, v24;
	v5 =	vadd.f32 v5, v44;
	v27 =	vadd.f32 v27, v28  }
0x43e: {  	[tilespmem:v36+s16+$0x0] =	vst.idx.msk $0xffff, v0;
	v0 =	vadd.f32 v15, v44;
	v15 =	vadd.s32 s10, v24  }
0x43f: {  	[tilespmem:v47+s16+$0x0] =	vst.idx.msk $0xffff, v5;
	v5 =	vadd.f32 v19, v44;
	v19 =	vadd.s32 s21, v24;
	v29 =	vadd.f32 v29, v27  }
0x440: {  	[tilespmem:v48+s16+$0x0] =	vst.idx.msk $0xffff, v0;
	v0 =	vadd.s32 s24, v24;
	v20 =	vadd.f32 v20, v44  }
0x441: {  	[tilespmem:v14+s16+$0x0] =	vst.idx.msk $0xffff, v5;
	v5 =	vadd.s32 s23, v24;
	v25 =	vadd.f32 v25, v44;
	v14 =	vadd.f32 v35, v29  }
0x442: {  	[tilespmem:v13+s16+$0x0] =	vst.idx.msk $0xffff, v20;
	v20 =	vadd.s32 s25, v24;
	v13 =	vadd.f32 v26, v44  }
0x443: {  	[tilespmem:v15+s16+$0x0] =	vst.idx.msk $0xffff, v25;
	v15 =	vadd.s32 s29, v24;
	v26 =	vadd.f32 v28, v44;
	v25 =	vadd.f32 v32, v14  }
0x444: {  	[tilespmem:v19+s16+$0x0] =	vst.idx.msk $0xffff, v13;
	v13 =	vadd.s32 s28, v24;
	v27 =	vadd.f32 v27, v44  }
0x445: {  	[tilespmem:v0+s16+$0x0] =	vst.idx.msk $0xffff, v26;
	v0 =	vadd.s32 s26, v24;
	v19 =	vadd.f32 v29, v44;
	v26 =	vadd.f32 v31, v25  }
0x446: {  	[tilespmem:v5+s16+$0x0] =	vst.idx.msk $0xffff, v27;
	v5 =	vadd.s32 s20, v24;
	v14 =	vadd.f32 v14, v44  }
0x447: {  	[tilespmem:v20+s16+$0x0] =	vst.idx.msk $0xffff, v19;
	v19 =	vadd.f32 v25, v44;
	v20 =	vadd.f32 v30, v26  }
0x448: {  	[tilespmem:v15+s16+$0x0] =	vst.idx.msk $0xffff, v14;
	v14 =	vadd.f32 v26, v44  }
0x449: {  	[tilespmem:v13+s16+$0x0] =	vst.idx.msk $0xffff, v19;
	v13 =	vadd.f32 v20, v44  }
0x44a: {  	[tilespmem:v0+s16+$0x0] =	vst.idx.msk $0xffff, v14  }
0x44b: {  	[tilespmem:v5+s16+$0x0] =	vst.idx.msk $0xffff, v13;
	v5 =	vld [tilespmem:$0x1FEC0]  }
0x44c: {  	v0 =	vld.idx.msk [tilespmem:v2+s2+$0x0], $0xffff;
	_ =	sdelay $0x4  }
0x44d: {  	v0 =	vadd.f32 v0, v13;
	_ =	sdelay $0x1  }
0x44e: {  	[tilespmem:v5+s16+$0x0] =	vst.idx.msk $0xffff, v0  }
0x44f: {  	v5 =	vld.idx.msk [tilespmem:v3+s2+$0x0], $0xffff;
	_ =	sdelay $0x3  }
0x450: {  	v0 =	vsel vm2, v0, v43  }
0x451: {  	v0 =	vadd.f32 v5, v0;
	v5 =	vld [tilespmem:$0x1FED0];
	_ =	sdelay $0x7  }
0x452: {  	[tilespmem:v5+s16+$0x0] =	vst.idx.msk $0xffff, v0  }
0x453: {  	v5 =	vld.idx.msk [tilespmem:v4+s2+$0x0], $0xffff;
	_ =	sdelay $0x2  }
0x454: {  	vm12 =	vcmask $0x373C  }
0x455: {  	v0 =	vsel vm12, v0, v43  }
0x456: {  	v0 =	vadd.f32 v5, v0;
	v5 =	vld [tilespmem:$0x1FEE0];
	_ =	sdelay $0x7  }
0x457: {  	[tilespmem:v5+s16+$0x0] =	vst.idx.msk $0xffff, v0  }
0x458: {  	v5 =	vld.idx.msk [tilespmem:v6+s2+$0x0], $0xffff;
	_ =	sdelay $0x2  }
0x459: {  	vm12 =	vcmask $0x3338  }
0x45a: {  	v0 =	vsel vm12, v0, v43  }
0x45b: {  	v0 =	vadd.f32 v5, v0;
	v5 =	vld [tilespmem:$0x1FEF0];
	_ =	sdelay $0x7  }
0x45c: {  	[tilespmem:v5+s16+$0x0] =	vst.idx.msk $0xffff, v0  }
0x45d: {  	v5 =	vld.idx.msk [tilespmem:v7+s2+$0x0], $0xffff;
	_ =	sdelay $0x2  }
0x45e: {  	vm12 =	vcmask $0x2F34  }
0x45f: {  	v0 =	vsel vm12, v0, v43  }
0x460: {  	v0 =	vadd.f32 v5, v0;
	v5 =	vld [tilespmem:$0x1FF00];
	_ =	sdelay $0x7  }
0x461: {  	[tilespmem:v5+s16+$0x0] =	vst.idx.msk $0xffff, v0  }
0x462: {  	v5 =	vld.idx.msk [tilespmem:v8+s2+$0x0], $0xffff;
	_ =	sdelay $0x2  }
0x463: {  	vm12 =	vcmask $0x2B30  }
0x464: {  	v0 =	vsel vm12, v0, v43  }
0x465: {  	v0 =	vadd.f32 v5, v0;
	v5 =	vld [tilespmem:$0x1FF10];
	_ =	sdelay $0x7  }
0x466: {  	[tilespmem:v5+s16+$0x0] =	vst.idx.msk $0xffff, v0  }
0x467: {  	v5 =	vld.idx.msk [tilespmem:v9+s2+$0x0], $0xffff;
	_ =	sdelay $0x2  }
0x468: {  	vm12 =	vcmask $0x272C  }
0x469: {  	v0 =	vsel vm12, v0, v43  }
0x46a: {  	v0 =	vadd.f32 v5, v0;
	v5 =	vld [tilespmem:$0x1FF20];
	_ =	sdelay $0x7  }
0x46b: {  	[tilespmem:v5+s16+$0x0] =	vst.idx.msk $0xffff, v0  }
0x46c: {  	v5 =	vld.idx.msk [tilespmem:v10+s2+$0x0], $0xffff;
	_ =	sdelay $0x2  }
0x46d: {  	vm12 =	vcmask $0x2328  }
0x46e: {  	v0 =	vsel vm12, v0, v43  }
0x46f: {  	v0 =	vadd.f32 v5, v0;
	v5 =	vld [tilespmem:$0x1FF30];
	_ =	sdelay $0x7  }
0x470: {  	[tilespmem:v5+s16+$0x0] =	vst.idx.msk $0xffff, v0  }
0x471: {  	v5 =	vld.idx.msk [tilespmem:v11+s2+$0x0], $0xffff;
	_ =	sdelay $0x2  }
0x472: {  	vm12 =	vcmask $0x1F24  }
0x473: {  	v0 =	vsel vm12, v0, v43  }
0x474: {  	v0 =	vadd.f32 v5, v0;
	_ =	sdelay $0x1  }
0x475: {  	[tilespmem:v33+s16+$0x0] =	vst.idx.msk $0xffff, v0  }
0x476: {  	v5 =	vld.idx.msk [tilespmem:v12+s2+$0x0], $0xffff;
	_ =	sdelay $0x2  }
0x477: {  	vm12 =	vcmask $0x1B20  }
0x478: {  	v0 =	vsel vm12, v0, v43  }
0x479: {  	v0 =	vadd.f32 v5, v0;
	_ =	sdelay $0x1  }
0x47a: {  	[tilespmem:v37+s16+$0x0] =	vst.idx.msk $0xffff, v0  }
0x47b: {  	v5 =	vld.idx.msk [tilespmem:v16+s2+$0x0], $0xffff;
	_ =	sdelay $0x2  }
0x47c: {  	vm12 =	vcmask $0x171C  }
0x47d: {  	v0 =	vsel vm12, v0, v43  }
0x47e: {  	v0 =	vadd.f32 v5, v0;
	_ =	sdelay $0x1  }
0x47f: {  	[tilespmem:v38+s16+$0x0] =	vst.idx.msk $0xffff, v0  }
0x480: {  	v5 =	vld.idx.msk [tilespmem:v17+s2+$0x0], $0xffff;
	_ =	sdelay $0x2  }
0x481: {  	vm12 =	vcmask $0x1318  }
0x482: {  	v0 =	vsel vm12, v0, v43  }
0x483: {  	v0 =	vadd.f32 v5, v0;
	_ =	sdelay $0x1  }
0x484: {  	[tilespmem:v39+s16+$0x0] =	vst.idx.msk $0xffff, v0  }
0x485: {  	v5 =	vld.idx.msk [tilespmem:v18+s2+$0x0], $0xffff;
	_ =	sdelay $0x2  }
0x486: {  	vm12 =	vcmask $0xF14  }
0x487: {  	v0 =	vsel vm12, v0, v43  }
0x488: {  	v0 =	vadd.f32 v5, v0;
	_ =	sdelay $0x1  }
0x489: {  	[tilespmem:v40+s16+$0x0] =	vst.idx.msk $0xffff, v0  }
0x48a: {  	v5 =	vld.idx.msk [tilespmem:v21+s2+$0x0], $0xffff;
	_ =	sdelay $0x2  }
0x48b: {  	vm12 =	vcmask $0xB10  }
0x48c: {  	v0 =	vsel vm12, v0, v43  }
0x48d: {  	v0 =	vadd.f32 v5, v0;
	_ =	sdelay $0x1  }
0x48e: {  	[tilespmem:v41+s16+$0x0] =	vst.idx.msk $0xffff, v0  }
0x48f: {  	v5 =	vld.idx.msk [tilespmem:v22+s2+$0x0], $0xffff;
	_ =	sdelay $0x2  }
0x490: {  	vm12 =	vcmask $0x70C  }
0x491: {  	v0 =	vsel vm12, v0, v43  }
0x492: {  	v0 =	vadd.f32 v5, v0;
	_ =	sdelay $0x1  }
0x493: {  	[tilespmem:v42+s16+$0x0] =	vst.idx.msk $0xffff, v0  }
0x494: {  	v5 =	vld.idx.msk [tilespmem:v23+s2+$0x0], $0xffff;
	_ =	sdelay $0x2  }
0x495: {  	vm12 =	vcmask $0x308  }
0x496: {  	v0 =	vsel vm12, v0, v43  }
0x497: {  	v0 =	vadd.f32 v5, v0;
	_ =	sdelay $0x1  }
0x498: {  	[tilespmem:v34+s16+$0x0] =	vst.idx.msk $0xffff, v0;
	v0 =	vimm.s32 $0x0;
	_ =	sdelay $0x3  }
0x499: {  	v43 =	vimm.f32 $0.0e+00  }
.Ltmp8:
0x49a: {  	[tilespmem:v0+s16+$0x0] =	vst.idx.msk $0x1, v43;
	(pc) =	sbr.rel @p0 .LBB2_19-.Ltmp8, $4  }
0x49b: {  	[hbm4b:s9+s12] =	stream.strided.scatter [tilespmem:s16], [sflag:$0x3], $0x8080, s13, s12, $0x38;
	[tilespmem:$0x18080] =	vst v63  }
0x49c: {  	_ =	swait.ge [sflag:s17], $0x8000  }
0x49d: {  	[sflag:s17] =	ssyncset.done $0x0  }
0x49e: {  	s0 =	simm.s32 $0xF;
	[sflag:s17] =	ssyncadd.s32 $0xFFFF8000  }
0x49f: {  	s1 =	sadd.s32 $0xFFFFFFFF, s0;
	v0 =	vadd.s32 s0, v1  }
0x4a0: {  	s3 =	sadd.s32 $0xFFFFFFFE, s0;
	v5 =	vadd.s32 s1, v1  }
0x4a1: {  	s20 =	sadd.s32 $0xFFFFFFFD, s0;
	v13 =	vadd.s32 s3, v1  }
0x4a2: {  	s21 =	sadd.s32 $0xFFFFFFFC, s0;
	v14 =	vadd.s32 s20, v1  }
0x4a3: {  	s22 =	sadd.s32 $0xFFFFFFFB, s0;
	v15 =	vadd.s32 s21, v1  }
0x4a4: {  	s23 =	sadd.s32 $0xFFFFFFFA, s0;
	v26 =	vadd.s32 s22, v1;
	v44 =	vld.idx.msk [tilespmem:v0+s15+$0x0], $0xffff  }
0x4a5: {  	s25 =	sadd.s32 $0xFFFFFFF8, s0;
	v27 =	vadd.s32 s23, v1;
	v45 =	vld.idx.msk [tilespmem:v5+s15+$0x0], $0xffff  }
0x4a6: {  	s26 =	sadd.s32 $0xFFFFFFF7, s0;
	v46 =	vimm.f32 $0.0e+00;
	v28 =	vadd.s32 s25, v1;
	v47 =	vld.idx.msk [tilespmem:v13+s15+$0x0], $0xffff  }
0x4a7: {  	s24 =	sadd.s32 $0xFFFFFFF9, s0;
	v49 =	vimm.f32 $0.0e+00;
	v48 =	vimm.f32 $0.0e+00;
	v29 =	vadd.s32 s26, v1;
	v52 =	vld.idx.msk [tilespmem:v14+s15+$0x0], $0xffff  }
0x4a8: {  	s28 =	sadd.s32 $0xFFFFFFF6, s0;
	v51 =	vimm.f32 $0.0e+00;
	v50 =	vimm.f32 $0.0e+00;
	v5 =	vadd.s32 s24, v1;
	v55 =	vld.idx.msk [tilespmem:v15+s15+$0x0], $0xffff  }
0x4a9: {  	s4 =	sadd.s32 $0xFFFFFFF5, s0;
	v53 =	vimm.f32 $0.0e+00;
	v54 =	vimm.f32 $0.0e+00;
	v19 =	vadd.s32 s28, v1;
	v60 =	vld.idx.msk [tilespmem:v26+s15+$0x0], $0xffff  }
0x4aa: {  	s29 =	sadd.s32 $0xFFFFFFF4, s0;
	v57 =	vimm.f32 $0.0e+00;
	v56 =	vimm.f32 $0.0e+00;
	v20 =	vadd.s32 s4, v1;
	v63 =	vld.idx.msk [tilespmem:v27+s15+$0x0], $0xffff  }
0x4ab: {  	s30 =	sadd.s32 $0xFFFFFFF3, s0;
	v59 =	vimm.f32 $0.0e+00;
	v58 =	vimm.f32 $0.0e+00;
	v0 =	vadd.s32 s29, v1;
	v14 =	vld.idx.msk [tilespmem:v28+s15+$0x0], $0xffff  }
0x4ac: {  	s31 =	sadd.s32 $0xFFFFFFF2, s0;
	v61 =	vimm.f32 $0.0e+00;
	v62 =	vimm.f32 $0.0e+00;
	v35 =	vadd.s32 s30, v1;
	v15 =	vld.idx.msk [tilespmem:v29+s15+$0x0], $0xffff  }
0x4ad: {  	v36 =	vimm.f32 $0.0e+00;
	v25 =	vadd.s32 s31, v1;
	s1 =	sadd.s32 $0xFFFFFFF1, s0;
	s20 =	sadd.s32 $0x10, s0;
	v13 =	vld.idx.msk [tilespmem:v5+s15+$0x0], $0xffff;
	v5 =	vimm.f32 $0.0e+00  }
.LBB2_15:
0x4ae: {  	p1 =	sne.s32 s20, $0x7EF;
	v26 =	vor.u32 s1, v1;
	v19 =	vld.idx.msk [tilespmem:v19+s15+$0x0], $0xffff  }
0x4af: {  	s0 =	sadd.s32 $0xFFFFFFFF, s20;
	v27 =	vadd.s32 s20, v1;
	v20 =	vld.idx.msk [tilespmem:v20+s15+$0x0], $0xffff  }
0x4b0: {  	s1 =	sadd.s32 $0xFFFFFFFE, s20;
	v28 =	vadd.s32 s0, v1;
	v0 =	vld.idx.msk [tilespmem:v0+s15+$0x0], $0xffff  }
0x4b1: {  	s0 =	sadd.s32 $0xFFFFFFFD, s20;
	v29 =	vadd.s32 s1, v1;
	v30 =	vld.idx.msk [tilespmem:v35+s15+$0x0], $0xffff  }
0x4b2: {  	v43 =	vadd.f32 v45, v43;
	v46 =	vadd.f32 v44, v46;
	s1 =	sadd.s32 $0xFFFFFFFC, s20;
	v31 =	vadd.s32 s0, v1;
	v25 =	vld.idx.msk [tilespmem:v25+s15+$0x0], $0xffff  }
0x4b3: {  	v49 =	vadd.f32 v52, v49;
	v48 =	vadd.f32 v47, v48;
	s0 =	sadd.s32 $0xFFFFFFFB, s20;
	v32 =	vadd.s32 s1, v1;
	v26 =	vld.idx.msk [tilespmem:v26+s15+$0x0], $0xffff  }
0x4b4: {  	v51 =	vadd.f32 v60, v51;
	v50 =	vadd.f32 v55, v50;
	s1 =	sadd.s32 $0xFFFFFFFA, s20;
	v35 =	vadd.s32 s0, v1;
	v44 =	vld.idx.msk [tilespmem:v27+s15+$0x0], $0xffff  }
0x4b5: {  	v54 =	vadd.f32 v63, v54;
	v53 =	vadd.f32 v13, v53;
	s0 =	sadd.s32 $0xFFFFFFF9, s20;
	v27 =	vadd.s32 s1, v1;
	v45 =	vld.idx.msk [tilespmem:v28+s15+$0x0], $0xffff  }
0x4b6: {  	v56 =	vadd.f32 v14, v56;
	v13 =	vadd.s32 s0, v1;
	v57 =	vadd.f32 v15, v57;
	s1 =	sadd.s32 $0xFFFFFFF8, s20;
	v47 =	vld.idx.msk [tilespmem:v29+s15+$0x0], $0xffff  }
0x4b7: {  	s0 =	sadd.s32 $0xFFFFFFF7, s20;
	v58 =	vadd.f32 v19, v58;
	v59 =	vadd.f32 v20, v59;
	v14 =	vadd.s32 s1, v1;
	v52 =	vld.idx.msk [tilespmem:v31+s15+$0x0], $0xffff  }
0x4b8: {  	v15 =	vadd.s32 s0, v1;
	s1 =	sadd.s32 $0xFFFFFFF6, s20;
	v62 =	vadd.f32 v0, v62;
	v61 =	vadd.f32 v30, v61;
	v55 =	vld.idx.msk [tilespmem:v32+s15+$0x0], $0xffff  }
.Ltmp9:
0x4b9: {  	s0 =	sadd.s32 $0xFFFFFFF5, s20;
	v19 =	vadd.s32 s1, v1;
	v36 =	vadd.f32 v25, v36;
	v5 =	vadd.f32 v26, v5;
	v60 =	vld.idx.msk [tilespmem:v35+s15+$0x0], $0xffff;
	(pc) =	sbr.rel @p1 .LBB2_15-.Ltmp9, $4  }
0x4ba: {  	v20 =	vadd.s32 s0, v1;
	s1 =	sadd.s32 $0xFFFFFFF4, s20;
	v63 =	vld.idx.msk [tilespmem:v27+s15+$0x0], $0xffff  }
0x4bb: {  	s0 =	sadd.s32 $0xFFFFFFF3, s20;
	v0 =	vadd.s32 s1, v1;
	v13 =	vld.idx.msk [tilespmem:v13+s15+$0x0], $0xffff  }
0x4bc: {  	s3 =	sadd.s32 $0xFFFFFFF2, s20;
	v35 =	vadd.s32 s0, v1;
	v14 =	vld.idx.msk [tilespmem:v14+s15+$0x0], $0xffff  }
0x4bd: {  	s1 =	sadd.s32 $0xFFFFFFF1, s20;
	v25 =	vadd.s32 s3, v1;
	s20 =	sadd.s32 $0x10, s20;
	v15 =	vld.idx.msk [tilespmem:v15+s15+$0x0], $0xffff  }
0x4be: {  	v26 =	vor.u32 s1, v1;
	_ =	sdelay $0x3  }
0x4bf: {  	v25 =	vld.idx.msk [tilespmem:v25+s15+$0x0], $0xffff  }
0x4c0: {  	v26 =	vld.idx.msk [tilespmem:v26+s15+$0x0], $0xffff;
	_ =	sdelay $0x1  }
0x4c1: {  	v27 =	vld.idx.msk [tilespmem:v35+s15+$0x0], $0xffff;
	_ =	sdelay $0x1  }
0x4c2: {  	v0 =	vld.idx.msk [tilespmem:v0+s15+$0x0], $0xffff  }
0x4c3: {  	v25 =	vadd.f32 v25, v36;
	v5 =	vadd.f32 v26, v5  }
0x4c4: {  	v20 =	vld.idx.msk [tilespmem:v20+s15+$0x0], $0xffff  }
0x4c5: {  	v26 =	vadd.f32 v27, v61;
	v5 =	vadd.f32 v25, v5  }
0x4c6: {  	v19 =	vld.idx.msk [tilespmem:v19+s15+$0x0], $0xffff  }
0x4c7: {  	v0 =	vadd.f32 v0, v62;
	v5 =	vadd.f32 v26, v5;
	_ =	sdelay $0x1  }
0x4c8: {  	v20 =	vadd.f32 v20, v59;
	v0 =	vadd.f32 v0, v5;
	_ =	sdelay $0x1  }
0x4c9: {  	v5 =	vadd.f32 v19, v58;
	v0 =	vadd.f32 v20, v0;
	_ =	sdelay $0x1  }
0x4ca: {  	v15 =	vadd.f32 v15, v57;
	v0 =	vadd.f32 v5, v0;
	_ =	sdelay $0x1  }
0x4cb: {  	v5 =	vadd.f32 v14, v56;
	v0 =	vadd.f32 v15, v0;
	_ =	sdelay $0x1  }
0x4cc: {  	v13 =	vadd.f32 v13, v53;
	v0 =	vadd.f32 v5, v0;
	_ =	sdelay $0x1  }
0x4cd: {  	v5 =	vadd.f32 v63, v54;
	v0 =	vadd.f32 v13, v0;
	_ =	sdelay $0x1  }
0x4ce: {  	v13 =	vadd.f32 v60, v51;
	v0 =	vadd.f32 v5, v0;
	_ =	sdelay $0x1  }
0x4cf: {  	v5 =	vadd.f32 v55, v50;
	v0 =	vadd.f32 v13, v0;
	_ =	sdelay $0x1  }
0x4d0: {  	v13 =	vadd.f32 v52, v49;
	v0 =	vadd.f32 v5, v0;
	_ =	sdelay $0x1  }
0x4d1: {  	v5 =	vadd.f32 v47, v48;
	v0 =	vadd.f32 v13, v0;
	_ =	sdelay $0x1  }
0x4d2: {  	v13 =	vadd.f32 v45, v43;
	v0 =	vadd.f32 v5, v0  }
0x4d3: {  	v5 =	vld.idx.msk [tilespmem:v2+s15+$0x0], $0xffff  }
0x4d4: {  	v14 =	vadd.f32 v44, v46;
	v0 =	vadd.f32 v13, v0  }
0x4d5: {  	v13 =	vld.idx.msk [tilespmem:v3+s15+$0x0], $0xffff  }
0x4d6: {  	v0 =	vadd.f32 v14, v0  }
0x4d7: {  	v14 =	vld.idx.msk [tilespmem:v4+s15+$0x0], $0xffff  }
0x4d8: {  	v0 =	vadd.f32 v5, v0  }
0x4d9: {  	v5 =	vld.idx.msk [tilespmem:v6+s15+$0x0], $0xffff  }
0x4da: {  	v0 =	vadd.f32 v13, v0  }
0x4db: {  	v15 =	vld.idx.msk [tilespmem:v7+s15+$0x0], $0xffff  }
0x4dc: {  	v0 =	vadd.f32 v14, v0  }
0x4dd: {  	v19 =	vld.idx.msk [tilespmem:v8+s15+$0x0], $0xffff  }
0x4de: {  	v0 =	vadd.f32 v5, v0  }
0x4df: {  	v20 =	vld.idx.msk [tilespmem:v9+s15+$0x0], $0xffff  }
0x4e0: {  	v0 =	vadd.f32 v15, v0  }
0x4e1: {  	v25 =	vld.idx.msk [tilespmem:v10+s15+$0x0], $0xffff  }
0x4e2: {  	v0 =	vadd.f32 v19, v0  }
0x4e3: {  	v26 =	vld.idx.msk [tilespmem:v11+s15+$0x0], $0xffff  }
0x4e4: {  	v0 =	vadd.f32 v20, v0  }
0x4e5: {  	v27 =	vld.idx.msk [tilespmem:v12+s15+$0x0], $0xffff  }
0x4e6: {  	v0 =	vadd.f32 v25, v0  }
0x4e7: {  	v28 =	vld.idx.msk [tilespmem:v16+s15+$0x0], $0xffff  }
0x4e8: {  	v0 =	vadd.f32 v26, v0  }
0x4e9: {  	v29 =	vld.idx.msk [tilespmem:v17+s15+$0x0], $0xffff  }
0x4ea: {  	v0 =	vadd.f32 v27, v0  }
0x4eb: {  	v30 =	vld.idx.msk [tilespmem:v18+s15+$0x0], $0xffff  }
0x4ec: {  	v0 =	vadd.f32 v28, v0  }
0x4ed: {  	v31 =	vld.idx.msk [tilespmem:v21+s15+$0x0], $0xffff  }
0x4ee: {  	v0 =	vadd.f32 v29, v0  }
0x4ef: {  	v32 =	vld.idx.msk [tilespmem:v22+s15+$0x0], $0xffff  }
0x4f0: {  	v0 =	vadd.f32 v30, v0  }
0x4f1: {  	v46 =	vld.idx.msk [tilespmem:v23+s15+$0x0], $0xffff  }
0x4f2: {  	v0 =	vadd.f32 v31, v0;
	_ =	sdelay $0x1  }
0x4f3: {  	v0 =	vadd.f32 v32, v0;
	_ =	sdelay $0x1  }
0x4f4: {  	v0 =	vadd.f32 v46, v0;
	_ =	sdelay $0x1  }
0x4f5: {  	v13 =	vsel vm2, $0x0, v13;
	(xrf2) =	vadd.scan.msk.f32 $0xffff, v0  }
0x4f6: {  	v13 =	vadd.f32 $0.0e+00, v13  }
0x4f7: {  	v14 =	vsel vm0, $0x0, v14  }
0x4f8: {  	v13 =	vadd.f32 v14, v13  }
0x4f9: {  	v5 =	vsel vm1, $0x0, v5  }
0x4fa: {  	v5 =	vadd.f32 v5, v13  }
0x4fb: {  	v13 =	vsel vm3, $0x0, v15  }
0x4fc: {  	v5 =	vadd.f32 v13, v5  }
0x4fd: {  	s21 =	simm.s32 $0x0;
	v13 =	vsel vm4, $0x0, v19  }
0x4fe: {  	s22 =	simm.s32 $0x1;
	v5 =	vadd.f32 v13, v5;
	v13 =	vor.u32 s21, v1  }
0x4ff: {  	v14 =	vsel vm5, $0x0, v20;
	v19 =	vadd.s32 s22, v1;
	v15, _, _ =	vpop (xrf2)  }
0x500: {  	s23 =	simm.s32 $0x2;
	v5 =	vadd.f32 v14, v5;
	_ =	swait.ge [sflag:s18], $0x8080  }
0x501: {  	v20 =	vadd.s32 s23, v1;
	v14 =	vsel vm6, $0x0, v25;
	[sflag:s18] =	ssyncset.done $0x0  }
0x502: {  	s24 =	simm.s32 $0x3;
	v5 =	vadd.f32 v14, v5;
	[sflag:s18] =	ssyncadd.s32 $0xFFFF7F80  }
0x503: {  	v25 =	vadd.s32 s24, v1;
	v14 =	vsel vm7, $0x0, v26;
	v13 =	vld.idx.msk [tilespmem:v13+s15+$0x0], $0xffff  }
0x504: {  	s26 =	simm.s32 $0x4;
	v5 =	vadd.f32 v14, v5;
	v14 =	vld.idx.msk [tilespmem:v19+s15+$0x0], $0xffff  }
0x505: {  	v26 =	vadd.s32 s26, v1;
	v19 =	vsel vm8, $0x0, v27  }
0x506: {  	s0 =	simm.s32 $0x5;
	v5 =	vadd.f32 v19, v5;
	v19 =	vld.idx.msk [tilespmem:v20+s15+$0x0], $0xffff  }
0x507: {  	v27 =	vadd.s32 s0, v1;
	v20 =	vsel vm9, $0x0, v28  }
0x508: {  	s1 =	simm.s32 $0x6;
	v5 =	vadd.f32 v20, v5;
	v20 =	vld.idx.msk [tilespmem:v25+s15+$0x0], $0xffff  }
0x509: {  	v47 =	vadd.s32 s1, v1;
	v25 =	vsel vm10, $0x0, v29;
	v14 =	vadd.f32 v14, v13  }
0x50a: {  	s29 =	simm.s32 $0x7;
	v5 =	vadd.f32 v25, v5;
	v25 =	vld.idx.msk [tilespmem:v26+s15+$0x0], $0xffff  }
0x50b: {  	s3 =	simm.s32 $0x8;
	v48 =	vadd.s32 s29, v1;
	v26 =	vsel vm11, $0x0, v30;
	v19 =	vadd.f32 v19, v14  }
0x50c: {  	s10 =	simm.s32 $0xB;
	v50 =	vadd.s32 s3, v1;
	v5 =	vadd.f32 v26, v5;
	v26 =	vld.idx.msk [tilespmem:v27+s15+$0x0], $0xffff  }
0x50d: {  	s4 =	simm.s32 $0x9;
	v53 =	vlaneseq.u32;
	v51 =	vadd.s32 s10, v1;
	v20 =	vadd.f32 v20, v19  }
0x50e: {  	s28 =	simm.s32 $0xE;
	vm12 =	veq.s32 v53, $0x0;
	v49 =	vsel vm13, $0x0, v31;
	v52 =	vadd.s32 s4, v1;
	v28 =	vld.idx.msk [tilespmem:v47+s15+$0x0], $0xffff  }
0x50f: {  	s31 =	simm.s32 $0xC;
	v55 =	vadd.s32 s28, v1;
	v5 =	vadd.f32 v49, v5;
	v25 =	vadd.f32 v25, v20  }
0x510: {  	s25 =	simm.s32 $0xA;
	v32 =	vsel vm15, $0x0, v32;
	v43 =	vsub.f32 v15, v0;
	v15 =	vadd.s32 s31, v1;
	v29 =	vld.idx.msk [tilespmem:v48+s15+$0x0], $0xffff  }
0x511: {  	s20 =	simm.s32 $0xF;
	v31 =	vld.idx.msk [tilespmem:v50+s15+$0x0], $0xffff;
	v27 =	vadd.s32 s25, v1;
	v5 =	vadd.f32 v32, v5;
	v26 =	vadd.f32 v26, v25  }
0x512: {  	s30 =	simm.s32 $0xD;
	v54 =	vadd.s32 s20, v1;
	v35 =	vsel vm12, $0x0, v46;
	v0 =	vld.idx.msk [tilespmem:v51+s15+$0x0], $0xffff  }
0x513: {  	v56 =	vadd.s32 s30, v1;
	v36 =	vld.idx.msk [tilespmem:v52+s15+$0x0], $0xffff;
	v5 =	vadd.f32 v35, v5;
	v28 =	vadd.f32 v28, v26  }
0x514: {  	v57 =	vadd.s32 s21, v24;
	v44 =	vld.idx.msk [tilespmem:v55+s15+$0x0], $0xffff  }
0x515: {  	v15 =	vld.idx.msk [tilespmem:v15+s15+$0x0], $0xffff;
	v58 =	vadd.f32 v43, v5;
	v5 =	vadd.s32 s22, v24;
	v29 =	vadd.f32 v29, v28  }
0x516: {  	v59 =	vadd.s32 s23, v24;
	v27 =	vld.idx.msk [tilespmem:v27+s15+$0x0], $0xffff  }
0x517: {  	v60 =	vadd.s32 s24, v24;
	v32 =	vld.idx.msk [tilespmem:v54+s15+$0x0], $0xffff;
	v13 =	vadd.f32 v13, v58;
	v31 =	vadd.f32 v31, v29  }
0x518: {  	v61 =	vadd.s32 s26, v24;
	v35 =	vld.idx.msk [tilespmem:v56+s15+$0x0], $0xffff;
	v14 =	vadd.f32 v14, v58  }
0x519: {  	[tilespmem:v57+s16+$0x0] =	vst.idx.msk $0xffff, v13;
	v13 =	vadd.f32 v19, v58;
	v19 =	vadd.s32 s0, v24;
	v62 =	vadd.f32 v36, v31  }
0x51a: {  	[tilespmem:v5+s16+$0x0] =	vst.idx.msk $0xffff, v14;
	v5 =	vadd.f32 v20, v58;
	v14 =	vadd.s32 s1, v24  }
0x51b: {  	v20 =	vadd.s32 s29, v24;
	[tilespmem:v59+s16+$0x0] =	vst.idx.msk $0xffff, v13;
	v13 =	vadd.f32 v25, v58;
	v25 =	vadd.f32 v27, v62  }
0x51c: {  	[tilespmem:v60+s16+$0x0] =	vst.idx.msk $0xffff, v5;
	v5 =	vadd.f32 v26, v58;
	v26 =	vadd.s32 s3, v24  }
0x51d: {  	v27 =	vadd.f32 v28, v58;
	[tilespmem:v61+s16+$0x0] =	vst.idx.msk $0xffff, v13;
	v13 =	vadd.s32 s4, v24;
	v0 =	vadd.f32 v0, v25  }
0x51e: {  	v63 =	vadd.f32 v29, v58;
	[tilespmem:v19+s16+$0x0] =	vst.idx.msk $0xffff, v5;
	v5 =	vadd.s32 s25, v24  }
0x51f: {  	v19 =	vadd.s32 s10, v24;
	[tilespmem:v14+s16+$0x0] =	vst.idx.msk $0xffff, v27;
	v14 =	vadd.f32 v31, v58;
	v15 =	vadd.f32 v15, v0  }
0x520: {  	v27 =	vadd.f32 v62, v58;
	[tilespmem:v20+s16+$0x0] =	vst.idx.msk $0xffff, v63;
	v20 =	vadd.s32 s31, v24  }
0x521: {  	v25 =	vadd.f32 v25, v58;
	[tilespmem:v26+s16+$0x0] =	vst.idx.msk $0xffff, v14;
	v14 =	vadd.s32 s30, v24;
	v26 =	vadd.f32 v35, v15  }
0x522: {  	v0 =	vadd.f32 v0, v58;
	[tilespmem:v13+s16+$0x0] =	vst.idx.msk $0xffff, v27;
	v27 =	vadd.s32 s28, v24  }
0x523: {  	v13 =	vadd.f32 v15, v58;
	[tilespmem:v5+s16+$0x0] =	vst.idx.msk $0xffff, v25;
	v5 =	vadd.f32 v44, v26  }
0x524: {  	s30 =	simm.s32 $0x10;
	[tilespmem:v19+s16+$0x0] =	vst.idx.msk $0xffff, v0;
	v0 =	vadd.s32 s20, v24;
	v15 =	vadd.f32 v26, v58  }
0x525: {  	s31 =	simm.s32 $0x11;
	[tilespmem:v20+s16+$0x0] =	vst.idx.msk $0xffff, v13;
	v19 =	vadd.f32 v32, v5;
	v20 =	vadd.f32 v5, v58;
	v5 =	vor.u32 s30, v1  }
0x526: {  	s22 =	simm.s32 $0x12;
	v45 =	vadd.s32 s31, v24;
	v13 =	vadd.s32 s31, v1;
	[tilespmem:v14+s16+$0x0] =	vst.idx.msk $0xffff, v15  }
0x527: {  	s21 =	simm.s32 $0x2F;
	v46 =	vadd.s32 s30, v24;
	s20 =	simm.s32 $0x1F;
	v14 =	vadd.s32 s22, v1;
	[tilespmem:v27+s16+$0x0] =	vst.idx.msk $0xffff, v20;
	v44 =	vadd.f32 v19, v58  }
.LBB2_17:
0x528: {  	p1 =	sne.s32 s21, $0x7EF  }
0x529: {  	s26 =	sadd.s32 $0xFFFFFFF4, s20;
	[tilespmem:v0+s16+$0x0] =	vst.idx.msk $0xffff, v44;
	s23 =	smov.u32 s21;
	s21 =	sadd.s32 $0x10, s21  }
0x52a: {  	v0 =	vld.idx.msk [tilespmem:v5+s15+$0x0], $0xffff;
	v5 =	vadd.s32 s26, v1  }
0x52b: {  	s29 =	sadd.s32 $0xFFFFFFF5, s20;
	v13 =	vld.idx.msk [tilespmem:v13+s15+$0x0], $0xffff  }
0x52c: {  	v15 =	vadd.s32 s29, v1  }
0x52d: {  	s30 =	sadd.s32 $0xFFFFFFF6, s20;
	v14 =	vld.idx.msk [tilespmem:v14+s15+$0x0], $0xffff  }
0x52e: {  	v19 =	vadd.s32 s30, v1  }
0x52f: {  	s31 =	sadd.s32 $0xFFFFFFF7, s20;
	v5 =	vld.idx.msk [tilespmem:v5+s15+$0x0], $0xffff  }
0x530: {  	v20 =	vadd.s32 s31, v1;
	v25 =	vadd.f32 v0, v44  }
0x531: {  	s0 =	sadd.s32 $0xFFFFFFF8, s20;
	v0 =	vadd.f32 v13, v0;
	v15 =	vld.idx.msk [tilespmem:v15+s15+$0x0], $0xffff  }
0x532: {  	s25 =	sadd.s32 $0xFFFFFFFB, s20;
	v13 =	vadd.s32 s0, v1  }
0x533: {  	s1 =	sadd.s32 $0xFFFFFFF9, s20;
	v26 =	vadd.s32 s25, v1;
	v14 =	vadd.f32 v14, v0;
	v0 =	vadd.f32 v0, v44;
	v19 =	vld.idx.msk [tilespmem:v19+s15+$0x0], $0xffff  }
0x534: {  	s28 =	sadd.s32 $0xFFFFFFFC, s20;
	v27 =	vadd.s32 s1, v1  }
0x535: {  	s3 =	sadd.s32 $0xFFFFFFFA, s20;
	v28 =	vadd.s32 s28, v1;
	v5 =	vadd.f32 v5, v14;
	v20 =	vld.idx.msk [tilespmem:v20+s15+$0x0], $0xffff  }
0x536: {  	v29 =	vadd.s32 s3, v1  }
0x537: {  	s24 =	sadd.s32 $0xFFFFFFFF, s20;
	v30 =	vadd.s32 s20, v1;
	v15 =	vadd.f32 v15, v5;
	v13 =	vld.idx.msk [tilespmem:v13+s15+$0x0], $0xffff  }
0x538: {  	s10 =	sadd.s32 $0xFFFFFFFE, s20;
	v31 =	vadd.s32 s24, v1;
	v26 =	vld.idx.msk [tilespmem:v26+s15+$0x0], $0xffff  }
0x539: {  	s4 =	sadd.s32 $0xFFFFFFFD, s20;
	v32 =	vadd.s32 s10, v1;
	v19 =	vadd.f32 v19, v15;
	v27 =	vld.idx.msk [tilespmem:v27+s15+$0x0], $0xffff  }
0x53a: {  	v35 =	vadd.s32 s4, v1;
	v28 =	vld.idx.msk [tilespmem:v28+s15+$0x0], $0xffff  }
0x53b: {  	v20 =	vadd.f32 v20, v19;
	v29 =	vld.idx.msk [tilespmem:v29+s15+$0x0], $0xffff  }
0x53c: {  	v30 =	vld.idx.msk [tilespmem:v30+s15+$0x0], $0xffff  }
0x53d: {  	v36 =	vadd.s32 s22, v24;
	v13 =	vadd.f32 v13, v20;
	v20 =	vadd.f32 v20, v44;
	v31 =	vld.idx.msk [tilespmem:v31+s15+$0x0], $0xffff  }
0x53e: {  	v47 =	vadd.s32 s26, v24;
	v32 =	vld.idx.msk [tilespmem:v32+s15+$0x0], $0xffff  }
0x53f: {  	v48 =	vadd.s32 s29, v24;
	v27 =	vadd.f32 v27, v13;
	v13 =	vadd.f32 v13, v44;
	v35 =	vld.idx.msk [tilespmem:v35+s15+$0x0], $0xffff  }
0x540: {  	v14 =	vadd.f32 v14, v44;
	[tilespmem:v46+s16+$0x0] =	vst.idx.msk $0xffff, v25;
	v25 =	vadd.s32 s30, v24  }
0x541: {  	v29 =	vadd.f32 v29, v27;
	[tilespmem:v45+s16+$0x0] =	vst.idx.msk $0xffff, v0;
	v0 =	vadd.f32 v5, v44;
	v5 =	vadd.s32 s31, v24  }
0x542: {  	[tilespmem:v36+s16+$0x0] =	vst.idx.msk $0xffff, v14;
	v14 =	vadd.f32 v15, v44;
	v15 =	vadd.s32 s0, v24  }
0x543: {  	v26 =	vadd.f32 v26, v29;
	[tilespmem:v47+s16+$0x0] =	vst.idx.msk $0xffff, v0;
	v0 =	vadd.f32 v19, v44;
	v19 =	vadd.s32 s1, v24  }
0x544: {  	[tilespmem:v48+s16+$0x0] =	vst.idx.msk $0xffff, v14;
	v14 =	vadd.s32 s3, v24  }
0x545: {  	v28 =	vadd.f32 v28, v26;
	[tilespmem:v25+s16+$0x0] =	vst.idx.msk $0xffff, v0;
	v0 =	vadd.s32 s25, v24;
	v25 =	vadd.f32 v26, v44  }
0x546: {  	v26 =	vadd.s32 s28, v24;
	[tilespmem:v5+s16+$0x0] =	vst.idx.msk $0xffff, v20;
	v5 =	vadd.f32 v27, v44;
	v20 =	vadd.f32 v29, v44  }
0x547: {  	v27 =	vadd.f32 v35, v28;
	[tilespmem:v15+s16+$0x0] =	vst.idx.msk $0xffff, v13;
	v13 =	vadd.f32 v28, v44;
	v15 =	vadd.s32 s4, v24  }
0x548: {  	[tilespmem:v19+s16+$0x0] =	vst.idx.msk $0xffff, v5;
	v19 =	vadd.s32 s10, v24  }
0x549: {  	v5 =	vadd.f32 v32, v27;
	[tilespmem:v14+s16+$0x0] =	vst.idx.msk $0xffff, v20;
	v14 =	vadd.f32 v27, v44  }
0x54a: {  	v20 =	vadd.s32 s24, v24;
	[tilespmem:v0+s16+$0x0] =	vst.idx.msk $0xffff, v25  }
0x54b: {  	v25 =	vadd.f32 v31, v5;
	[tilespmem:v26+s16+$0x0] =	vst.idx.msk $0xffff, v13;
	v13 =	vadd.f32 v5, v44  }
.Ltmp10:
0x54c: {  	s0 =	sadd.s32 $0xFFFFFFF1, s23;
	v0 =	vadd.s32 s20, v24;
	s20 =	smov.u32 s23;
	[tilespmem:v15+s16+$0x0] =	vst.idx.msk $0xffff, v14;
	(pc) =	sbr.rel @p1 .LBB2_17-.Ltmp10, $4  }
0x54d: {  	v5 =	vor.u32 s0, v1;
	s1 =	sadd.s32 $0xFFFFFFF2, s20;
	v14 =	vadd.f32 v30, v25;
	v15 =	vadd.f32 v25, v44;
	[tilespmem:v19+s16+$0x0] =	vst.idx.msk $0xffff, v13  }
0x54e: {  	v46 =	vadd.s32 s0, v24;
	v45 =	vadd.s32 s1, v24;
	v13 =	vadd.s32 s1, v1  }
0x54f: {  	s22 =	sadd.s32 $0xFFFFFFF3, s20;
	v44 =	vadd.f32 v14, v44;
	[tilespmem:v20+s16+$0x0] =	vst.idx.msk $0xffff, v15  }
0x550: {  	v14 =	vadd.s32 s22, v1  }
.Ltmp11:
0x551: {  	_ = 	snop;
	(pc) =	sbr.rel .LBB2_18-.Ltmp11, $1  }
0x552: {  	_ =	sdelay $0x3  }
.LBB2_20:
0x553: {  	_ =	sfence.sel $0x180000  }
0x554: {  	[bflag:$0x0] =	sbarrier.arrive $0xFFFF  }
0x555: {  	_ =	strace $0x90000047  }
0x556: {  	s0 =	stileid.u32;
	[bflag:$0x2] =	sbarrier.arrive $0xFFFF  }
0x557: {  	p0 =	sne.s32 s0, $0x0;
	s0 =	rddreg [dreg:$0x2]  }
0x558: {  	s0 =	sadd.s32 @!p0 $0x100000, s0  }
0x559: {  	[sflag:s0] =	ssyncadd.tile.s32 @!p0 $0x1;
	_ =	shalt  }
.Lfunc_end2:
_tile_overlayer_lowered:
.L_overlay_start_2:
0x55a: {  	(tag) =	ssettag $0x2  }
0x55b: {  	s0 =	rddreg [dreg:$0x0];
	s2 =	stileid.u32  }
0x55c: {  	s1 =	rddreg [dreg:$0x1];
	p0 =	sne.s32 s2, $0x0  }
0x55d: {  	s3 =	rddreg [dreg:$0x2];
	[bflag:$0x3] =	sbarrier.arrive $0xFFFF;
	s2 =	simm.s32 @!p0 $0x1C04  }
0x55e: {  	[timem:s3], [sflag:s2] =	dma.local @!p0 [hbm:s0], s1  }
0x55f: {  	s0 =	simm.s32 @!p0 $0x4  }
0x560: {  	_ =	swait.ge @!p0 [sflag:s0], s1  }
0x561: {  	s1 =	ssub.s32 @!p0 $0x0, s1;
	[sflag:s0] =	ssyncset.done @!p0 $0x0  }
0x562: {  	[sflag:s0] =	ssyncadd.s32 @!p0 s1  }
0x563: {  	[bflag:$0x3] =	sbarrier.arrive $0xFFFF  }
0x564: {  	_ =	shalt  }

</sc_bundles>
